<compile_context>
chip_gen: v7x
topology: tpu7x:2x2x1
jax: 0.10.2.dev20260603
libtpu: 0.0.44.dev20260713+nightly
codegen_flags: <defaults>
</compile_context>

<pallas_src>
import functools

import jax
import jax.numpy as jnp
from jax import lax
from jax.experimental import pallas as pl
from jax.experimental.pallas import tpu as pltpu
from jax.experimental.pallas import tpu_sc as plsc

F32 = jnp.float32

_NC = 2
_NS = 16
_NW = _NC * _NS


def _precompute(x, Wrs, u2, Weu, be2, nblk):
    n, d = x.shape
    deo = Weu.shape[1]
    blk = n // nblk

    def body(x_ref, w_ref, u_ref, weu_ref, be_ref, xr_ref, xs_ref, cv_ref):
        t = jnp.dot(x_ref[...], w_ref[...], preferred_element_type=F32)
        xr_ref[...] = t[:, :deo]
        xs_ref[...] = t[:, deo:]

        @pl.when(pl.program_id(0) == 0)
        def _():
            cv_ref[...] = (
                jnp.dot(u_ref[...], weu_ref[...], preferred_element_type=F32)
                + be_ref[...]
            )

    return pl.pallas_call(
        body,
        grid=(nblk,),
        in_specs=[
            pl.BlockSpec((blk, d), lambda i: (i, 0)),
            pl.BlockSpec((d, 2 * deo), lambda i: (0, 0)),
            pl.BlockSpec(u2.shape, lambda i: (0, 0)),
            pl.BlockSpec(Weu.shape, lambda i: (0, 0)),
            pl.BlockSpec(be2.shape, lambda i: (0, 0)),
        ],
        out_specs=[
            pl.BlockSpec((blk, deo), lambda i: (i, 0)),
            pl.BlockSpec((blk, deo), lambda i: (i, 0)),
            pl.BlockSpec((1, deo), lambda i: (0, 0)),
        ],
        out_shape=[
            jax.ShapeDtypeStruct((n, deo), F32),
            jax.ShapeDtypeStruct((n, deo), F32),
            jax.ShapeDtypeStruct((1, deo), F32),
        ],
    )(x, Wrs, u2, Weu, be2)


def _sc_gather(dst, src, xr, xs, E, DEO, CH, NB):
    epw = E // _NW
    m = epw // CH
    nouter = m // NB

    mesh = plsc.VectorSubcoreMesh(core_axis_name="c", subcore_axis_name="s")
    scratch = (
        [pltpu.VMEM((CH,), jnp.int32) for _ in range(2 * NB)]
        + [pltpu.VMEM((CH, DEO), F32) for _ in range(2 * NB)]
        + [pltpu.SemaphoreType.DMA((3 * NB,))]
    )

    @functools.partial(
        pl.kernel,
        out_type=(
            jax.ShapeDtypeStruct((E, DEO), F32),
            jax.ShapeDtypeStruct((E, DEO), F32),
        ),
        mesh=mesh,
        scratch_types=scratch,
    )
    def k(dst_h, src_h, xr_h, xs_h, gd_h, gs_h, *sc):
        idx_d = sc[0:NB]
        idx_s = sc[NB : 2 * NB]
        row_d = sc[2 * NB : 3 * NB]
        row_s = sc[3 * NB : 4 * NB]
        sems = sc[4 * NB]
        wid = lax.axis_index("s") * _NC + lax.axis_index("c")
        base = wid * epw

        def wb_addr(tt, r):
            off = base + (tt * NB + r) * CH
            return gd_h.at[pl.ds(off, CH)], gs_h.at[pl.ds(off, CH)]

        for r in range(NB):
            off = base + r * CH
            pltpu.async_copy(dst_h.at[pl.ds(off, CH)], idx_d[r], sems.at[r])
            pltpu.async_copy(src_h.at[pl.ds(off, CH)], idx_s[r], sems.at[r])

        def outer(t, carry):
            @pl.when(t > 0)
            def _():
                for r in range(NB):
                    gd_s, gs_s = wb_addr(t - 1, r)
                    pltpu.make_async_copy(row_d[r], gd_s,
                                          sems.at[2 * NB + r]).wait()
                    pltpu.make_async_copy(row_s[r], gs_s,
                                          sems.at[2 * NB + r]).wait()
            for r in range(NB):
                off = base + (t * NB + r) * CH
                pltpu.make_async_copy(dst_h.at[pl.ds(off, CH)], idx_d[r],
                                      sems.at[r]).wait()
                pltpu.make_async_copy(src_h.at[pl.ds(off, CH)], idx_s[r],
                                      sems.at[r]).wait()
                pltpu.async_copy(xr_h.at[idx_d[r]], row_d[r], sems.at[NB + r])
                pltpu.async_copy(xs_h.at[idx_s[r]], row_s[r], sems.at[NB + r])
            for r in range(NB):
                pltpu.make_async_copy(xr_h.at[idx_d[r]], row_d[r],
                                      sems.at[NB + r]).wait()
                pltpu.make_async_copy(xs_h.at[idx_s[r]], row_s[r],
                                      sems.at[NB + r]).wait()

                @pl.when(t + 1 < nouter)
                def _():
                    off_n = base + ((t + 1) * NB + r) * CH
                    pltpu.async_copy(dst_h.at[pl.ds(off_n, CH)], idx_d[r],
                                     sems.at[r])
                    pltpu.async_copy(src_h.at[pl.ds(off_n, CH)], idx_s[r],
                                     sems.at[r])

                gd_s, gs_s = wb_addr(t, r)
                pltpu.async_copy(row_d[r], gd_s, sems.at[2 * NB + r])
                pltpu.async_copy(row_s[r], gs_s, sems.at[2 * NB + r])
            return carry

        lax.fori_loop(0, nouter, outer, 0)
        for r in range(NB):
            gd_s, gs_s = wb_addr(nouter - 1, r)
            pltpu.make_async_copy(row_d[r], gd_s, sems.at[2 * NB + r]).wait()
            pltpu.make_async_copy(row_s[r], gs_s, sems.at[2 * NB + r]).wait()

    return k(dst, src, xr, xs)


def _edge_block(gd, gs, ea, Wee, cvec, Wpq, bpq, eblk):
    E, deo = gd.shape
    de = ea.shape[1]
    dq = Wpq.shape[1]
    nblk = E // eblk

    def body(gd_ref, gs_ref, ea_ref, wee_ref, cv_ref, wpq_ref, bpq_ref,
             en_ref, pj_ref, pe_ref):
        pre = (
            gd_ref[...] + gs_ref[...]
            + jnp.dot(ea_ref[...], wee_ref[...], preferred_element_type=F32)
            + cv_ref[...]
        )
        e_new = jnp.maximum(pre, 0.0)
        en_ref[...] = e_new
        pq = jnp.maximum(
            jnp.dot(e_new.astype(jnp.bfloat16),
                    wpq_ref[...].astype(jnp.bfloat16),
                    preferred_element_type=F32)
            + bpq_ref[...],
            0.0,
        )
        h = deo // 2
        pj_ref[...] = jnp.stack([pq[:, :h], pq[:, h : 2 * h]], axis=0)
        part = jnp.sum(pq[:, deo:], axis=0, keepdims=True)

        @pl.when(pl.program_id(0) == 0)
        def _():
            pe_ref[...] = jnp.zeros_like(pe_ref)

        pe_ref[...] += part

    return pl.pallas_call(
        body,
        grid=(nblk,),
        in_specs=[
            pl.BlockSpec((eblk, deo), lambda i: (i, 0)),
            pl.BlockSpec((eblk, deo), lambda i: (i, 0)),
            pl.BlockSpec((eblk, de), lambda i: (i, 0)),
            pl.BlockSpec(Wee.shape, lambda i: (0, 0)),
            pl.BlockSpec(cvec.shape, lambda i: (0, 0)),
            pl.BlockSpec(Wpq.shape, lambda i: (0, 0)),
            pl.BlockSpec(bpq.shape, lambda i: (0, 0)),
        ],
        out_specs=[
            pl.BlockSpec((eblk, deo), lambda i: (i, 0)),
            pl.BlockSpec((2, eblk, deo // 2), lambda i: (0, i, 0)),
            pl.BlockSpec((1, deo), lambda i: (0, 0)),
        ],
        out_shape=[
            jax.ShapeDtypeStruct((E, deo), F32),
            jax.ShapeDtypeStruct((2, E, deo // 2), F32),
            jax.ShapeDtypeStruct((1, deo), F32),
        ],
    )(gd, gs, ea, Wee, cvec, Wpq, bpq)


def _sc_scatter(dst, proj2, z2d, N, E, CH, NB):
    h = proj2.shape[2]
    epw = E // _NS
    nouter = (epw // CH) // NB
    rpt = (N // _NS) // 8 * 8
    rlast = N - (_NS - 1) * rpt

    mesh = plsc.VectorSubcoreMesh(core_axis_name="c", subcore_axis_name="s")
    scratch = (
        [pltpu.VMEM((CH,), jnp.int32) for _ in range(NB)]
        + [pltpu.VMEM((CH, h), F32) for _ in range(NB)]
        + [
            pltpu.VMEM_SHARED((N, h), F32),
            pltpu.SemaphoreType.DMA((3 * NB,)),
        ]
    )

    @functools.partial(
        pl.kernel,
        out_type=jax.ShapeDtypeStruct((2, N, h), F32),
        mesh=mesh,
        scratch_types=scratch,
    )
    def k(dst_h, pj_h, z2_h, sums_h, *sc):
        idx = sc[0:NB]
        pbuf = sc[NB : 2 * NB]
        acc = sc[2 * NB]
        sems = sc[2 * NB + 1]
        cid = lax.axis_index("c")
        sid = lax.axis_index("s")

        def zero_acc():
            @pl.when(sid < _NS - 1)
            def _():
                pltpu.sync_copy(z2_h.at[pl.ds(sid * rpt, rpt)],
                                acc.at[pl.ds(sid * rpt, rpt)])

            @pl.when(sid == _NS - 1)
            def _():
                pltpu.sync_copy(z2_h.at[pl.ds((_NS - 1) * rpt, rlast)],
                                acc.at[pl.ds((_NS - 1) * rpt, rlast)])

        def write_acc(out3d):
            @pl.when(sid < _NS - 1)
            def _():
                pltpu.sync_copy(acc.at[pl.ds(sid * rpt, rpt)],
                                out3d.at[cid, pl.ds(sid * rpt, rpt)])

            @pl.when(sid == _NS - 1)
            def _():
                pltpu.sync_copy(acc.at[pl.ds((_NS - 1) * rpt, rlast)],
                                out3d.at[cid, pl.ds((_NS - 1) * rpt, rlast)])

        zero_acc()
        plsc.subcore_barrier()

        base = sid * epw

        def outer(t, carry):
            cps = []
            for r in range(NB):
                off = base + (t * NB + r) * CH
                cps.append(pltpu.async_copy(
                    dst_h.at[pl.ds(off, CH)], idx[r], sems.at[r]))
                cps.append(pltpu.async_copy(
                    pj_h.at[cid, pl.ds(off, CH)], pbuf[r], sems.at[NB + r]))
            scats = []
            for r in range(NB):
                cps[2 * r].wait()
                cps[2 * r + 1].wait()
                scats.append(pltpu.async_copy(
                    pbuf[r], acc.at[idx[r]], sems.at[2 * NB + r], add=True))
            for c in scats:
                c.wait()
            return carry

        lax.fori_loop(0, nouter, outer, 0)
        plsc.subcore_barrier()
        write_acc(sums_h)

    return k(dst, proj2, z2d)


def _sc_counts(dst, z2d, ones_in, N, E, CH, NB):
    h = z2d.shape[1]
    epw_c = E // (2 * _NS)
    nouter_c = (epw_c // CH) // NB
    rpt = (N // _NS) // 8 * 8
    rlast = N - (_NS - 1) * rpt

    mesh = plsc.VectorSubcoreMesh(core_axis_name="c", subcore_axis_name="s")
    scratch = (
        [pltpu.VMEM((CH,), jnp.int32) for _ in range(NB)]
        + [
            pltpu.VMEM((CH, h), F32),
            pltpu.VMEM_SHARED((N, h), F32),
            pltpu.SemaphoreType.DMA((2 * NB,)),
        ]
    )

    @functools.partial(
        pl.kernel,
        out_type=jax.ShapeDtypeStruct((2, N, h), F32),
        mesh=mesh,
        scratch_types=scratch,
    )
    def k(dst_h, z2_h, ones_h, cnt_h, *sc):
        idx = sc[0:NB]
        ones = sc[NB]
        acc = sc[NB + 1]
        sems = sc[NB + 2]
        cid = lax.axis_index("c")
        sid = lax.axis_index("s")

        @pl.when(sid < _NS - 1)
        def _():
            pltpu.sync_copy(z2_h.at[pl.ds(sid * rpt, rpt)],
                            acc.at[pl.ds(sid * rpt, rpt)])

        @pl.when(sid == _NS - 1)
        def _():
            pltpu.sync_copy(z2_h.at[pl.ds((_NS - 1) * rpt, rlast)],
                            acc.at[pl.ds((_NS - 1) * rpt, rlast)])

        pltpu.sync_copy(ones_h, ones)
        plsc.subcore_barrier()

        base_c = cid * (E // 2) + sid * epw_c

        def outer_c(t, carry):
            cps = []
            for r in range(NB):
                off = base_c + (t * NB + r) * CH
                cps.append(pltpu.async_copy(
                    dst_h.at[pl.ds(off, CH)], idx[r], sems.at[r]))
            scats = []
            for r in range(NB):
                cps[r].wait()
                scats.append(pltpu.async_copy(
                    ones, acc.at[idx[r]], sems.at[NB + r], add=True))
            for c in scats:
                c.wait()
            return carry

        lax.fori_loop(0, nouter_c, outer_c, 0)
        plsc.subcore_barrier()

        @pl.when(sid < _NS - 1)
        def _():
            pltpu.sync_copy(acc.at[pl.ds(sid * rpt, rpt)],
                            cnt_h.at[cid, pl.ds(sid * rpt, rpt)])

        @pl.when(sid == _NS - 1)
        def _():
            pltpu.sync_copy(acc.at[pl.ds((_NS - 1) * rpt, rlast)],
                            cnt_h.at[cid, pl.ds((_NS - 1) * rpt, rlast)])

    return k(dst, z2d, ones_in)


def _node_global(sums2, cnt2, Wn, bn2, Wpn, bpn2, pe_sum, u2, Wg, bg2,
                 E, nblk):
    N = sums2.shape[1]
    h = sums2.shape[2]
    d = Wn.shape[0]
    dg = u2.shape[1]
    blk = N // nblk

    def body(s_ref, c_ref, wn_ref, bn_ref, wpn_ref, bpn_ref, pe_ref,
             u_ref, wg_ref, bg_ref, n_ref, u_out_ref, acc):
        s = jnp.concatenate([s_ref[0], s_ref[1]], axis=1)
        cnt = c_ref[0][:, 0:1] + c_ref[1][:, 0:1]
        agg = s / jnp.maximum(cnt, 1.0)
        nb = jnp.maximum(
            jnp.dot(agg, wn_ref[...], preferred_element_type=F32)
            + bn_ref[...],
            0.0,
        )
        n_ref[...] = nb
        part = jnp.sum(
            jnp.maximum(
                jnp.dot(nb, wpn_ref[...], preferred_element_type=F32)
                + bpn_ref[...],
                0.0,
            ),
            axis=0,
            keepdims=True,
        )

        @pl.when(pl.program_id(0) == 0)
        def _():
            acc[...] = jnp.zeros_like(acc)

        acc[...] += part

        @pl.when(pl.program_id(0) == pl.num_programs(0) - 1)
        def _():
            ge = pe_ref[...] / float(E)
            gn = acc[...] / float(N)
            g = (
                jnp.dot(ge, wg_ref[: 2 * h, :], preferred_element_type=F32)
                + jnp.dot(gn, wg_ref[2 * h : 2 * h + d, :],
                          preferred_element_type=F32)
                + jnp.dot(u_ref[...], wg_ref[2 * h + d :, :],
                          preferred_element_type=F32)
                + bg_ref[...]
            )
            u_out_ref[...] = jnp.maximum(g, 0.0)

    return pl.pallas_call(
        body,
        grid=(nblk,),
        in_specs=[
            pl.BlockSpec((2, blk, h), lambda i: (0, i, 0)),
            pl.BlockSpec((2, blk, h), lambda i: (0, i, 0)),
            pl.BlockSpec(Wn.shape, lambda i: (0, 0)),
            pl.BlockSpec(bn2.shape, lambda i: (0, 0)),
            pl.BlockSpec(Wpn.shape, lambda i: (0, 0)),
            pl.BlockSpec(bpn2.shape, lambda i: (0, 0)),
            pl.BlockSpec(pe_sum.shape, lambda i: (0, 0)),
            pl.BlockSpec(u2.shape, lambda i: (0, 0)),
            pl.BlockSpec(Wg.shape, lambda i: (0, 0)),
            pl.BlockSpec(bg2.shape, lambda i: (0, 0)),
        ],
        out_specs=[
            pl.BlockSpec((blk, d), lambda i: (i, 0)),
            pl.BlockSpec((1, dg), lambda i: (0, 0)),
        ],
        out_shape=[
            jax.ShapeDtypeStruct((N, d), F32),
            jax.ShapeDtypeStruct((1, dg), F32),
        ],
        scratch_shapes=[pltpu.VMEM((1, d), F32)],
    )(sums2, cnt2, Wn, bn2, Wpn, bpn2, pe_sum, u2, Wg, bg2)


def kernel(x, edge_index, edge_attr, u, We, be, Wp, bp, Wn, bn,
           Wpe, bpe, Wpn, bpn, Wg, bg):
    N, D = x.shape
    E = edge_attr.shape[0]
    DE = edge_attr.shape[1]
    DG = u.shape[0]
    DEO = We.shape[1]

    src = edge_index[0]
    dst = edge_index[1]

    Wee = We[:DE]
    Wrs = jnp.concatenate([We[DE : DE + D], We[DE + D : DE + 2 * D]], axis=1)
    Weu = We[DE + 2 * D :]
    u2 = u.reshape(1, DG)
    be2 = be.reshape(1, DEO)
    Wpq = jnp.concatenate([Wp, Wpe], axis=1)
    bpq = jnp.concatenate([bp, bpe]).reshape(1, 2 * DEO)

    xr, xs, cvec = _precompute(x, Wrs, u2, Weu, be2, nblk=10)
    gd, gs = _sc_gather(dst, src, xr, xs, E, DEO, CH=40, NB=5)
    z2d = jnp.zeros((N, DEO // 2), F32)
    ones_in = jnp.ones((40, DEO // 2), F32)
    cnt2 = _sc_counts(dst, z2d, ones_in, N, E, CH=40, NB=5)
    e_new, proj2, pe_sum = _edge_block(gd, gs, edge_attr, Wee, cvec,
                                       Wpq, bpq, eblk=2000)
    sums2 = _sc_scatter(dst, proj2, z2d, N, E, CH=40, NB=5)
    n_new, u_new2 = _node_global(sums2, cnt2, Wn, bn.reshape(1, D),
                                 Wpn, bpn.reshape(1, D), pe_sum, u2,
                                 Wg, bg.reshape(1, DG), E, nblk=10)
    return e_new, n_new, u_new2.reshape(DG)

# --- scband reference (transcript-rebuilt; emitter-appended) ---
"""Pipeline reference for scband-graph-network-30391188586593 (READ-ONLY COPY).

The authoritative reference and input builder live on the scoring server;
editing this copy changes nothing except your own understanding.
"""

import jax, jax.numpy as jnp
import numpy as np

N = 10000
E = 160000
D = 256      # node feature dim
DE = 16      # edge feature dim
DG = 128     # global attribute dim
DEO = 256    # updated edge dim


def setup_inputs(seed: int = 0) -> dict:
    key = jax.random.key(seed)
    ks = jax.random.split(key, 16)
    x = jax.random.normal(ks[0], (N, D), dtype=jnp.float32)
    edge_index = jax.random.randint(ks[1], (2, E), 0, N)
    edge_attr = jax.random.normal(ks[2], (E, DE), dtype=jnp.float32)
    u = jax.random.normal(ks[3], (DG,), dtype=jnp.float32)
    # EdgeBlock updater: MLP on [e, x_recv, x_send, u]
    din_e = DE + D + D + DG
    We = jax.random.normal(ks[4], (din_e, DEO), dtype=jnp.float32) / np.sqrt(din_e)
    be = jnp.zeros((DEO,), dtype=jnp.float32)
    # NodeBlock: projector on incoming edge attrs, then updater
    Wp = jax.random.normal(ks[5], (DEO, D), dtype=jnp.float32) / np.sqrt(DEO)
    bp = jnp.zeros((D,), dtype=jnp.float32)
    Wn = jax.random.normal(ks[6], (D, D), dtype=jnp.float32) / np.sqrt(D)
    bn = jnp.zeros((D,), dtype=jnp.float32)
    # GlobalBlock: edge projector, node projector, updater
    Wpe = jax.random.normal(ks[7], (DEO, DEO), dtype=jnp.float32) / np.sqrt(DEO)
    bpe = jnp.zeros((DEO,), dtype=jnp.float32)
    Wpn = jax.random.normal(ks[8], (D, D), dtype=jnp.float32) / np.sqrt(D)
    bpn = jnp.zeros((D,), dtype=jnp.float32)
    din_g = DEO + D + DG
    Wg = jax.random.normal(ks[9], (din_g, DG), dtype=jnp.float32) / np.sqrt(din_g)
    bg = jnp.zeros((DG,), dtype=jnp.float32)
    return {
        "x": x, "edge_index": edge_index, "edge_attr": edge_attr, "u": u,
        "We": We, "be": be, "Wp": Wp, "bp": bp, "Wn": Wn, "bn": bn,
        "Wpe": Wpe, "bpe": bpe, "Wpn": Wpn, "bpn": bpn, "Wg": Wg, "bg": bg,
    }


def reference(x, edge_index, edge_attr, u, We, be, Wp, bp, Wn, bn, Wpe, bpe, Wpn, bpn, Wg, bg):
    src = edge_index[0]
    dst = edge_index[1]
    # ---- EdgeBlock: per-edge update on [e.data, receiver.data, sender.data, global.data] ----
    u_b = jnp.broadcast_to(u[None, :], (edge_attr.shape[0], u.shape[0]))
    e_in = jnp.concatenate([edge_attr, jnp.take(x, dst, axis=0), jnp.take(x, src, axis=0), u_b], axis=1)
    e_new = jax.nn.relu(e_in @ We + be)  # [E, DEO]
    # ---- NodeBlock: project incoming edge attrs, mean-aggregate by receiver, update ----
    proj = jax.nn.relu(e_new @ Wp + bp)  # [E, D]
    sums = jax.ops.segment_sum(proj, dst, num_segments=N)
    counts = jax.ops.segment_sum(jnp.ones((proj.shape[0],), dtype=jnp.float32), dst, num_segments=N)
    agg = sums / jnp.maximum(counts, 1.0)[:, None]
    n_new = jax.nn.relu(agg @ Wn + bn)  # [N, D]
    # ---- GlobalBlock: project + mean-aggregate edges and nodes, then update ----
    ge = jnp.mean(jax.nn.relu(e_new @ Wpe + bpe), axis=0)  # [DEO]
    gn = jnp.mean(jax.nn.relu(n_new @ Wpn + bpn), axis=0)  # [D]
    g_in = jnp.concatenate([ge, gn, u], axis=0)
    u_new = jax.nn.relu(g_in @ Wg + bg)  # [DG]
    return e_new, n_new, u_new

if __name__ == "__main__":
    import jax
    _d = setup_inputs()
    print(jax.jit(kernel)(*tuple(_d.values())))

</pallas_src>

<mosaic_0001>
#map = affine_map<(d0, d1) -> (0)>
#map1 = affine_map<(d0, d1) -> (0, 0)>
module attributes {stable_mosaic.version = 14 : i64} {
  func.func @k(%arg0: i32, %arg1: i32, %arg2: memref<160000xi32, #tpu.memory_space<hbm>>, %arg3: memref<160000xi32, #tpu.memory_space<hbm>>, %arg4: memref<10000x256xf32, #tpu.memory_space<hbm>>, %arg5: memref<10000x256xf32, #tpu.memory_space<hbm>>, %arg6: memref<160000x256xf32, #tpu.memory_space<hbm>>, %arg7: memref<160000x256xf32, #tpu.memory_space<hbm>>, %arg8: memref<40xi32, #tpu.memory_space<vmem>>, %arg9: memref<40xi32, #tpu.memory_space<vmem>>, %arg10: memref<40xi32, #tpu.memory_space<vmem>>, %arg11: memref<40xi32, #tpu.memory_space<vmem>>, %arg12: memref<40xi32, #tpu.memory_space<vmem>>, %arg13: memref<40xi32, #tpu.memory_space<vmem>>, %arg14: memref<40xi32, #tpu.memory_space<vmem>>, %arg15: memref<40xi32, #tpu.memory_space<vmem>>, %arg16: memref<40xi32, #tpu.memory_space<vmem>>, %arg17: memref<40xi32, #tpu.memory_space<vmem>>, %arg18: memref<40x256xf32, #tpu.memory_space<vmem>>, %arg19: memref<40x256xf32, #tpu.memory_space<vmem>>, %arg20: memref<40x256xf32, #tpu.memory_space<vmem>>, %arg21: memref<40x256xf32, #tpu.memory_space<vmem>>, %arg22: memref<40x256xf32, #tpu.memory_space<vmem>>, %arg23: memref<40x256xf32, #tpu.memory_space<vmem>>, %arg24: memref<40x256xf32, #tpu.memory_space<vmem>>, %arg25: memref<40x256xf32, #tpu.memory_space<vmem>>, %arg26: memref<40x256xf32, #tpu.memory_space<vmem>>, %arg27: memref<40x256xf32, #tpu.memory_space<vmem>>, %arg28: memref<15x!tpu.dma_semaphore, #tpu.memory_space<semaphore_mem>>) attributes {dimension_semantics = [#tpu.dimension_semantics<core_parallel>, #tpu.dimension_semantics<subcore_parallel>], iteration_bounds = array<i64: 2, 16>, scalar_prefetch = 0 : i64, scratch_operands = 21 : i64, tpu.core_type = #tpu.core_type<sc_vector_subcore>, window_params = [{transform_indices = #map}, {transform_indices = #map}, {transform_indices = #map1}, {transform_indices = #map1}, {transform_indices = #map1}, {transform_indices = #map1}]} {
    %mul3A = arith.constant 2 : i32
    %mul3A_0 = arith.muli %arg1, %mul3A : i32
    %add3A = arith.addi %mul3A_0, %arg0 : i32
    %mul3A_1 = arith.constant 5000 : i32
    %mul3A_2 = arith.muli %add3A, %mul3A_1 : i32
    %add3A_3 = arith.constant 0 : i32
    %add3A_4 = arith.addi %mul3A_2, %add3A_3 : i32
    %dma_start3A = arith.constant 0 : i32
    %dma_start3A_5 = tpu.memref_slice %arg2[%add3A_4] : memref<160000xi32, #tpu.memory_space<hbm>> -> memref<40xi32, #tpu.memory_space<hbm>>
    %dma_start3A_6 = tpu.memref_slice %arg28[%dma_start3A] : memref<15x!tpu.dma_semaphore, #tpu.memory_space<semaphore_mem>> -> memref<1x!tpu.dma_semaphore, #tpu.memory_space<semaphore_mem>>
    %dma_start3A_7 = tpu.memref_squeeze %dma_start3A_6 : memref<1x!tpu.dma_semaphore, #tpu.memory_space<semaphore_mem>> -> memref<!tpu.dma_semaphore, #tpu.memory_space<semaphore_mem>>
    %dma_start3A_8 = tpu.memref_slice %arg2[%add3A_4] : memref<160000xi32, #tpu.memory_space<hbm>> -> memref<40xi32, #tpu.memory_space<hbm>>
    tpu.enqueue_dma source(%dma_start3A_8 : memref<40xi32, #tpu.memory_space<hbm>>) target(%arg8 : memref<40xi32, #tpu.memory_space<vmem>>) target_semaphore(%dma_start3A_7 : memref<!tpu.dma_semaphore, #tpu.memory_space<semaphore_mem>>)
    %dma_start3A_9 = arith.constant 0 : i32
    %dma_start3A_10 = tpu.memref_slice %arg3[%add3A_4] : memref<160000xi32, #tpu.memory_space<hbm>> -> memref<40xi32, #tpu.memory_space<hbm>>
    %dma_start3A_11 = tpu.memref_slice %arg28[%dma_start3A_9] : memref<15x!tpu.dma_semaphore, #tpu.memory_space<semaphore_mem>> -> memref<1x!tpu.dma_semaphore, #tpu.memory_space<semaphore_mem>>
    %dma_start3A_12 = tpu.memref_squeeze %dma_start3A_11 : memref<1x!tpu.dma_semaphore, #tpu.memory_space<semaphore_mem>> -> memref<!tpu.dma_semaphore, #tpu.memory_space<semaphore_mem>>
    %dma_start3A_13 = tpu.memref_slice %arg3[%add3A_4] : memref<160000xi32, #tpu.memory_space<hbm>> -> memref<40xi32, #tpu.memory_space<hbm>>
    tpu.enqueue_dma source(%dma_start3A_13 : memref<40xi32, #tpu.memory_space<hbm>>) target(%arg13 : memref<40xi32, #tpu.memory_space<vmem>>) target_semaphore(%dma_start3A_12 : memref<!tpu.dma_semaphore, #tpu.memory_space<semaphore_mem>>)
    %add3A_14 = arith.constant 40 : i32
    %add3A_15 = arith.addi %mul3A_2, %add3A_14 : i32
    %dma_start3A_16 = arith.constant 1 : i32
    %dma_start3A_17 = tpu.memref_slice %arg2[%add3A_15] : memref<160000xi32, #tpu.memory_space<hbm>> -> memref<40xi32, #tpu.memory_space<hbm>>
    %dma_start3A_18 = tpu.memref_slice %arg28[%dma_start3A_16] : memref<15x!tpu.dma_semaphore, #tpu.memory_space<semaphore_mem>> -> memref<1x!tpu.dma_semaphore, #tpu.memory_space<semaphore_mem>>
    %dma_start3A_19 = tpu.memref_squeeze %dma_start3A_18 : memref<1x!tpu.dma_semaphore, #tpu.memory_space<semaphore_mem>> -> memref<!tpu.dma_semaphore, #tpu.memory_space<semaphore_mem>>
    %dma_start3A_20 = tpu.memref_slice %arg2[%add3A_15] : memref<160000xi32, #tpu.memory_space<hbm>> -> memref<40xi32, #tpu.memory_space<hbm>>
    tpu.enqueue_dma source(%dma_start3A_20 : memref<40xi32, #tpu.memory_space<hbm>>) target(%arg9 : memref<40xi32, #tpu.memory_space<vmem>>) target_semaphore(%dma_start3A_19 : memref<!tpu.dma_semaphore, #tpu.memory_space<semaphore_mem>>)
    %dma_start3A_21 = arith.constant 1 : i32
    %dma_start3A_22 = tpu.memref_slice %arg3[%add3A_15] : memref<160000xi32, #tpu.memory_space<hbm>> -> memref<40xi32, #tpu.memory_space<hbm>>
    %dma_start3A_23 = tpu.memref_slice %arg28[%dma_start3A_21] : memref<15x!tpu.dma_semaphore, #tpu.memory_space<semaphore_mem>> -> memref<1x!tpu.dma_semaphore, #tpu.memory_space<semaphore_mem>>
    %dma_start3A_24 = tpu.memref_squeeze %dma_start3A_23 : memref<1x!tpu.dma_semaphore, #tpu.memory_space<semaphore_mem>> -> memref<!tpu.dma_semaphore, #tpu.memory_space<semaphore_mem>>
    %dma_start3A_25 = tpu.memref_slice %arg3[%add3A_15] : memref<160000xi32, #tpu.memory_space<hbm>> -> memref<40xi32, #tpu.memory_space<hbm>>
    tpu.enqueue_dma source(%dma_start3A_25 : memref<40xi32, #tpu.memory_space<hbm>>) target(%arg14 : memref<40xi32, #tpu.memory_space<vmem>>) target_semaphore(%dma_start3A_24 : memref<!tpu.dma_semaphore, #tpu.memory_space<semaphore_mem>>)
    %add3A_26 = arith.constant 80 : i32
    %add3A_27 = arith.addi %mul3A_2, %add3A_26 : i32
    %dma_start3A_28 = arith.constant 2 : i32
    %dma_start3A_29 = tpu.memref_slice %arg2[%add3A_27] : memref<160000xi32, #tpu.memory_space<hbm>> -> memref<40xi32, #tpu.memory_space<hbm>>
    %dma_start3A_30 = tpu.memref_slice %arg28[%dma_start3A_28] : memref<15x!tpu.dma_semaphore, #tpu.memory_space<semaphore_mem>> -> memref<1x!tpu.dma_semaphore, #tpu.memory_space<semaphore_mem>>
    %dma_start3A_31 = tpu.memref_squeeze %dma_start3A_30 : memref<1x!tpu.dma_semaphore, #tpu.memory_space<semaphore_mem>> -> memref<!tpu.dma_semaphore, #tpu.memory_space<semaphore_mem>>
    %dma_start3A_32 = tpu.memref_slice %arg2[%add3A_27] : memref<160000xi32, #tpu.memory_space<hbm>> -> memref<40xi32, #tpu.memory_space<hbm>>
    tpu.enqueue_dma source(%dma_start3A_32 : memref<40xi32, #tpu.memory_space<hbm>>) target(%arg10 : memref<40xi32, #tpu.memory_space<vmem>>) target_semaphore(%dma_start3A_31 : memref<!tpu.dma_semaphore, #tpu.memory_space<semaphore_mem>>)
    %dma_start3A_33 = arith.constant 2 : i32
    %dma_start3A_34 = tpu.memref_slice %arg3[%add3A_27] : memref<160000xi32, #tpu.memory_space<hbm>> -> memref<40xi32, #tpu.memory_space<hbm>>
    %dma_start3A_35 = tpu.memref_slice %arg28[%dma_start3A_33] : memref<15x!tpu.dma_semaphore, #tpu.memory_space<semaphore_mem>> -> memref<1x!tpu.dma_semaphore, #tpu.memory_space<semaphore_mem>>
    %dma_start3A_36 = tpu.memref_squeeze %dma_start3A_35 : memref<1x!tpu.dma_semaphore, #tpu.memory_space<semaphore_mem>> -> memref<!tpu.dma_semaphore, #tpu.memory_space<semaphore_mem>>
    %dma_start3A_37 = tpu.memref_slice %arg3[%add3A_27] : memref<160000xi32, #tpu.memory_space<hbm>> -> memref<40xi32, #tpu.memory_space<hbm>>
    tpu.enqueue_dma source(%dma_start3A_37 : memref<40xi32, #tpu.memory_space<hbm>>) target(%arg15 : memref<40xi32, #tpu.memory_space<vmem>>) target_semaphore(%dma_start3A_36 : memref<!tpu.dma_semaphore, #tpu.memory_space<semaphore_mem>>)
    %add3A_38 = arith.constant 120 : i32
    %add3A_39 = arith.addi %mul3A_2, %add3A_38 : i32
    %dma_start3A_40 = arith.constant 3 : i32
    %dma_start3A_41 = tpu.memref_slice %arg2[%add3A_39] : memref<160000xi32, #tpu.memory_space<hbm>> -> memref<40xi32, #tpu.memory_space<hbm>>
    %dma_start3A_42 = tpu.memref_slice %arg28[%dma_start3A_40] : memref<15x!tpu.dma_semaphore, #tpu.memory_space<semaphore_mem>> -> memref<1x!tpu.dma_semaphore, #tpu.memory_space<semaphore_mem>>
    %dma_start3A_43 = tpu.memref_squeeze %dma_start3A_42 : memref<1x!tpu.dma_semaphore, #tpu.memory_space<semaphore_mem>> -> memref<!tpu.dma_semaphore, #tpu.memory_space<semaphore_mem>>
    %dma_start3A_44 = tpu.memref_slice %arg2[%add3A_39] : memref<160000xi32, #tpu.memory_space<hbm>> -> memref<40xi32, #tpu.memory_space<hbm>>
    tpu.enqueue_dma source(%dma_start3A_44 : memref<40xi32, #tpu.memory_space<hbm>>) target(%arg11 : memref<40xi32, #tpu.memory_space<vmem>>) target_semaphore(%dma_start3A_43 : memref<!tpu.dma_semaphore, #tpu.memory_space<semaphore_mem>>)
    %dma_start3A_45 = arith.constant 3 : i32
    %dma_start3A_46 = tpu.memref_slice %arg3[%add3A_39] : memref<160000xi32, #tpu.memory_space<hbm>> -> memref<40xi32, #tpu.memory_space<hbm>>
    %dma_start3A_47 = tpu.memref_slice %arg28[%dma_start3A_45] : memref<15x!tpu.dma_semaphore, #tpu.memory_space<semaphore_mem>> -> memref<1x!tpu.dma_semaphore, #tpu.memory_space<semaphore_mem>>
    %dma_start3A_48 = tpu.memref_squeeze %dma_start3A_47 : memref<1x!tpu.dma_semaphore, #tpu.memory_space<semaphore_mem>> -> memref<!tpu.dma_semaphore, #tpu.memory_space<semaphore_mem>>
    %dma_start3A_49 = tpu.memref_slice %arg3[%add3A_39] : memref<160000xi32, #tpu.memory_space<hbm>> -> memref<40xi32, #tpu.memory_space<hbm>>
    tpu.enqueue_dma source(%dma_start3A_49 : memref<40xi32, #tpu.memory_space<hbm>>) target(%arg16 : memref<40xi32, #tpu.memory_space<vmem>>) target_semaphore(%dma_start3A_48 : memref<!tpu.dma_semaphore, #tpu.memory_space<semaphore_mem>>)
    %add3A_50 = arith.constant 160 : i32
    %add3A_51 = arith.addi %mul3A_2, %add3A_50 : i32
    %dma_start3A_52 = arith.constant 4 : i32
    %dma_start3A_53 = tpu.memref_slice %arg2[%add3A_51] : memref<160000xi32, #tpu.memory_space<hbm>> -> memref<40xi32, #tpu.memory_space<hbm>>
    %dma_start3A_54 = tpu.memref_slice %arg28[%dma_start3A_52] : memref<15x!tpu.dma_semaphore, #tpu.memory_space<semaphore_mem>> -> memref<1x!tpu.dma_semaphore, #tpu.memory_space<semaphore_mem>>
    %dma_start3A_55 = tpu.memref_squeeze %dma_start3A_54 : memref<1x!tpu.dma_semaphore, #tpu.memory_space<semaphore_mem>> -> memref<!tpu.dma_semaphore, #tpu.memory_space<semaphore_mem>>
    %dma_start3A_56 = tpu.memref_slice %arg2[%add3A_51] : memref<160000xi32, #tpu.memory_space<hbm>> -> memref<40xi32, #tpu.memory_space<hbm>>
    tpu.enqueue_dma source(%dma_start3A_56 : memref<40xi32, #tpu.memory_space<hbm>>) target(%arg12 : memref<40xi32, #tpu.memory_space<vmem>>) target_semaphore(%dma_start3A_55 : memref<!tpu.dma_semaphore, #tpu.memory_space<semaphore_mem>>)
    %dma_start3A_57 = arith.constant 4 : i32
    %dma_start3A_58 = tpu.memref_slice %arg3[%add3A_51] : memref<160000xi32, #tpu.memory_space<hbm>> -> memref<40xi32, #tpu.memory_space<hbm>>
    %dma_start3A_59 = tpu.memref_slice %arg28[%dma_start3A_57] : memref<15x!tpu.dma_semaphore, #tpu.memory_space<semaphore_mem>> -> memref<1x!tpu.dma_semaphore, #tpu.memory_space<semaphore_mem>>
    %dma_start3A_60 = tpu.memref_squeeze %dma_start3A_59 : memref<1x!tpu.dma_semaphore, #tpu.memory_space<semaphore_mem>> -> memref<!tpu.dma_semaphore, #tpu.memory_space<semaphore_mem>>
    %dma_start3A_61 = tpu.memref_slice %arg3[%add3A_51] : memref<160000xi32, #tpu.memory_space<hbm>> -> memref<40xi32, #tpu.memory_space<hbm>>
    tpu.enqueue_dma source(%dma_start3A_61 : memref<40xi32, #tpu.memory_space<hbm>>) target(%arg17 : memref<40xi32, #tpu.memory_space<vmem>>) target_semaphore(%dma_start3A_60 : memref<!tpu.dma_semaphore, #tpu.memory_space<semaphore_mem>>)
    %scan3A = arith.constant 0 : i32
    %scan3A_62 = arith.constant 0 : i32
    %scan3A_63 = arith.constant 25 : i32
    %scan3A_64 = arith.addi %scan3A_62, %scan3A_63 : i32
    %scan3A_65 = arith.constant 1 : i32
    scf.for %scan3A_146 = %scan3A_62 to %scan3A_64 step %scan3A_65  : i32 {
      %gt3A = arith.constant 0 : i32
      %gt3A_147 = arith.cmpi sgt, %scan3A_146, %gt3A : i32
      %convert_element_type3A = arith.extui %gt3A_147 : i1 to i32
      %cond3A = arith.constant 0 : i32
      %cond3A_148 = arith.cmpi ne, %convert_element_type3A, %cond3A : i32
      scf.if %cond3A_148 {
        %sub3A = arith.constant 1 : i32
        %sub3A_493 = arith.subi %scan3A_146, %sub3A : i32
        %mul3A_494 = arith.constant 5 : i32
        %mul3A_495 = arith.muli %sub3A_493, %mul3A_494 : i32
        %add3A_496 = arith.constant 0 : i32
        %add3A_497 = arith.addi %mul3A_495, %add3A_496 : i32
        %mul3A_498 = arith.constant 40 : i32
        %mul3A_499 = arith.muli %add3A_497, %mul3A_498 : i32
        %add3A_500 = arith.addi %mul3A_2, %mul3A_499 : i32
        %dma_wait3A_501 = arith.constant 10 : i32
        %dma_wait3A_502 = arith.constant 0 : i32
        %dma_wait3A_503 = tpu.memref_slice %arg6[%add3A_500, %dma_wait3A_502] : memref<160000x256xf32, #tpu.memory_space<hbm>> -> memref<40x256xf32, #tpu.memory_space<hbm>>
        %dma_wait3A_504 = tpu.memref_slice %arg28[%dma_wait3A_501] : memref<15x!tpu.dma_semaphore, #tpu.memory_space<semaphore_mem>> -> memref<1x!tpu.dma_semaphore, #tpu.memory_space<semaphore_mem>>
        %dma_wait3A_505 = tpu.memref_squeeze %dma_wait3A_504 : memref<1x!tpu.dma_semaphore, #tpu.memory_space<semaphore_mem>> -> memref<!tpu.dma_semaphore, #tpu.memory_space<semaphore_mem>>
        %dma_wait3A_506 = arith.constant 0 : i32
        %dma_wait3A_507 = tpu.memref_slice %arg6[%add3A_500, %dma_wait3A_506] : memref<160000x256xf32, #tpu.memory_space<hbm>> -> memref<40x256xf32, #tpu.memory_space<hbm>>
        tpu.wait_dma2 semaphore(%dma_wait3A_505 : memref<!tpu.dma_semaphore, #tpu.memory_space<semaphore_mem>>) src(%arg18 : memref<40x256xf32, #tpu.memory_space<vmem>>) dst(%dma_wait3A_507 : memref<40x256xf32, #tpu.memory_space<hbm>>)
        %dma_wait3A_508 = arith.constant 10 : i32
        %dma_wait3A_509 = arith.constant 0 : i32
        %dma_wait3A_510 = tpu.memref_slice %arg7[%add3A_500, %dma_wait3A_509] : memref<160000x256xf32, #tpu.memory_space<hbm>> -> memref<40x256xf32, #tpu.memory_space<hbm>>
        %dma_wait3A_511 = tpu.memref_slice %arg28[%dma_wait3A_508] : memref<15x!tpu.dma_semaphore, #tpu.memory_space<semaphore_mem>> -> memref<1x!tpu.dma_semaphore, #tpu.memory_space<semaphore_mem>>
        %dma_wait3A_512 = tpu.memref_squeeze %dma_wait3A_511 : memref<1x!tpu.dma_semaphore, #tpu.memory_space<semaphore_mem>> -> memref<!tpu.dma_semaphore, #tpu.memory_space<semaphore_mem>>
        %dma_wait3A_513 = arith.constant 0 : i32
        %dma_wait3A_514 = tpu.memref_slice %arg7[%add3A_500, %dma_wait3A_513] : memref<160000x256xf32, #tpu.memory_space<hbm>> -> memref<40x256xf32, #tpu.memory_space<hbm>>
        tpu.wait_dma2 semaphore(%dma_wait3A_512 : memref<!tpu.dma_semaphore, #tpu.memory_space<semaphore_mem>>) src(%arg23 : memref<40x256xf32, #tpu.memory_space<vmem>>) dst(%dma_wait3A_514 : memref<40x256xf32, #tpu.memory_space<hbm>>)
        %sub3A_515 = arith.constant 1 : i32
        %sub3A_516 = arith.subi %scan3A_146, %sub3A_515 : i32
        %mul3A_517 = arith.constant 5 : i32
        %mul3A_518 = arith.muli %sub3A_516, %mul3A_517 : i32
        %add3A_519 = arith.constant 1 : i32
        %add3A_520 = arith.addi %mul3A_518, %add3A_519 : i32
        %mul3A_521 = arith.constant 40 : i32
        %mul3A_522 = arith.muli %add3A_520, %mul3A_521 : i32
        %add3A_523 = arith.addi %mul3A_2, %mul3A_522 : i32
        %dma_wait3A_524 = arith.constant 11 : i32
        %dma_wait3A_525 = arith.constant 0 : i32
        %dma_wait3A_526 = tpu.memref_slice %arg6[%add3A_523, %dma_wait3A_525] : memref<160000x256xf32, #tpu.memory_space<hbm>> -> memref<40x256xf32, #tpu.memory_space<hbm>>
        %dma_wait3A_527 = tpu.memref_slice %arg28[%dma_wait3A_524] : memref<15x!tpu.dma_semaphore, #tpu.memory_space<semaphore_mem>> -> memref<1x!tpu.dma_semaphore, #tpu.memory_space<semaphore_mem>>
        %dma_wait3A_528 = tpu.memref_squeeze %dma_wait3A_527 : memref<1x!tpu.dma_semaphore, #tpu.memory_space<semaphore_mem>> -> memref<!tpu.dma_semaphore, #tpu.memory_space<semaphore_mem>>
        %dma_wait3A_529 = arith.constant 0 : i32
        %dma_wait3A_530 = tpu.memref_slice %arg6[%add3A_523, %dma_wait3A_529] : memref<160000x256xf32, #tpu.memory_space<hbm>> -> memref<40x256xf32, #tpu.memory_space<hbm>>
        tpu.wait_dma2 semaphore(%dma_wait3A_528 : memref<!tpu.dma_semaphore, #tpu.memory_space<semaphore_mem>>) src(%arg19 : memref<40x256xf32, #tpu.memory_space<vmem>>) dst(%dma_wait3A_530 : memref<40x256xf32, #tpu.memory_space<hbm>>)
        %dma_wait3A_531 = arith.constant 11 : i32
        %dma_wait3A_532 = arith.constant 0 : i32
        %dma_wait3A_533 = tpu.memref_slice %arg7[%add3A_523, %dma_wait3A_532] : memref<160000x256xf32, #tpu.memory_space<hbm>> -> memref<40x256xf32, #tpu.memory_space<hbm>>
        %dma_wait3A_534 = tpu.memref_slice %arg28[%dma_wait3A_531] : memref<15x!tpu.dma_semaphore, #tpu.memory_space<semaphore_mem>> -> memref<1x!tpu.dma_semaphore, #tpu.memory_space<semaphore_mem>>
        %dma_wait3A_535 = tpu.memref_squeeze %dma_wait3A_534 : memref<1x!tpu.dma_semaphore, #tpu.memory_space<semaphore_mem>> -> memref<!tpu.dma_semaphore, #tpu.memory_space<semaphore_mem>>
        %dma_wait3A_536 = arith.constant 0 : i32
        %dma_wait3A_537 = tpu.memref_slice %arg7[%add3A_523, %dma_wait3A_536] : memref<160000x256xf32, #tpu.memory_space<hbm>> -> memref<40x256xf32, #tpu.memory_space<hbm>>
        tpu.wait_dma2 semaphore(%dma_wait3A_535 : memref<!tpu.dma_semaphore, #tpu.memory_space<semaphore_mem>>) src(%arg24 : memref<40x256xf32, #tpu.memory_space<vmem>>) dst(%dma_wait3A_537 : memref<40x256xf32, #tpu.memory_space<hbm>>)
        %sub3A_538 = arith.constant 1 : i32
        %sub3A_539 = arith.subi %scan3A_146, %sub3A_538 : i32
        %mul3A_540 = arith.constant 5 : i32
        %mul3A_541 = arith.muli %sub3A_539, %mul3A_540 : i32
        %add3A_542 = arith.constant 2 : i32
        %add3A_543 = arith.addi %mul3A_541, %add3A_542 : i32
        %mul3A_544 = arith.constant 40 : i32
        %mul3A_545 = arith.muli %add3A_543, %mul3A_544 : i32
        %add3A_546 = arith.addi %mul3A_2, %mul3A_545 : i32
        %dma_wait3A_547 = arith.constant 12 : i32
        %dma_wait3A_548 = arith.constant 0 : i32
        %dma_wait3A_549 = tpu.memref_slice %arg6[%add3A_546, %dma_wait3A_548] : memref<160000x256xf32, #tpu.memory_space<hbm>> -> memref<40x256xf32, #tpu.memory_space<hbm>>
        %dma_wait3A_550 = tpu.memref_slice %arg28[%dma_wait3A_547] : memref<15x!tpu.dma_semaphore, #tpu.memory_space<semaphore_mem>> -> memref<1x!tpu.dma_semaphore, #tpu.memory_space<semaphore_mem>>
        %dma_wait3A_551 = tpu.memref_squeeze %dma_wait3A_550 : memref<1x!tpu.dma_semaphore, #tpu.memory_space<semaphore_mem>> -> memref<!tpu.dma_semaphore, #tpu.memory_space<semaphore_mem>>
        %dma_wait3A_552 = arith.constant 0 : i32
        %dma_wait3A_553 = tpu.memref_slice %arg6[%add3A_546, %dma_wait3A_552] : memref<160000x256xf32, #tpu.memory_space<hbm>> -> memref<40x256xf32, #tpu.memory_space<hbm>>
        tpu.wait_dma2 semaphore(%dma_wait3A_551 : memref<!tpu.dma_semaphore, #tpu.memory_space<semaphore_mem>>) src(%arg20 : memref<40x256xf32, #tpu.memory_space<vmem>>) dst(%dma_wait3A_553 : memref<40x256xf32, #tpu.memory_space<hbm>>)
        %dma_wait3A_554 = arith.constant 12 : i32
        %dma_wait3A_555 = arith.constant 0 : i32
        %dma_wait3A_556 = tpu.memref_slice %arg7[%add3A_546, %dma_wait3A_555] : memref<160000x256xf32, #tpu.memory_space<hbm>> -> memref<40x256xf32, #tpu.memory_space<hbm>>
        %dma_wait3A_557 = tpu.memref_slice %arg28[%dma_wait3A_554] : memref<15x!tpu.dma_semaphore, #tpu.memory_space<semaphore_mem>> -> memref<1x!tpu.dma_semaphore, #tpu.memory_space<semaphore_mem>>
        %dma_wait3A_558 = tpu.memref_squeeze %dma_wait3A_557 : memref<1x!tpu.dma_semaphore, #tpu.memory_space<semaphore_mem>> -> memref<!tpu.dma_semaphore, #tpu.memory_space<semaphore_mem>>
        %dma_wait3A_559 = arith.constant 0 : i32
        %dma_wait3A_560 = tpu.memref_slice %arg7[%add3A_546, %dma_wait3A_559] : memref<160000x256xf32, #tpu.memory_space<hbm>> -> memref<40x256xf32, #tpu.memory_space<hbm>>
        tpu.wait_dma2 semaphore(%dma_wait3A_558 : memref<!tpu.dma_semaphore, #tpu.memory_space<semaphore_mem>>) src(%arg25 : memref<40x256xf32, #tpu.memory_space<vmem>>) dst(%dma_wait3A_560 : memref<40x256xf32, #tpu.memory_space<hbm>>)
        %sub3A_561 = arith.constant 1 : i32
        %sub3A_562 = arith.subi %scan3A_146, %sub3A_561 : i32
        %mul3A_563 = arith.constant 5 : i32
        %mul3A_564 = arith.muli %sub3A_562, %mul3A_563 : i32
        %add3A_565 = arith.constant 3 : i32
        %add3A_566 = arith.addi %mul3A_564, %add3A_565 : i32
        %mul3A_567 = arith.constant 40 : i32
        %mul3A_568 = arith.muli %add3A_566, %mul3A_567 : i32
        %add3A_569 = arith.addi %mul3A_2, %mul3A_568 : i32
        %dma_wait3A_570 = arith.constant 13 : i32
        %dma_wait3A_571 = arith.constant 0 : i32
        %dma_wait3A_572 = tpu.memref_slice %arg6[%add3A_569, %dma_wait3A_571] : memref<160000x256xf32, #tpu.memory_space<hbm>> -> memref<40x256xf32, #tpu.memory_space<hbm>>
        %dma_wait3A_573 = tpu.memref_slice %arg28[%dma_wait3A_570] : memref<15x!tpu.dma_semaphore, #tpu.memory_space<semaphore_mem>> -> memref<1x!tpu.dma_semaphore, #tpu.memory_space<semaphore_mem>>
        %dma_wait3A_574 = tpu.memref_squeeze %dma_wait3A_573 : memref<1x!tpu.dma_semaphore, #tpu.memory_space<semaphore_mem>> -> memref<!tpu.dma_semaphore, #tpu.memory_space<semaphore_mem>>
        %dma_wait3A_575 = arith.constant 0 : i32
        %dma_wait3A_576 = tpu.memref_slice %arg6[%add3A_569, %dma_wait3A_575] : memref<160000x256xf32, #tpu.memory_space<hbm>> -> memref<40x256xf32, #tpu.memory_space<hbm>>
        tpu.wait_dma2 semaphore(%dma_wait3A_574 : memref<!tpu.dma_semaphore, #tpu.memory_space<semaphore_mem>>) src(%arg21 : memref<40x256xf32, #tpu.memory_space<vmem>>) dst(%dma_wait3A_576 : memref<40x256xf32, #tpu.memory_space<hbm>>)
        %dma_wait3A_577 = arith.constant 13 : i32
        %dma_wait3A_578 = arith.constant 0 : i32
        %dma_wait3A_579 = tpu.memref_slice %arg7[%add3A_569, %dma_wait3A_578] : memref<160000x256xf32, #tpu.memory_space<hbm>> -> memref<40x256xf32, #tpu.memory_space<hbm>>
        %dma_wait3A_580 = tpu.memref_slice %arg28[%dma_wait3A_577] : memref<15x!tpu.dma_semaphore, #tpu.memory_space<semaphore_mem>> -> memref<1x!tpu.dma_semaphore, #tpu.memory_space<semaphore_mem>>
        %dma_wait3A_581 = tpu.memref_squeeze %dma_wait3A_580 : memref<1x!tpu.dma_semaphore, #tpu.memory_space<semaphore_mem>> -> memref<!tpu.dma_semaphore, #tpu.memory_space<semaphore_mem>>
        %dma_wait3A_582 = arith.constant 0 : i32
        %dma_wait3A_583 = tpu.memref_slice %arg7[%add3A_569, %dma_wait3A_582] : memref<160000x256xf32, #tpu.memory_space<hbm>> -> memref<40x256xf32, #tpu.memory_space<hbm>>
        tpu.wait_dma2 semaphore(%dma_wait3A_581 : memref<!tpu.dma_semaphore, #tpu.memory_space<semaphore_mem>>) src(%arg26 : memref<40x256xf32, #tpu.memory_space<vmem>>) dst(%dma_wait3A_583 : memref<40x256xf32, #tpu.memory_space<hbm>>)
        %sub3A_584 = arith.constant 1 : i32
        %sub3A_585 = arith.subi %scan3A_146, %sub3A_584 : i32
        %mul3A_586 = arith.constant 5 : i32
        %mul3A_587 = arith.muli %sub3A_585, %mul3A_586 : i32
        %add3A_588 = arith.constant 4 : i32
        %add3A_589 = arith.addi %mul3A_587, %add3A_588 : i32
        %mul3A_590 = arith.constant 40 : i32
        %mul3A_591 = arith.muli %add3A_589, %mul3A_590 : i32
        %add3A_592 = arith.addi %mul3A_2, %mul3A_591 : i32
        %dma_wait3A_593 = arith.constant 14 : i32
        %dma_wait3A_594 = arith.constant 0 : i32
        %dma_wait3A_595 = tpu.memref_slice %arg6[%add3A_592, %dma_wait3A_594] : memref<160000x256xf32, #tpu.memory_space<hbm>> -> memref<40x256xf32, #tpu.memory_space<hbm>>
        %dma_wait3A_596 = tpu.memref_slice %arg28[%dma_wait3A_593] : memref<15x!tpu.dma_semaphore, #tpu.memory_space<semaphore_mem>> -> memref<1x!tpu.dma_semaphore, #tpu.memory_space<semaphore_mem>>
        %dma_wait3A_597 = tpu.memref_squeeze %dma_wait3A_596 : memref<1x!tpu.dma_semaphore, #tpu.memory_space<semaphore_mem>> -> memref<!tpu.dma_semaphore, #tpu.memory_space<semaphore_mem>>
        %dma_wait3A_598 = arith.constant 0 : i32
        %dma_wait3A_599 = tpu.memref_slice %arg6[%add3A_592, %dma_wait3A_598] : memref<160000x256xf32, #tpu.memory_space<hbm>> -> memref<40x256xf32, #tpu.memory_space<hbm>>
        tpu.wait_dma2 semaphore(%dma_wait3A_597 : memref<!tpu.dma_semaphore, #tpu.memory_space<semaphore_mem>>) src(%arg22 : memref<40x256xf32, #tpu.memory_space<vmem>>) dst(%dma_wait3A_599 : memref<40x256xf32, #tpu.memory_space<hbm>>)
        %dma_wait3A_600 = arith.constant 14 : i32
        %dma_wait3A_601 = arith.constant 0 : i32
        %dma_wait3A_602 = tpu.memref_slice %arg7[%add3A_592, %dma_wait3A_601] : memref<160000x256xf32, #tpu.memory_space<hbm>> -> memref<40x256xf32, #tpu.memory_space<hbm>>
        %dma_wait3A_603 = tpu.memref_slice %arg28[%dma_wait3A_600] : memref<15x!tpu.dma_semaphore, #tpu.memory_space<semaphore_mem>> -> memref<1x!tpu.dma_semaphore, #tpu.memory_space<semaphore_mem>>
        %dma_wait3A_604 = tpu.memref_squeeze %dma_wait3A_603 : memref<1x!tpu.dma_semaphore, #tpu.memory_space<semaphore_mem>> -> memref<!tpu.dma_semaphore, #tpu.memory_space<semaphore_mem>>
        %dma_wait3A_605 = arith.constant 0 : i32
        %dma_wait3A_606 = tpu.memref_slice %arg7[%add3A_592, %dma_wait3A_605] : memref<160000x256xf32, #tpu.memory_space<hbm>> -> memref<40x256xf32, #tpu.memory_space<hbm>>
        tpu.wait_dma2 semaphore(%dma_wait3A_604 : memref<!tpu.dma_semaphore, #tpu.memory_space<semaphore_mem>>) src(%arg27 : memref<40x256xf32, #tpu.memory_space<vmem>>) dst(%dma_wait3A_606 : memref<40x256xf32, #tpu.memory_space<hbm>>)
      } else {
      }
      %mul3A_149 = arith.constant 5 : i32
      %mul3A_150 = arith.muli %scan3A_146, %mul3A_149 : i32
      %add3A_151 = arith.constant 0 : i32
      %add3A_152 = arith.addi %mul3A_150, %add3A_151 : i32
      %mul3A_153 = arith.constant 40 : i32
      %mul3A_154 = arith.muli %add3A_152, %mul3A_153 : i32
      %add3A_155 = arith.addi %mul3A_2, %mul3A_154 : i32
      %dma_wait3A_156 = arith.constant 0 : i32
      %dma_wait3A_157 = tpu.memref_slice %arg2[%add3A_155] : memref<160000xi32, #tpu.memory_space<hbm>> -> memref<40xi32, #tpu.memory_space<hbm>>
      %dma_wait3A_158 = tpu.memref_slice %arg28[%dma_wait3A_156] : memref<15x!tpu.dma_semaphore, #tpu.memory_space<semaphore_mem>> -> memref<1x!tpu.dma_semaphore, #tpu.memory_space<semaphore_mem>>
      %dma_wait3A_159 = tpu.memref_squeeze %dma_wait3A_158 : memref<1x!tpu.dma_semaphore, #tpu.memory_space<semaphore_mem>> -> memref<!tpu.dma_semaphore, #tpu.memory_space<semaphore_mem>>
      %dma_wait3A_160 = tpu.memref_slice %arg2[%add3A_155] : memref<160000xi32, #tpu.memory_space<hbm>> -> memref<40xi32, #tpu.memory_space<hbm>>
      tpu.wait_dma2 semaphore(%dma_wait3A_159 : memref<!tpu.dma_semaphore, #tpu.memory_space<semaphore_mem>>) src(%dma_wait3A_160 : memref<40xi32, #tpu.memory_space<hbm>>) dst(%arg8 : memref<40xi32, #tpu.memory_space<vmem>>)
      %dma_wait3A_161 = arith.constant 0 : i32
      %dma_wait3A_162 = tpu.memref_slice %arg3[%add3A_155] : memref<160000xi32, #tpu.memory_space<hbm>> -> memref<40xi32, #tpu.memory_space<hbm>>
      %dma_wait3A_163 = tpu.memref_slice %arg28[%dma_wait3A_161] : memref<15x!tpu.dma_semaphore, #tpu.memory_space<semaphore_mem>> -> memref<1x!tpu.dma_semaphore, #tpu.memory_space<semaphore_mem>>
      %dma_wait3A_164 = tpu.memref_squeeze %dma_wait3A_163 : memref<1x!tpu.dma_semaphore, #tpu.memory_space<semaphore_mem>> -> memref<!tpu.dma_semaphore, #tpu.memory_space<semaphore_mem>>
      %dma_wait3A_165 = tpu.memref_slice %arg3[%add3A_155] : memref<160000xi32, #tpu.memory_space<hbm>> -> memref<40xi32, #tpu.memory_space<hbm>>
      tpu.wait_dma2 semaphore(%dma_wait3A_164 : memref<!tpu.dma_semaphore, #tpu.memory_space<semaphore_mem>>) src(%dma_wait3A_165 : memref<40xi32, #tpu.memory_space<hbm>>) dst(%arg13 : memref<40xi32, #tpu.memory_space<vmem>>)
      %dma_start3A_166 = arith.constant 5 : i32
      %dma_start3A_167 = arith.constant 0 : i32
      %dma_start3A_168 = arith.constant 0 : i32
      %dma_start3A_169 = tpu.memref_slice %arg4[%dma_start3A_167, %dma_start3A_168] : memref<10000x256xf32, #tpu.memory_space<hbm>> -> memref<10000x256xf32, #tpu.memory_space<hbm>>
      %dma_start3A_170 = tpu.memref_slice %arg28[%dma_start3A_166] : memref<15x!tpu.dma_semaphore, #tpu.memory_space<semaphore_mem>> -> memref<1x!tpu.dma_semaphore, #tpu.memory_space<semaphore_mem>>
      %dma_start3A_171 = tpu.memref_squeeze %dma_start3A_170 : memref<1x!tpu.dma_semaphore, #tpu.memory_space<semaphore_mem>> -> memref<!tpu.dma_semaphore, #tpu.memory_space<semaphore_mem>>
      tpu.enqueue_indirect_dma source(%dma_start3A_169 : memref<10000x256xf32, #tpu.memory_space<hbm>>) target(%arg18 : memref<40x256xf32, #tpu.memory_space<vmem>>) offsets(%arg8 : memref<40xi32, #tpu.memory_space<vmem>>) semaphore(%dma_start3A_171 : memref<!tpu.dma_semaphore, #tpu.memory_space<semaphore_mem>>)
      %dma_start3A_172 = arith.constant 5 : i32
      %dma_start3A_173 = arith.constant 0 : i32
      %dma_start3A_174 = arith.constant 0 : i32
      %dma_start3A_175 = tpu.memref_slice %arg5[%dma_start3A_173, %dma_start3A_174] : memref<10000x256xf32, #tpu.memory_space<hbm>> -> memref<10000x256xf32, #tpu.memory_space<hbm>>
      %dma_start3A_176 = tpu.memref_slice %arg28[%dma_start3A_172] : memref<15x!tpu.dma_semaphore, #tpu.memory_space<semaphore_mem>> -> memref<1x!tpu.dma_semaphore, #tpu.memory_space<semaphore_mem>>
      %dma_start3A_177 = tpu.memref_squeeze %dma_start3A_176 : memref<1x!tpu.dma_semaphore, #tpu.memory_space<semaphore_mem>> -> memref<!tpu.dma_semaphore, #tpu.memory_space<semaphore_mem>>
      tpu.enqueue_indirect_dma source(%dma_start3A_175 : memref<10000x256xf32, #tpu.memory_space<hbm>>) target(%arg23 : memref<40x256xf32, #tpu.memory_space<vmem>>) offsets(%arg13 : memref<40xi32, #tpu.memory_space<vmem>>) semaphore(%dma_start3A_177 : memref<!tpu.dma_semaphore, #tpu.memory_space<semaphore_mem>>)
      %mul3A_178 = arith.constant 5 : i32
      %mul3A_179 = arith.muli %scan3A_146, %mul3A_178 : i32
      %add3A_180 = arith.constant 1 : i32
      %add3A_181 = arith.addi %mul3A_179, %add3A_180 : i32
      %mul3A_182 = arith.constant 40 : i32
      %mul3A_183 = arith.muli %add3A_181, %mul3A_182 : i32
      %add3A_184 = arith.addi %mul3A_2, %mul3A_183 : i32
      %dma_wait3A_185 = arith.constant 1 : i32
      %dma_wait3A_186 = tpu.memref_slice %arg2[%add3A_184] : memref<160000xi32, #tpu.memory_space<hbm>> -> memref<40xi32, #tpu.memory_space<hbm>>
      %dma_wait3A_187 = tpu.memref_slice %arg28[%dma_wait3A_185] : memref<15x!tpu.dma_semaphore, #tpu.memory_space<semaphore_mem>> -> memref<1x!tpu.dma_semaphore, #tpu.memory_space<semaphore_mem>>
      %dma_wait3A_188 = tpu.memref_squeeze %dma_wait3A_187 : memref<1x!tpu.dma_semaphore, #tpu.memory_space<semaphore_mem>> -> memref<!tpu.dma_semaphore, #tpu.memory_space<semaphore_mem>>
      %dma_wait3A_189 = tpu.memref_slice %arg2[%add3A_184] : memref<160000xi32, #tpu.memory_space<hbm>> -> memref<40xi32, #tpu.memory_space<hbm>>
      tpu.wait_dma2 semaphore(%dma_wait3A_188 : memref<!tpu.dma_semaphore, #tpu.memory_space<semaphore_mem>>) src(%dma_wait3A_189 : memref<40xi32, #tpu.memory_space<hbm>>) dst(%arg9 : memref<40xi32, #tpu.memory_space<vmem>>)
      %dma_wait3A_190 = arith.constant 1 : i32
      %dma_wait3A_191 = tpu.memref_slice %arg3[%add3A_184] : memref<160000xi32, #tpu.memory_space<hbm>> -> memref<40xi32, #tpu.memory_space<hbm>>
      %dma_wait3A_192 = tpu.memref_slice %arg28[%dma_wait3A_190] : memref<15x!tpu.dma_semaphore, #tpu.memory_space<semaphore_mem>> -> memref<1x!tpu.dma_semaphore, #tpu.memory_space<semaphore_mem>>
      %dma_wait3A_193 = tpu.memref_squeeze %dma_wait3A_192 : memref<1x!tpu.dma_semaphore, #tpu.memory_space<semaphore_mem>> -> memref<!tpu.dma_semaphore, #tpu.memory_space<semaphore_mem>>
      %dma_wait3A_194 = tpu.memref_slice %arg3[%add3A_184] : memref<160000xi32, #tpu.memory_space<hbm>> -> memref<40xi32, #tpu.memory_space<hbm>>
      tpu.wait_dma2 semaphore(%dma_wait3A_193 : memref<!tpu.dma_semaphore, #tpu.memory_space<semaphore_mem>>) src(%dma_wait3A_194 : memref<40xi32, #tpu.memory_space<hbm>>) dst(%arg14 : memref<40xi32, #tpu.memory_space<vmem>>)
      %dma_start3A_195 = arith.constant 6 : i32
      %dma_start3A_196 = arith.constant 0 : i32
      %dma_start3A_197 = arith.constant 0 : i32
      %dma_start3A_198 = tpu.memref_slice %arg4[%dma_start3A_196, %dma_start3A_197] : memref<10000x256xf32, #tpu.memory_space<hbm>> -> memref<10000x256xf32, #tpu.memory_space<hbm>>
      %dma_start3A_199 = tpu.memref_slice %arg28[%dma_start3A_195] : memref<15x!tpu.dma_semaphore, #tpu.memory_space<semaphore_mem>> -> memref<1x!tpu.dma_semaphore, #tpu.memory_space<semaphore_mem>>
      %dma_start3A_200 = tpu.memref_squeeze %dma_start3A_199 : memref<1x!tpu.dma_semaphore, #tpu.memory_space<semaphore_mem>> -> memref<!tpu.dma_semaphore, #tpu.memory_space<semaphore_mem>>
      tpu.enqueue_indirect_dma source(%dma_start3A_198 : memref<10000x256xf32, #tpu.memory_space<hbm>>) target(%arg19 : memref<40x256xf32, #tpu.memory_space<vmem>>) offsets(%arg9 : memref<40xi32, #tpu.memory_space<vmem>>) semaphore(%dma_start3A_200 : memref<!tpu.dma_semaphore, #tpu.memory_space<semaphore_mem>>)
      %dma_start3A_201 = arith.constant 6 : i32
      %dma_start3A_202 = arith.constant 0 : i32
      %dma_start3A_203 = arith.constant 0 : i32
      %dma_start3A_204 = tpu.memref_slice %arg5[%dma_start3A_202, %dma_start3A_203] : memref<10000x256xf32, #tpu.memory_space<hbm>> -> memref<10000x256xf32, #tpu.memory_space<hbm>>
      %dma_start3A_205 = tpu.memref_slice %arg28[%dma_start3A_201] : memref<15x!tpu.dma_semaphore, #tpu.memory_space<semaphore_mem>> -> memref<1x!tpu.dma_semaphore, #tpu.memory_space<semaphore_mem>>
      %dma_start3A_206 = tpu.memref_squeeze %dma_start3A_205 : memref<1x!tpu.dma_semaphore, #tpu.memory_space<semaphore_mem>> -> memref<!tpu.dma_semaphore, #tpu.memory_space<semaphore_mem>>
      tpu.enqueue_indirect_dma source(%dma_start3A_204 : memref<10000x256xf32, #tpu.memory_space<hbm>>) target(%arg24 : memref<40x256xf32, #tpu.memory_space<vmem>>) offsets(%arg14 : memref<40xi32, #tpu.memory_space<vmem>>) semaphore(%dma_start3A_206 : memref<!tpu.dma_semaphore, #tpu.memory_space<semaphore_mem>>)
      %mul3A_207 = arith.constant 5 : i32
      %mul3A_208 = arith.muli %scan3A_146, %mul3A_207 : i32
      %add3A_209 = arith.constant 2 : i32
      %add3A_210 = arith.addi %mul3A_208, %add3A_209 : i32
      %mul3A_211 = arith.constant 40 : i32
      %mul3A_212 = arith.muli %add3A_210, %mul3A_211 : i32
      %add3A_213 = arith.addi %mul3A_2, %mul3A_212 : i32
      %dma_wait3A_214 = arith.constant 2 : i32
      %dma_wait3A_215 = tpu.memref_slice %arg2[%add3A_213] : memref<160000xi32, #tpu.memory_space<hbm>> -> memref<40xi32, #tpu.memory_space<hbm>>
      %dma_wait3A_216 = tpu.memref_slice %arg28[%dma_wait3A_214] : memref<15x!tpu.dma_semaphore, #tpu.memory_space<semaphore_mem>> -> memref<1x!tpu.dma_semaphore, #tpu.memory_space<semaphore_mem>>
      %dma_wait3A_217 = tpu.memref_squeeze %dma_wait3A_216 : memref<1x!tpu.dma_semaphore, #tpu.memory_space<semaphore_mem>> -> memref<!tpu.dma_semaphore, #tpu.memory_space<semaphore_mem>>
      %dma_wait3A_218 = tpu.memref_slice %arg2[%add3A_213] : memref<160000xi32, #tpu.memory_space<hbm>> -> memref<40xi32, #tpu.memory_space<hbm>>
      tpu.wait_dma2 semaphore(%dma_wait3A_217 : memref<!tpu.dma_semaphore, #tpu.memory_space<semaphore_mem>>) src(%dma_wait3A_218 : memref<40xi32, #tpu.memory_space<hbm>>) dst(%arg10 : memref<40xi32, #tpu.memory_space<vmem>>)
      %dma_wait3A_219 = arith.constant 2 : i32
      %dma_wait3A_220 = tpu.memref_slice %arg3[%add3A_213] : memref<160000xi32, #tpu.memory_space<hbm>> -> memref<40xi32, #tpu.memory_space<hbm>>
      %dma_wait3A_221 = tpu.memref_slice %arg28[%dma_wait3A_219] : memref<15x!tpu.dma_semaphore, #tpu.memory_space<semaphore_mem>> -> memref<1x!tpu.dma_semaphore, #tpu.memory_space<semaphore_mem>>
      %dma_wait3A_222 = tpu.memref_squeeze %dma_wait3A_221 : memref<1x!tpu.dma_semaphore, #tpu.memory_space<semaphore_mem>> -> memref<!tpu.dma_semaphore, #tpu.memory_space<semaphore_mem>>
      %dma_wait3A_223 = tpu.memref_slice %arg3[%add3A_213] : memref<160000xi32, #tpu.memory_space<hbm>> -> memref<40xi32, #tpu.memory_space<hbm>>
      tpu.wait_dma2 semaphore(%dma_wait3A_222 : memref<!tpu.dma_semaphore, #tpu.memory_space<semaphore_mem>>) src(%dma_wait3A_223 : memref<40xi32, #tpu.memory_space<hbm>>) dst(%arg15 : memref<40xi32, #tpu.memory_space<vmem>>)
      %dma_start3A_224 = arith.constant 7 : i32
      %dma_start3A_225 = arith.constant 0 : i32
      %dma_start3A_226 = arith.constant 0 : i32
      %dma_start3A_227 = tpu.memref_slice %arg4[%dma_start3A_225, %dma_start3A_226] : memref<10000x256xf32, #tpu.memory_space<hbm>> -> memref<10000x256xf32, #tpu.memory_space<hbm>>
      %dma_start3A_228 = tpu.memref_slice %arg28[%dma_start3A_224] : memref<15x!tpu.dma_semaphore, #tpu.memory_space<semaphore_mem>> -> memref<1x!tpu.dma_semaphore, #tpu.memory_space<semaphore_mem>>
      %dma_start3A_229 = tpu.memref_squeeze %dma_start3A_228 : memref<1x!tpu.dma_semaphore, #tpu.memory_space<semaphore_mem>> -> memref<!tpu.dma_semaphore, #tpu.memory_space<semaphore_mem>>
      tpu.enqueue_indirect_dma source(%dma_start3A_227 : memref<10000x256xf32, #tpu.memory_space<hbm>>) target(%arg20 : memref<40x256xf32, #tpu.memory_space<vmem>>) offsets(%arg10 : memref<40xi32, #tpu.memory_space<vmem>>) semaphore(%dma_start3A_229 : memref<!tpu.dma_semaphore, #tpu.memory_space<semaphore_mem>>)
      %dma_start3A_230 = arith.constant 7 : i32
      %dma_start3A_231 = arith.constant 0 : i32
      %dma_start3A_232 = arith.constant 0 : i32
      %dma_start3A_233 = tpu.memref_slice %arg5[%dma_start3A_231, %dma_start3A_232] : memref<10000x256xf32, #tpu.memory_space<hbm>> -> memref<10000x256xf32, #tpu.memory_space<hbm>>
      %dma_start3A_234 = tpu.memref_slice %arg28[%dma_start3A_230] : memref<15x!tpu.dma_semaphore, #tpu.memory_space<semaphore_mem>> -> memref<1x!tpu.dma_semaphore, #tpu.memory_space<semaphore_mem>>
      %dma_start3A_235 = tpu.memref_squeeze %dma_start3A_234 : memref<1x!tpu.dma_semaphore, #tpu.memory_space<semaphore_mem>> -> memref<!tpu.dma_semaphore, #tpu.memory_space<semaphore_mem>>
      tpu.enqueue_indirect_dma source(%dma_start3A_233 : memref<10000x256xf32, #tpu.memory_space<hbm>>) target(%arg25 : memref<40x256xf32, #tpu.memory_space<vmem>>) offsets(%arg15 : memref<40xi32, #tpu.memory_space<vmem>>) semaphore(%dma_start3A_235 : memref<!tpu.dma_semaphore, #tpu.memory_space<semaphore_mem>>)
      %mul3A_236 = arith.constant 5 : i32
      %mul3A_237 = arith.muli %scan3A_146, %mul3A_236 : i32
      %add3A_238 = arith.constant 3 : i32
      %add3A_239 = arith.addi %mul3A_237, %add3A_238 : i32
      %mul3A_240 = arith.constant 40 : i32
      %mul3A_241 = arith.muli %add3A_239, %mul3A_240 : i32
      %add3A_242 = arith.addi %mul3A_2, %mul3A_241 : i32
      %dma_wait3A_243 = arith.constant 3 : i32
      %dma_wait3A_244 = tpu.memref_slice %arg2[%add3A_242] : memref<160000xi32, #tpu.memory_space<hbm>> -> memref<40xi32, #tpu.memory_space<hbm>>
      %dma_wait3A_245 = tpu.memref_slice %arg28[%dma_wait3A_243] : memref<15x!tpu.dma_semaphore, #tpu.memory_space<semaphore_mem>> -> memref<1x!tpu.dma_semaphore, #tpu.memory_space<semaphore_mem>>
      %dma_wait3A_246 = tpu.memref_squeeze %dma_wait3A_245 : memref<1x!tpu.dma_semaphore, #tpu.memory_space<semaphore_mem>> -> memref<!tpu.dma_semaphore, #tpu.memory_space<semaphore_mem>>
      %dma_wait3A_247 = tpu.memref_slice %arg2[%add3A_242] : memref<160000xi32, #tpu.memory_space<hbm>> -> memref<40xi32, #tpu.memory_space<hbm>>
      tpu.wait_dma2 semaphore(%dma_wait3A_246 : memref<!tpu.dma_semaphore, #tpu.memory_space<semaphore_mem>>) src(%dma_wait3A_247 : memref<40xi32, #tpu.memory_space<hbm>>) dst(%arg11 : memref<40xi32, #tpu.memory_space<vmem>>)
      %dma_wait3A_248 = arith.constant 3 : i32
      %dma_wait3A_249 = tpu.memref_slice %arg3[%add3A_242] : memref<160000xi32, #tpu.memory_space<hbm>> -> memref<40xi32, #tpu.memory_space<hbm>>
      %dma_wait3A_250 = tpu.memref_slice %arg28[%dma_wait3A_248] : memref<15x!tpu.dma_semaphore, #tpu.memory_space<semaphore_mem>> -> memref<1x!tpu.dma_semaphore, #tpu.memory_space<semaphore_mem>>
      %dma_wait3A_251 = tpu.memref_squeeze %dma_wait3A_250 : memref<1x!tpu.dma_semaphore, #tpu.memory_space<semaphore_mem>> -> memref<!tpu.dma_semaphore, #tpu.memory_space<semaphore_mem>>
      %dma_wait3A_252 = tpu.memref_slice %arg3[%add3A_242] : memref<160000xi32, #tpu.memory_space<hbm>> -> memref<40xi32, #tpu.memory_space<hbm>>
      tpu.wait_dma2 semaphore(%dma_wait3A_251 : memref<!tpu.dma_semaphore, #tpu.memory_space<semaphore_mem>>) src(%dma_wait3A_252 : memref<40xi32, #tpu.memory_space<hbm>>) dst(%arg16 : memref<40xi32, #tpu.memory_space<vmem>>)
      %dma_start3A_253 = arith.constant 8 : i32
      %dma_start3A_254 = arith.constant 0 : i32
      %dma_start3A_255 = arith.constant 0 : i32
      %dma_start3A_256 = tpu.memref_slice %arg4[%dma_start3A_254, %dma_start3A_255] : memref<10000x256xf32, #tpu.memory_space<hbm>> -> memref<10000x256xf32, #tpu.memory_space<hbm>>
      %dma_start3A_257 = tpu.memref_slice %arg28[%dma_start3A_253] : memref<15x!tpu.dma_semaphore, #tpu.memory_space<semaphore_mem>> -> memref<1x!tpu.dma_semaphore, #tpu.memory_space<semaphore_mem>>
      %dma_start3A_258 = tpu.memref_squeeze %dma_start3A_257 : memref<1x!tpu.dma_semaphore, #tpu.memory_space<semaphore_mem>> -> memref<!tpu.dma_semaphore, #tpu.memory_space<semaphore_mem>>
      tpu.enqueue_indirect_dma source(%dma_start3A_256 : memref<10000x256xf32, #tpu.memory_space<hbm>>) target(%arg21 : memref<40x256xf32, #tpu.memory_space<vmem>>) offsets(%arg11 : memref<40xi32, #tpu.memory_space<vmem>>) semaphore(%dma_start3A_258 : memref<!tpu.dma_semaphore, #tpu.memory_space<semaphore_mem>>)
      %dma_start3A_259 = arith.constant 8 : i32
      %dma_start3A_260 = arith.constant 0 : i32
      %dma_start3A_261 = arith.constant 0 : i32
      %dma_start3A_262 = tpu.memref_slice %arg5[%dma_start3A_260, %dma_start3A_261] : memref<10000x256xf32, #tpu.memory_space<hbm>> -> memref<10000x256xf32, #tpu.memory_space<hbm>>
      %dma_start3A_263 = tpu.memref_slice %arg28[%dma_start3A_259] : memref<15x!tpu.dma_semaphore, #tpu.memory_space<semaphore_mem>> -> memref<1x!tpu.dma_semaphore, #tpu.memory_space<semaphore_mem>>
      %dma_start3A_264 = tpu.memref_squeeze %dma_start3A_263 : memref<1x!tpu.dma_semaphore, #tpu.memory_space<semaphore_mem>> -> memref<!tpu.dma_semaphore, #tpu.memory_space<semaphore_mem>>
      tpu.enqueue_indirect_dma source(%dma_start3A_262 : memref<10000x256xf32, #tpu.memory_space<hbm>>) target(%arg26 : memref<40x256xf32, #tpu.memory_space<vmem>>) offsets(%arg16 : memref<40xi32, #tpu.memory_space<vmem>>) semaphore(%dma_start3A_264 : memref<!tpu.dma_semaphore, #tpu.memory_space<semaphore_mem>>)
      %mul3A_265 = arith.constant 5 : i32
      %mul3A_266 = arith.muli %scan3A_146, %mul3A_265 : i32
      %add3A_267 = arith.constant 4 : i32
      %add3A_268 = arith.addi %mul3A_266, %add3A_267 : i32
      %mul3A_269 = arith.constant 40 : i32
      %mul3A_270 = arith.muli %add3A_268, %mul3A_269 : i32
      %add3A_271 = arith.addi %mul3A_2, %mul3A_270 : i32
      %dma_wait3A_272 = arith.constant 4 : i32
      %dma_wait3A_273 = tpu.memref_slice %arg2[%add3A_271] : memref<160000xi32, #tpu.memory_space<hbm>> -> memref<40xi32, #tpu.memory_space<hbm>>
      %dma_wait3A_274 = tpu.memref_slice %arg28[%dma_wait3A_272] : memref<15x!tpu.dma_semaphore, #tpu.memory_space<semaphore_mem>> -> memref<1x!tpu.dma_semaphore, #tpu.memory_space<semaphore_mem>>
      %dma_wait3A_275 = tpu.memref_squeeze %dma_wait3A_274 : memref<1x!tpu.dma_semaphore, #tpu.memory_space<semaphore_mem>> -> memref<!tpu.dma_semaphore, #tpu.memory_space<semaphore_mem>>
      %dma_wait3A_276 = tpu.memref_slice %arg2[%add3A_271] : memref<160000xi32, #tpu.memory_space<hbm>> -> memref<40xi32, #tpu.memory_space<hbm>>
      tpu.wait_dma2 semaphore(%dma_wait3A_275 : memref<!tpu.dma_semaphore, #tpu.memory_space<semaphore_mem>>) src(%dma_wait3A_276 : memref<40xi32, #tpu.memory_space<hbm>>) dst(%arg12 : memref<40xi32, #tpu.memory_space<vmem>>)
      %dma_wait3A_277 = arith.constant 4 : i32
      %dma_wait3A_278 = tpu.memref_slice %arg3[%add3A_271] : memref<160000xi32, #tpu.memory_space<hbm>> -> memref<40xi32, #tpu.memory_space<hbm>>
      %dma_wait3A_279 = tpu.memref_slice %arg28[%dma_wait3A_277] : memref<15x!tpu.dma_semaphore, #tpu.memory_space<semaphore_mem>> -> memref<1x!tpu.dma_semaphore, #tpu.memory_space<semaphore_mem>>
      %dma_wait3A_280 = tpu.memref_squeeze %dma_wait3A_279 : memref<1x!tpu.dma_semaphore, #tpu.memory_space<semaphore_mem>> -> memref<!tpu.dma_semaphore, #tpu.memory_space<semaphore_mem>>
      %dma_wait3A_281 = tpu.memref_slice %arg3[%add3A_271] : memref<160000xi32, #tpu.memory_space<hbm>> -> memref<40xi32, #tpu.memory_space<hbm>>
      tpu.wait_dma2 semaphore(%dma_wait3A_280 : memref<!tpu.dma_semaphore, #tpu.memory_space<semaphore_mem>>) src(%dma_wait3A_281 : memref<40xi32, #tpu.memory_space<hbm>>) dst(%arg17 : memref<40xi32, #tpu.memory_space<vmem>>)
      %dma_start3A_282 = arith.constant 9 : i32
      %dma_start3A_283 = arith.constant 0 : i32
      %dma_start3A_284 = arith.constant 0 : i32
      %dma_start3A_285 = tpu.memref_slice %arg4[%dma_start3A_283, %dma_start3A_284] : memref<10000x256xf32, #tpu.memory_space<hbm>> -> memref<10000x256xf32, #tpu.memory_space<hbm>>
      %dma_start3A_286 = tpu.memref_slice %arg28[%dma_start3A_282] : memref<15x!tpu.dma_semaphore, #tpu.memory_space<semaphore_mem>> -> memref<1x!tpu.dma_semaphore, #tpu.memory_space<semaphore_mem>>
      %dma_start3A_287 = tpu.memref_squeeze %dma_start3A_286 : memref<1x!tpu.dma_semaphore, #tpu.memory_space<semaphore_mem>> -> memref<!tpu.dma_semaphore, #tpu.memory_space<semaphore_mem>>
      tpu.enqueue_indirect_dma source(%dma_start3A_285 : memref<10000x256xf32, #tpu.memory_space<hbm>>) target(%arg22 : memref<40x256xf32, #tpu.memory_space<vmem>>) offsets(%arg12 : memref<40xi32, #tpu.memory_space<vmem>>) semaphore(%dma_start3A_287 : memref<!tpu.dma_semaphore, #tpu.memory_space<semaphore_mem>>)
      %dma_start3A_288 = arith.constant 9 : i32
      %dma_start3A_289 = arith.constant 0 : i32
      %dma_start3A_290 = arith.constant 0 : i32
      %dma_start3A_291 = tpu.memref_slice %arg5[%dma_start3A_289, %dma_start3A_290] : memref<10000x256xf32, #tpu.memory_space<hbm>> -> memref<10000x256xf32, #tpu.memory_space<hbm>>
      %dma_start3A_292 = tpu.memref_slice %arg28[%dma_start3A_288] : memref<15x!tpu.dma_semaphore, #tpu.memory_space<semaphore_mem>> -> memref<1x!tpu.dma_semaphore, #tpu.memory_space<semaphore_mem>>
      %dma_start3A_293 = tpu.memref_squeeze %dma_start3A_292 : memref<1x!tpu.dma_semaphore, #tpu.memory_space<semaphore_mem>> -> memref<!tpu.dma_semaphore, #tpu.memory_space<semaphore_mem>>
      tpu.enqueue_indirect_dma source(%dma_start3A_291 : memref<10000x256xf32, #tpu.memory_space<hbm>>) target(%arg27 : memref<40x256xf32, #tpu.memory_space<vmem>>) offsets(%arg17 : memref<40xi32, #tpu.memory_space<vmem>>) semaphore(%dma_start3A_293 : memref<!tpu.dma_semaphore, #tpu.memory_space<semaphore_mem>>)
      %dma_wait3A_294 = arith.constant 5 : i32
      %dma_wait3A_295 = arith.constant 0 : i32
      %dma_wait3A_296 = arith.constant 0 : i32
      %dma_wait3A_297 = tpu.memref_slice %arg4[%dma_wait3A_295, %dma_wait3A_296] : memref<10000x256xf32, #tpu.memory_space<hbm>> -> memref<10000x256xf32, #tpu.memory_space<hbm>>
      %dma_wait3A_298 = tpu.memref_slice %arg28[%dma_wait3A_294] : memref<15x!tpu.dma_semaphore, #tpu.memory_space<semaphore_mem>> -> memref<1x!tpu.dma_semaphore, #tpu.memory_space<semaphore_mem>>
      %dma_wait3A_299 = tpu.memref_squeeze %dma_wait3A_298 : memref<1x!tpu.dma_semaphore, #tpu.memory_space<semaphore_mem>> -> memref<!tpu.dma_semaphore, #tpu.memory_space<semaphore_mem>>
      tpu.wait_indirect_dma semaphore(%dma_wait3A_299 : memref<!tpu.dma_semaphore, #tpu.memory_space<semaphore_mem>>) src(%dma_wait3A_297 : memref<10000x256xf32, #tpu.memory_space<hbm>>) dst(%arg18 : memref<40x256xf32, #tpu.memory_space<vmem>>)
      %dma_wait3A_300 = arith.constant 5 : i32
      %dma_wait3A_301 = arith.constant 0 : i32
      %dma_wait3A_302 = arith.constant 0 : i32
      %dma_wait3A_303 = tpu.memref_slice %arg5[%dma_wait3A_301, %dma_wait3A_302] : memref<10000x256xf32, #tpu.memory_space<hbm>> -> memref<10000x256xf32, #tpu.memory_space<hbm>>
      %dma_wait3A_304 = tpu.memref_slice %arg28[%dma_wait3A_300] : memref<15x!tpu.dma_semaphore, #tpu.memory_space<semaphore_mem>> -> memref<1x!tpu.dma_semaphore, #tpu.memory_space<semaphore_mem>>
      %dma_wait3A_305 = tpu.memref_squeeze %dma_wait3A_304 : memref<1x!tpu.dma_semaphore, #tpu.memory_space<semaphore_mem>> -> memref<!tpu.dma_semaphore, #tpu.memory_space<semaphore_mem>>
      tpu.wait_indirect_dma semaphore(%dma_wait3A_305 : memref<!tpu.dma_semaphore, #tpu.memory_space<semaphore_mem>>) src(%dma_wait3A_303 : memref<10000x256xf32, #tpu.memory_space<hbm>>) dst(%arg23 : memref<40x256xf32, #tpu.memory_space<vmem>>)
      %add3A_306 = arith.constant 1 : i32
      %add3A_307 = arith.addi %scan3A_146, %add3A_306 : i32
      %lt3A = arith.constant 25 : i32
      %lt3A_308 = arith.cmpi slt, %add3A_307, %lt3A : i32
      %convert_element_type3A_309 = arith.extui %lt3A_308 : i1 to i32
      %cond3A_310 = arith.constant 0 : i32
      %cond3A_311 = arith.cmpi ne, %convert_element_type3A_309, %cond3A_310 : i32
      scf.if %cond3A_311 {
        %add3A_493 = arith.constant 1 : i32
        %add3A_494 = arith.addi %scan3A_146, %add3A_493 : i32
        %mul3A_495 = arith.constant 5 : i32
        %mul3A_496 = arith.muli %add3A_494, %mul3A_495 : i32
        %add3A_497 = arith.constant 0 : i32
        %add3A_498 = arith.addi %mul3A_496, %add3A_497 : i32
        %mul3A_499 = arith.constant 40 : i32
        %mul3A_500 = arith.muli %add3A_498, %mul3A_499 : i32
        %add3A_501 = arith.addi %mul3A_2, %mul3A_500 : i32
        %dma_start3A_502 = arith.constant 0 : i32
        %dma_start3A_503 = tpu.memref_slice %arg2[%add3A_501] : memref<160000xi32, #tpu.memory_space<hbm>> -> memref<40xi32, #tpu.memory_space<hbm>>
        %dma_start3A_504 = tpu.memref_slice %arg28[%dma_start3A_502] : memref<15x!tpu.dma_semaphore, #tpu.memory_space<semaphore_mem>> -> memref<1x!tpu.dma_semaphore, #tpu.memory_space<semaphore_mem>>
        %dma_start3A_505 = tpu.memref_squeeze %dma_start3A_504 : memref<1x!tpu.dma_semaphore, #tpu.memory_space<semaphore_mem>> -> memref<!tpu.dma_semaphore, #tpu.memory_space<semaphore_mem>>
        %dma_start3A_506 = tpu.memref_slice %arg2[%add3A_501] : memref<160000xi32, #tpu.memory_space<hbm>> -> memref<40xi32, #tpu.memory_space<hbm>>
        tpu.enqueue_dma source(%dma_start3A_506 : memref<40xi32, #tpu.memory_space<hbm>>) target(%arg8 : memref<40xi32, #tpu.memory_space<vmem>>) target_semaphore(%dma_start3A_505 : memref<!tpu.dma_semaphore, #tpu.memory_space<semaphore_mem>>)
        %dma_start3A_507 = arith.constant 0 : i32
        %dma_start3A_508 = tpu.memref_slice %arg3[%add3A_501] : memref<160000xi32, #tpu.memory_space<hbm>> -> memref<40xi32, #tpu.memory_space<hbm>>
        %dma_start3A_509 = tpu.memref_slice %arg28[%dma_start3A_507] : memref<15x!tpu.dma_semaphore, #tpu.memory_space<semaphore_mem>> -> memref<1x!tpu.dma_semaphore, #tpu.memory_space<semaphore_mem>>
        %dma_start3A_510 = tpu.memref_squeeze %dma_start3A_509 : memref<1x!tpu.dma_semaphore, #tpu.memory_space<semaphore_mem>> -> memref<!tpu.dma_semaphore, #tpu.memory_space<semaphore_mem>>
        %dma_start3A_511 = tpu.memref_slice %arg3[%add3A_501] : memref<160000xi32, #tpu.memory_space<hbm>> -> memref<40xi32, #tpu.memory_space<hbm>>
        tpu.enqueue_dma source(%dma_start3A_511 : memref<40xi32, #tpu.memory_space<hbm>>) target(%arg13 : memref<40xi32, #tpu.memory_space<vmem>>) target_semaphore(%dma_start3A_510 : memref<!tpu.dma_semaphore, #tpu.memory_space<semaphore_mem>>)
      } else {
      }
      %mul3A_312 = arith.constant 5 : i32
      %mul3A_313 = arith.muli %scan3A_146, %mul3A_312 : i32
      %add3A_314 = arith.constant 0 : i32
      %add3A_315 = arith.addi %mul3A_313, %add3A_314 : i32
      %mul3A_316 = arith.constant 40 : i32
      %mul3A_317 = arith.muli %add3A_315, %mul3A_316 : i32
      %add3A_318 = arith.addi %mul3A_2, %mul3A_317 : i32
      %dma_start3A_319 = arith.constant 10 : i32
      %dma_start3A_320 = arith.constant 0 : i32
      %dma_start3A_321 = tpu.memref_slice %arg6[%add3A_318, %dma_start3A_320] : memref<160000x256xf32, #tpu.memory_space<hbm>> -> memref<40x256xf32, #tpu.memory_space<hbm>>
      %dma_start3A_322 = tpu.memref_slice %arg28[%dma_start3A_319] : memref<15x!tpu.dma_semaphore, #tpu.memory_space<semaphore_mem>> -> memref<1x!tpu.dma_semaphore, #tpu.memory_space<semaphore_mem>>
      %dma_start3A_323 = tpu.memref_squeeze %dma_start3A_322 : memref<1x!tpu.dma_semaphore, #tpu.memory_space<semaphore_mem>> -> memref<!tpu.dma_semaphore, #tpu.memory_space<semaphore_mem>>
      %dma_start3A_324 = arith.constant 0 : i32
      %dma_start3A_325 = tpu.memref_slice %arg6[%add3A_318, %dma_start3A_324] : memref<160000x256xf32, #tpu.memory_space<hbm>> -> memref<40x256xf32, #tpu.memory_space<hbm>>
      tpu.enqueue_dma source(%arg18 : memref<40x256xf32, #tpu.memory_space<vmem>>) target(%dma_start3A_325 : memref<40x256xf32, #tpu.memory_space<hbm>>) target_semaphore(%dma_start3A_323 : memref<!tpu.dma_semaphore, #tpu.memory_space<semaphore_mem>>)
      %dma_start3A_326 = arith.constant 10 : i32
      %dma_start3A_327 = arith.constant 0 : i32
      %dma_start3A_328 = tpu.memref_slice %arg7[%add3A_318, %dma_start3A_327] : memref<160000x256xf32, #tpu.memory_space<hbm>> -> memref<40x256xf32, #tpu.memory_space<hbm>>
      %dma_start3A_329 = tpu.memref_slice %arg28[%dma_start3A_326] : memref<15x!tpu.dma_semaphore, #tpu.memory_space<semaphore_mem>> -> memref<1x!tpu.dma_semaphore, #tpu.memory_space<semaphore_mem>>
      %dma_start3A_330 = tpu.memref_squeeze %dma_start3A_329 : memref<1x!tpu.dma_semaphore, #tpu.memory_space<semaphore_mem>> -> memref<!tpu.dma_semaphore, #tpu.memory_space<semaphore_mem>>
      %dma_start3A_331 = arith.constant 0 : i32
      %dma_start3A_332 = tpu.memref_slice %arg7[%add3A_318, %dma_start3A_331] : memref<160000x256xf32, #tpu.memory_space<hbm>> -> memref<40x256xf32, #tpu.memory_space<hbm>>
      tpu.enqueue_dma source(%arg23 : memref<40x256xf32, #tpu.memory_space<vmem>>) target(%dma_start3A_332 : memref<40x256xf32, #tpu.memory_space<hbm>>) target_semaphore(%dma_start3A_330 : memref<!tpu.dma_semaphore, #tpu.memory_space<semaphore_mem>>)
      %dma_wait3A_333 = arith.constant 6 : i32
      %dma_wait3A_334 = arith.constant 0 : i32
      %dma_wait3A_335 = arith.constant 0 : i32
      %dma_wait3A_336 = tpu.memref_slice %arg4[%dma_wait3A_334, %dma_wait3A_335] : memref<10000x256xf32, #tpu.memory_space<hbm>> -> memref<10000x256xf32, #tpu.memory_space<hbm>>
      %dma_wait3A_337 = tpu.memref_slice %arg28[%dma_wait3A_333] : memref<15x!tpu.dma_semaphore, #tpu.memory_space<semaphore_mem>> -> memref<1x!tpu.dma_semaphore, #tpu.memory_space<semaphore_mem>>
      %dma_wait3A_338 = tpu.memref_squeeze %dma_wait3A_337 : memref<1x!tpu.dma_semaphore, #tpu.memory_space<semaphore_mem>> -> memref<!tpu.dma_semaphore, #tpu.memory_space<semaphore_mem>>
      tpu.wait_indirect_dma semaphore(%dma_wait3A_338 : memref<!tpu.dma_semaphore, #tpu.memory_space<semaphore_mem>>) src(%dma_wait3A_336 : memref<10000x256xf32, #tpu.memory_space<hbm>>) dst(%arg19 : memref<40x256xf32, #tpu.memory_space<vmem>>)
      %dma_wait3A_339 = arith.constant 6 : i32
      %dma_wait3A_340 = arith.constant 0 : i32
      %dma_wait3A_341 = arith.constant 0 : i32
      %dma_wait3A_342 = tpu.memref_slice %arg5[%dma_wait3A_340, %dma_wait3A_341] : memref<10000x256xf32, #tpu.memory_space<hbm>> -> memref<10000x256xf32, #tpu.memory_space<hbm>>
      %dma_wait3A_343 = tpu.memref_slice %arg28[%dma_wait3A_339] : memref<15x!tpu.dma_semaphore, #tpu.memory_space<semaphore_mem>> -> memref<1x!tpu.dma_semaphore, #tpu.memory_space<semaphore_mem>>
      %dma_wait3A_344 = tpu.memref_squeeze %dma_wait3A_343 : memref<1x!tpu.dma_semaphore, #tpu.memory_space<semaphore_mem>> -> memref<!tpu.dma_semaphore, #tpu.memory_space<semaphore_mem>>
      tpu.wait_indirect_dma semaphore(%dma_wait3A_344 : memref<!tpu.dma_semaphore, #tpu.memory_space<semaphore_mem>>) src(%dma_wait3A_342 : memref<10000x256xf32, #tpu.memory_space<hbm>>) dst(%arg24 : memref<40x256xf32, #tpu.memory_space<vmem>>)
      %add3A_345 = arith.constant 1 : i32
      %add3A_346 = arith.addi %scan3A_146, %add3A_345 : i32
      %lt3A_347 = arith.constant 25 : i32
      %lt3A_348 = arith.cmpi slt, %add3A_346, %lt3A_347 : i32
      %convert_element_type3A_349 = arith.extui %lt3A_348 : i1 to i32
      %cond3A_350 = arith.constant 0 : i32
      %cond3A_351 = arith.cmpi ne, %convert_element_type3A_349, %cond3A_350 : i32
      scf.if %cond3A_351 {
        %add3A_493 = arith.constant 1 : i32
        %add3A_494 = arith.addi %scan3A_146, %add3A_493 : i32
        %mul3A_495 = arith.constant 5 : i32
        %mul3A_496 = arith.muli %add3A_494, %mul3A_495 : i32
        %add3A_497 = arith.constant 1 : i32
        %add3A_498 = arith.addi %mul3A_496, %add3A_497 : i32
        %mul3A_499 = arith.constant 40 : i32
        %mul3A_500 = arith.muli %add3A_498, %mul3A_499 : i32
        %add3A_501 = arith.addi %mul3A_2, %mul3A_500 : i32
        %dma_start3A_502 = arith.constant 1 : i32
        %dma_start3A_503 = tpu.memref_slice %arg2[%add3A_501] : memref<160000xi32, #tpu.memory_space<hbm>> -> memref<40xi32, #tpu.memory_space<hbm>>
        %dma_start3A_504 = tpu.memref_slice %arg28[%dma_start3A_502] : memref<15x!tpu.dma_semaphore, #tpu.memory_space<semaphore_mem>> -> memref<1x!tpu.dma_semaphore, #tpu.memory_space<semaphore_mem>>
        %dma_start3A_505 = tpu.memref_squeeze %dma_start3A_504 : memref<1x!tpu.dma_semaphore, #tpu.memory_space<semaphore_mem>> -> memref<!tpu.dma_semaphore, #tpu.memory_space<semaphore_mem>>
        %dma_start3A_506 = tpu.memref_slice %arg2[%add3A_501] : memref<160000xi32, #tpu.memory_space<hbm>> -> memref<40xi32, #tpu.memory_space<hbm>>
        tpu.enqueue_dma source(%dma_start3A_506 : memref<40xi32, #tpu.memory_space<hbm>>) target(%arg9 : memref<40xi32, #tpu.memory_space<vmem>>) target_semaphore(%dma_start3A_505 : memref<!tpu.dma_semaphore, #tpu.memory_space<semaphore_mem>>)
        %dma_start3A_507 = arith.constant 1 : i32
        %dma_start3A_508 = tpu.memref_slice %arg3[%add3A_501] : memref<160000xi32, #tpu.memory_space<hbm>> -> memref<40xi32, #tpu.memory_space<hbm>>
        %dma_start3A_509 = tpu.memref_slice %arg28[%dma_start3A_507] : memref<15x!tpu.dma_semaphore, #tpu.memory_space<semaphore_mem>> -> memref<1x!tpu.dma_semaphore, #tpu.memory_space<semaphore_mem>>
        %dma_start3A_510 = tpu.memref_squeeze %dma_start3A_509 : memref<1x!tpu.dma_semaphore, #tpu.memory_space<semaphore_mem>> -> memref<!tpu.dma_semaphore, #tpu.memory_space<semaphore_mem>>
        %dma_start3A_511 = tpu.memref_slice %arg3[%add3A_501] : memref<160000xi32, #tpu.memory_space<hbm>> -> memref<40xi32, #tpu.memory_space<hbm>>
        tpu.enqueue_dma source(%dma_start3A_511 : memref<40xi32, #tpu.memory_space<hbm>>) target(%arg14 : memref<40xi32, #tpu.memory_space<vmem>>) target_semaphore(%dma_start3A_510 : memref<!tpu.dma_semaphore, #tpu.memory_space<semaphore_mem>>)
      } else {
      }
      %mul3A_352 = arith.constant 5 : i32
      %mul3A_353 = arith.muli %scan3A_146, %mul3A_352 : i32
      %add3A_354 = arith.constant 1 : i32
      %add3A_355 = arith.addi %mul3A_353, %add3A_354 : i32
      %mul3A_356 = arith.constant 40 : i32
      %mul3A_357 = arith.muli %add3A_355, %mul3A_356 : i32
      %add3A_358 = arith.addi %mul3A_2, %mul3A_357 : i32
      %dma_start3A_359 = arith.constant 11 : i32
      %dma_start3A_360 = arith.constant 0 : i32
      %dma_start3A_361 = tpu.memref_slice %arg6[%add3A_358, %dma_start3A_360] : memref<160000x256xf32, #tpu.memory_space<hbm>> -> memref<40x256xf32, #tpu.memory_space<hbm>>
      %dma_start3A_362 = tpu.memref_slice %arg28[%dma_start3A_359] : memref<15x!tpu.dma_semaphore, #tpu.memory_space<semaphore_mem>> -> memref<1x!tpu.dma_semaphore, #tpu.memory_space<semaphore_mem>>
      %dma_start3A_363 = tpu.memref_squeeze %dma_start3A_362 : memref<1x!tpu.dma_semaphore, #tpu.memory_space<semaphore_mem>> -> memref<!tpu.dma_semaphore, #tpu.memory_space<semaphore_mem>>
      %dma_start3A_364 = arith.constant 0 : i32
      %dma_start3A_365 = tpu.memref_slice %arg6[%add3A_358, %dma_start3A_364] : memref<160000x256xf32, #tpu.memory_space<hbm>> -> memref<40x256xf32, #tpu.memory_space<hbm>>
      tpu.enqueue_dma source(%arg19 : memref<40x256xf32, #tpu.memory_space<vmem>>) target(%dma_start3A_365 : memref<40x256xf32, #tpu.memory_space<hbm>>) target_semaphore(%dma_start3A_363 : memref<!tpu.dma_semaphore, #tpu.memory_space<semaphore_mem>>)
      %dma_start3A_366 = arith.constant 11 : i32
      %dma_start3A_367 = arith.constant 0 : i32
      %dma_start3A_368 = tpu.memref_slice %arg7[%add3A_358, %dma_start3A_367] : memref<160000x256xf32, #tpu.memory_space<hbm>> -> memref<40x256xf32, #tpu.memory_space<hbm>>
      %dma_start3A_369 = tpu.memref_slice %arg28[%dma_start3A_366] : memref<15x!tpu.dma_semaphore, #tpu.memory_space<semaphore_mem>> -> memref<1x!tpu.dma_semaphore, #tpu.memory_space<semaphore_mem>>
      %dma_start3A_370 = tpu.memref_squeeze %dma_start3A_369 : memref<1x!tpu.dma_semaphore, #tpu.memory_space<semaphore_mem>> -> memref<!tpu.dma_semaphore, #tpu.memory_space<semaphore_mem>>
      %dma_start3A_371 = arith.constant 0 : i32
      %dma_start3A_372 = tpu.memref_slice %arg7[%add3A_358, %dma_start3A_371] : memref<160000x256xf32, #tpu.memory_space<hbm>> -> memref<40x256xf32, #tpu.memory_space<hbm>>
      tpu.enqueue_dma source(%arg24 : memref<40x256xf32, #tpu.memory_space<vmem>>) target(%dma_start3A_372 : memref<40x256xf32, #tpu.memory_space<hbm>>) target_semaphore(%dma_start3A_370 : memref<!tpu.dma_semaphore, #tpu.memory_space<semaphore_mem>>)
      %dma_wait3A_373 = arith.constant 7 : i32
      %dma_wait3A_374 = arith.constant 0 : i32
      %dma_wait3A_375 = arith.constant 0 : i32
      %dma_wait3A_376 = tpu.memref_slice %arg4[%dma_wait3A_374, %dma_wait3A_375] : memref<10000x256xf32, #tpu.memory_space<hbm>> -> memref<10000x256xf32, #tpu.memory_space<hbm>>
      %dma_wait3A_377 = tpu.memref_slice %arg28[%dma_wait3A_373] : memref<15x!tpu.dma_semaphore, #tpu.memory_space<semaphore_mem>> -> memref<1x!tpu.dma_semaphore, #tpu.memory_space<semaphore_mem>>
      %dma_wait3A_378 = tpu.memref_squeeze %dma_wait3A_377 : memref<1x!tpu.dma_semaphore, #tpu.memory_space<semaphore_mem>> -> memref<!tpu.dma_semaphore, #tpu.memory_space<semaphore_mem>>
      tpu.wait_indirect_dma semaphore(%dma_wait3A_378 : memref<!tpu.dma_semaphore, #tpu.memory_space<semaphore_mem>>) src(%dma_wait3A_376 : memref<10000x256xf32, #tpu.memory_space<hbm>>) dst(%arg20 : memref<40x256xf32, #tpu.memory_space<vmem>>)
      %dma_wait3A_379 = arith.constant 7 : i32
      %dma_wait3A_380 = arith.constant 0 : i32
      %dma_wait3A_381 = arith.constant 0 : i32
      %dma_wait3A_382 = tpu.memref_slice %arg5[%dma_wait3A_380, %dma_wait3A_381] : memref<10000x256xf32, #tpu.memory_space<hbm>> -> memref<10000x256xf32, #tpu.memory_space<hbm>>
      %dma_wait3A_383 = tpu.memref_slice %arg28[%dma_wait3A_379] : memref<15x!tpu.dma_semaphore, #tpu.memory_space<semaphore_mem>> -> memref<1x!tpu.dma_semaphore, #tpu.memory_space<semaphore_mem>>
      %dma_wait3A_384 = tpu.memref_squeeze %dma_wait3A_383 : memref<1x!tpu.dma_semaphore, #tpu.memory_space<semaphore_mem>> -> memref<!tpu.dma_semaphore, #tpu.memory_space<semaphore_mem>>
      tpu.wait_indirect_dma semaphore(%dma_wait3A_384 : memref<!tpu.dma_semaphore, #tpu.memory_space<semaphore_mem>>) src(%dma_wait3A_382 : memref<10000x256xf32, #tpu.memory_space<hbm>>) dst(%arg25 : memref<40x256xf32, #tpu.memory_space<vmem>>)
      %add3A_385 = arith.constant 1 : i32
      %add3A_386 = arith.addi %scan3A_146, %add3A_385 : i32
      %lt3A_387 = arith.constant 25 : i32
      %lt3A_388 = arith.cmpi slt, %add3A_386, %lt3A_387 : i32
      %convert_element_type3A_389 = arith.extui %lt3A_388 : i1 to i32
      %cond3A_390 = arith.constant 0 : i32
      %cond3A_391 = arith.cmpi ne, %convert_element_type3A_389, %cond3A_390 : i32
      scf.if %cond3A_391 {
        %add3A_493 = arith.constant 1 : i32
        %add3A_494 = arith.addi %scan3A_146, %add3A_493 : i32
        %mul3A_495 = arith.constant 5 : i32
        %mul3A_496 = arith.muli %add3A_494, %mul3A_495 : i32
        %add3A_497 = arith.constant 2 : i32
        %add3A_498 = arith.addi %mul3A_496, %add3A_497 : i32
        %mul3A_499 = arith.constant 40 : i32
        %mul3A_500 = arith.muli %add3A_498, %mul3A_499 : i32
        %add3A_501 = arith.addi %mul3A_2, %mul3A_500 : i32
        %dma_start3A_502 = arith.constant 2 : i32
        %dma_start3A_503 = tpu.memref_slice %arg2[%add3A_501] : memref<160000xi32, #tpu.memory_space<hbm>> -> memref<40xi32, #tpu.memory_space<hbm>>
        %dma_start3A_504 = tpu.memref_slice %arg28[%dma_start3A_502] : memref<15x!tpu.dma_semaphore, #tpu.memory_space<semaphore_mem>> -> memref<1x!tpu.dma_semaphore, #tpu.memory_space<semaphore_mem>>
        %dma_start3A_505 = tpu.memref_squeeze %dma_start3A_504 : memref<1x!tpu.dma_semaphore, #tpu.memory_space<semaphore_mem>> -> memref<!tpu.dma_semaphore, #tpu.memory_space<semaphore_mem>>
        %dma_start3A_506 = tpu.memref_slice %arg2[%add3A_501] : memref<160000xi32, #tpu.memory_space<hbm>> -> memref<40xi32, #tpu.memory_space<hbm>>
        tpu.enqueue_dma source(%dma_start3A_506 : memref<40xi32, #tpu.memory_space<hbm>>) target(%arg10 : memref<40xi32, #tpu.memory_space<vmem>>) target_semaphore(%dma_start3A_505 : memref<!tpu.dma_semaphore, #tpu.memory_space<semaphore_mem>>)
        %dma_start3A_507 = arith.constant 2 : i32
        %dma_start3A_508 = tpu.memref_slice %arg3[%add3A_501] : memref<160000xi32, #tpu.memory_space<hbm>> -> memref<40xi32, #tpu.memory_space<hbm>>
        %dma_start3A_509 = tpu.memref_slice %arg28[%dma_start3A_507] : memref<15x!tpu.dma_semaphore, #tpu.memory_space<semaphore_mem>> -> memref<1x!tpu.dma_semaphore, #tpu.memory_space<semaphore_mem>>
        %dma_start3A_510 = tpu.memref_squeeze %dma_start3A_509 : memref<1x!tpu.dma_semaphore, #tpu.memory_space<semaphore_mem>> -> memref<!tpu.dma_semaphore, #tpu.memory_space<semaphore_mem>>
        %dma_start3A_511 = tpu.memref_slice %arg3[%add3A_501] : memref<160000xi32, #tpu.memory_space<hbm>> -> memref<40xi32, #tpu.memory_space<hbm>>
        tpu.enqueue_dma source(%dma_start3A_511 : memref<40xi32, #tpu.memory_space<hbm>>) target(%arg15 : memref<40xi32, #tpu.memory_space<vmem>>) target_semaphore(%dma_start3A_510 : memref<!tpu.dma_semaphore, #tpu.memory_space<semaphore_mem>>)
      } else {
      }
      %mul3A_392 = arith.constant 5 : i32
      %mul3A_393 = arith.muli %scan3A_146, %mul3A_392 : i32
      %add3A_394 = arith.constant 2 : i32
      %add3A_395 = arith.addi %mul3A_393, %add3A_394 : i32
      %mul3A_396 = arith.constant 40 : i32
      %mul3A_397 = arith.muli %add3A_395, %mul3A_396 : i32
      %add3A_398 = arith.addi %mul3A_2, %mul3A_397 : i32
      %dma_start3A_399 = arith.constant 12 : i32
      %dma_start3A_400 = arith.constant 0 : i32
      %dma_start3A_401 = tpu.memref_slice %arg6[%add3A_398, %dma_start3A_400] : memref<160000x256xf32, #tpu.memory_space<hbm>> -> memref<40x256xf32, #tpu.memory_space<hbm>>
      %dma_start3A_402 = tpu.memref_slice %arg28[%dma_start3A_399] : memref<15x!tpu.dma_semaphore, #tpu.memory_space<semaphore_mem>> -> memref<1x!tpu.dma_semaphore, #tpu.memory_space<semaphore_mem>>
      %dma_start3A_403 = tpu.memref_squeeze %dma_start3A_402 : memref<1x!tpu.dma_semaphore, #tpu.memory_space<semaphore_mem>> -> memref<!tpu.dma_semaphore, #tpu.memory_space<semaphore_mem>>
      %dma_start3A_404 = arith.constant 0 : i32
      %dma_start3A_405 = tpu.memref_slice %arg6[%add3A_398, %dma_start3A_404] : memref<160000x256xf32, #tpu.memory_space<hbm>> -> memref<40x256xf32, #tpu.memory_space<hbm>>
      tpu.enqueue_dma source(%arg20 : memref<40x256xf32, #tpu.memory_space<vmem>>) target(%dma_start3A_405 : memref<40x256xf32, #tpu.memory_space<hbm>>) target_semaphore(%dma_start3A_403 : memref<!tpu.dma_semaphore, #tpu.memory_space<semaphore_mem>>)
      %dma_start3A_406 = arith.constant 12 : i32
      %dma_start3A_407 = arith.constant 0 : i32
      %dma_start3A_408 = tpu.memref_slice %arg7[%add3A_398, %dma_start3A_407] : memref<160000x256xf32, #tpu.memory_space<hbm>> -> memref<40x256xf32, #tpu.memory_space<hbm>>
      %dma_start3A_409 = tpu.memref_slice %arg28[%dma_start3A_406] : memref<15x!tpu.dma_semaphore, #tpu.memory_space<semaphore_mem>> -> memref<1x!tpu.dma_semaphore, #tpu.memory_space<semaphore_mem>>
      %dma_start3A_410 = tpu.memref_squeeze %dma_start3A_409 : memref<1x!tpu.dma_semaphore, #tpu.memory_space<semaphore_mem>> -> memref<!tpu.dma_semaphore, #tpu.memory_space<semaphore_mem>>
      %dma_start3A_411 = arith.constant 0 : i32
      %dma_start3A_412 = tpu.memref_slice %arg7[%add3A_398, %dma_start3A_411] : memref<160000x256xf32, #tpu.memory_space<hbm>> -> memref<40x256xf32, #tpu.memory_space<hbm>>
      tpu.enqueue_dma source(%arg25 : memref<40x256xf32, #tpu.memory_space<vmem>>) target(%dma_start3A_412 : memref<40x256xf32, #tpu.memory_space<hbm>>) target_semaphore(%dma_start3A_410 : memref<!tpu.dma_semaphore, #tpu.memory_space<semaphore_mem>>)
      %dma_wait3A_413 = arith.constant 8 : i32
      %dma_wait3A_414 = arith.constant 0 : i32
      %dma_wait3A_415 = arith.constant 0 : i32
      %dma_wait3A_416 = tpu.memref_slice %arg4[%dma_wait3A_414, %dma_wait3A_415] : memref<10000x256xf32, #tpu.memory_space<hbm>> -> memref<10000x256xf32, #tpu.memory_space<hbm>>
      %dma_wait3A_417 = tpu.memref_slice %arg28[%dma_wait3A_413] : memref<15x!tpu.dma_semaphore, #tpu.memory_space<semaphore_mem>> -> memref<1x!tpu.dma_semaphore, #tpu.memory_space<semaphore_mem>>
      %dma_wait3A_418 = tpu.memref_squeeze %dma_wait3A_417 : memref<1x!tpu.dma_semaphore, #tpu.memory_space<semaphore_mem>> -> memref<!tpu.dma_semaphore, #tpu.memory_space<semaphore_mem>>
      tpu.wait_indirect_dma semaphore(%dma_wait3A_418 : memref<!tpu.dma_semaphore, #tpu.memory_space<semaphore_mem>>) src(%dma_wait3A_416 : memref<10000x256xf32, #tpu.memory_space<hbm>>) dst(%arg21 : memref<40x256xf32, #tpu.memory_space<vmem>>)
      %dma_wait3A_419 = arith.constant 8 : i32
      %dma_wait3A_420 = arith.constant 0 : i32
      %dma_wait3A_421 = arith.constant 0 : i32
      %dma_wait3A_422 = tpu.memref_slice %arg5[%dma_wait3A_420, %dma_wait3A_421] : memref<10000x256xf32, #tpu.memory_space<hbm>> -> memref<10000x256xf32, #tpu.memory_space<hbm>>
      %dma_wait3A_423 = tpu.memref_slice %arg28[%dma_wait3A_419] : memref<15x!tpu.dma_semaphore, #tpu.memory_space<semaphore_mem>> -> memref<1x!tpu.dma_semaphore, #tpu.memory_space<semaphore_mem>>
      %dma_wait3A_424 = tpu.memref_squeeze %dma_wait3A_423 : memref<1x!tpu.dma_semaphore, #tpu.memory_space<semaphore_mem>> -> memref<!tpu.dma_semaphore, #tpu.memory_space<semaphore_mem>>
      tpu.wait_indirect_dma semaphore(%dma_wait3A_424 : memref<!tpu.dma_semaphore, #tpu.memory_space<semaphore_mem>>) src(%dma_wait3A_422 : memref<10000x256xf32, #tpu.memory_space<hbm>>) dst(%arg26 : memref<40x256xf32, #tpu.memory_space<vmem>>)
      %add3A_425 = arith.constant 1 : i32
      %add3A_426 = arith.addi %scan3A_146, %add3A_425 : i32
      %lt3A_427 = arith.constant 25 : i32
      %lt3A_428 = arith.cmpi slt, %add3A_426, %lt3A_427 : i32
      %convert_element_type3A_429 = arith.extui %lt3A_428 : i1 to i32
      %cond3A_430 = arith.constant 0 : i32
      %cond3A_431 = arith.cmpi ne, %convert_element_type3A_429, %cond3A_430 : i32
      scf.if %cond3A_431 {
        %add3A_493 = arith.constant 1 : i32
        %add3A_494 = arith.addi %scan3A_146, %add3A_493 : i32
        %mul3A_495 = arith.constant 5 : i32
        %mul3A_496 = arith.muli %add3A_494, %mul3A_495 : i32
        %add3A_497 = arith.constant 3 : i32
        %add3A_498 = arith.addi %mul3A_496, %add3A_497 : i32
        %mul3A_499 = arith.constant 40 : i32
        %mul3A_500 = arith.muli %add3A_498, %mul3A_499 : i32
        %add3A_501 = arith.addi %mul3A_2, %mul3A_500 : i32
        %dma_start3A_502 = arith.constant 3 : i32
        %dma_start3A_503 = tpu.memref_slice %arg2[%add3A_501] : memref<160000xi32, #tpu.memory_space<hbm>> -> memref<40xi32, #tpu.memory_space<hbm>>
        %dma_start3A_504 = tpu.memref_slice %arg28[%dma_start3A_502] : memref<15x!tpu.dma_semaphore, #tpu.memory_space<semaphore_mem>> -> memref<1x!tpu.dma_semaphore, #tpu.memory_space<semaphore_mem>>
        %dma_start3A_505 = tpu.memref_squeeze %dma_start3A_504 : memref<1x!tpu.dma_semaphore, #tpu.memory_space<semaphore_mem>> -> memref<!tpu.dma_semaphore, #tpu.memory_space<semaphore_mem>>
        %dma_start3A_506 = tpu.memref_slice %arg2[%add3A_501] : memref<160000xi32, #tpu.memory_space<hbm>> -> memref<40xi32, #tpu.memory_space<hbm>>
        tpu.enqueue_dma source(%dma_start3A_506 : memref<40xi32, #tpu.memory_space<hbm>>) target(%arg11 : memref<40xi32, #tpu.memory_space<vmem>>) target_semaphore(%dma_start3A_505 : memref<!tpu.dma_semaphore, #tpu.memory_space<semaphore_mem>>)
        %dma_start3A_507 = arith.constant 3 : i32
        %dma_start3A_508 = tpu.memref_slice %arg3[%add3A_501] : memref<160000xi32, #tpu.memory_space<hbm>> -> memref<40xi32, #tpu.memory_space<hbm>>
        %dma_start3A_509 = tpu.memref_slice %arg28[%dma_start3A_507] : memref<15x!tpu.dma_semaphore, #tpu.memory_space<semaphore_mem>> -> memref<1x!tpu.dma_semaphore, #tpu.memory_space<semaphore_mem>>
        %dma_start3A_510 = tpu.memref_squeeze %dma_start3A_509 : memref<1x!tpu.dma_semaphore, #tpu.memory_space<semaphore_mem>> -> memref<!tpu.dma_semaphore, #tpu.memory_space<semaphore_mem>>
        %dma_start3A_511 = tpu.memref_slice %arg3[%add3A_501] : memref<160000xi32, #tpu.memory_space<hbm>> -> memref<40xi32, #tpu.memory_space<hbm>>
        tpu.enqueue_dma source(%dma_start3A_511 : memref<40xi32, #tpu.memory_space<hbm>>) target(%arg16 : memref<40xi32, #tpu.memory_space<vmem>>) target_semaphore(%dma_start3A_510 : memref<!tpu.dma_semaphore, #tpu.memory_space<semaphore_mem>>)
      } else {
      }
      %mul3A_432 = arith.constant 5 : i32
      %mul3A_433 = arith.muli %scan3A_146, %mul3A_432 : i32
      %add3A_434 = arith.constant 3 : i32
      %add3A_435 = arith.addi %mul3A_433, %add3A_434 : i32
      %mul3A_436 = arith.constant 40 : i32
      %mul3A_437 = arith.muli %add3A_435, %mul3A_436 : i32
      %add3A_438 = arith.addi %mul3A_2, %mul3A_437 : i32
      %dma_start3A_439 = arith.constant 13 : i32
      %dma_start3A_440 = arith.constant 0 : i32
      %dma_start3A_441 = tpu.memref_slice %arg6[%add3A_438, %dma_start3A_440] : memref<160000x256xf32, #tpu.memory_space<hbm>> -> memref<40x256xf32, #tpu.memory_space<hbm>>
      %dma_start3A_442 = tpu.memref_slice %arg28[%dma_start3A_439] : memref<15x!tpu.dma_semaphore, #tpu.memory_space<semaphore_mem>> -> memref<1x!tpu.dma_semaphore, #tpu.memory_space<semaphore_mem>>
      %dma_start3A_443 = tpu.memref_squeeze %dma_start3A_442 : memref<1x!tpu.dma_semaphore, #tpu.memory_space<semaphore_mem>> -> memref<!tpu.dma_semaphore, #tpu.memory_space<semaphore_mem>>
      %dma_start3A_444 = arith.constant 0 : i32
      %dma_start3A_445 = tpu.memref_slice %arg6[%add3A_438, %dma_start3A_444] : memref<160000x256xf32, #tpu.memory_space<hbm>> -> memref<40x256xf32, #tpu.memory_space<hbm>>
      tpu.enqueue_dma source(%arg21 : memref<40x256xf32, #tpu.memory_space<vmem>>) target(%dma_start3A_445 : memref<40x256xf32, #tpu.memory_space<hbm>>) target_semaphore(%dma_start3A_443 : memref<!tpu.dma_semaphore, #tpu.memory_space<semaphore_mem>>)
      %dma_start3A_446 = arith.constant 13 : i32
      %dma_start3A_447 = arith.constant 0 : i32
      %dma_start3A_448 = tpu.memref_slice %arg7[%add3A_438, %dma_start3A_447] : memref<160000x256xf32, #tpu.memory_space<hbm>> -> memref<40x256xf32, #tpu.memory_space<hbm>>
      %dma_start3A_449 = tpu.memref_slice %arg28[%dma_start3A_446] : memref<15x!tpu.dma_semaphore, #tpu.memory_space<semaphore_mem>> -> memref<1x!tpu.dma_semaphore, #tpu.memory_space<semaphore_mem>>
      %dma_start3A_450 = tpu.memref_squeeze %dma_start3A_449 : memref<1x!tpu.dma_semaphore, #tpu.memory_space<semaphore_mem>> -> memref<!tpu.dma_semaphore, #tpu.memory_space<semaphore_mem>>
      %dma_start3A_451 = arith.constant 0 : i32
      %dma_start3A_452 = tpu.memref_slice %arg7[%add3A_438, %dma_start3A_451] : memref<160000x256xf32, #tpu.memory_space<hbm>> -> memref<40x256xf32, #tpu.memory_space<hbm>>
      tpu.enqueue_dma source(%arg26 : memref<40x256xf32, #tpu.memory_space<vmem>>) target(%dma_start3A_452 : memref<40x256xf32, #tpu.memory_space<hbm>>) target_semaphore(%dma_start3A_450 : memref<!tpu.dma_semaphore, #tpu.memory_space<semaphore_mem>>)
      %dma_wait3A_453 = arith.constant 9 : i32
      %dma_wait3A_454 = arith.constant 0 : i32
      %dma_wait3A_455 = arith.constant 0 : i32
      %dma_wait3A_456 = tpu.memref_slice %arg4[%dma_wait3A_454, %dma_wait3A_455] : memref<10000x256xf32, #tpu.memory_space<hbm>> -> memref<10000x256xf32, #tpu.memory_space<hbm>>
      %dma_wait3A_457 = tpu.memref_slice %arg28[%dma_wait3A_453] : memref<15x!tpu.dma_semaphore, #tpu.memory_space<semaphore_mem>> -> memref<1x!tpu.dma_semaphore, #tpu.memory_space<semaphore_mem>>
      %dma_wait3A_458 = tpu.memref_squeeze %dma_wait3A_457 : memref<1x!tpu.dma_semaphore, #tpu.memory_space<semaphore_mem>> -> memref<!tpu.dma_semaphore, #tpu.memory_space<semaphore_mem>>
      tpu.wait_indirect_dma semaphore(%dma_wait3A_458 : memref<!tpu.dma_semaphore, #tpu.memory_space<semaphore_mem>>) src(%dma_wait3A_456 : memref<10000x256xf32, #tpu.memory_space<hbm>>) dst(%arg22 : memref<40x256xf32, #tpu.memory_space<vmem>>)
      %dma_wait3A_459 = arith.constant 9 : i32
      %dma_wait3A_460 = arith.constant 0 : i32
      %dma_wait3A_461 = arith.constant 0 : i32
      %dma_wait3A_462 = tpu.memref_slice %arg5[%dma_wait3A_460, %dma_wait3A_461] : memref<10000x256xf32, #tpu.memory_space<hbm>> -> memref<10000x256xf32, #tpu.memory_space<hbm>>
      %dma_wait3A_463 = tpu.memref_slice %arg28[%dma_wait3A_459] : memref<15x!tpu.dma_semaphore, #tpu.memory_space<semaphore_mem>> -> memref<1x!tpu.dma_semaphore, #tpu.memory_space<semaphore_mem>>
      %dma_wait3A_464 = tpu.memref_squeeze %dma_wait3A_463 : memref<1x!tpu.dma_semaphore, #tpu.memory_space<semaphore_mem>> -> memref<!tpu.dma_semaphore, #tpu.memory_space<semaphore_mem>>
      tpu.wait_indirect_dma semaphore(%dma_wait3A_464 : memref<!tpu.dma_semaphore, #tpu.memory_space<semaphore_mem>>) src(%dma_wait3A_462 : memref<10000x256xf32, #tpu.memory_space<hbm>>) dst(%arg27 : memref<40x256xf32, #tpu.memory_space<vmem>>)
      %add3A_465 = arith.constant 1 : i32
      %add3A_466 = arith.addi %scan3A_146, %add3A_465 : i32
      %lt3A_467 = arith.constant 25 : i32
      %lt3A_468 = arith.cmpi slt, %add3A_466, %lt3A_467 : i32
      %convert_element_type3A_469 = arith.extui %lt3A_468 : i1 to i32
      %cond3A_470 = arith.constant 0 : i32
      %cond3A_471 = arith.cmpi ne, %convert_element_type3A_469, %cond3A_470 : i32
      scf.if %cond3A_471 {
        %add3A_493 = arith.constant 1 : i32
        %add3A_494 = arith.addi %scan3A_146, %add3A_493 : i32
        %mul3A_495 = arith.constant 5 : i32
        %mul3A_496 = arith.muli %add3A_494, %mul3A_495 : i32
        %add3A_497 = arith.constant 4 : i32
        %add3A_498 = arith.addi %mul3A_496, %add3A_497 : i32
        %mul3A_499 = arith.constant 40 : i32
        %mul3A_500 = arith.muli %add3A_498, %mul3A_499 : i32
        %add3A_501 = arith.addi %mul3A_2, %mul3A_500 : i32
        %dma_start3A_502 = arith.constant 4 : i32
        %dma_start3A_503 = tpu.memref_slice %arg2[%add3A_501] : memref<160000xi32, #tpu.memory_space<hbm>> -> memref<40xi32, #tpu.memory_space<hbm>>
        %dma_start3A_504 = tpu.memref_slice %arg28[%dma_start3A_502] : memref<15x!tpu.dma_semaphore, #tpu.memory_space<semaphore_mem>> -> memref<1x!tpu.dma_semaphore, #tpu.memory_space<semaphore_mem>>
        %dma_start3A_505 = tpu.memref_squeeze %dma_start3A_504 : memref<1x!tpu.dma_semaphore, #tpu.memory_space<semaphore_mem>> -> memref<!tpu.dma_semaphore, #tpu.memory_space<semaphore_mem>>
        %dma_start3A_506 = tpu.memref_slice %arg2[%add3A_501] : memref<160000xi32, #tpu.memory_space<hbm>> -> memref<40xi32, #tpu.memory_space<hbm>>
        tpu.enqueue_dma source(%dma_start3A_506 : memref<40xi32, #tpu.memory_space<hbm>>) target(%arg12 : memref<40xi32, #tpu.memory_space<vmem>>) target_semaphore(%dma_start3A_505 : memref<!tpu.dma_semaphore, #tpu.memory_space<semaphore_mem>>)
        %dma_start3A_507 = arith.constant 4 : i32
        %dma_start3A_508 = tpu.memref_slice %arg3[%add3A_501] : memref<160000xi32, #tpu.memory_space<hbm>> -> memref<40xi32, #tpu.memory_space<hbm>>
        %dma_start3A_509 = tpu.memref_slice %arg28[%dma_start3A_507] : memref<15x!tpu.dma_semaphore, #tpu.memory_space<semaphore_mem>> -> memref<1x!tpu.dma_semaphore, #tpu.memory_space<semaphore_mem>>
        %dma_start3A_510 = tpu.memref_squeeze %dma_start3A_509 : memref<1x!tpu.dma_semaphore, #tpu.memory_space<semaphore_mem>> -> memref<!tpu.dma_semaphore, #tpu.memory_space<semaphore_mem>>
        %dma_start3A_511 = tpu.memref_slice %arg3[%add3A_501] : memref<160000xi32, #tpu.memory_space<hbm>> -> memref<40xi32, #tpu.memory_space<hbm>>
        tpu.enqueue_dma source(%dma_start3A_511 : memref<40xi32, #tpu.memory_space<hbm>>) target(%arg17 : memref<40xi32, #tpu.memory_space<vmem>>) target_semaphore(%dma_start3A_510 : memref<!tpu.dma_semaphore, #tpu.memory_space<semaphore_mem>>)
      } else {
      }
      %mul3A_472 = arith.constant 5 : i32
      %mul3A_473 = arith.muli %scan3A_146, %mul3A_472 : i32
      %add3A_474 = arith.constant 4 : i32
      %add3A_475 = arith.addi %mul3A_473, %add3A_474 : i32
      %mul3A_476 = arith.constant 40 : i32
      %mul3A_477 = arith.muli %add3A_475, %mul3A_476 : i32
      %add3A_478 = arith.addi %mul3A_2, %mul3A_477 : i32
      %dma_start3A_479 = arith.constant 14 : i32
      %dma_start3A_480 = arith.constant 0 : i32
      %dma_start3A_481 = tpu.memref_slice %arg6[%add3A_478, %dma_start3A_480] : memref<160000x256xf32, #tpu.memory_space<hbm>> -> memref<40x256xf32, #tpu.memory_space<hbm>>
      %dma_start3A_482 = tpu.memref_slice %arg28[%dma_start3A_479] : memref<15x!tpu.dma_semaphore, #tpu.memory_space<semaphore_mem>> -> memref<1x!tpu.dma_semaphore, #tpu.memory_space<semaphore_mem>>
      %dma_start3A_483 = tpu.memref_squeeze %dma_start3A_482 : memref<1x!tpu.dma_semaphore, #tpu.memory_space<semaphore_mem>> -> memref<!tpu.dma_semaphore, #tpu.memory_space<semaphore_mem>>
      %dma_start3A_484 = arith.constant 0 : i32
      %dma_start3A_485 = tpu.memref_slice %arg6[%add3A_478, %dma_start3A_484] : memref<160000x256xf32, #tpu.memory_space<hbm>> -> memref<40x256xf32, #tpu.memory_space<hbm>>
      tpu.enqueue_dma source(%arg22 : memref<40x256xf32, #tpu.memory_space<vmem>>) target(%dma_start3A_485 : memref<40x256xf32, #tpu.memory_space<hbm>>) target_semaphore(%dma_start3A_483 : memref<!tpu.dma_semaphore, #tpu.memory_space<semaphore_mem>>)
      %dma_start3A_486 = arith.constant 14 : i32
      %dma_start3A_487 = arith.constant 0 : i32
      %dma_start3A_488 = tpu.memref_slice %arg7[%add3A_478, %dma_start3A_487] : memref<160000x256xf32, #tpu.memory_space<hbm>> -> memref<40x256xf32, #tpu.memory_space<hbm>>
      %dma_start3A_489 = tpu.memref_slice %arg28[%dma_start3A_486] : memref<15x!tpu.dma_semaphore, #tpu.memory_space<semaphore_mem>> -> memref<1x!tpu.dma_semaphore, #tpu.memory_space<semaphore_mem>>
      %dma_start3A_490 = tpu.memref_squeeze %dma_start3A_489 : memref<1x!tpu.dma_semaphore, #tpu.memory_space<semaphore_mem>> -> memref<!tpu.dma_semaphore, #tpu.memory_space<semaphore_mem>>
      %dma_start3A_491 = arith.constant 0 : i32
      %dma_start3A_492 = tpu.memref_slice %arg7[%add3A_478, %dma_start3A_491] : memref<160000x256xf32, #tpu.memory_space<hbm>> -> memref<40x256xf32, #tpu.memory_space<hbm>>
      tpu.enqueue_dma source(%arg27 : memref<40x256xf32, #tpu.memory_space<vmem>>) target(%dma_start3A_492 : memref<40x256xf32, #tpu.memory_space<hbm>>) target_semaphore(%dma_start3A_490 : memref<!tpu.dma_semaphore, #tpu.memory_space<semaphore_mem>>)
    }
    %scan3A_66 = arith.constant 25 : i32
    %add3A_67 = arith.constant 4800 : i32
    %add3A_68 = arith.addi %mul3A_2, %add3A_67 : i32
    %dma_wait3A = arith.constant 10 : i32
    %dma_wait3A_69 = arith.constant 0 : i32
    %dma_wait3A_70 = tpu.memref_slice %arg6[%add3A_68, %dma_wait3A_69] : memref<160000x256xf32, #tpu.memory_space<hbm>> -> memref<40x256xf32, #tpu.memory_space<hbm>>
    %dma_wait3A_71 = tpu.memref_slice %arg28[%dma_wait3A] : memref<15x!tpu.dma_semaphore, #tpu.memory_space<semaphore_mem>> -> memref<1x!tpu.dma_semaphore, #tpu.memory_space<semaphore_mem>>
    %dma_wait3A_72 = tpu.memref_squeeze %dma_wait3A_71 : memref<1x!tpu.dma_semaphore, #tpu.memory_space<semaphore_mem>> -> memref<!tpu.dma_semaphore, #tpu.memory_space<semaphore_mem>>
    %dma_wait3A_73 = arith.constant 0 : i32
    %dma_wait3A_74 = tpu.memref_slice %arg6[%add3A_68, %dma_wait3A_73] : memref<160000x256xf32, #tpu.memory_space<hbm>> -> memref<40x256xf32, #tpu.memory_space<hbm>>
    tpu.wait_dma2 semaphore(%dma_wait3A_72 : memref<!tpu.dma_semaphore, #tpu.memory_space<semaphore_mem>>) src(%arg18 : memref<40x256xf32, #tpu.memory_space<vmem>>) dst(%dma_wait3A_74 : memref<40x256xf32, #tpu.memory_space<hbm>>)
    %dma_wait3A_75 = arith.constant 10 : i32
    %dma_wait3A_76 = arith.constant 0 : i32
    %dma_wait3A_77 = tpu.memref_slice %arg7[%add3A_68, %dma_wait3A_76] : memref<160000x256xf32, #tpu.memory_space<hbm>> -> memref<40x256xf32, #tpu.memory_space<hbm>>
    %dma_wait3A_78 = tpu.memref_slice %arg28[%dma_wait3A_75] : memref<15x!tpu.dma_semaphore, #tpu.memory_space<semaphore_mem>> -> memref<1x!tpu.dma_semaphore, #tpu.memory_space<semaphore_mem>>
    %dma_wait3A_79 = tpu.memref_squeeze %dma_wait3A_78 : memref<1x!tpu.dma_semaphore, #tpu.memory_space<semaphore_mem>> -> memref<!tpu.dma_semaphore, #tpu.memory_space<semaphore_mem>>
    %dma_wait3A_80 = arith.constant 0 : i32
    %dma_wait3A_81 = tpu.memref_slice %arg7[%add3A_68, %dma_wait3A_80] : memref<160000x256xf32, #tpu.memory_space<hbm>> -> memref<40x256xf32, #tpu.memory_space<hbm>>
    tpu.wait_dma2 semaphore(%dma_wait3A_79 : memref<!tpu.dma_semaphore, #tpu.memory_space<semaphore_mem>>) src(%arg23 : memref<40x256xf32, #tpu.memory_space<vmem>>) dst(%dma_wait3A_81 : memref<40x256xf32, #tpu.memory_space<hbm>>)
    %add3A_82 = arith.constant 4840 : i32
    %add3A_83 = arith.addi %mul3A_2, %add3A_82 : i32
    %dma_wait3A_84 = arith.constant 11 : i32
    %dma_wait3A_85 = arith.constant 0 : i32
    %dma_wait3A_86 = tpu.memref_slice %arg6[%add3A_83, %dma_wait3A_85] : memref<160000x256xf32, #tpu.memory_space<hbm>> -> memref<40x256xf32, #tpu.memory_space<hbm>>
    %dma_wait3A_87 = tpu.memref_slice %arg28[%dma_wait3A_84] : memref<15x!tpu.dma_semaphore, #tpu.memory_space<semaphore_mem>> -> memref<1x!tpu.dma_semaphore, #tpu.memory_space<semaphore_mem>>
    %dma_wait3A_88 = tpu.memref_squeeze %dma_wait3A_87 : memref<1x!tpu.dma_semaphore, #tpu.memory_space<semaphore_mem>> -> memref<!tpu.dma_semaphore, #tpu.memory_space<semaphore_mem>>
    %dma_wait3A_89 = arith.constant 0 : i32
    %dma_wait3A_90 = tpu.memref_slice %arg6[%add3A_83, %dma_wait3A_89] : memref<160000x256xf32, #tpu.memory_space<hbm>> -> memref<40x256xf32, #tpu.memory_space<hbm>>
    tpu.wait_dma2 semaphore(%dma_wait3A_88 : memref<!tpu.dma_semaphore, #tpu.memory_space<semaphore_mem>>) src(%arg19 : memref<40x256xf32, #tpu.memory_space<vmem>>) dst(%dma_wait3A_90 : memref<40x256xf32, #tpu.memory_space<hbm>>)
    %dma_wait3A_91 = arith.constant 11 : i32
    %dma_wait3A_92 = arith.constant 0 : i32
    %dma_wait3A_93 = tpu.memref_slice %arg7[%add3A_83, %dma_wait3A_92] : memref<160000x256xf32, #tpu.memory_space<hbm>> -> memref<40x256xf32, #tpu.memory_space<hbm>>
    %dma_wait3A_94 = tpu.memref_slice %arg28[%dma_wait3A_91] : memref<15x!tpu.dma_semaphore, #tpu.memory_space<semaphore_mem>> -> memref<1x!tpu.dma_semaphore, #tpu.memory_space<semaphore_mem>>
    %dma_wait3A_95 = tpu.memref_squeeze %dma_wait3A_94 : memref<1x!tpu.dma_semaphore, #tpu.memory_space<semaphore_mem>> -> memref<!tpu.dma_semaphore, #tpu.memory_space<semaphore_mem>>
    %dma_wait3A_96 = arith.constant 0 : i32
    %dma_wait3A_97 = tpu.memref_slice %arg7[%add3A_83, %dma_wait3A_96] : memref<160000x256xf32, #tpu.memory_space<hbm>> -> memref<40x256xf32, #tpu.memory_space<hbm>>
    tpu.wait_dma2 semaphore(%dma_wait3A_95 : memref<!tpu.dma_semaphore, #tpu.memory_space<semaphore_mem>>) src(%arg24 : memref<40x256xf32, #tpu.memory_space<vmem>>) dst(%dma_wait3A_97 : memref<40x256xf32, #tpu.memory_space<hbm>>)
    %add3A_98 = arith.constant 4880 : i32
    %add3A_99 = arith.addi %mul3A_2, %add3A_98 : i32
    %dma_wait3A_100 = arith.constant 12 : i32
    %dma_wait3A_101 = arith.constant 0 : i32
    %dma_wait3A_102 = tpu.memref_slice %arg6[%add3A_99, %dma_wait3A_101] : memref<160000x256xf32, #tpu.memory_space<hbm>> -> memref<40x256xf32, #tpu.memory_space<hbm>>
    %dma_wait3A_103 = tpu.memref_slice %arg28[%dma_wait3A_100] : memref<15x!tpu.dma_semaphore, #tpu.memory_space<semaphore_mem>> -> memref<1x!tpu.dma_semaphore, #tpu.memory_space<semaphore_mem>>
    %dma_wait3A_104 = tpu.memref_squeeze %dma_wait3A_103 : memref<1x!tpu.dma_semaphore, #tpu.memory_space<semaphore_mem>> -> memref<!tpu.dma_semaphore, #tpu.memory_space<semaphore_mem>>
    %dma_wait3A_105 = arith.constant 0 : i32
    %dma_wait3A_106 = tpu.memref_slice %arg6[%add3A_99, %dma_wait3A_105] : memref<160000x256xf32, #tpu.memory_space<hbm>> -> memref<40x256xf32, #tpu.memory_space<hbm>>
    tpu.wait_dma2 semaphore(%dma_wait3A_104 : memref<!tpu.dma_semaphore, #tpu.memory_space<semaphore_mem>>) src(%arg20 : memref<40x256xf32, #tpu.memory_space<vmem>>) dst(%dma_wait3A_106 : memref<40x256xf32, #tpu.memory_space<hbm>>)
    %dma_wait3A_107 = arith.constant 12 : i32
    %dma_wait3A_108 = arith.constant 0 : i32
    %dma_wait3A_109 = tpu.memref_slice %arg7[%add3A_99, %dma_wait3A_108] : memref<160000x256xf32, #tpu.memory_space<hbm>> -> memref<40x256xf32, #tpu.memory_space<hbm>>
    %dma_wait3A_110 = tpu.memref_slice %arg28[%dma_wait3A_107] : memref<15x!tpu.dma_semaphore, #tpu.memory_space<semaphore_mem>> -> memref<1x!tpu.dma_semaphore, #tpu.memory_space<semaphore_mem>>
    %dma_wait3A_111 = tpu.memref_squeeze %dma_wait3A_110 : memref<1x!tpu.dma_semaphore, #tpu.memory_space<semaphore_mem>> -> memref<!tpu.dma_semaphore, #tpu.memory_space<semaphore_mem>>
    %dma_wait3A_112 = arith.constant 0 : i32
    %dma_wait3A_113 = tpu.memref_slice %arg7[%add3A_99, %dma_wait3A_112] : memref<160000x256xf32, #tpu.memory_space<hbm>> -> memref<40x256xf32, #tpu.memory_space<hbm>>
    tpu.wait_dma2 semaphore(%dma_wait3A_111 : memref<!tpu.dma_semaphore, #tpu.memory_space<semaphore_mem>>) src(%arg25 : memref<40x256xf32, #tpu.memory_space<vmem>>) dst(%dma_wait3A_113 : memref<40x256xf32, #tpu.memory_space<hbm>>)
    %add3A_114 = arith.constant 4920 : i32
    %add3A_115 = arith.addi %mul3A_2, %add3A_114 : i32
    %dma_wait3A_116 = arith.constant 13 : i32
    %dma_wait3A_117 = arith.constant 0 : i32
    %dma_wait3A_118 = tpu.memref_slice %arg6[%add3A_115, %dma_wait3A_117] : memref<160000x256xf32, #tpu.memory_space<hbm>> -> memref<40x256xf32, #tpu.memory_space<hbm>>
    %dma_wait3A_119 = tpu.memref_slice %arg28[%dma_wait3A_116] : memref<15x!tpu.dma_semaphore, #tpu.memory_space<semaphore_mem>> -> memref<1x!tpu.dma_semaphore, #tpu.memory_space<semaphore_mem>>
    %dma_wait3A_120 = tpu.memref_squeeze %dma_wait3A_119 : memref<1x!tpu.dma_semaphore, #tpu.memory_space<semaphore_mem>> -> memref<!tpu.dma_semaphore, #tpu.memory_space<semaphore_mem>>
    %dma_wait3A_121 = arith.constant 0 : i32
    %dma_wait3A_122 = tpu.memref_slice %arg6[%add3A_115, %dma_wait3A_121] : memref<160000x256xf32, #tpu.memory_space<hbm>> -> memref<40x256xf32, #tpu.memory_space<hbm>>
    tpu.wait_dma2 semaphore(%dma_wait3A_120 : memref<!tpu.dma_semaphore, #tpu.memory_space<semaphore_mem>>) src(%arg21 : memref<40x256xf32, #tpu.memory_space<vmem>>) dst(%dma_wait3A_122 : memref<40x256xf32, #tpu.memory_space<hbm>>)
    %dma_wait3A_123 = arith.constant 13 : i32
    %dma_wait3A_124 = arith.constant 0 : i32
    %dma_wait3A_125 = tpu.memref_slice %arg7[%add3A_115, %dma_wait3A_124] : memref<160000x256xf32, #tpu.memory_space<hbm>> -> memref<40x256xf32, #tpu.memory_space<hbm>>
    %dma_wait3A_126 = tpu.memref_slice %arg28[%dma_wait3A_123] : memref<15x!tpu.dma_semaphore, #tpu.memory_space<semaphore_mem>> -> memref<1x!tpu.dma_semaphore, #tpu.memory_space<semaphore_mem>>
    %dma_wait3A_127 = tpu.memref_squeeze %dma_wait3A_126 : memref<1x!tpu.dma_semaphore, #tpu.memory_space<semaphore_mem>> -> memref<!tpu.dma_semaphore, #tpu.memory_space<semaphore_mem>>
    %dma_wait3A_128 = arith.constant 0 : i32
    %dma_wait3A_129 = tpu.memref_slice %arg7[%add3A_115, %dma_wait3A_128] : memref<160000x256xf32, #tpu.memory_space<hbm>> -> memref<40x256xf32, #tpu.memory_space<hbm>>
    tpu.wait_dma2 semaphore(%dma_wait3A_127 : memref<!tpu.dma_semaphore, #tpu.memory_space<semaphore_mem>>) src(%arg26 : memref<40x256xf32, #tpu.memory_space<vmem>>) dst(%dma_wait3A_129 : memref<40x256xf32, #tpu.memory_space<hbm>>)
    %add3A_130 = arith.constant 4960 : i32
    %add3A_131 = arith.addi %mul3A_2, %add3A_130 : i32
    %dma_wait3A_132 = arith.constant 14 : i32
    %dma_wait3A_133 = arith.constant 0 : i32
    %dma_wait3A_134 = tpu.memref_slice %arg6[%add3A_131, %dma_wait3A_133] : memref<160000x256xf32, #tpu.memory_space<hbm>> -> memref<40x256xf32, #tpu.memory_space<hbm>>
    %dma_wait3A_135 = tpu.memref_slice %arg28[%dma_wait3A_132] : memref<15x!tpu.dma_semaphore, #tpu.memory_space<semaphore_mem>> -> memref<1x!tpu.dma_semaphore, #tpu.memory_space<semaphore_mem>>
    %dma_wait3A_136 = tpu.memref_squeeze %dma_wait3A_135 : memref<1x!tpu.dma_semaphore, #tpu.memory_space<semaphore_mem>> -> memref<!tpu.dma_semaphore, #tpu.memory_space<semaphore_mem>>
    %dma_wait3A_137 = arith.constant 0 : i32
    %dma_wait3A_138 = tpu.memref_slice %arg6[%add3A_131, %dma_wait3A_137] : memref<160000x256xf32, #tpu.memory_space<hbm>> -> memref<40x256xf32, #tpu.memory_space<hbm>>
    tpu.wait_dma2 semaphore(%dma_wait3A_136 : memref<!tpu.dma_semaphore, #tpu.memory_space<semaphore_mem>>) src(%arg22 : memref<40x256xf32, #tpu.memory_space<vmem>>) dst(%dma_wait3A_138 : memref<40x256xf32, #tpu.memory_space<hbm>>)
    %dma_wait3A_139 = arith.constant 14 : i32
    %dma_wait3A_140 = arith.constant 0 : i32
    %dma_wait3A_141 = tpu.memref_slice %arg7[%add3A_131, %dma_wait3A_140] : memref<160000x256xf32, #tpu.memory_space<hbm>> -> memref<40x256xf32, #tpu.memory_space<hbm>>
    %dma_wait3A_142 = tpu.memref_slice %arg28[%dma_wait3A_139] : memref<15x!tpu.dma_semaphore, #tpu.memory_space<semaphore_mem>> -> memref<1x!tpu.dma_semaphore, #tpu.memory_space<semaphore_mem>>
    %dma_wait3A_143 = tpu.memref_squeeze %dma_wait3A_142 : memref<1x!tpu.dma_semaphore, #tpu.memory_space<semaphore_mem>> -> memref<!tpu.dma_semaphore, #tpu.memory_space<semaphore_mem>>
    %dma_wait3A_144 = arith.constant 0 : i32
    %dma_wait3A_145 = tpu.memref_slice %arg7[%add3A_131, %dma_wait3A_144] : memref<160000x256xf32, #tpu.memory_space<hbm>> -> memref<40x256xf32, #tpu.memory_space<hbm>>
    tpu.wait_dma2 semaphore(%dma_wait3A_143 : memref<!tpu.dma_semaphore, #tpu.memory_space<semaphore_mem>>) src(%arg27 : memref<40x256xf32, #tpu.memory_space<vmem>>) dst(%dma_wait3A_145 : memref<40x256xf32, #tpu.memory_space<hbm>>)
    return
  }
}

#map = affine_map<(d0, d1) -> (0)>
#map1 = affine_map<(d0, d1) -> (0, 0, 0)>
#map2 = affine_map<(d0, d1) -> (0, 0)>
module attributes {stable_mosaic.version = 14 : i64} {
  func.func @k(%arg0: i32, %arg1: i32, %arg2: memref<160000xi32, #tpu.memory_space<hbm>>, %arg3: memref<2x160000x128xf32, #tpu.memory_space<hbm>>, %arg4: memref<10000x128xf32, #tpu.memory_space<hbm>>, %arg5: memref<2x10000x128xf32, #tpu.memory_space<hbm>>, %arg6: memref<40xi32, #tpu.memory_space<vmem>>, %arg7: memref<40xi32, #tpu.memory_space<vmem>>, %arg8: memref<40xi32, #tpu.memory_space<vmem>>, %arg9: memref<40xi32, #tpu.memory_space<vmem>>, %arg10: memref<40xi32, #tpu.memory_space<vmem>>, %arg11: memref<40x128xf32, #tpu.memory_space<vmem>>, %arg12: memref<40x128xf32, #tpu.memory_space<vmem>>, %arg13: memref<40x128xf32, #tpu.memory_space<vmem>>, %arg14: memref<40x128xf32, #tpu.memory_space<vmem>>, %arg15: memref<40x128xf32, #tpu.memory_space<vmem>>, %arg16: memref<10000x128xf32, #tpu.memory_space<vmem_shared>>, %arg17: memref<15x!tpu.dma_semaphore, #tpu.memory_space<semaphore_mem>>) attributes {dimension_semantics = [#tpu.dimension_semantics<core_parallel>, #tpu.dimension_semantics<subcore_parallel>], iteration_bounds = array<i64: 2, 16>, scalar_prefetch = 0 : i64, scratch_operands = 12 : i64, tpu.core_type = #tpu.core_type<sc_vector_subcore>, window_params = [{transform_indices = #map}, {transform_indices = #map1}, {transform_indices = #map2}, {transform_indices = #map1}]} {
    %lt3A = arith.constant 15 : i32
    %lt3A_0 = arith.cmpi slt, %arg1, %lt3A : i32
    %convert_element_type3A = arith.extui %lt3A_0 : i1 to i32
    %cond3A = arith.constant 0 : i32
    %cond3A_1 = arith.cmpi ne, %convert_element_type3A, %cond3A : i32
    scf.if %cond3A_1 {
      %mul3A_23 = arith.constant 624 : i32
      %mul3A_24 = arith.muli %arg1, %mul3A_23 : i32
      %mul3A_25 = arith.constant 624 : i32
      %mul3A_26 = arith.muli %arg1, %mul3A_25 : i32
      "tpu.region"() ({
        %run_scoped3A = tpu.sem_alloc : memref<!tpu.dma_semaphore, #tpu.memory_space<semaphore_mem>>
        %dma_start3A = arith.constant 0 : i32
        %dma_start3A_27 = tpu.memref_slice %arg16[%mul3A_26, %dma_start3A] : memref<10000x128xf32, #tpu.memory_space<vmem_shared>> -> memref<624x128xf32, #tpu.memory_space<vmem_shared>>
        %dma_start3A_28 = arith.constant 0 : i32
        %dma_start3A_29 = tpu.memref_slice %arg4[%mul3A_24, %dma_start3A_28] : memref<10000x128xf32, #tpu.memory_space<hbm>> -> memref<624x128xf32, #tpu.memory_space<hbm>>
        tpu.enqueue_dma source(%dma_start3A_29 : memref<624x128xf32, #tpu.memory_space<hbm>>) target(%dma_start3A_27 : memref<624x128xf32, #tpu.memory_space<vmem_shared>>) target_semaphore(%run_scoped3A : memref<!tpu.dma_semaphore, #tpu.memory_space<semaphore_mem>>)
        %dma_wait3A = arith.constant 0 : i32
        %dma_wait3A_30 = tpu.memref_slice %arg16[%mul3A_26, %dma_wait3A] : memref<10000x128xf32, #tpu.memory_space<vmem_shared>> -> memref<624x128xf32, #tpu.memory_space<vmem_shared>>
        %dma_wait3A_31 = arith.constant 0 : i32
        %dma_wait3A_32 = tpu.memref_slice %arg4[%mul3A_24, %dma_wait3A_31] : memref<10000x128xf32, #tpu.memory_space<hbm>> -> memref<624x128xf32, #tpu.memory_space<hbm>>
        tpu.wait_dma2 semaphore(%run_scoped3A : memref<!tpu.dma_semaphore, #tpu.memory_space<semaphore_mem>>) src(%dma_wait3A_32 : memref<624x128xf32, #tpu.memory_space<hbm>>) dst(%dma_wait3A_30 : memref<624x128xf32, #tpu.memory_space<vmem_shared>>)
        tpu.yield
      }) : () -> ()
    } else {
    }
    %eq3A = arith.constant 15 : i32
    %eq3A_2 = arith.cmpi eq, %arg1, %eq3A : i32
    %convert_element_type3A_3 = arith.extui %eq3A_2 : i1 to i32
    %cond3A_4 = arith.constant 0 : i32
    %cond3A_5 = arith.cmpi ne, %convert_element_type3A_3, %cond3A_4 : i32
    scf.if %cond3A_5 {
      "tpu.region"() ({
        %run_scoped3A = tpu.sem_alloc : memref<!tpu.dma_semaphore, #tpu.memory_space<semaphore_mem>>
        %dma_start3A = arith.constant 9360 : i32
        %dma_start3A_23 = arith.constant 0 : i32
        %dma_start3A_24 = tpu.memref_slice %arg16[%dma_start3A, %dma_start3A_23] : memref<10000x128xf32, #tpu.memory_space<vmem_shared>> -> memref<640x128xf32, #tpu.memory_space<vmem_shared>>
        %dma_start3A_25 = arith.constant 9360 : i32
        %dma_start3A_26 = arith.constant 0 : i32
        %dma_start3A_27 = tpu.memref_slice %arg4[%dma_start3A_25, %dma_start3A_26] : memref<10000x128xf32, #tpu.memory_space<hbm>> -> memref<640x128xf32, #tpu.memory_space<hbm>>
        tpu.enqueue_dma source(%dma_start3A_27 : memref<640x128xf32, #tpu.memory_space<hbm>>) target(%dma_start3A_24 : memref<640x128xf32, #tpu.memory_space<vmem_shared>>) target_semaphore(%run_scoped3A : memref<!tpu.dma_semaphore, #tpu.memory_space<semaphore_mem>>)
        %dma_wait3A = arith.constant 9360 : i32
        %dma_wait3A_28 = arith.constant 0 : i32
        %dma_wait3A_29 = tpu.memref_slice %arg16[%dma_wait3A, %dma_wait3A_28] : memref<10000x128xf32, #tpu.memory_space<vmem_shared>> -> memref<640x128xf32, #tpu.memory_space<vmem_shared>>
        %dma_wait3A_30 = arith.constant 9360 : i32
        %dma_wait3A_31 = arith.constant 0 : i32
        %dma_wait3A_32 = tpu.memref_slice %arg4[%dma_wait3A_30, %dma_wait3A_31] : memref<10000x128xf32, #tpu.memory_space<hbm>> -> memref<640x128xf32, #tpu.memory_space<hbm>>
        tpu.wait_dma2 semaphore(%run_scoped3A : memref<!tpu.dma_semaphore, #tpu.memory_space<semaphore_mem>>) src(%dma_wait3A_32 : memref<640x128xf32, #tpu.memory_space<hbm>>) dst(%dma_wait3A_29 : memref<640x128xf32, #tpu.memory_space<vmem_shared>>)
        tpu.yield
      }) : () -> ()
    } else {
    }
    %barrier3A = arith.constant 0 : index
    tpu.barrier barrier_id(%barrier3A)
    %mul3A = arith.constant 10000 : i32
    %mul3A_6 = arith.muli %arg1, %mul3A : i32
    %scan3A = arith.constant 0 : i32
    %scan3A_7 = arith.constant 0 : i32
    %scan3A_8 = arith.constant 50 : i32
    %scan3A_9 = arith.addi %scan3A_7, %scan3A_8 : i32
    %scan3A_10 = arith.constant 1 : i32
    scf.for %scan3A_23 = %scan3A_7 to %scan3A_9 step %scan3A_10  : i32 {
      %mul3A_24 = arith.constant 5 : i32
      %mul3A_25 = arith.muli %scan3A_23, %mul3A_24 : i32
      %add3A = arith.constant 0 : i32
      %add3A_26 = arith.addi %mul3A_25, %add3A : i32
      %mul3A_27 = arith.constant 40 : i32
      %mul3A_28 = arith.muli %add3A_26, %mul3A_27 : i32
      %add3A_29 = arith.addi %mul3A_6, %mul3A_28 : i32
      %dma_start3A = arith.constant 0 : i32
      %dma_start3A_30 = tpu.memref_slice %arg2[%add3A_29] : memref<160000xi32, #tpu.memory_space<hbm>> -> memref<40xi32, #tpu.memory_space<hbm>>
      %dma_start3A_31 = tpu.memref_slice %arg17[%dma_start3A] : memref<15x!tpu.dma_semaphore, #tpu.memory_space<semaphore_mem>> -> memref<1x!tpu.dma_semaphore, #tpu.memory_space<semaphore_mem>>
      %dma_start3A_32 = tpu.memref_squeeze %dma_start3A_31 : memref<1x!tpu.dma_semaphore, #tpu.memory_space<semaphore_mem>> -> memref<!tpu.dma_semaphore, #tpu.memory_space<semaphore_mem>>
      %dma_start3A_33 = tpu.memref_slice %arg2[%add3A_29] : memref<160000xi32, #tpu.memory_space<hbm>> -> memref<40xi32, #tpu.memory_space<hbm>>
      tpu.enqueue_dma source(%dma_start3A_33 : memref<40xi32, #tpu.memory_space<hbm>>) target(%arg6 : memref<40xi32, #tpu.memory_space<vmem>>) target_semaphore(%dma_start3A_32 : memref<!tpu.dma_semaphore, #tpu.memory_space<semaphore_mem>>)
      %dma_start3A_34 = arith.constant 5 : i32
      %dma_start3A_35 = arith.constant 0 : i32
      %dma_start3A_36 = tpu.memref_slice %arg3[%arg0, %add3A_29, %dma_start3A_35] : memref<2x160000x128xf32, #tpu.memory_space<hbm>> -> memref<1x40x128xf32, #tpu.memory_space<hbm>>
      %dma_start3A_37 = tpu.memref_squeeze %dma_start3A_36 : memref<1x40x128xf32, #tpu.memory_space<hbm>> -> memref<40x128xf32, #tpu.memory_space<hbm>>
      %dma_start3A_38 = tpu.memref_slice %arg17[%dma_start3A_34] : memref<15x!tpu.dma_semaphore, #tpu.memory_space<semaphore_mem>> -> memref<1x!tpu.dma_semaphore, #tpu.memory_space<semaphore_mem>>
      %dma_start3A_39 = tpu.memref_squeeze %dma_start3A_38 : memref<1x!tpu.dma_semaphore, #tpu.memory_space<semaphore_mem>> -> memref<!tpu.dma_semaphore, #tpu.memory_space<semaphore_mem>>
      %dma_start3A_40 = arith.constant 0 : i32
      %dma_start3A_41 = tpu.memref_slice %arg3[%arg0, %add3A_29, %dma_start3A_40] : memref<2x160000x128xf32, #tpu.memory_space<hbm>> -> memref<1x40x128xf32, #tpu.memory_space<hbm>>
      %dma_start3A_42 = tpu.memref_squeeze %dma_start3A_41 : memref<1x40x128xf32, #tpu.memory_space<hbm>> -> memref<40x128xf32, #tpu.memory_space<hbm>>
      tpu.enqueue_dma source(%dma_start3A_42 : memref<40x128xf32, #tpu.memory_space<hbm>>) target(%arg11 : memref<40x128xf32, #tpu.memory_space<vmem>>) target_semaphore(%dma_start3A_39 : memref<!tpu.dma_semaphore, #tpu.memory_space<semaphore_mem>>)
      %mul3A_43 = arith.constant 5 : i32
      %mul3A_44 = arith.muli %scan3A_23, %mul3A_43 : i32
      %add3A_45 = arith.constant 1 : i32
      %add3A_46 = arith.addi %mul3A_44, %add3A_45 : i32
      %mul3A_47 = arith.constant 40 : i32
      %mul3A_48 = arith.muli %add3A_46, %mul3A_47 : i32
      %add3A_49 = arith.addi %mul3A_6, %mul3A_48 : i32
      %dma_start3A_50 = arith.constant 1 : i32
      %dma_start3A_51 = tpu.memref_slice %arg2[%add3A_49] : memref<160000xi32, #tpu.memory_space<hbm>> -> memref<40xi32, #tpu.memory_space<hbm>>
      %dma_start3A_52 = tpu.memref_slice %arg17[%dma_start3A_50] : memref<15x!tpu.dma_semaphore, #tpu.memory_space<semaphore_mem>> -> memref<1x!tpu.dma_semaphore, #tpu.memory_space<semaphore_mem>>
      %dma_start3A_53 = tpu.memref_squeeze %dma_start3A_52 : memref<1x!tpu.dma_semaphore, #tpu.memory_space<semaphore_mem>> -> memref<!tpu.dma_semaphore, #tpu.memory_space<semaphore_mem>>
      %dma_start3A_54 = tpu.memref_slice %arg2[%add3A_49] : memref<160000xi32, #tpu.memory_space<hbm>> -> memref<40xi32, #tpu.memory_space<hbm>>
      tpu.enqueue_dma source(%dma_start3A_54 : memref<40xi32, #tpu.memory_space<hbm>>) target(%arg7 : memref<40xi32, #tpu.memory_space<vmem>>) target_semaphore(%dma_start3A_53 : memref<!tpu.dma_semaphore, #tpu.memory_space<semaphore_mem>>)
      %dma_start3A_55 = arith.constant 6 : i32
      %dma_start3A_56 = arith.constant 0 : i32
      %dma_start3A_57 = tpu.memref_slice %arg3[%arg0, %add3A_49, %dma_start3A_56] : memref<2x160000x128xf32, #tpu.memory_space<hbm>> -> memref<1x40x128xf32, #tpu.memory_space<hbm>>
      %dma_start3A_58 = tpu.memref_squeeze %dma_start3A_57 : memref<1x40x128xf32, #tpu.memory_space<hbm>> -> memref<40x128xf32, #tpu.memory_space<hbm>>
      %dma_start3A_59 = tpu.memref_slice %arg17[%dma_start3A_55] : memref<15x!tpu.dma_semaphore, #tpu.memory_space<semaphore_mem>> -> memref<1x!tpu.dma_semaphore, #tpu.memory_space<semaphore_mem>>
      %dma_start3A_60 = tpu.memref_squeeze %dma_start3A_59 : memref<1x!tpu.dma_semaphore, #tpu.memory_space<semaphore_mem>> -> memref<!tpu.dma_semaphore, #tpu.memory_space<semaphore_mem>>
      %dma_start3A_61 = arith.constant 0 : i32
      %dma_start3A_62 = tpu.memref_slice %arg3[%arg0, %add3A_49, %dma_start3A_61] : memref<2x160000x128xf32, #tpu.memory_space<hbm>> -> memref<1x40x128xf32, #tpu.memory_space<hbm>>
      %dma_start3A_63 = tpu.memref_squeeze %dma_start3A_62 : memref<1x40x128xf32, #tpu.memory_space<hbm>> -> memref<40x128xf32, #tpu.memory_space<hbm>>
      tpu.enqueue_dma source(%dma_start3A_63 : memref<40x128xf32, #tpu.memory_space<hbm>>) target(%arg12 : memref<40x128xf32, #tpu.memory_space<vmem>>) target_semaphore(%dma_start3A_60 : memref<!tpu.dma_semaphore, #tpu.memory_space<semaphore_mem>>)
      %mul3A_64 = arith.constant 5 : i32
      %mul3A_65 = arith.muli %scan3A_23, %mul3A_64 : i32
      %add3A_66 = arith.constant 2 : i32
      %add3A_67 = arith.addi %mul3A_65, %add3A_66 : i32
      %mul3A_68 = arith.constant 40 : i32
      %mul3A_69 = arith.muli %add3A_67, %mul3A_68 : i32
      %add3A_70 = arith.addi %mul3A_6, %mul3A_69 : i32
      %dma_start3A_71 = arith.constant 2 : i32
      %dma_start3A_72 = tpu.memref_slice %arg2[%add3A_70] : memref<160000xi32, #tpu.memory_space<hbm>> -> memref<40xi32, #tpu.memory_space<hbm>>
      %dma_start3A_73 = tpu.memref_slice %arg17[%dma_start3A_71] : memref<15x!tpu.dma_semaphore, #tpu.memory_space<semaphore_mem>> -> memref<1x!tpu.dma_semaphore, #tpu.memory_space<semaphore_mem>>
      %dma_start3A_74 = tpu.memref_squeeze %dma_start3A_73 : memref<1x!tpu.dma_semaphore, #tpu.memory_space<semaphore_mem>> -> memref<!tpu.dma_semaphore, #tpu.memory_space<semaphore_mem>>
      %dma_start3A_75 = tpu.memref_slice %arg2[%add3A_70] : memref<160000xi32, #tpu.memory_space<hbm>> -> memref<40xi32, #tpu.memory_space<hbm>>
      tpu.enqueue_dma source(%dma_start3A_75 : memref<40xi32, #tpu.memory_space<hbm>>) target(%arg8 : memref<40xi32, #tpu.memory_space<vmem>>) target_semaphore(%dma_start3A_74 : memref<!tpu.dma_semaphore, #tpu.memory_space<semaphore_mem>>)
      %dma_start3A_76 = arith.constant 7 : i32
      %dma_start3A_77 = arith.constant 0 : i32
      %dma_start3A_78 = tpu.memref_slice %arg3[%arg0, %add3A_70, %dma_start3A_77] : memref<2x160000x128xf32, #tpu.memory_space<hbm>> -> memref<1x40x128xf32, #tpu.memory_space<hbm>>
      %dma_start3A_79 = tpu.memref_squeeze %dma_start3A_78 : memref<1x40x128xf32, #tpu.memory_space<hbm>> -> memref<40x128xf32, #tpu.memory_space<hbm>>
      %dma_start3A_80 = tpu.memref_slice %arg17[%dma_start3A_76] : memref<15x!tpu.dma_semaphore, #tpu.memory_space<semaphore_mem>> -> memref<1x!tpu.dma_semaphore, #tpu.memory_space<semaphore_mem>>
      %dma_start3A_81 = tpu.memref_squeeze %dma_start3A_80 : memref<1x!tpu.dma_semaphore, #tpu.memory_space<semaphore_mem>> -> memref<!tpu.dma_semaphore, #tpu.memory_space<semaphore_mem>>
      %dma_start3A_82 = arith.constant 0 : i32
      %dma_start3A_83 = tpu.memref_slice %arg3[%arg0, %add3A_70, %dma_start3A_82] : memref<2x160000x128xf32, #tpu.memory_space<hbm>> -> memref<1x40x128xf32, #tpu.memory_space<hbm>>
      %dma_start3A_84 = tpu.memref_squeeze %dma_start3A_83 : memref<1x40x128xf32, #tpu.memory_space<hbm>> -> memref<40x128xf32, #tpu.memory_space<hbm>>
      tpu.enqueue_dma source(%dma_start3A_84 : memref<40x128xf32, #tpu.memory_space<hbm>>) target(%arg13 : memref<40x128xf32, #tpu.memory_space<vmem>>) target_semaphore(%dma_start3A_81 : memref<!tpu.dma_semaphore, #tpu.memory_space<semaphore_mem>>)
      %mul3A_85 = arith.constant 5 : i32
      %mul3A_86 = arith.muli %scan3A_23, %mul3A_85 : i32
      %add3A_87 = arith.constant 3 : i32
      %add3A_88 = arith.addi %mul3A_86, %add3A_87 : i32
      %mul3A_89 = arith.constant 40 : i32
      %mul3A_90 = arith.muli %add3A_88, %mul3A_89 : i32
      %add3A_91 = arith.addi %mul3A_6, %mul3A_90 : i32
      %dma_start3A_92 = arith.constant 3 : i32
      %dma_start3A_93 = tpu.memref_slice %arg2[%add3A_91] : memref<160000xi32, #tpu.memory_space<hbm>> -> memref<40xi32, #tpu.memory_space<hbm>>
      %dma_start3A_94 = tpu.memref_slice %arg17[%dma_start3A_92] : memref<15x!tpu.dma_semaphore, #tpu.memory_space<semaphore_mem>> -> memref<1x!tpu.dma_semaphore, #tpu.memory_space<semaphore_mem>>
      %dma_start3A_95 = tpu.memref_squeeze %dma_start3A_94 : memref<1x!tpu.dma_semaphore, #tpu.memory_space<semaphore_mem>> -> memref<!tpu.dma_semaphore, #tpu.memory_space<semaphore_mem>>
      %dma_start3A_96 = tpu.memref_slice %arg2[%add3A_91] : memref<160000xi32, #tpu.memory_space<hbm>> -> memref<40xi32, #tpu.memory_space<hbm>>
      tpu.enqueue_dma source(%dma_start3A_96 : memref<40xi32, #tpu.memory_space<hbm>>) target(%arg9 : memref<40xi32, #tpu.memory_space<vmem>>) target_semaphore(%dma_start3A_95 : memref<!tpu.dma_semaphore, #tpu.memory_space<semaphore_mem>>)
      %dma_start3A_97 = arith.constant 8 : i32
      %dma_start3A_98 = arith.constant 0 : i32
      %dma_start3A_99 = tpu.memref_slice %arg3[%arg0, %add3A_91, %dma_start3A_98] : memref<2x160000x128xf32, #tpu.memory_space<hbm>> -> memref<1x40x128xf32, #tpu.memory_space<hbm>>
      %dma_start3A_100 = tpu.memref_squeeze %dma_start3A_99 : memref<1x40x128xf32, #tpu.memory_space<hbm>> -> memref<40x128xf32, #tpu.memory_space<hbm>>
      %dma_start3A_101 = tpu.memref_slice %arg17[%dma_start3A_97] : memref<15x!tpu.dma_semaphore, #tpu.memory_space<semaphore_mem>> -> memref<1x!tpu.dma_semaphore, #tpu.memory_space<semaphore_mem>>
      %dma_start3A_102 = tpu.memref_squeeze %dma_start3A_101 : memref<1x!tpu.dma_semaphore, #tpu.memory_space<semaphore_mem>> -> memref<!tpu.dma_semaphore, #tpu.memory_space<semaphore_mem>>
      %dma_start3A_103 = arith.constant 0 : i32
      %dma_start3A_104 = tpu.memref_slice %arg3[%arg0, %add3A_91, %dma_start3A_103] : memref<2x160000x128xf32, #tpu.memory_space<hbm>> -> memref<1x40x128xf32, #tpu.memory_space<hbm>>
      %dma_start3A_105 = tpu.memref_squeeze %dma_start3A_104 : memref<1x40x128xf32, #tpu.memory_space<hbm>> -> memref<40x128xf32, #tpu.memory_space<hbm>>
      tpu.enqueue_dma source(%dma_start3A_105 : memref<40x128xf32, #tpu.memory_space<hbm>>) target(%arg14 : memref<40x128xf32, #tpu.memory_space<vmem>>) target_semaphore(%dma_start3A_102 : memref<!tpu.dma_semaphore, #tpu.memory_space<semaphore_mem>>)
      %mul3A_106 = arith.constant 5 : i32
      %mul3A_107 = arith.muli %scan3A_23, %mul3A_106 : i32
      %add3A_108 = arith.constant 4 : i32
      %add3A_109 = arith.addi %mul3A_107, %add3A_108 : i32
      %mul3A_110 = arith.constant 40 : i32
      %mul3A_111 = arith.muli %add3A_109, %mul3A_110 : i32
      %add3A_112 = arith.addi %mul3A_6, %mul3A_111 : i32
      %dma_start3A_113 = arith.constant 4 : i32
      %dma_start3A_114 = tpu.memref_slice %arg2[%add3A_112] : memref<160000xi32, #tpu.memory_space<hbm>> -> memref<40xi32, #tpu.memory_space<hbm>>
      %dma_start3A_115 = tpu.memref_slice %arg17[%dma_start3A_113] : memref<15x!tpu.dma_semaphore, #tpu.memory_space<semaphore_mem>> -> memref<1x!tpu.dma_semaphore, #tpu.memory_space<semaphore_mem>>
      %dma_start3A_116 = tpu.memref_squeeze %dma_start3A_115 : memref<1x!tpu.dma_semaphore, #tpu.memory_space<semaphore_mem>> -> memref<!tpu.dma_semaphore, #tpu.memory_space<semaphore_mem>>
      %dma_start3A_117 = tpu.memref_slice %arg2[%add3A_112] : memref<160000xi32, #tpu.memory_space<hbm>> -> memref<40xi32, #tpu.memory_space<hbm>>
      tpu.enqueue_dma source(%dma_start3A_117 : memref<40xi32, #tpu.memory_space<hbm>>) target(%arg10 : memref<40xi32, #tpu.memory_space<vmem>>) target_semaphore(%dma_start3A_116 : memref<!tpu.dma_semaphore, #tpu.memory_space<semaphore_mem>>)
      %dma_start3A_118 = arith.constant 9 : i32
      %dma_start3A_119 = arith.constant 0 : i32
      %dma_start3A_120 = tpu.memref_slice %arg3[%arg0, %add3A_112, %dma_start3A_119] : memref<2x160000x128xf32, #tpu.memory_space<hbm>> -> memref<1x40x128xf32, #tpu.memory_space<hbm>>
      %dma_start3A_121 = tpu.memref_squeeze %dma_start3A_120 : memref<1x40x128xf32, #tpu.memory_space<hbm>> -> memref<40x128xf32, #tpu.memory_space<hbm>>
      %dma_start3A_122 = tpu.memref_slice %arg17[%dma_start3A_118] : memref<15x!tpu.dma_semaphore, #tpu.memory_space<semaphore_mem>> -> memref<1x!tpu.dma_semaphore, #tpu.memory_space<semaphore_mem>>
      %dma_start3A_123 = tpu.memref_squeeze %dma_start3A_122 : memref<1x!tpu.dma_semaphore, #tpu.memory_space<semaphore_mem>> -> memref<!tpu.dma_semaphore, #tpu.memory_space<semaphore_mem>>
      %dma_start3A_124 = arith.constant 0 : i32
      %dma_start3A_125 = tpu.memref_slice %arg3[%arg0, %add3A_112, %dma_start3A_124] : memref<2x160000x128xf32, #tpu.memory_space<hbm>> -> memref<1x40x128xf32, #tpu.memory_space<hbm>>
      %dma_start3A_126 = tpu.memref_squeeze %dma_start3A_125 : memref<1x40x128xf32, #tpu.memory_space<hbm>> -> memref<40x128xf32, #tpu.memory_space<hbm>>
      tpu.enqueue_dma source(%dma_start3A_126 : memref<40x128xf32, #tpu.memory_space<hbm>>) target(%arg15 : memref<40x128xf32, #tpu.memory_space<vmem>>) target_semaphore(%dma_start3A_123 : memref<!tpu.dma_semaphore, #tpu.memory_space<semaphore_mem>>)
      %dma_wait3A = arith.constant 0 : i32
      %dma_wait3A_127 = tpu.memref_slice %arg2[%add3A_29] : memref<160000xi32, #tpu.memory_space<hbm>> -> memref<40xi32, #tpu.memory_space<hbm>>
      %dma_wait3A_128 = tpu.memref_slice %arg17[%dma_wait3A] : memref<15x!tpu.dma_semaphore, #tpu.memory_space<semaphore_mem>> -> memref<1x!tpu.dma_semaphore, #tpu.memory_space<semaphore_mem>>
      %dma_wait3A_129 = tpu.memref_squeeze %dma_wait3A_128 : memref<1x!tpu.dma_semaphore, #tpu.memory_space<semaphore_mem>> -> memref<!tpu.dma_semaphore, #tpu.memory_space<semaphore_mem>>
      %dma_wait3A_130 = tpu.memref_slice %arg2[%add3A_29] : memref<160000xi32, #tpu.memory_space<hbm>> -> memref<40xi32, #tpu.memory_space<hbm>>
      tpu.wait_dma2 semaphore(%dma_wait3A_129 : memref<!tpu.dma_semaphore, #tpu.memory_space<semaphore_mem>>) src(%dma_wait3A_130 : memref<40xi32, #tpu.memory_space<hbm>>) dst(%arg6 : memref<40xi32, #tpu.memory_space<vmem>>)
      %dma_wait3A_131 = arith.constant 5 : i32
      %dma_wait3A_132 = arith.constant 0 : i32
      %dma_wait3A_133 = tpu.memref_slice %arg3[%arg0, %add3A_29, %dma_wait3A_132] : memref<2x160000x128xf32, #tpu.memory_space<hbm>> -> memref<1x40x128xf32, #tpu.memory_space<hbm>>
      %dma_wait3A_134 = tpu.memref_squeeze %dma_wait3A_133 : memref<1x40x128xf32, #tpu.memory_space<hbm>> -> memref<40x128xf32, #tpu.memory_space<hbm>>
      %dma_wait3A_135 = tpu.memref_slice %arg17[%dma_wait3A_131] : memref<15x!tpu.dma_semaphore, #tpu.memory_space<semaphore_mem>> -> memref<1x!tpu.dma_semaphore, #tpu.memory_space<semaphore_mem>>
      %dma_wait3A_136 = tpu.memref_squeeze %dma_wait3A_135 : memref<1x!tpu.dma_semaphore, #tpu.memory_space<semaphore_mem>> -> memref<!tpu.dma_semaphore, #tpu.memory_space<semaphore_mem>>
      %dma_wait3A_137 = arith.constant 0 : i32
      %dma_wait3A_138 = tpu.memref_slice %arg3[%arg0, %add3A_29, %dma_wait3A_137] : memref<2x160000x128xf32, #tpu.memory_space<hbm>> -> memref<1x40x128xf32, #tpu.memory_space<hbm>>
      %dma_wait3A_139 = tpu.memref_squeeze %dma_wait3A_138 : memref<1x40x128xf32, #tpu.memory_space<hbm>> -> memref<40x128xf32, #tpu.memory_space<hbm>>
      tpu.wait_dma2 semaphore(%dma_wait3A_136 : memref<!tpu.dma_semaphore, #tpu.memory_space<semaphore_mem>>) src(%dma_wait3A_139 : memref<40x128xf32, #tpu.memory_space<hbm>>) dst(%arg11 : memref<40x128xf32, #tpu.memory_space<vmem>>)
      %dma_start3A_140 = arith.constant 10 : i32
      %dma_start3A_141 = arith.constant 0 : i32
      %dma_start3A_142 = arith.constant 0 : i32
      %dma_start3A_143 = tpu.memref_slice %arg16[%dma_start3A_141, %dma_start3A_142] : memref<10000x128xf32, #tpu.memory_space<vmem_shared>> -> memref<10000x128xf32, #tpu.memory_space<vmem_shared>>
      %dma_start3A_144 = tpu.memref_slice %arg17[%dma_start3A_140] : memref<15x!tpu.dma_semaphore, #tpu.memory_space<semaphore_mem>> -> memref<1x!tpu.dma_semaphore, #tpu.memory_space<semaphore_mem>>
      %dma_start3A_145 = tpu.memref_squeeze %dma_start3A_144 : memref<1x!tpu.dma_semaphore, #tpu.memory_space<semaphore_mem>> -> memref<!tpu.dma_semaphore, #tpu.memory_space<semaphore_mem>>
      tpu.enqueue_indirect_dma source(%arg11 : memref<40x128xf32, #tpu.memory_space<vmem>>) target(%dma_start3A_143 : memref<10000x128xf32, #tpu.memory_space<vmem_shared>>) offsets(%arg6 : memref<40xi32, #tpu.memory_space<vmem>>) semaphore(%dma_start3A_145 : memref<!tpu.dma_semaphore, #tpu.memory_space<semaphore_mem>>) {add = true}
      %dma_wait3A_146 = arith.constant 1 : i32
      %dma_wait3A_147 = tpu.memref_slice %arg2[%add3A_49] : memref<160000xi32, #tpu.memory_space<hbm>> -> memref<40xi32, #tpu.memory_space<hbm>>
      %dma_wait3A_148 = tpu.memref_slice %arg17[%dma_wait3A_146] : memref<15x!tpu.dma_semaphore, #tpu.memory_space<semaphore_mem>> -> memref<1x!tpu.dma_semaphore, #tpu.memory_space<semaphore_mem>>
      %dma_wait3A_149 = tpu.memref_squeeze %dma_wait3A_148 : memref<1x!tpu.dma_semaphore, #tpu.memory_space<semaphore_mem>> -> memref<!tpu.dma_semaphore, #tpu.memory_space<semaphore_mem>>
      %dma_wait3A_150 = tpu.memref_slice %arg2[%add3A_49] : memref<160000xi32, #tpu.memory_space<hbm>> -> memref<40xi32, #tpu.memory_space<hbm>>
      tpu.wait_dma2 semaphore(%dma_wait3A_149 : memref<!tpu.dma_semaphore, #tpu.memory_space<semaphore_mem>>) src(%dma_wait3A_150 : memref<40xi32, #tpu.memory_space<hbm>>) dst(%arg7 : memref<40xi32, #tpu.memory_space<vmem>>)
      %dma_wait3A_151 = arith.constant 6 : i32
      %dma_wait3A_152 = arith.constant 0 : i32
      %dma_wait3A_153 = tpu.memref_slice %arg3[%arg0, %add3A_49, %dma_wait3A_152] : memref<2x160000x128xf32, #tpu.memory_space<hbm>> -> memref<1x40x128xf32, #tpu.memory_space<hbm>>
      %dma_wait3A_154 = tpu.memref_squeeze %dma_wait3A_153 : memref<1x40x128xf32, #tpu.memory_space<hbm>> -> memref<40x128xf32, #tpu.memory_space<hbm>>
      %dma_wait3A_155 = tpu.memref_slice %arg17[%dma_wait3A_151] : memref<15x!tpu.dma_semaphore, #tpu.memory_space<semaphore_mem>> -> memref<1x!tpu.dma_semaphore, #tpu.memory_space<semaphore_mem>>
      %dma_wait3A_156 = tpu.memref_squeeze %dma_wait3A_155 : memref<1x!tpu.dma_semaphore, #tpu.memory_space<semaphore_mem>> -> memref<!tpu.dma_semaphore, #tpu.memory_space<semaphore_mem>>
      %dma_wait3A_157 = arith.constant 0 : i32
      %dma_wait3A_158 = tpu.memref_slice %arg3[%arg0, %add3A_49, %dma_wait3A_157] : memref<2x160000x128xf32, #tpu.memory_space<hbm>> -> memref<1x40x128xf32, #tpu.memory_space<hbm>>
      %dma_wait3A_159 = tpu.memref_squeeze %dma_wait3A_158 : memref<1x40x128xf32, #tpu.memory_space<hbm>> -> memref<40x128xf32, #tpu.memory_space<hbm>>
      tpu.wait_dma2 semaphore(%dma_wait3A_156 : memref<!tpu.dma_semaphore, #tpu.memory_space<semaphore_mem>>) src(%dma_wait3A_159 : memref<40x128xf32, #tpu.memory_space<hbm>>) dst(%arg12 : memref<40x128xf32, #tpu.memory_space<vmem>>)
      %dma_start3A_160 = arith.constant 11 : i32
      %dma_start3A_161 = arith.constant 0 : i32
      %dma_start3A_162 = arith.constant 0 : i32
      %dma_start3A_163 = tpu.memref_slice %arg16[%dma_start3A_161, %dma_start3A_162] : memref<10000x128xf32, #tpu.memory_space<vmem_shared>> -> memref<10000x128xf32, #tpu.memory_space<vmem_shared>>
      %dma_start3A_164 = tpu.memref_slice %arg17[%dma_start3A_160] : memref<15x!tpu.dma_semaphore, #tpu.memory_space<semaphore_mem>> -> memref<1x!tpu.dma_semaphore, #tpu.memory_space<semaphore_mem>>
      %dma_start3A_165 = tpu.memref_squeeze %dma_start3A_164 : memref<1x!tpu.dma_semaphore, #tpu.memory_space<semaphore_mem>> -> memref<!tpu.dma_semaphore, #tpu.memory_space<semaphore_mem>>
      tpu.enqueue_indirect_dma source(%arg12 : memref<40x128xf32, #tpu.memory_space<vmem>>) target(%dma_start3A_163 : memref<10000x128xf32, #tpu.memory_space<vmem_shared>>) offsets(%arg7 : memref<40xi32, #tpu.memory_space<vmem>>) semaphore(%dma_start3A_165 : memref<!tpu.dma_semaphore, #tpu.memory_space<semaphore_mem>>) {add = true}
      %dma_wait3A_166 = arith.constant 2 : i32
      %dma_wait3A_167 = tpu.memref_slice %arg2[%add3A_70] : memref<160000xi32, #tpu.memory_space<hbm>> -> memref<40xi32, #tpu.memory_space<hbm>>
      %dma_wait3A_168 = tpu.memref_slice %arg17[%dma_wait3A_166] : memref<15x!tpu.dma_semaphore, #tpu.memory_space<semaphore_mem>> -> memref<1x!tpu.dma_semaphore, #tpu.memory_space<semaphore_mem>>
      %dma_wait3A_169 = tpu.memref_squeeze %dma_wait3A_168 : memref<1x!tpu.dma_semaphore, #tpu.memory_space<semaphore_mem>> -> memref<!tpu.dma_semaphore, #tpu.memory_space<semaphore_mem>>
      %dma_wait3A_170 = tpu.memref_slice %arg2[%add3A_70] : memref<160000xi32, #tpu.memory_space<hbm>> -> memref<40xi32, #tpu.memory_space<hbm>>
      tpu.wait_dma2 semaphore(%dma_wait3A_169 : memref<!tpu.dma_semaphore, #tpu.memory_space<semaphore_mem>>) src(%dma_wait3A_170 : memref<40xi32, #tpu.memory_space<hbm>>) dst(%arg8 : memref<40xi32, #tpu.memory_space<vmem>>)
      %dma_wait3A_171 = arith.constant 7 : i32
      %dma_wait3A_172 = arith.constant 0 : i32
      %dma_wait3A_173 = tpu.memref_slice %arg3[%arg0, %add3A_70, %dma_wait3A_172] : memref<2x160000x128xf32, #tpu.memory_space<hbm>> -> memref<1x40x128xf32, #tpu.memory_space<hbm>>
      %dma_wait3A_174 = tpu.memref_squeeze %dma_wait3A_173 : memref<1x40x128xf32, #tpu.memory_space<hbm>> -> memref<40x128xf32, #tpu.memory_space<hbm>>
      %dma_wait3A_175 = tpu.memref_slice %arg17[%dma_wait3A_171] : memref<15x!tpu.dma_semaphore, #tpu.memory_space<semaphore_mem>> -> memref<1x!tpu.dma_semaphore, #tpu.memory_space<semaphore_mem>>
      %dma_wait3A_176 = tpu.memref_squeeze %dma_wait3A_175 : memref<1x!tpu.dma_semaphore, #tpu.memory_space<semaphore_mem>> -> memref<!tpu.dma_semaphore, #tpu.memory_space<semaphore_mem>>
      %dma_wait3A_177 = arith.constant 0 : i32
      %dma_wait3A_178 = tpu.memref_slice %arg3[%arg0, %add3A_70, %dma_wait3A_177] : memref<2x160000x128xf32, #tpu.memory_space<hbm>> -> memref<1x40x128xf32, #tpu.memory_space<hbm>>
      %dma_wait3A_179 = tpu.memref_squeeze %dma_wait3A_178 : memref<1x40x128xf32, #tpu.memory_space<hbm>> -> memref<40x128xf32, #tpu.memory_space<hbm>>
      tpu.wait_dma2 semaphore(%dma_wait3A_176 : memref<!tpu.dma_semaphore, #tpu.memory_space<semaphore_mem>>) src(%dma_wait3A_179 : memref<40x128xf32, #tpu.memory_space<hbm>>) dst(%arg13 : memref<40x128xf32, #tpu.memory_space<vmem>>)
      %dma_start3A_180 = arith.constant 12 : i32
      %dma_start3A_181 = arith.constant 0 : i32
      %dma_start3A_182 = arith.constant 0 : i32
      %dma_start3A_183 = tpu.memref_slice %arg16[%dma_start3A_181, %dma_start3A_182] : memref<10000x128xf32, #tpu.memory_space<vmem_shared>> -> memref<10000x128xf32, #tpu.memory_space<vmem_shared>>
      %dma_start3A_184 = tpu.memref_slice %arg17[%dma_start3A_180] : memref<15x!tpu.dma_semaphore, #tpu.memory_space<semaphore_mem>> -> memref<1x!tpu.dma_semaphore, #tpu.memory_space<semaphore_mem>>
      %dma_start3A_185 = tpu.memref_squeeze %dma_start3A_184 : memref<1x!tpu.dma_semaphore, #tpu.memory_space<semaphore_mem>> -> memref<!tpu.dma_semaphore, #tpu.memory_space<semaphore_mem>>
      tpu.enqueue_indirect_dma source(%arg13 : memref<40x128xf32, #tpu.memory_space<vmem>>) target(%dma_start3A_183 : memref<10000x128xf32, #tpu.memory_space<vmem_shared>>) offsets(%arg8 : memref<40xi32, #tpu.memory_space<vmem>>) semaphore(%dma_start3A_185 : memref<!tpu.dma_semaphore, #tpu.memory_space<semaphore_mem>>) {add = true}
      %dma_wait3A_186 = arith.constant 3 : i32
      %dma_wait3A_187 = tpu.memref_slice %arg2[%add3A_91] : memref<160000xi32, #tpu.memory_space<hbm>> -> memref<40xi32, #tpu.memory_space<hbm>>
      %dma_wait3A_188 = tpu.memref_slice %arg17[%dma_wait3A_186] : memref<15x!tpu.dma_semaphore, #tpu.memory_space<semaphore_mem>> -> memref<1x!tpu.dma_semaphore, #tpu.memory_space<semaphore_mem>>
      %dma_wait3A_189 = tpu.memref_squeeze %dma_wait3A_188 : memref<1x!tpu.dma_semaphore, #tpu.memory_space<semaphore_mem>> -> memref<!tpu.dma_semaphore, #tpu.memory_space<semaphore_mem>>
      %dma_wait3A_190 = tpu.memref_slice %arg2[%add3A_91] : memref<160000xi32, #tpu.memory_space<hbm>> -> memref<40xi32, #tpu.memory_space<hbm>>
      tpu.wait_dma2 semaphore(%dma_wait3A_189 : memref<!tpu.dma_semaphore, #tpu.memory_space<semaphore_mem>>) src(%dma_wait3A_190 : memref<40xi32, #tpu.memory_space<hbm>>) dst(%arg9 : memref<40xi32, #tpu.memory_space<vmem>>)
      %dma_wait3A_191 = arith.constant 8 : i32
      %dma_wait3A_192 = arith.constant 0 : i32
      %dma_wait3A_193 = tpu.memref_slice %arg3[%arg0, %add3A_91, %dma_wait3A_192] : memref<2x160000x128xf32, #tpu.memory_space<hbm>> -> memref<1x40x128xf32, #tpu.memory_space<hbm>>
      %dma_wait3A_194 = tpu.memref_squeeze %dma_wait3A_193 : memref<1x40x128xf32, #tpu.memory_space<hbm>> -> memref<40x128xf32, #tpu.memory_space<hbm>>
      %dma_wait3A_195 = tpu.memref_slice %arg17[%dma_wait3A_191] : memref<15x!tpu.dma_semaphore, #tpu.memory_space<semaphore_mem>> -> memref<1x!tpu.dma_semaphore, #tpu.memory_space<semaphore_mem>>
      %dma_wait3A_196 = tpu.memref_squeeze %dma_wait3A_195 : memref<1x!tpu.dma_semaphore, #tpu.memory_space<semaphore_mem>> -> memref<!tpu.dma_semaphore, #tpu.memory_space<semaphore_mem>>
      %dma_wait3A_197 = arith.constant 0 : i32
      %dma_wait3A_198 = tpu.memref_slice %arg3[%arg0, %add3A_91, %dma_wait3A_197] : memref<2x160000x128xf32, #tpu.memory_space<hbm>> -> memref<1x40x128xf32, #tpu.memory_space<hbm>>
      %dma_wait3A_199 = tpu.memref_squeeze %dma_wait3A_198 : memref<1x40x128xf32, #tpu.memory_space<hbm>> -> memref<40x128xf32, #tpu.memory_space<hbm>>
      tpu.wait_dma2 semaphore(%dma_wait3A_196 : memref<!tpu.dma_semaphore, #tpu.memory_space<semaphore_mem>>) src(%dma_wait3A_199 : memref<40x128xf32, #tpu.memory_space<hbm>>) dst(%arg14 : memref<40x128xf32, #tpu.memory_space<vmem>>)
      %dma_start3A_200 = arith.constant 13 : i32
      %dma_start3A_201 = arith.constant 0 : i32
      %dma_start3A_202 = arith.constant 0 : i32
      %dma_start3A_203 = tpu.memref_slice %arg16[%dma_start3A_201, %dma_start3A_202] : memref<10000x128xf32, #tpu.memory_space<vmem_shared>> -> memref<10000x128xf32, #tpu.memory_space<vmem_shared>>
      %dma_start3A_204 = tpu.memref_slice %arg17[%dma_start3A_200] : memref<15x!tpu.dma_semaphore, #tpu.memory_space<semaphore_mem>> -> memref<1x!tpu.dma_semaphore, #tpu.memory_space<semaphore_mem>>
      %dma_start3A_205 = tpu.memref_squeeze %dma_start3A_204 : memref<1x!tpu.dma_semaphore, #tpu.memory_space<semaphore_mem>> -> memref<!tpu.dma_semaphore, #tpu.memory_space<semaphore_mem>>
      tpu.enqueue_indirect_dma source(%arg14 : memref<40x128xf32, #tpu.memory_space<vmem>>) target(%dma_start3A_203 : memref<10000x128xf32, #tpu.memory_space<vmem_shared>>) offsets(%arg9 : memref<40xi32, #tpu.memory_space<vmem>>) semaphore(%dma_start3A_205 : memref<!tpu.dma_semaphore, #tpu.memory_space<semaphore_mem>>) {add = true}
      %dma_wait3A_206 = arith.constant 4 : i32
      %dma_wait3A_207 = tpu.memref_slice %arg2[%add3A_112] : memref<160000xi32, #tpu.memory_space<hbm>> -> memref<40xi32, #tpu.memory_space<hbm>>
      %dma_wait3A_208 = tpu.memref_slice %arg17[%dma_wait3A_206] : memref<15x!tpu.dma_semaphore, #tpu.memory_space<semaphore_mem>> -> memref<1x!tpu.dma_semaphore, #tpu.memory_space<semaphore_mem>>
      %dma_wait3A_209 = tpu.memref_squeeze %dma_wait3A_208 : memref<1x!tpu.dma_semaphore, #tpu.memory_space<semaphore_mem>> -> memref<!tpu.dma_semaphore, #tpu.memory_space<semaphore_mem>>
      %dma_wait3A_210 = tpu.memref_slice %arg2[%add3A_112] : memref<160000xi32, #tpu.memory_space<hbm>> -> memref<40xi32, #tpu.memory_space<hbm>>
      tpu.wait_dma2 semaphore(%dma_wait3A_209 : memref<!tpu.dma_semaphore, #tpu.memory_space<semaphore_mem>>) src(%dma_wait3A_210 : memref<40xi32, #tpu.memory_space<hbm>>) dst(%arg10 : memref<40xi32, #tpu.memory_space<vmem>>)
      %dma_wait3A_211 = arith.constant 9 : i32
      %dma_wait3A_212 = arith.constant 0 : i32
      %dma_wait3A_213 = tpu.memref_slice %arg3[%arg0, %add3A_112, %dma_wait3A_212] : memref<2x160000x128xf32, #tpu.memory_space<hbm>> -> memref<1x40x128xf32, #tpu.memory_space<hbm>>
      %dma_wait3A_214 = tpu.memref_squeeze %dma_wait3A_213 : memref<1x40x128xf32, #tpu.memory_space<hbm>> -> memref<40x128xf32, #tpu.memory_space<hbm>>
      %dma_wait3A_215 = tpu.memref_slice %arg17[%dma_wait3A_211] : memref<15x!tpu.dma_semaphore, #tpu.memory_space<semaphore_mem>> -> memref<1x!tpu.dma_semaphore, #tpu.memory_space<semaphore_mem>>
      %dma_wait3A_216 = tpu.memref_squeeze %dma_wait3A_215 : memref<1x!tpu.dma_semaphore, #tpu.memory_space<semaphore_mem>> -> memref<!tpu.dma_semaphore, #tpu.memory_space<semaphore_mem>>
      %dma_wait3A_217 = arith.constant 0 : i32
      %dma_wait3A_218 = tpu.memref_slice %arg3[%arg0, %add3A_112, %dma_wait3A_217] : memref<2x160000x128xf32, #tpu.memory_space<hbm>> -> memref<1x40x128xf32, #tpu.memory_space<hbm>>
      %dma_wait3A_219 = tpu.memref_squeeze %dma_wait3A_218 : memref<1x40x128xf32, #tpu.memory_space<hbm>> -> memref<40x128xf32, #tpu.memory_space<hbm>>
      tpu.wait_dma2 semaphore(%dma_wait3A_216 : memref<!tpu.dma_semaphore, #tpu.memory_space<semaphore_mem>>) src(%dma_wait3A_219 : memref<40x128xf32, #tpu.memory_space<hbm>>) dst(%arg15 : memref<40x128xf32, #tpu.memory_space<vmem>>)
      %dma_start3A_220 = arith.constant 14 : i32
      %dma_start3A_221 = arith.constant 0 : i32
      %dma_start3A_222 = arith.constant 0 : i32
      %dma_start3A_223 = tpu.memref_slice %arg16[%dma_start3A_221, %dma_start3A_222] : memref<10000x128xf32, #tpu.memory_space<vmem_shared>> -> memref<10000x128xf32, #tpu.memory_space<vmem_shared>>
      %dma_start3A_224 = tpu.memref_slice %arg17[%dma_start3A_220] : memref<15x!tpu.dma_semaphore, #tpu.memory_space<semaphore_mem>> -> memref<1x!tpu.dma_semaphore, #tpu.memory_space<semaphore_mem>>
      %dma_start3A_225 = tpu.memref_squeeze %dma_start3A_224 : memref<1x!tpu.dma_semaphore, #tpu.memory_space<semaphore_mem>> -> memref<!tpu.dma_semaphore, #tpu.memory_space<semaphore_mem>>
      tpu.enqueue_indirect_dma source(%arg15 : memref<40x128xf32, #tpu.memory_space<vmem>>) target(%dma_start3A_223 : memref<10000x128xf32, #tpu.memory_space<vmem_shared>>) offsets(%arg10 : memref<40xi32, #tpu.memory_space<vmem>>) semaphore(%dma_start3A_225 : memref<!tpu.dma_semaphore, #tpu.memory_space<semaphore_mem>>) {add = true}
      %dma_wait3A_226 = arith.constant 10 : i32
      %dma_wait3A_227 = arith.constant 0 : i32
      %dma_wait3A_228 = arith.constant 0 : i32
      %dma_wait3A_229 = tpu.memref_slice %arg16[%dma_wait3A_227, %dma_wait3A_228] : memref<10000x128xf32, #tpu.memory_space<vmem_shared>> -> memref<10000x128xf32, #tpu.memory_space<vmem_shared>>
      %dma_wait3A_230 = tpu.memref_slice %arg17[%dma_wait3A_226] : memref<15x!tpu.dma_semaphore, #tpu.memory_space<semaphore_mem>> -> memref<1x!tpu.dma_semaphore, #tpu.memory_space<semaphore_mem>>
      %dma_wait3A_231 = tpu.memref_squeeze %dma_wait3A_230 : memref<1x!tpu.dma_semaphore, #tpu.memory_space<semaphore_mem>> -> memref<!tpu.dma_semaphore, #tpu.memory_space<semaphore_mem>>
      tpu.wait_indirect_dma semaphore(%dma_wait3A_231 : memref<!tpu.dma_semaphore, #tpu.memory_space<semaphore_mem>>) src(%arg11 : memref<40x128xf32, #tpu.memory_space<vmem>>) dst(%dma_wait3A_229 : memref<10000x128xf32, #tpu.memory_space<vmem_shared>>)
      %dma_wait3A_232 = arith.constant 11 : i32
      %dma_wait3A_233 = arith.constant 0 : i32
      %dma_wait3A_234 = arith.constant 0 : i32
      %dma_wait3A_235 = tpu.memref_slice %arg16[%dma_wait3A_233, %dma_wait3A_234] : memref<10000x128xf32, #tpu.memory_space<vmem_shared>> -> memref<10000x128xf32, #tpu.memory_space<vmem_shared>>
      %dma_wait3A_236 = tpu.memref_slice %arg17[%dma_wait3A_232] : memref<15x!tpu.dma_semaphore, #tpu.memory_space<semaphore_mem>> -> memref<1x!tpu.dma_semaphore, #tpu.memory_space<semaphore_mem>>
      %dma_wait3A_237 = tpu.memref_squeeze %dma_wait3A_236 : memref<1x!tpu.dma_semaphore, #tpu.memory_space<semaphore_mem>> -> memref<!tpu.dma_semaphore, #tpu.memory_space<semaphore_mem>>
      tpu.wait_indirect_dma semaphore(%dma_wait3A_237 : memref<!tpu.dma_semaphore, #tpu.memory_space<semaphore_mem>>) src(%arg12 : memref<40x128xf32, #tpu.memory_space<vmem>>) dst(%dma_wait3A_235 : memref<10000x128xf32, #tpu.memory_space<vmem_shared>>)
      %dma_wait3A_238 = arith.constant 12 : i32
      %dma_wait3A_239 = arith.constant 0 : i32
      %dma_wait3A_240 = arith.constant 0 : i32
      %dma_wait3A_241 = tpu.memref_slice %arg16[%dma_wait3A_239, %dma_wait3A_240] : memref<10000x128xf32, #tpu.memory_space<vmem_shared>> -> memref<10000x128xf32, #tpu.memory_space<vmem_shared>>
      %dma_wait3A_242 = tpu.memref_slice %arg17[%dma_wait3A_238] : memref<15x!tpu.dma_semaphore, #tpu.memory_space<semaphore_mem>> -> memref<1x!tpu.dma_semaphore, #tpu.memory_space<semaphore_mem>>
      %dma_wait3A_243 = tpu.memref_squeeze %dma_wait3A_242 : memref<1x!tpu.dma_semaphore, #tpu.memory_space<semaphore_mem>> -> memref<!tpu.dma_semaphore, #tpu.memory_space<semaphore_mem>>
      tpu.wait_indirect_dma semaphore(%dma_wait3A_243 : memref<!tpu.dma_semaphore, #tpu.memory_space<semaphore_mem>>) src(%arg13 : memref<40x128xf32, #tpu.memory_space<vmem>>) dst(%dma_wait3A_241 : memref<10000x128xf32, #tpu.memory_space<vmem_shared>>)
      %dma_wait3A_244 = arith.constant 13 : i32
      %dma_wait3A_245 = arith.constant 0 : i32
      %dma_wait3A_246 = arith.constant 0 : i32
      %dma_wait3A_247 = tpu.memref_slice %arg16[%dma_wait3A_245, %dma_wait3A_246] : memref<10000x128xf32, #tpu.memory_space<vmem_shared>> -> memref<10000x128xf32, #tpu.memory_space<vmem_shared>>
      %dma_wait3A_248 = tpu.memref_slice %arg17[%dma_wait3A_244] : memref<15x!tpu.dma_semaphore, #tpu.memory_space<semaphore_mem>> -> memref<1x!tpu.dma_semaphore, #tpu.memory_space<semaphore_mem>>
      %dma_wait3A_249 = tpu.memref_squeeze %dma_wait3A_248 : memref<1x!tpu.dma_semaphore, #tpu.memory_space<semaphore_mem>> -> memref<!tpu.dma_semaphore, #tpu.memory_space<semaphore_mem>>
      tpu.wait_indirect_dma semaphore(%dma_wait3A_249 : memref<!tpu.dma_semaphore, #tpu.memory_space<semaphore_mem>>) src(%arg14 : memref<40x128xf32, #tpu.memory_space<vmem>>) dst(%dma_wait3A_247 : memref<10000x128xf32, #tpu.memory_space<vmem_shared>>)
      %dma_wait3A_250 = arith.constant 14 : i32
      %dma_wait3A_251 = arith.constant 0 : i32
      %dma_wait3A_252 = arith.constant 0 : i32
      %dma_wait3A_253 = tpu.memref_slice %arg16[%dma_wait3A_251, %dma_wait3A_252] : memref<10000x128xf32, #tpu.memory_space<vmem_shared>> -> memref<10000x128xf32, #tpu.memory_space<vmem_shared>>
      %dma_wait3A_254 = tpu.memref_slice %arg17[%dma_wait3A_250] : memref<15x!tpu.dma_semaphore, #tpu.memory_space<semaphore_mem>> -> memref<1x!tpu.dma_semaphore, #tpu.memory_space<semaphore_mem>>
      %dma_wait3A_255 = tpu.memref_squeeze %dma_wait3A_254 : memref<1x!tpu.dma_semaphore, #tpu.memory_space<semaphore_mem>> -> memref<!tpu.dma_semaphore, #tpu.memory_space<semaphore_mem>>
      tpu.wait_indirect_dma semaphore(%dma_wait3A_255 : memref<!tpu.dma_semaphore, #tpu.memory_space<semaphore_mem>>) src(%arg15 : memref<40x128xf32, #tpu.memory_space<vmem>>) dst(%dma_wait3A_253 : memref<10000x128xf32, #tpu.memory_space<vmem_shared>>)
    }
    %scan3A_11 = arith.constant 50 : i32
    %barrier3A_12 = arith.constant 0 : index
    tpu.barrier barrier_id(%barrier3A_12)
    %lt3A_13 = arith.constant 15 : i32
    %lt3A_14 = arith.cmpi slt, %arg1, %lt3A_13 : i32
    %convert_element_type3A_15 = arith.extui %lt3A_14 : i1 to i32
    %cond3A_16 = arith.constant 0 : i32
    %cond3A_17 = arith.cmpi ne, %convert_element_type3A_15, %cond3A_16 : i32
    scf.if %cond3A_17 {
      %mul3A_23 = arith.constant 624 : i32
      %mul3A_24 = arith.muli %arg1, %mul3A_23 : i32
      %mul3A_25 = arith.constant 624 : i32
      %mul3A_26 = arith.muli %arg1, %mul3A_25 : i32
      "tpu.region"() ({
        %run_scoped3A = tpu.sem_alloc : memref<!tpu.dma_semaphore, #tpu.memory_space<semaphore_mem>>
        %dma_start3A = arith.constant 0 : i32
        %dma_start3A_27 = tpu.memref_slice %arg5[%arg0, %mul3A_26, %dma_start3A] : memref<2x10000x128xf32, #tpu.memory_space<hbm>> -> memref<1x624x128xf32, #tpu.memory_space<hbm>>
        %dma_start3A_28 = tpu.memref_squeeze %dma_start3A_27 : memref<1x624x128xf32, #tpu.memory_space<hbm>> -> memref<624x128xf32, #tpu.memory_space<hbm>>
        %dma_start3A_29 = arith.constant 0 : i32
        %dma_start3A_30 = tpu.memref_slice %arg16[%mul3A_24, %dma_start3A_29] : memref<10000x128xf32, #tpu.memory_space<vmem_shared>> -> memref<624x128xf32, #tpu.memory_space<vmem_shared>>
        tpu.enqueue_dma source(%dma_start3A_30 : memref<624x128xf32, #tpu.memory_space<vmem_shared>>) target(%dma_start3A_28 : memref<624x128xf32, #tpu.memory_space<hbm>>) target_semaphore(%run_scoped3A : memref<!tpu.dma_semaphore, #tpu.memory_space<semaphore_mem>>)
        %dma_wait3A = arith.constant 0 : i32
        %dma_wait3A_31 = tpu.memref_slice %arg5[%arg0, %mul3A_26, %dma_wait3A] : memref<2x10000x128xf32, #tpu.memory_space<hbm>> -> memref<1x624x128xf32, #tpu.memory_space<hbm>>
        %dma_wait3A_32 = tpu.memref_squeeze %dma_wait3A_31 : memref<1x624x128xf32, #tpu.memory_space<hbm>> -> memref<624x128xf32, #tpu.memory_space<hbm>>
        %dma_wait3A_33 = arith.constant 0 : i32
        %dma_wait3A_34 = tpu.memref_slice %arg16[%mul3A_24, %dma_wait3A_33] : memref<10000x128xf32, #tpu.memory_space<vmem_shared>> -> memref<624x128xf32, #tpu.memory_space<vmem_shared>>
        tpu.wait_dma2 semaphore(%run_scoped3A : memref<!tpu.dma_semaphore, #tpu.memory_space<semaphore_mem>>) src(%dma_wait3A_34 : memref<624x128xf32, #tpu.memory_space<vmem_shared>>) dst(%dma_wait3A_32 : memref<624x128xf32, #tpu.memory_space<hbm>>)
        tpu.yield
      }) : () -> ()
    } else {
    }
    %eq3A_18 = arith.constant 15 : i32
    %eq3A_19 = arith.cmpi eq, %arg1, %eq3A_18 : i32
    %convert_element_type3A_20 = arith.extui %eq3A_19 : i1 to i32
    %cond3A_21 = arith.constant 0 : i32
    %cond3A_22 = arith.cmpi ne, %convert_element_type3A_20, %cond3A_21 : i32
    scf.if %cond3A_22 {
      "tpu.region"() ({
        %run_scoped3A = tpu.sem_alloc : memref<!tpu.dma_semaphore, #tpu.memory_space<semaphore_mem>>
        %dma_start3A = arith.constant 9360 : i32
        %dma_start3A_23 = arith.constant 0 : i32
        %dma_start3A_24 = tpu.memref_slice %arg5[%arg0, %dma_start3A, %dma_start3A_23] : memref<2x10000x128xf32, #tpu.memory_space<hbm>> -> memref<1x640x128xf32, #tpu.memory_space<hbm>>
        %dma_start3A_25 = tpu.memref_squeeze %dma_start3A_24 : memref<1x640x128xf32, #tpu.memory_space<hbm>> -> memref<640x128xf32, #tpu.memory_space<hbm>>
        %dma_start3A_26 = arith.constant 9360 : i32
        %dma_start3A_27 = arith.constant 0 : i32
        %dma_start3A_28 = tpu.memref_slice %arg16[%dma_start3A_26, %dma_start3A_27] : memref<10000x128xf32, #tpu.memory_space<vmem_shared>> -> memref<640x128xf32, #tpu.memory_space<vmem_shared>>
        tpu.enqueue_dma source(%dma_start3A_28 : memref<640x128xf32, #tpu.memory_space<vmem_shared>>) target(%dma_start3A_25 : memref<640x128xf32, #tpu.memory_space<hbm>>) target_semaphore(%run_scoped3A : memref<!tpu.dma_semaphore, #tpu.memory_space<semaphore_mem>>)
        %dma_wait3A = arith.constant 9360 : i32
        %dma_wait3A_29 = arith.constant 0 : i32
        %dma_wait3A_30 = tpu.memref_slice %arg5[%arg0, %dma_wait3A, %dma_wait3A_29] : memref<2x10000x128xf32, #tpu.memory_space<hbm>> -> memref<1x640x128xf32, #tpu.memory_space<hbm>>
        %dma_wait3A_31 = tpu.memref_squeeze %dma_wait3A_30 : memref<1x640x128xf32, #tpu.memory_space<hbm>> -> memref<640x128xf32, #tpu.memory_space<hbm>>
        %dma_wait3A_32 = arith.constant 9360 : i32
        %dma_wait3A_33 = arith.constant 0 : i32
        %dma_wait3A_34 = tpu.memref_slice %arg16[%dma_wait3A_32, %dma_wait3A_33] : memref<10000x128xf32, #tpu.memory_space<vmem_shared>> -> memref<640x128xf32, #tpu.memory_space<vmem_shared>>
        tpu.wait_dma2 semaphore(%run_scoped3A : memref<!tpu.dma_semaphore, #tpu.memory_space<semaphore_mem>>) src(%dma_wait3A_34 : memref<640x128xf32, #tpu.memory_space<vmem_shared>>) dst(%dma_wait3A_31 : memref<640x128xf32, #tpu.memory_space<hbm>>)
        tpu.yield
      }) : () -> ()
    } else {
    }
    return
  }
}

#map = affine_map<(d0, d1) -> (0)>
#map1 = affine_map<(d0, d1) -> (0, 0)>
#map2 = affine_map<(d0, d1) -> (0, 0, 0)>
module attributes {stable_mosaic.version = 14 : i64} {
  func.func @k(%arg0: i32, %arg1: i32, %arg2: memref<160000xi32, #tpu.memory_space<hbm>>, %arg3: memref<10000x128xf32, #tpu.memory_space<hbm>>, %arg4: memref<40x128xf32, #tpu.memory_space<hbm>>, %arg5: memref<2x10000x128xf32, #tpu.memory_space<hbm>>, %arg6: memref<40xi32, #tpu.memory_space<vmem>>, %arg7: memref<40xi32, #tpu.memory_space<vmem>>, %arg8: memref<40xi32, #tpu.memory_space<vmem>>, %arg9: memref<40xi32, #tpu.memory_space<vmem>>, %arg10: memref<40xi32, #tpu.memory_space<vmem>>, %arg11: memref<40x128xf32, #tpu.memory_space<vmem>>, %arg12: memref<10000x128xf32, #tpu.memory_space<vmem_shared>>, %arg13: memref<10x!tpu.dma_semaphore, #tpu.memory_space<semaphore_mem>>) attributes {dimension_semantics = [#tpu.dimension_semantics<core_parallel>, #tpu.dimension_semantics<subcore_parallel>], iteration_bounds = array<i64: 2, 16>, scalar_prefetch = 0 : i64, scratch_operands = 8 : i64, tpu.core_type = #tpu.core_type<sc_vector_subcore>, window_params = [{transform_indices = #map}, {transform_indices = #map1}, {transform_indices = #map1}, {transform_indices = #map2}]} {
    %lt3A = arith.constant 15 : i32
    %lt3A_0 = arith.cmpi slt, %arg1, %lt3A : i32
    %convert_element_type3A = arith.extui %lt3A_0 : i1 to i32
    %cond3A = arith.constant 0 : i32
    %cond3A_1 = arith.cmpi ne, %convert_element_type3A, %cond3A : i32
    scf.if %cond3A_1 {
      %mul3A_25 = arith.constant 624 : i32
      %mul3A_26 = arith.muli %arg1, %mul3A_25 : i32
      %mul3A_27 = arith.constant 624 : i32
      %mul3A_28 = arith.muli %arg1, %mul3A_27 : i32
      "tpu.region"() ({
        %run_scoped3A = tpu.sem_alloc : memref<!tpu.dma_semaphore, #tpu.memory_space<semaphore_mem>>
        %dma_start3A = arith.constant 0 : i32
        %dma_start3A_29 = tpu.memref_slice %arg12[%mul3A_28, %dma_start3A] : memref<10000x128xf32, #tpu.memory_space<vmem_shared>> -> memref<624x128xf32, #tpu.memory_space<vmem_shared>>
        %dma_start3A_30 = arith.constant 0 : i32
        %dma_start3A_31 = tpu.memref_slice %arg3[%mul3A_26, %dma_start3A_30] : memref<10000x128xf32, #tpu.memory_space<hbm>> -> memref<624x128xf32, #tpu.memory_space<hbm>>
        tpu.enqueue_dma source(%dma_start3A_31 : memref<624x128xf32, #tpu.memory_space<hbm>>) target(%dma_start3A_29 : memref<624x128xf32, #tpu.memory_space<vmem_shared>>) target_semaphore(%run_scoped3A : memref<!tpu.dma_semaphore, #tpu.memory_space<semaphore_mem>>)
        %dma_wait3A = arith.constant 0 : i32
        %dma_wait3A_32 = tpu.memref_slice %arg12[%mul3A_28, %dma_wait3A] : memref<10000x128xf32, #tpu.memory_space<vmem_shared>> -> memref<624x128xf32, #tpu.memory_space<vmem_shared>>
        %dma_wait3A_33 = arith.constant 0 : i32
        %dma_wait3A_34 = tpu.memref_slice %arg3[%mul3A_26, %dma_wait3A_33] : memref<10000x128xf32, #tpu.memory_space<hbm>> -> memref<624x128xf32, #tpu.memory_space<hbm>>
        tpu.wait_dma2 semaphore(%run_scoped3A : memref<!tpu.dma_semaphore, #tpu.memory_space<semaphore_mem>>) src(%dma_wait3A_34 : memref<624x128xf32, #tpu.memory_space<hbm>>) dst(%dma_wait3A_32 : memref<624x128xf32, #tpu.memory_space<vmem_shared>>)
        tpu.yield
      }) : () -> ()
    } else {
    }
    %eq3A = arith.constant 15 : i32
    %eq3A_2 = arith.cmpi eq, %arg1, %eq3A : i32
    %convert_element_type3A_3 = arith.extui %eq3A_2 : i1 to i32
    %cond3A_4 = arith.constant 0 : i32
    %cond3A_5 = arith.cmpi ne, %convert_element_type3A_3, %cond3A_4 : i32
    scf.if %cond3A_5 {
      "tpu.region"() ({
        %run_scoped3A = tpu.sem_alloc : memref<!tpu.dma_semaphore, #tpu.memory_space<semaphore_mem>>
        %dma_start3A = arith.constant 9360 : i32
        %dma_start3A_25 = arith.constant 0 : i32
        %dma_start3A_26 = tpu.memref_slice %arg12[%dma_start3A, %dma_start3A_25] : memref<10000x128xf32, #tpu.memory_space<vmem_shared>> -> memref<640x128xf32, #tpu.memory_space<vmem_shared>>
        %dma_start3A_27 = arith.constant 9360 : i32
        %dma_start3A_28 = arith.constant 0 : i32
        %dma_start3A_29 = tpu.memref_slice %arg3[%dma_start3A_27, %dma_start3A_28] : memref<10000x128xf32, #tpu.memory_space<hbm>> -> memref<640x128xf32, #tpu.memory_space<hbm>>
        tpu.enqueue_dma source(%dma_start3A_29 : memref<640x128xf32, #tpu.memory_space<hbm>>) target(%dma_start3A_26 : memref<640x128xf32, #tpu.memory_space<vmem_shared>>) target_semaphore(%run_scoped3A : memref<!tpu.dma_semaphore, #tpu.memory_space<semaphore_mem>>)
        %dma_wait3A = arith.constant 9360 : i32
        %dma_wait3A_30 = arith.constant 0 : i32
        %dma_wait3A_31 = tpu.memref_slice %arg12[%dma_wait3A, %dma_wait3A_30] : memref<10000x128xf32, #tpu.memory_space<vmem_shared>> -> memref<640x128xf32, #tpu.memory_space<vmem_shared>>
        %dma_wait3A_32 = arith.constant 9360 : i32
        %dma_wait3A_33 = arith.constant 0 : i32
        %dma_wait3A_34 = tpu.memref_slice %arg3[%dma_wait3A_32, %dma_wait3A_33] : memref<10000x128xf32, #tpu.memory_space<hbm>> -> memref<640x128xf32, #tpu.memory_space<hbm>>
        tpu.wait_dma2 semaphore(%run_scoped3A : memref<!tpu.dma_semaphore, #tpu.memory_space<semaphore_mem>>) src(%dma_wait3A_34 : memref<640x128xf32, #tpu.memory_space<hbm>>) dst(%dma_wait3A_31 : memref<640x128xf32, #tpu.memory_space<vmem_shared>>)
        tpu.yield
      }) : () -> ()
    } else {
    }
    "tpu.region"() ({
      %run_scoped3A = tpu.sem_alloc : memref<!tpu.dma_semaphore, #tpu.memory_space<semaphore_mem>>
      tpu.enqueue_dma source(%arg4 : memref<40x128xf32, #tpu.memory_space<hbm>>) target(%arg11 : memref<40x128xf32, #tpu.memory_space<vmem>>) target_semaphore(%run_scoped3A : memref<!tpu.dma_semaphore, #tpu.memory_space<semaphore_mem>>)
      tpu.wait_dma2 semaphore(%run_scoped3A : memref<!tpu.dma_semaphore, #tpu.memory_space<semaphore_mem>>) src(%arg4 : memref<40x128xf32, #tpu.memory_space<hbm>>) dst(%arg11 : memref<40x128xf32, #tpu.memory_space<vmem>>)
      tpu.yield
    }) : () -> ()
    %barrier3A = arith.constant 0 : index
    tpu.barrier barrier_id(%barrier3A)
    %mul3A = arith.constant 80000 : i32
    %mul3A_6 = arith.muli %arg0, %mul3A : i32
    %mul3A_7 = arith.constant 5000 : i32
    %mul3A_8 = arith.muli %arg1, %mul3A_7 : i32
    %add3A = arith.addi %mul3A_6, %mul3A_8 : i32
    %scan3A = arith.constant 0 : i32
    %scan3A_9 = arith.constant 0 : i32
    %scan3A_10 = arith.constant 25 : i32
    %scan3A_11 = arith.addi %scan3A_9, %scan3A_10 : i32
    %scan3A_12 = arith.constant 1 : i32
    scf.for %scan3A_25 = %scan3A_9 to %scan3A_11 step %scan3A_12  : i32 {
      %mul3A_26 = arith.constant 5 : i32
      %mul3A_27 = arith.muli %scan3A_25, %mul3A_26 : i32
      %add3A_28 = arith.constant 0 : i32
      %add3A_29 = arith.addi %mul3A_27, %add3A_28 : i32
      %mul3A_30 = arith.constant 40 : i32
      %mul3A_31 = arith.muli %add3A_29, %mul3A_30 : i32
      %add3A_32 = arith.addi %add3A, %mul3A_31 : i32
      %dma_start3A = arith.constant 0 : i32
      %dma_start3A_33 = tpu.memref_slice %arg2[%add3A_32] : memref<160000xi32, #tpu.memory_space<hbm>> -> memref<40xi32, #tpu.memory_space<hbm>>
      %dma_start3A_34 = tpu.memref_slice %arg13[%dma_start3A] : memref<10x!tpu.dma_semaphore, #tpu.memory_space<semaphore_mem>> -> memref<1x!tpu.dma_semaphore, #tpu.memory_space<semaphore_mem>>
      %dma_start3A_35 = tpu.memref_squeeze %dma_start3A_34 : memref<1x!tpu.dma_semaphore, #tpu.memory_space<semaphore_mem>> -> memref<!tpu.dma_semaphore, #tpu.memory_space<semaphore_mem>>
      %dma_start3A_36 = tpu.memref_slice %arg2[%add3A_32] : memref<160000xi32, #tpu.memory_space<hbm>> -> memref<40xi32, #tpu.memory_space<hbm>>
      tpu.enqueue_dma source(%dma_start3A_36 : memref<40xi32, #tpu.memory_space<hbm>>) target(%arg6 : memref<40xi32, #tpu.memory_space<vmem>>) target_semaphore(%dma_start3A_35 : memref<!tpu.dma_semaphore, #tpu.memory_space<semaphore_mem>>)
      %mul3A_37 = arith.constant 5 : i32
      %mul3A_38 = arith.muli %scan3A_25, %mul3A_37 : i32
      %add3A_39 = arith.constant 1 : i32
      %add3A_40 = arith.addi %mul3A_38, %add3A_39 : i32
      %mul3A_41 = arith.constant 40 : i32
      %mul3A_42 = arith.muli %add3A_40, %mul3A_41 : i32
      %add3A_43 = arith.addi %add3A, %mul3A_42 : i32
      %dma_start3A_44 = arith.constant 1 : i32
      %dma_start3A_45 = tpu.memref_slice %arg2[%add3A_43] : memref<160000xi32, #tpu.memory_space<hbm>> -> memref<40xi32, #tpu.memory_space<hbm>>
      %dma_start3A_46 = tpu.memref_slice %arg13[%dma_start3A_44] : memref<10x!tpu.dma_semaphore, #tpu.memory_space<semaphore_mem>> -> memref<1x!tpu.dma_semaphore, #tpu.memory_space<semaphore_mem>>
      %dma_start3A_47 = tpu.memref_squeeze %dma_start3A_46 : memref<1x!tpu.dma_semaphore, #tpu.memory_space<semaphore_mem>> -> memref<!tpu.dma_semaphore, #tpu.memory_space<semaphore_mem>>
      %dma_start3A_48 = tpu.memref_slice %arg2[%add3A_43] : memref<160000xi32, #tpu.memory_space<hbm>> -> memref<40xi32, #tpu.memory_space<hbm>>
      tpu.enqueue_dma source(%dma_start3A_48 : memref<40xi32, #tpu.memory_space<hbm>>) target(%arg7 : memref<40xi32, #tpu.memory_space<vmem>>) target_semaphore(%dma_start3A_47 : memref<!tpu.dma_semaphore, #tpu.memory_space<semaphore_mem>>)
      %mul3A_49 = arith.constant 5 : i32
      %mul3A_50 = arith.muli %scan3A_25, %mul3A_49 : i32
      %add3A_51 = arith.constant 2 : i32
      %add3A_52 = arith.addi %mul3A_50, %add3A_51 : i32
      %mul3A_53 = arith.constant 40 : i32
      %mul3A_54 = arith.muli %add3A_52, %mul3A_53 : i32
      %add3A_55 = arith.addi %add3A, %mul3A_54 : i32
      %dma_start3A_56 = arith.constant 2 : i32
      %dma_start3A_57 = tpu.memref_slice %arg2[%add3A_55] : memref<160000xi32, #tpu.memory_space<hbm>> -> memref<40xi32, #tpu.memory_space<hbm>>
      %dma_start3A_58 = tpu.memref_slice %arg13[%dma_start3A_56] : memref<10x!tpu.dma_semaphore, #tpu.memory_space<semaphore_mem>> -> memref<1x!tpu.dma_semaphore, #tpu.memory_space<semaphore_mem>>
      %dma_start3A_59 = tpu.memref_squeeze %dma_start3A_58 : memref<1x!tpu.dma_semaphore, #tpu.memory_space<semaphore_mem>> -> memref<!tpu.dma_semaphore, #tpu.memory_space<semaphore_mem>>
      %dma_start3A_60 = tpu.memref_slice %arg2[%add3A_55] : memref<160000xi32, #tpu.memory_space<hbm>> -> memref<40xi32, #tpu.memory_space<hbm>>
      tpu.enqueue_dma source(%dma_start3A_60 : memref<40xi32, #tpu.memory_space<hbm>>) target(%arg8 : memref<40xi32, #tpu.memory_space<vmem>>) target_semaphore(%dma_start3A_59 : memref<!tpu.dma_semaphore, #tpu.memory_space<semaphore_mem>>)
      %mul3A_61 = arith.constant 5 : i32
      %mul3A_62 = arith.muli %scan3A_25, %mul3A_61 : i32
      %add3A_63 = arith.constant 3 : i32
      %add3A_64 = arith.addi %mul3A_62, %add3A_63 : i32
      %mul3A_65 = arith.constant 40 : i32
      %mul3A_66 = arith.muli %add3A_64, %mul3A_65 : i32
      %add3A_67 = arith.addi %add3A, %mul3A_66 : i32
      %dma_start3A_68 = arith.constant 3 : i32
      %dma_start3A_69 = tpu.memref_slice %arg2[%add3A_67] : memref<160000xi32, #tpu.memory_space<hbm>> -> memref<40xi32, #tpu.memory_space<hbm>>
      %dma_start3A_70 = tpu.memref_slice %arg13[%dma_start3A_68] : memref<10x!tpu.dma_semaphore, #tpu.memory_space<semaphore_mem>> -> memref<1x!tpu.dma_semaphore, #tpu.memory_space<semaphore_mem>>
      %dma_start3A_71 = tpu.memref_squeeze %dma_start3A_70 : memref<1x!tpu.dma_semaphore, #tpu.memory_space<semaphore_mem>> -> memref<!tpu.dma_semaphore, #tpu.memory_space<semaphore_mem>>
      %dma_start3A_72 = tpu.memref_slice %arg2[%add3A_67] : memref<160000xi32, #tpu.memory_space<hbm>> -> memref<40xi32, #tpu.memory_space<hbm>>
      tpu.enqueue_dma source(%dma_start3A_72 : memref<40xi32, #tpu.memory_space<hbm>>) target(%arg9 : memref<40xi32, #tpu.memory_space<vmem>>) target_semaphore(%dma_start3A_71 : memref<!tpu.dma_semaphore, #tpu.memory_space<semaphore_mem>>)
      %mul3A_73 = arith.constant 5 : i32
      %mul3A_74 = arith.muli %scan3A_25, %mul3A_73 : i32
      %add3A_75 = arith.constant 4 : i32
      %add3A_76 = arith.addi %mul3A_74, %add3A_75 : i32
      %mul3A_77 = arith.constant 40 : i32
      %mul3A_78 = arith.muli %add3A_76, %mul3A_77 : i32
      %add3A_79 = arith.addi %add3A, %mul3A_78 : i32
      %dma_start3A_80 = arith.constant 4 : i32
      %dma_start3A_81 = tpu.memref_slice %arg2[%add3A_79] : memref<160000xi32, #tpu.memory_space<hbm>> -> memref<40xi32, #tpu.memory_space<hbm>>
      %dma_start3A_82 = tpu.memref_slice %arg13[%dma_start3A_80] : memref<10x!tpu.dma_semaphore, #tpu.memory_space<semaphore_mem>> -> memref<1x!tpu.dma_semaphore, #tpu.memory_space<semaphore_mem>>
      %dma_start3A_83 = tpu.memref_squeeze %dma_start3A_82 : memref<1x!tpu.dma_semaphore, #tpu.memory_space<semaphore_mem>> -> memref<!tpu.dma_semaphore, #tpu.memory_space<semaphore_mem>>
      %dma_start3A_84 = tpu.memref_slice %arg2[%add3A_79] : memref<160000xi32, #tpu.memory_space<hbm>> -> memref<40xi32, #tpu.memory_space<hbm>>
      tpu.enqueue_dma source(%dma_start3A_84 : memref<40xi32, #tpu.memory_space<hbm>>) target(%arg10 : memref<40xi32, #tpu.memory_space<vmem>>) target_semaphore(%dma_start3A_83 : memref<!tpu.dma_semaphore, #tpu.memory_space<semaphore_mem>>)
      %dma_wait3A = arith.constant 0 : i32
      %dma_wait3A_85 = tpu.memref_slice %arg2[%add3A_32] : memref<160000xi32, #tpu.memory_space<hbm>> -> memref<40xi32, #tpu.memory_space<hbm>>
      %dma_wait3A_86 = tpu.memref_slice %arg13[%dma_wait3A] : memref<10x!tpu.dma_semaphore, #tpu.memory_space<semaphore_mem>> -> memref<1x!tpu.dma_semaphore, #tpu.memory_space<semaphore_mem>>
      %dma_wait3A_87 = tpu.memref_squeeze %dma_wait3A_86 : memref<1x!tpu.dma_semaphore, #tpu.memory_space<semaphore_mem>> -> memref<!tpu.dma_semaphore, #tpu.memory_space<semaphore_mem>>
      %dma_wait3A_88 = tpu.memref_slice %arg2[%add3A_32] : memref<160000xi32, #tpu.memory_space<hbm>> -> memref<40xi32, #tpu.memory_space<hbm>>
      tpu.wait_dma2 semaphore(%dma_wait3A_87 : memref<!tpu.dma_semaphore, #tpu.memory_space<semaphore_mem>>) src(%dma_wait3A_88 : memref<40xi32, #tpu.memory_space<hbm>>) dst(%arg6 : memref<40xi32, #tpu.memory_space<vmem>>)
      %dma_start3A_89 = arith.constant 5 : i32
      %dma_start3A_90 = arith.constant 0 : i32
      %dma_start3A_91 = arith.constant 0 : i32
      %dma_start3A_92 = tpu.memref_slice %arg12[%dma_start3A_90, %dma_start3A_91] : memref<10000x128xf32, #tpu.memory_space<vmem_shared>> -> memref<10000x128xf32, #tpu.memory_space<vmem_shared>>
      %dma_start3A_93 = tpu.memref_slice %arg13[%dma_start3A_89] : memref<10x!tpu.dma_semaphore, #tpu.memory_space<semaphore_mem>> -> memref<1x!tpu.dma_semaphore, #tpu.memory_space<semaphore_mem>>
      %dma_start3A_94 = tpu.memref_squeeze %dma_start3A_93 : memref<1x!tpu.dma_semaphore, #tpu.memory_space<semaphore_mem>> -> memref<!tpu.dma_semaphore, #tpu.memory_space<semaphore_mem>>
      tpu.enqueue_indirect_dma source(%arg11 : memref<40x128xf32, #tpu.memory_space<vmem>>) target(%dma_start3A_92 : memref<10000x128xf32, #tpu.memory_space<vmem_shared>>) offsets(%arg6 : memref<40xi32, #tpu.memory_space<vmem>>) semaphore(%dma_start3A_94 : memref<!tpu.dma_semaphore, #tpu.memory_space<semaphore_mem>>) {add = true}
      %dma_wait3A_95 = arith.constant 1 : i32
      %dma_wait3A_96 = tpu.memref_slice %arg2[%add3A_43] : memref<160000xi32, #tpu.memory_space<hbm>> -> memref<40xi32, #tpu.memory_space<hbm>>
      %dma_wait3A_97 = tpu.memref_slice %arg13[%dma_wait3A_95] : memref<10x!tpu.dma_semaphore, #tpu.memory_space<semaphore_mem>> -> memref<1x!tpu.dma_semaphore, #tpu.memory_space<semaphore_mem>>
      %dma_wait3A_98 = tpu.memref_squeeze %dma_wait3A_97 : memref<1x!tpu.dma_semaphore, #tpu.memory_space<semaphore_mem>> -> memref<!tpu.dma_semaphore, #tpu.memory_space<semaphore_mem>>
      %dma_wait3A_99 = tpu.memref_slice %arg2[%add3A_43] : memref<160000xi32, #tpu.memory_space<hbm>> -> memref<40xi32, #tpu.memory_space<hbm>>
      tpu.wait_dma2 semaphore(%dma_wait3A_98 : memref<!tpu.dma_semaphore, #tpu.memory_space<semaphore_mem>>) src(%dma_wait3A_99 : memref<40xi32, #tpu.memory_space<hbm>>) dst(%arg7 : memref<40xi32, #tpu.memory_space<vmem>>)
      %dma_start3A_100 = arith.constant 6 : i32
      %dma_start3A_101 = arith.constant 0 : i32
      %dma_start3A_102 = arith.constant 0 : i32
      %dma_start3A_103 = tpu.memref_slice %arg12[%dma_start3A_101, %dma_start3A_102] : memref<10000x128xf32, #tpu.memory_space<vmem_shared>> -> memref<10000x128xf32, #tpu.memory_space<vmem_shared>>
      %dma_start3A_104 = tpu.memref_slice %arg13[%dma_start3A_100] : memref<10x!tpu.dma_semaphore, #tpu.memory_space<semaphore_mem>> -> memref<1x!tpu.dma_semaphore, #tpu.memory_space<semaphore_mem>>
      %dma_start3A_105 = tpu.memref_squeeze %dma_start3A_104 : memref<1x!tpu.dma_semaphore, #tpu.memory_space<semaphore_mem>> -> memref<!tpu.dma_semaphore, #tpu.memory_space<semaphore_mem>>
      tpu.enqueue_indirect_dma source(%arg11 : memref<40x128xf32, #tpu.memory_space<vmem>>) target(%dma_start3A_103 : memref<10000x128xf32, #tpu.memory_space<vmem_shared>>) offsets(%arg7 : memref<40xi32, #tpu.memory_space<vmem>>) semaphore(%dma_start3A_105 : memref<!tpu.dma_semaphore, #tpu.memory_space<semaphore_mem>>) {add = true}
      %dma_wait3A_106 = arith.constant 2 : i32
      %dma_wait3A_107 = tpu.memref_slice %arg2[%add3A_55] : memref<160000xi32, #tpu.memory_space<hbm>> -> memref<40xi32, #tpu.memory_space<hbm>>
      %dma_wait3A_108 = tpu.memref_slice %arg13[%dma_wait3A_106] : memref<10x!tpu.dma_semaphore, #tpu.memory_space<semaphore_mem>> -> memref<1x!tpu.dma_semaphore, #tpu.memory_space<semaphore_mem>>
      %dma_wait3A_109 = tpu.memref_squeeze %dma_wait3A_108 : memref<1x!tpu.dma_semaphore, #tpu.memory_space<semaphore_mem>> -> memref<!tpu.dma_semaphore, #tpu.memory_space<semaphore_mem>>
      %dma_wait3A_110 = tpu.memref_slice %arg2[%add3A_55] : memref<160000xi32, #tpu.memory_space<hbm>> -> memref<40xi32, #tpu.memory_space<hbm>>
      tpu.wait_dma2 semaphore(%dma_wait3A_109 : memref<!tpu.dma_semaphore, #tpu.memory_space<semaphore_mem>>) src(%dma_wait3A_110 : memref<40xi32, #tpu.memory_space<hbm>>) dst(%arg8 : memref<40xi32, #tpu.memory_space<vmem>>)
      %dma_start3A_111 = arith.constant 7 : i32
      %dma_start3A_112 = arith.constant 0 : i32
      %dma_start3A_113 = arith.constant 0 : i32
      %dma_start3A_114 = tpu.memref_slice %arg12[%dma_start3A_112, %dma_start3A_113] : memref<10000x128xf32, #tpu.memory_space<vmem_shared>> -> memref<10000x128xf32, #tpu.memory_space<vmem_shared>>
      %dma_start3A_115 = tpu.memref_slice %arg13[%dma_start3A_111] : memref<10x!tpu.dma_semaphore, #tpu.memory_space<semaphore_mem>> -> memref<1x!tpu.dma_semaphore, #tpu.memory_space<semaphore_mem>>
      %dma_start3A_116 = tpu.memref_squeeze %dma_start3A_115 : memref<1x!tpu.dma_semaphore, #tpu.memory_space<semaphore_mem>> -> memref<!tpu.dma_semaphore, #tpu.memory_space<semaphore_mem>>
      tpu.enqueue_indirect_dma source(%arg11 : memref<40x128xf32, #tpu.memory_space<vmem>>) target(%dma_start3A_114 : memref<10000x128xf32, #tpu.memory_space<vmem_shared>>) offsets(%arg8 : memref<40xi32, #tpu.memory_space<vmem>>) semaphore(%dma_start3A_116 : memref<!tpu.dma_semaphore, #tpu.memory_space<semaphore_mem>>) {add = true}
      %dma_wait3A_117 = arith.constant 3 : i32
      %dma_wait3A_118 = tpu.memref_slice %arg2[%add3A_67] : memref<160000xi32, #tpu.memory_space<hbm>> -> memref<40xi32, #tpu.memory_space<hbm>>
      %dma_wait3A_119 = tpu.memref_slice %arg13[%dma_wait3A_117] : memref<10x!tpu.dma_semaphore, #tpu.memory_space<semaphore_mem>> -> memref<1x!tpu.dma_semaphore, #tpu.memory_space<semaphore_mem>>
      %dma_wait3A_120 = tpu.memref_squeeze %dma_wait3A_119 : memref<1x!tpu.dma_semaphore, #tpu.memory_space<semaphore_mem>> -> memref<!tpu.dma_semaphore, #tpu.memory_space<semaphore_mem>>
      %dma_wait3A_121 = tpu.memref_slice %arg2[%add3A_67] : memref<160000xi32, #tpu.memory_space<hbm>> -> memref<40xi32, #tpu.memory_space<hbm>>
      tpu.wait_dma2 semaphore(%dma_wait3A_120 : memref<!tpu.dma_semaphore, #tpu.memory_space<semaphore_mem>>) src(%dma_wait3A_121 : memref<40xi32, #tpu.memory_space<hbm>>) dst(%arg9 : memref<40xi32, #tpu.memory_space<vmem>>)
      %dma_start3A_122 = arith.constant 8 : i32
      %dma_start3A_123 = arith.constant 0 : i32
      %dma_start3A_124 = arith.constant 0 : i32
      %dma_start3A_125 = tpu.memref_slice %arg12[%dma_start3A_123, %dma_start3A_124] : memref<10000x128xf32, #tpu.memory_space<vmem_shared>> -> memref<10000x128xf32, #tpu.memory_space<vmem_shared>>
      %dma_start3A_126 = tpu.memref_slice %arg13[%dma_start3A_122] : memref<10x!tpu.dma_semaphore, #tpu.memory_space<semaphore_mem>> -> memref<1x!tpu.dma_semaphore, #tpu.memory_space<semaphore_mem>>
      %dma_start3A_127 = tpu.memref_squeeze %dma_start3A_126 : memref<1x!tpu.dma_semaphore, #tpu.memory_space<semaphore_mem>> -> memref<!tpu.dma_semaphore, #tpu.memory_space<semaphore_mem>>
      tpu.enqueue_indirect_dma source(%arg11 : memref<40x128xf32, #tpu.memory_space<vmem>>) target(%dma_start3A_125 : memref<10000x128xf32, #tpu.memory_space<vmem_shared>>) offsets(%arg9 : memref<40xi32, #tpu.memory_space<vmem>>) semaphore(%dma_start3A_127 : memref<!tpu.dma_semaphore, #tpu.memory_space<semaphore_mem>>) {add = true}
      %dma_wait3A_128 = arith.constant 4 : i32
      %dma_wait3A_129 = tpu.memref_slice %arg2[%add3A_79] : memref<160000xi32, #tpu.memory_space<hbm>> -> memref<40xi32, #tpu.memory_space<hbm>>
      %dma_wait3A_130 = tpu.memref_slice %arg13[%dma_wait3A_128] : memref<10x!tpu.dma_semaphore, #tpu.memory_space<semaphore_mem>> -> memref<1x!tpu.dma_semaphore, #tpu.memory_space<semaphore_mem>>
      %dma_wait3A_131 = tpu.memref_squeeze %dma_wait3A_130 : memref<1x!tpu.dma_semaphore, #tpu.memory_space<semaphore_mem>> -> memref<!tpu.dma_semaphore, #tpu.memory_space<semaphore_mem>>
      %dma_wait3A_132 = tpu.memref_slice %arg2[%add3A_79] : memref<160000xi32, #tpu.memory_space<hbm>> -> memref<40xi32, #tpu.memory_space<hbm>>
      tpu.wait_dma2 semaphore(%dma_wait3A_131 : memref<!tpu.dma_semaphore, #tpu.memory_space<semaphore_mem>>) src(%dma_wait3A_132 : memref<40xi32, #tpu.memory_space<hbm>>) dst(%arg10 : memref<40xi32, #tpu.memory_space<vmem>>)
      %dma_start3A_133 = arith.constant 9 : i32
      %dma_start3A_134 = arith.constant 0 : i32
      %dma_start3A_135 = arith.constant 0 : i32
      %dma_start3A_136 = tpu.memref_slice %arg12[%dma_start3A_134, %dma_start3A_135] : memref<10000x128xf32, #tpu.memory_space<vmem_shared>> -> memref<10000x128xf32, #tpu.memory_space<vmem_shared>>
      %dma_start3A_137 = tpu.memref_slice %arg13[%dma_start3A_133] : memref<10x!tpu.dma_semaphore, #tpu.memory_space<semaphore_mem>> -> memref<1x!tpu.dma_semaphore, #tpu.memory_space<semaphore_mem>>
      %dma_start3A_138 = tpu.memref_squeeze %dma_start3A_137 : memref<1x!tpu.dma_semaphore, #tpu.memory_space<semaphore_mem>> -> memref<!tpu.dma_semaphore, #tpu.memory_space<semaphore_mem>>
      tpu.enqueue_indirect_dma source(%arg11 : memref<40x128xf32, #tpu.memory_space<vmem>>) target(%dma_start3A_136 : memref<10000x128xf32, #tpu.memory_space<vmem_shared>>) offsets(%arg10 : memref<40xi32, #tpu.memory_space<vmem>>) semaphore(%dma_start3A_138 : memref<!tpu.dma_semaphore, #tpu.memory_space<semaphore_mem>>) {add = true}
      %dma_wait3A_139 = arith.constant 5 : i32
      %dma_wait3A_140 = arith.constant 0 : i32
      %dma_wait3A_141 = arith.constant 0 : i32
      %dma_wait3A_142 = tpu.memref_slice %arg12[%dma_wait3A_140, %dma_wait3A_141] : memref<10000x128xf32, #tpu.memory_space<vmem_shared>> -> memref<10000x128xf32, #tpu.memory_space<vmem_shared>>
      %dma_wait3A_143 = tpu.memref_slice %arg13[%dma_wait3A_139] : memref<10x!tpu.dma_semaphore, #tpu.memory_space<semaphore_mem>> -> memref<1x!tpu.dma_semaphore, #tpu.memory_space<semaphore_mem>>
      %dma_wait3A_144 = tpu.memref_squeeze %dma_wait3A_143 : memref<1x!tpu.dma_semaphore, #tpu.memory_space<semaphore_mem>> -> memref<!tpu.dma_semaphore, #tpu.memory_space<semaphore_mem>>
      tpu.wait_indirect_dma semaphore(%dma_wait3A_144 : memref<!tpu.dma_semaphore, #tpu.memory_space<semaphore_mem>>) src(%arg11 : memref<40x128xf32, #tpu.memory_space<vmem>>) dst(%dma_wait3A_142 : memref<10000x128xf32, #tpu.memory_space<vmem_shared>>)
      %dma_wait3A_145 = arith.constant 6 : i32
      %dma_wait3A_146 = arith.constant 0 : i32
      %dma_wait3A_147 = arith.constant 0 : i32
      %dma_wait3A_148 = tpu.memref_slice %arg12[%dma_wait3A_146, %dma_wait3A_147] : memref<10000x128xf32, #tpu.memory_space<vmem_shared>> -> memref<10000x128xf32, #tpu.memory_space<vmem_shared>>
      %dma_wait3A_149 = tpu.memref_slice %arg13[%dma_wait3A_145] : memref<10x!tpu.dma_semaphore, #tpu.memory_space<semaphore_mem>> -> memref<1x!tpu.dma_semaphore, #tpu.memory_space<semaphore_mem>>
      %dma_wait3A_150 = tpu.memref_squeeze %dma_wait3A_149 : memref<1x!tpu.dma_semaphore, #tpu.memory_space<semaphore_mem>> -> memref<!tpu.dma_semaphore, #tpu.memory_space<semaphore_mem>>
      tpu.wait_indirect_dma semaphore(%dma_wait3A_150 : memref<!tpu.dma_semaphore, #tpu.memory_space<semaphore_mem>>) src(%arg11 : memref<40x128xf32, #tpu.memory_space<vmem>>) dst(%dma_wait3A_148 : memref<10000x128xf32, #tpu.memory_space<vmem_shared>>)
      %dma_wait3A_151 = arith.constant 7 : i32
      %dma_wait3A_152 = arith.constant 0 : i32
      %dma_wait3A_153 = arith.constant 0 : i32
      %dma_wait3A_154 = tpu.memref_slice %arg12[%dma_wait3A_152, %dma_wait3A_153] : memref<10000x128xf32, #tpu.memory_space<vmem_shared>> -> memref<10000x128xf32, #tpu.memory_space<vmem_shared>>
      %dma_wait3A_155 = tpu.memref_slice %arg13[%dma_wait3A_151] : memref<10x!tpu.dma_semaphore, #tpu.memory_space<semaphore_mem>> -> memref<1x!tpu.dma_semaphore, #tpu.memory_space<semaphore_mem>>
      %dma_wait3A_156 = tpu.memref_squeeze %dma_wait3A_155 : memref<1x!tpu.dma_semaphore, #tpu.memory_space<semaphore_mem>> -> memref<!tpu.dma_semaphore, #tpu.memory_space<semaphore_mem>>
      tpu.wait_indirect_dma semaphore(%dma_wait3A_156 : memref<!tpu.dma_semaphore, #tpu.memory_space<semaphore_mem>>) src(%arg11 : memref<40x128xf32, #tpu.memory_space<vmem>>) dst(%dma_wait3A_154 : memref<10000x128xf32, #tpu.memory_space<vmem_shared>>)
      %dma_wait3A_157 = arith.constant 8 : i32
      %dma_wait3A_158 = arith.constant 0 : i32
      %dma_wait3A_159 = arith.constant 0 : i32
      %dma_wait3A_160 = tpu.memref_slice %arg12[%dma_wait3A_158, %dma_wait3A_159] : memref<10000x128xf32, #tpu.memory_space<vmem_shared>> -> memref<10000x128xf32, #tpu.memory_space<vmem_shared>>
      %dma_wait3A_161 = tpu.memref_slice %arg13[%dma_wait3A_157] : memref<10x!tpu.dma_semaphore, #tpu.memory_space<semaphore_mem>> -> memref<1x!tpu.dma_semaphore, #tpu.memory_space<semaphore_mem>>
      %dma_wait3A_162 = tpu.memref_squeeze %dma_wait3A_161 : memref<1x!tpu.dma_semaphore, #tpu.memory_space<semaphore_mem>> -> memref<!tpu.dma_semaphore, #tpu.memory_space<semaphore_mem>>
      tpu.wait_indirect_dma semaphore(%dma_wait3A_162 : memref<!tpu.dma_semaphore, #tpu.memory_space<semaphore_mem>>) src(%arg11 : memref<40x128xf32, #tpu.memory_space<vmem>>) dst(%dma_wait3A_160 : memref<10000x128xf32, #tpu.memory_space<vmem_shared>>)
      %dma_wait3A_163 = arith.constant 9 : i32
      %dma_wait3A_164 = arith.constant 0 : i32
      %dma_wait3A_165 = arith.constant 0 : i32
      %dma_wait3A_166 = tpu.memref_slice %arg12[%dma_wait3A_164, %dma_wait3A_165] : memref<10000x128xf32, #tpu.memory_space<vmem_shared>> -> memref<10000x128xf32, #tpu.memory_space<vmem_shared>>
      %dma_wait3A_167 = tpu.memref_slice %arg13[%dma_wait3A_163] : memref<10x!tpu.dma_semaphore, #tpu.memory_space<semaphore_mem>> -> memref<1x!tpu.dma_semaphore, #tpu.memory_space<semaphore_mem>>
      %dma_wait3A_168 = tpu.memref_squeeze %dma_wait3A_167 : memref<1x!tpu.dma_semaphore, #tpu.memory_space<semaphore_mem>> -> memref<!tpu.dma_semaphore, #tpu.memory_space<semaphore_mem>>
      tpu.wait_indirect_dma semaphore(%dma_wait3A_168 : memref<!tpu.dma_semaphore, #tpu.memory_space<semaphore_mem>>) src(%arg11 : memref<40x128xf32, #tpu.memory_space<vmem>>) dst(%dma_wait3A_166 : memref<10000x128xf32, #tpu.memory_space<vmem_shared>>)
    }
    %scan3A_13 = arith.constant 25 : i32
    %barrier3A_14 = arith.constant 0 : index
    tpu.barrier barrier_id(%barrier3A_14)
    %lt3A_15 = arith.constant 15 : i32
    %lt3A_16 = arith.cmpi slt, %arg1, %lt3A_15 : i32
    %convert_element_type3A_17 = arith.extui %lt3A_16 : i1 to i32
    %cond3A_18 = arith.constant 0 : i32
    %cond3A_19 = arith.cmpi ne, %convert_element_type3A_17, %cond3A_18 : i32
    scf.if %cond3A_19 {
      %mul3A_25 = arith.constant 624 : i32
      %mul3A_26 = arith.muli %arg1, %mul3A_25 : i32
      %mul3A_27 = arith.constant 624 : i32
      %mul3A_28 = arith.muli %arg1, %mul3A_27 : i32
      "tpu.region"() ({
        %run_scoped3A = tpu.sem_alloc : memref<!tpu.dma_semaphore, #tpu.memory_space<semaphore_mem>>
        %dma_start3A = arith.constant 0 : i32
        %dma_start3A_29 = tpu.memref_slice %arg5[%arg0, %mul3A_28, %dma_start3A] : memref<2x10000x128xf32, #tpu.memory_space<hbm>> -> memref<1x624x128xf32, #tpu.memory_space<hbm>>
        %dma_start3A_30 = tpu.memref_squeeze %dma_start3A_29 : memref<1x624x128xf32, #tpu.memory_space<hbm>> -> memref<624x128xf32, #tpu.memory_space<hbm>>
        %dma_start3A_31 = arith.constant 0 : i32
        %dma_start3A_32 = tpu.memref_slice %arg12[%mul3A_26, %dma_start3A_31] : memref<10000x128xf32, #tpu.memory_space<vmem_shared>> -> memref<624x128xf32, #tpu.memory_space<vmem_shared>>
        tpu.enqueue_dma source(%dma_start3A_32 : memref<624x128xf32, #tpu.memory_space<vmem_shared>>) target(%dma_start3A_30 : memref<624x128xf32, #tpu.memory_space<hbm>>) target_semaphore(%run_scoped3A : memref<!tpu.dma_semaphore, #tpu.memory_space<semaphore_mem>>)
        %dma_wait3A = arith.constant 0 : i32
        %dma_wait3A_33 = tpu.memref_slice %arg5[%arg0, %mul3A_28, %dma_wait3A] : memref<2x10000x128xf32, #tpu.memory_space<hbm>> -> memref<1x624x128xf32, #tpu.memory_space<hbm>>
        %dma_wait3A_34 = tpu.memref_squeeze %dma_wait3A_33 : memref<1x624x128xf32, #tpu.memory_space<hbm>> -> memref<624x128xf32, #tpu.memory_space<hbm>>
        %dma_wait3A_35 = arith.constant 0 : i32
        %dma_wait3A_36 = tpu.memref_slice %arg12[%mul3A_26, %dma_wait3A_35] : memref<10000x128xf32, #tpu.memory_space<vmem_shared>> -> memref<624x128xf32, #tpu.memory_space<vmem_shared>>
        tpu.wait_dma2 semaphore(%run_scoped3A : memref<!tpu.dma_semaphore, #tpu.memory_space<semaphore_mem>>) src(%dma_wait3A_36 : memref<624x128xf32, #tpu.memory_space<vmem_shared>>) dst(%dma_wait3A_34 : memref<624x128xf32, #tpu.memory_space<hbm>>)
        tpu.yield
      }) : () -> ()
    } else {
    }
    %eq3A_20 = arith.constant 15 : i32
    %eq3A_21 = arith.cmpi eq, %arg1, %eq3A_20 : i32
    %convert_element_type3A_22 = arith.extui %eq3A_21 : i1 to i32
    %cond3A_23 = arith.constant 0 : i32
    %cond3A_24 = arith.cmpi ne, %convert_element_type3A_22, %cond3A_23 : i32
    scf.if %cond3A_24 {
      "tpu.region"() ({
        %run_scoped3A = tpu.sem_alloc : memref<!tpu.dma_semaphore, #tpu.memory_space<semaphore_mem>>
        %dma_start3A = arith.constant 9360 : i32
        %dma_start3A_25 = arith.constant 0 : i32
        %dma_start3A_26 = tpu.memref_slice %arg5[%arg0, %dma_start3A, %dma_start3A_25] : memref<2x10000x128xf32, #tpu.memory_space<hbm>> -> memref<1x640x128xf32, #tpu.memory_space<hbm>>
        %dma_start3A_27 = tpu.memref_squeeze %dma_start3A_26 : memref<1x640x128xf32, #tpu.memory_space<hbm>> -> memref<640x128xf32, #tpu.memory_space<hbm>>
        %dma_start3A_28 = arith.constant 9360 : i32
        %dma_start3A_29 = arith.constant 0 : i32
        %dma_start3A_30 = tpu.memref_slice %arg12[%dma_start3A_28, %dma_start3A_29] : memref<10000x128xf32, #tpu.memory_space<vmem_shared>> -> memref<640x128xf32, #tpu.memory_space<vmem_shared>>
        tpu.enqueue_dma source(%dma_start3A_30 : memref<640x128xf32, #tpu.memory_space<vmem_shared>>) target(%dma_start3A_27 : memref<640x128xf32, #tpu.memory_space<hbm>>) target_semaphore(%run_scoped3A : memref<!tpu.dma_semaphore, #tpu.memory_space<semaphore_mem>>)
        %dma_wait3A = arith.constant 9360 : i32
        %dma_wait3A_31 = arith.constant 0 : i32
        %dma_wait3A_32 = tpu.memref_slice %arg5[%arg0, %dma_wait3A, %dma_wait3A_31] : memref<2x10000x128xf32, #tpu.memory_space<hbm>> -> memref<1x640x128xf32, #tpu.memory_space<hbm>>
        %dma_wait3A_33 = tpu.memref_squeeze %dma_wait3A_32 : memref<1x640x128xf32, #tpu.memory_space<hbm>> -> memref<640x128xf32, #tpu.memory_space<hbm>>
        %dma_wait3A_34 = arith.constant 9360 : i32
        %dma_wait3A_35 = arith.constant 0 : i32
        %dma_wait3A_36 = tpu.memref_slice %arg12[%dma_wait3A_34, %dma_wait3A_35] : memref<10000x128xf32, #tpu.memory_space<vmem_shared>> -> memref<640x128xf32, #tpu.memory_space<vmem_shared>>
        tpu.wait_dma2 semaphore(%run_scoped3A : memref<!tpu.dma_semaphore, #tpu.memory_space<semaphore_mem>>) src(%dma_wait3A_36 : memref<640x128xf32, #tpu.memory_space<vmem_shared>>) dst(%dma_wait3A_33 : memref<640x128xf32, #tpu.memory_space<hbm>>)
        tpu.yield
      }) : () -> ()
    } else {
    }
    return
  }
}

module attributes {stable_mosaic.version = 14 : i64} {
  func.func @body(%arg0: i32, %arg1: memref<1000x256xf32, #tpu.memory_space<vmem>>, %arg2: memref<256x512xf32, #tpu.memory_space<vmem>>, %arg3: memref<1x128xf32, #tpu.memory_space<vmem>>, %arg4: memref<128x256xf32, #tpu.memory_space<vmem>>, %arg5: memref<1x256xf32, #tpu.memory_space<vmem>>, %arg6: memref<1000x256xf32, #tpu.memory_space<vmem>>, %arg7: memref<1000x256xf32, #tpu.memory_space<vmem>>, %arg8: memref<1x256xf32, #tpu.memory_space<vmem>>) attributes {dimension_semantics = [#tpu.dimension_semantics<arbitrary>], iteration_bounds = array<i64: 10>, scalar_prefetch = 0 : i64, scratch_operands = 0 : i64, tpu.core_type = #tpu.core_type<tc>, window_params = [{transform_indices = @transform_0, window_bounds = array<i64: 1000, 256>}, {pipeline_mode = #tpu.pipeline_mode<synchronous>, transform_indices = @transform_1, window_bounds = array<i64: 256, 512>}, {pipeline_mode = #tpu.pipeline_mode<synchronous>, transform_indices = @transform_2, window_bounds = array<i64: 1, 128>}, {pipeline_mode = #tpu.pipeline_mode<synchronous>, transform_indices = @transform_3, window_bounds = array<i64: 128, 256>}, {pipeline_mode = #tpu.pipeline_mode<synchronous>, transform_indices = @transform_4, window_bounds = array<i64: 1, 256>}, {transform_indices = @transform_5, window_bounds = array<i64: 1000, 256>}, {transform_indices = @transform_6, window_bounds = array<i64: 1000, 256>}, {pipeline_mode = #tpu.pipeline_mode<synchronous>, transform_indices = @transform_7, window_bounds = array<i64: 1, 256>}]} {
    %get3A = arith.constant 0 : index
    %get3A_0 = arith.constant 0 : index
    %get3A_1 = vector.load %arg1[%get3A, %get3A_0] : memref<1000x256xf32, #tpu.memory_space<vmem>>, vector<1000x256xf32>
    %get3A_2 = arith.constant 0 : index
    %get3A_3 = arith.constant 0 : index
    %get3A_4 = vector.load %arg2[%get3A_2, %get3A_3] : memref<256x512xf32, #tpu.memory_space<vmem>>, vector<256x512xf32>
    %dot_general3A = arith.constant dense<0.000000e+00> : vector<1000x512xf32>
    %dot_general3A_5 = tpu.matmul %get3A_1, %get3A_4, %dot_general3A {dimension_numbers = #tpu.dot_dimension_numbers<[1], [0], [0], [1], [0, 0, 1, 1], [], []>, transpose_lhs_hint = false} : vector<1000x256xf32>, vector<256x512xf32>, vector<1000x512xf32> -> vector<1000x512xf32>
    %slice3A = vector.extract_strided_slice %dot_general3A_5 {offsets = [0, 0], sizes = [1000, 256], strides = [1, 1]} : vector<1000x512xf32> to vector<1000x256xf32>
    %swap3A = arith.constant 0 : index
    %swap3A_6 = arith.constant 0 : index
    %swap3A_7 = vector.load %arg6[%swap3A, %swap3A_6] : memref<1000x256xf32, #tpu.memory_space<vmem>>, vector<1000x256xf32>
    tpu.vector_store %arg6[%swap3A, %swap3A_6], %slice3A {strides = array<i32>} : memref<1000x256xf32, #tpu.memory_space<vmem>>, vector<1000x256xf32>,
    %slice3A_8 = vector.extract_strided_slice %dot_general3A_5 {offsets = [0, 256], sizes = [1000, 256], strides = [1, 1]} : vector<1000x512xf32> to vector<1000x256xf32>
    %swap3A_9 = arith.constant 0 : index
    %swap3A_10 = arith.constant 0 : index
    %swap3A_11 = vector.load %arg7[%swap3A_9, %swap3A_10] : memref<1000x256xf32, #tpu.memory_space<vmem>>, vector<1000x256xf32>
    tpu.vector_store %arg7[%swap3A_9, %swap3A_10], %slice3A_8 {strides = array<i32>} : memref<1000x256xf32, #tpu.memory_space<vmem>>, vector<1000x256xf32>,
    %eq3A = arith.constant 0 : i32
    %eq3A_12 = arith.cmpi eq, %arg0, %eq3A : i32
    %convert_element_type3A = arith.extui %eq3A_12 : i1 to i32
    %cond3A = arith.constant 0 : i32
    %cond3A_13 = arith.cmpi ne, %convert_element_type3A, %cond3A : i32
    scf.if %cond3A_13 {
      %get3A_14 = arith.constant 0 : index
      %get3A_15 = arith.constant 0 : index
      %get3A_16 = vector.load %arg3[%get3A_14, %get3A_15] : memref<1x128xf32, #tpu.memory_space<vmem>>, vector<1x128xf32>
      %get3A_17 = arith.constant 0 : index
      %get3A_18 = arith.constant 0 : index
      %get3A_19 = vector.load %arg4[%get3A_17, %get3A_18] : memref<128x256xf32, #tpu.memory_space<vmem>>, vector<128x256xf32>
      %dot_general3A_20 = arith.constant dense<0.000000e+00> : vector<1x256xf32>
      %dot_general3A_21 = tpu.matmul %get3A_16, %get3A_19, %dot_general3A_20 {dimension_numbers = #tpu.dot_dimension_numbers<[1], [0], [0], [1], [0, 0, 1, 1], [], []>, transpose_lhs_hint = false} : vector<1x128xf32>, vector<128x256xf32>, vector<1x256xf32> -> vector<1x256xf32>
      %get3A_22 = arith.constant 0 : index
      %get3A_23 = arith.constant 0 : index
      %get3A_24 = vector.load %arg5[%get3A_22, %get3A_23] : memref<1x256xf32, #tpu.memory_space<vmem>>, vector<1x256xf32>
      %add3A = arith.addf %dot_general3A_21, %get3A_24 : vector<1x256xf32>
      %swap3A_25 = arith.constant 0 : index
      %swap3A_26 = arith.constant 0 : index
      %swap3A_27 = vector.load %arg8[%swap3A_25, %swap3A_26] : memref<1x256xf32, #tpu.memory_space<vmem>>, vector<1x256xf32>
      tpu.vector_store %arg8[%swap3A_25, %swap3A_26], %add3A {strides = array<i32>} : memref<1x256xf32, #tpu.memory_space<vmem>>, vector<1x256xf32>,
    } else {
    }
    return
  }
  func.func @transform_0(%arg0: i32) -> (i32, i32) {
    %c0_i32 = arith.constant 0 : i32
    %c0_i32_0 = arith.constant 0 : i32
    return %arg0, %c0_i32 : i32, i32
  }
  func.func @transform_1(%arg0: i32) -> (i32, i32) {
    %c0_i32 = arith.constant 0 : i32
    %c0_i32_0 = arith.constant 0 : i32
    %c0_i32_1 = arith.constant 0 : i32
    return %c0_i32, %c0_i32_0 : i32, i32
  }
  func.func @transform_2(%arg0: i32) -> (i32, i32) {
    %c0_i32 = arith.constant 0 : i32
    %c0_i32_0 = arith.constant 0 : i32
    %c0_i32_1 = arith.constant 0 : i32
    return %c0_i32, %c0_i32_0 : i32, i32
  }
  func.func @transform_3(%arg0: i32) -> (i32, i32) {
    %c0_i32 = arith.constant 0 : i32
    %c0_i32_0 = arith.constant 0 : i32
    %c0_i32_1 = arith.constant 0 : i32
    return %c0_i32, %c0_i32_0 : i32, i32
  }
  func.func @transform_4(%arg0: i32) -> (i32, i32) {
    %c0_i32 = arith.constant 0 : i32
    %c0_i32_0 = arith.constant 0 : i32
    %c0_i32_1 = arith.constant 0 : i32
    return %c0_i32, %c0_i32_0 : i32, i32
  }
  func.func @transform_5(%arg0: i32) -> (i32, i32) {
    %c0_i32 = arith.constant 0 : i32
    %c0_i32_0 = arith.constant 0 : i32
    return %arg0, %c0_i32 : i32, i32
  }
  func.func @transform_6(%arg0: i32) -> (i32, i32) {
    %c0_i32 = arith.constant 0 : i32
    %c0_i32_0 = arith.constant 0 : i32
    return %arg0, %c0_i32 : i32, i32
  }
  func.func @transform_7(%arg0: i32) -> (i32, i32) {
    %c0_i32 = arith.constant 0 : i32
    %c0_i32_0 = arith.constant 0 : i32
    %c0_i32_1 = arith.constant 0 : i32
    return %c0_i32, %c0_i32_0 : i32, i32
  }
}

module attributes {stable_mosaic.version = 14 : i64} {
  func.func @body(%arg0: i32, %arg1: memref<2000x256xf32, #tpu.memory_space<vmem>>, %arg2: memref<2000x256xf32, #tpu.memory_space<vmem>>, %arg3: memref<2000x16xf32, #tpu.memory_space<vmem>>, %arg4: memref<16x256xf32, #tpu.memory_space<vmem>>, %arg5: memref<1x256xf32, #tpu.memory_space<vmem>>, %arg6: memref<256x512xf32, #tpu.memory_space<vmem>>, %arg7: memref<1x512xf32, #tpu.memory_space<vmem>>, %arg8: memref<2000x256xf32, #tpu.memory_space<vmem>>, %arg9: memref<2x2000x128xf32, #tpu.memory_space<vmem>>, %arg10: memref<1x256xf32, #tpu.memory_space<vmem>>) attributes {dimension_semantics = [#tpu.dimension_semantics<arbitrary>], iteration_bounds = array<i64: 80>, scalar_prefetch = 0 : i64, scratch_operands = 0 : i64, tpu.core_type = #tpu.core_type<tc>, window_params = [{transform_indices = @transform_0, window_bounds = array<i64: 2000, 256>}, {transform_indices = @transform_1, window_bounds = array<i64: 2000, 256>}, {transform_indices = @transform_2, window_bounds = array<i64: 2000, 16>}, {pipeline_mode = #tpu.pipeline_mode<synchronous>, transform_indices = @transform_3, window_bounds = array<i64: 16, 256>}, {pipeline_mode = #tpu.pipeline_mode<synchronous>, transform_indices = @transform_4, window_bounds = array<i64: 1, 256>}, {pipeline_mode = #tpu.pipeline_mode<synchronous>, transform_indices = @transform_5, window_bounds = array<i64: 256, 512>}, {pipeline_mode = #tpu.pipeline_mode<synchronous>, transform_indices = @transform_6, window_bounds = array<i64: 1, 512>}, {transform_indices = @transform_7, window_bounds = array<i64: 2000, 256>}, {transform_indices = @transform_8, window_bounds = array<i64: 2, 2000, 128>}, {pipeline_mode = #tpu.pipeline_mode<synchronous>, transform_indices = @transform_9, window_bounds = array<i64: 1, 256>}]} {
    %get3A = arith.constant 0 : index
    %get3A_0 = arith.constant 0 : index
    %get3A_1 = vector.load %arg1[%get3A, %get3A_0] : memref<2000x256xf32, #tpu.memory_space<vmem>>, vector<2000x256xf32>
    %get3A_2 = arith.constant 0 : index
    %get3A_3 = arith.constant 0 : index
    %get3A_4 = vector.load %arg2[%get3A_2, %get3A_3] : memref<2000x256xf32, #tpu.memory_space<vmem>>, vector<2000x256xf32>
    %add3A = arith.addf %get3A_1, %get3A_4 : vector<2000x256xf32>
    %get3A_5 = arith.constant 0 : index
    %get3A_6 = arith.constant 0 : index
    %get3A_7 = vector.load %arg3[%get3A_5, %get3A_6] : memref<2000x16xf32, #tpu.memory_space<vmem>>, vector<2000x16xf32>
    %get3A_8 = arith.constant 0 : index
    %get3A_9 = arith.constant 0 : index
    %get3A_10 = vector.load %arg4[%get3A_8, %get3A_9] : memref<16x256xf32, #tpu.memory_space<vmem>>, vector<16x256xf32>
    %dot_general3A = arith.constant dense<0.000000e+00> : vector<2000x256xf32>
    %dot_general3A_11 = tpu.matmul %get3A_7, %get3A_10, %dot_general3A {dimension_numbers = #tpu.dot_dimension_numbers<[1], [0], [0], [1], [0, 0, 1, 1], [], []>, transpose_lhs_hint = false} : vector<2000x16xf32>, vector<16x256xf32>, vector<2000x256xf32> -> vector<2000x256xf32>
    %add3A_12 = arith.addf %add3A, %dot_general3A_11 : vector<2000x256xf32>
    %get3A_13 = arith.constant 0 : index
    %get3A_14 = arith.constant 0 : index
    %get3A_15 = vector.load %arg5[%get3A_13, %get3A_14] : memref<1x256xf32, #tpu.memory_space<vmem>>, vector<1x256xf32>
    %add3A_16 = vector.broadcast %get3A_15 : vector<1x256xf32> to vector<2000x256xf32>
    %add3A_17 = arith.addf %add3A_12, %add3A_16 : vector<2000x256xf32>
    %max3A = arith.constant 0.000000e+00 : f32
    %max3A_18 = vector.broadcast %max3A : f32 to vector<2000x256xf32>
    %max3A_19 = arith.maximumf %add3A_17, %max3A_18 : vector<2000x256xf32>
    %swap3A = arith.constant 0 : index
    %swap3A_20 = arith.constant 0 : index
    %swap3A_21 = vector.load %arg8[%swap3A, %swap3A_20] : memref<2000x256xf32, #tpu.memory_space<vmem>>, vector<2000x256xf32>
    tpu.vector_store %arg8[%swap3A, %swap3A_20], %max3A_19 {strides = array<i32>} : memref<2000x256xf32, #tpu.memory_space<vmem>>, vector<2000x256xf32>,
    %convert_element_type3A = arith.truncf %max3A_19 : vector<2000x256xf32> to vector<2000x256xbf16>
    %get3A_22 = arith.constant 0 : index
    %get3A_23 = arith.constant 0 : index
    %get3A_24 = vector.load %arg6[%get3A_22, %get3A_23] : memref<256x512xf32, #tpu.memory_space<vmem>>, vector<256x512xf32>
    %convert_element_type3A_25 = arith.truncf %get3A_24 : vector<256x512xf32> to vector<256x512xbf16>
    %dot_general3A_26 = arith.constant dense<0.000000e+00> : vector<2000x512xf32>
    %dot_general3A_27 = tpu.matmul %convert_element_type3A, %convert_element_type3A_25, %dot_general3A_26 {dimension_numbers = #tpu.dot_dimension_numbers<[1], [0], [0], [1], [0, 0, 1, 1], [], []>, transpose_lhs_hint = false} : vector<2000x256xbf16>, vector<256x512xbf16>, vector<2000x512xf32> -> vector<2000x512xf32>
    %get3A_28 = arith.constant 0 : index
    %get3A_29 = arith.constant 0 : index
    %get3A_30 = vector.load %arg7[%get3A_28, %get3A_29] : memref<1x512xf32, #tpu.memory_space<vmem>>, vector<1x512xf32>
    %add3A_31 = vector.broadcast %get3A_30 : vector<1x512xf32> to vector<2000x512xf32>
    %add3A_32 = arith.addf %dot_general3A_27, %add3A_31 : vector<2000x512xf32>
    %max3A_33 = arith.constant 0.000000e+00 : f32
    %max3A_34 = vector.broadcast %max3A_33 : f32 to vector<2000x512xf32>
    %max3A_35 = arith.maximumf %add3A_32, %max3A_34 : vector<2000x512xf32>
    %slice3A = vector.extract_strided_slice %max3A_35 {offsets = [0, 0], sizes = [2000, 128], strides = [1, 1]} : vector<2000x512xf32> to vector<2000x128xf32>
    %slice3A_36 = vector.extract_strided_slice %max3A_35 {offsets = [0, 128], sizes = [2000, 128], strides = [1, 1]} : vector<2000x512xf32> to vector<2000x128xf32>
    %stack3A = vector.shape_cast %slice3A : vector<2000x128xf32> to vector<1x2000x128xf32>
    %stack3A_37 = vector.shape_cast %slice3A_36 : vector<2000x128xf32> to vector<1x2000x128xf32>
    %stack3A_38 = tpu.concatenate %stack3A, %stack3A_37 in 0 : vector<1x2000x128xf32>, vector<1x2000x128xf32> -> vector<2x2000x128xf32>
    %swap3A_39 = arith.constant 0 : index
    %swap3A_40 = arith.constant 0 : index
    %swap3A_41 = arith.constant 0 : index
    %swap3A_42 = vector.load %arg9[%swap3A_39, %swap3A_40, %swap3A_41] : memref<2x2000x128xf32, #tpu.memory_space<vmem>>, vector<2x2000x128xf32>
    tpu.vector_store %arg9[%swap3A_39, %swap3A_40, %swap3A_41], %stack3A_38 {strides = array<i32>} : memref<2x2000x128xf32, #tpu.memory_space<vmem>>, vector<2x2000x128xf32>,
    %slice3A_43 = vector.extract_strided_slice %max3A_35 {offsets = [0, 256], sizes = [2000, 256], strides = [1, 1]} : vector<2000x512xf32> to vector<2000x256xf32>
    %reduce_sum3A = arith.constant dense<0.000000e+00> : vector<256xf32>
    %reduce_sum3A_44 = vector.multi_reduction <add>, %slice3A_43, %reduce_sum3A [0] : vector<2000x256xf32> to vector<256xf32>
    %broadcast_in_dim3A = vector.shape_cast %reduce_sum3A_44 : vector<256xf32> to vector<1x256xf32>
    %eq3A = arith.constant 0 : i32
    %eq3A_45 = arith.cmpi eq, %arg0, %eq3A : i32
    %convert_element_type3A_46 = arith.extui %eq3A_45 : i1 to i32
    %cond3A = arith.constant 0 : i32
    %cond3A_47 = arith.cmpi ne, %convert_element_type3A_46, %cond3A : i32
    scf.if %cond3A_47 {
      %broadcast_in_dim3A_55 = arith.constant 0.000000e+00 : f32
      %broadcast_in_dim3A_56 = vector.broadcast %broadcast_in_dim3A_55 : f32 to vector<1x256xf32>
      %swap3A_57 = arith.constant 0 : index
      %swap3A_58 = arith.constant 0 : index
      %swap3A_59 = vector.load %arg10[%swap3A_57, %swap3A_58] : memref<1x256xf32, #tpu.memory_space<vmem>>, vector<1x256xf32>
      tpu.vector_store %arg10[%swap3A_57, %swap3A_58], %broadcast_in_dim3A_56 {strides = array<i32>} : memref<1x256xf32, #tpu.memory_space<vmem>>, vector<1x256xf32>,
    } else {
    }
    %get3A_48 = arith.constant 0 : index
    %get3A_49 = arith.constant 0 : index
    %get3A_50 = vector.load %arg10[%get3A_48, %get3A_49] : memref<1x256xf32, #tpu.memory_space<vmem>>, vector<1x256xf32>
    %add3A_51 = arith.addf %get3A_50, %broadcast_in_dim3A : vector<1x256xf32>
    %swap3A_52 = arith.constant 0 : index
    %swap3A_53 = arith.constant 0 : index
    %swap3A_54 = vector.load %arg10[%swap3A_52, %swap3A_53] : memref<1x256xf32, #tpu.memory_space<vmem>>, vector<1x256xf32>
    tpu.vector_store %arg10[%swap3A_52, %swap3A_53], %add3A_51 {strides = array<i32>} : memref<1x256xf32, #tpu.memory_space<vmem>>, vector<1x256xf32>,
    return
  }
  func.func @transform_0(%arg0: i32) -> (i32, i32) {
    %c0_i32 = arith.constant 0 : i32
    %c0_i32_0 = arith.constant 0 : i32
    return %arg0, %c0_i32 : i32, i32
  }
  func.func @transform_1(%arg0: i32) -> (i32, i32) {
    %c0_i32 = arith.constant 0 : i32
    %c0_i32_0 = arith.constant 0 : i32
    return %arg0, %c0_i32 : i32, i32
  }
  func.func @transform_2(%arg0: i32) -> (i32, i32) {
    %c0_i32 = arith.constant 0 : i32
    %c0_i32_0 = arith.constant 0 : i32
    return %arg0, %c0_i32 : i32, i32
  }
  func.func @transform_3(%arg0: i32) -> (i32, i32) {
    %c0_i32 = arith.constant 0 : i32
    %c0_i32_0 = arith.constant 0 : i32
    %c0_i32_1 = arith.constant 0 : i32
    return %c0_i32, %c0_i32_0 : i32, i32
  }
  func.func @transform_4(%arg0: i32) -> (i32, i32) {
    %c0_i32 = arith.constant 0 : i32
    %c0_i32_0 = arith.constant 0 : i32
    %c0_i32_1 = arith.constant 0 : i32
    return %c0_i32, %c0_i32_0 : i32, i32
  }
  func.func @transform_5(%arg0: i32) -> (i32, i32) {
    %c0_i32 = arith.constant 0 : i32
    %c0_i32_0 = arith.constant 0 : i32
    %c0_i32_1 = arith.constant 0 : i32
    return %c0_i32, %c0_i32_0 : i32, i32
  }
  func.func @transform_6(%arg0: i32) -> (i32, i32) {
    %c0_i32 = arith.constant 0 : i32
    %c0_i32_0 = arith.constant 0 : i32
    %c0_i32_1 = arith.constant 0 : i32
    return %c0_i32, %c0_i32_0 : i32, i32
  }
  func.func @transform_7(%arg0: i32) -> (i32, i32) {
    %c0_i32 = arith.constant 0 : i32
    %c0_i32_0 = arith.constant 0 : i32
    return %arg0, %c0_i32 : i32, i32
  }
  func.func @transform_8(%arg0: i32) -> (i32, i32, i32) {
    %c0_i32 = arith.constant 0 : i32
    %c0_i32_0 = arith.constant 0 : i32
    %c0_i32_1 = arith.constant 0 : i32
    return %c0_i32, %arg0, %c0_i32_0 : i32, i32, i32
  }
  func.func @transform_9(%arg0: i32) -> (i32, i32) {
    %c0_i32 = arith.constant 0 : i32
    %c0_i32_0 = arith.constant 0 : i32
    %c0_i32_1 = arith.constant 0 : i32
    return %c0_i32, %c0_i32_0 : i32, i32
  }
}

module attributes {stable_mosaic.version = 14 : i64} {
  func.func @body(%arg0: i32, %arg1: memref<2x1000x128xf32, #tpu.memory_space<vmem>>, %arg2: memref<2x1000x128xf32, #tpu.memory_space<vmem>>, %arg3: memref<256x256xf32, #tpu.memory_space<vmem>>, %arg4: memref<1x256xf32, #tpu.memory_space<vmem>>, %arg5: memref<256x256xf32, #tpu.memory_space<vmem>>, %arg6: memref<1x256xf32, #tpu.memory_space<vmem>>, %arg7: memref<1x256xf32, #tpu.memory_space<vmem>>, %arg8: memref<1x128xf32, #tpu.memory_space<vmem>>, %arg9: memref<640x128xf32, #tpu.memory_space<vmem>>, %arg10: memref<1x128xf32, #tpu.memory_space<vmem>>, %arg11: memref<1000x256xf32, #tpu.memory_space<vmem>>, %arg12: memref<1x128xf32, #tpu.memory_space<vmem>>, %arg13: memref<1x256xf32, #tpu.memory_space<vmem>>) attributes {dimension_semantics = [#tpu.dimension_semantics<arbitrary>], iteration_bounds = array<i64: 10>, scalar_prefetch = 0 : i64, scratch_operands = 1 : i64, tpu.core_type = #tpu.core_type<tc>, window_params = [{transform_indices = @transform_0, window_bounds = array<i64: 2, 1000, 128>}, {transform_indices = @transform_1, window_bounds = array<i64: 2, 1000, 128>}, {pipeline_mode = #tpu.pipeline_mode<synchronous>, transform_indices = @transform_2, window_bounds = array<i64: 256, 256>}, {pipeline_mode = #tpu.pipeline_mode<synchronous>, transform_indices = @transform_3, window_bounds = array<i64: 1, 256>}, {pipeline_mode = #tpu.pipeline_mode<synchronous>, transform_indices = @transform_4, window_bounds = array<i64: 256, 256>}, {pipeline_mode = #tpu.pipeline_mode<synchronous>, transform_indices = @transform_5, window_bounds = array<i64: 1, 256>}, {pipeline_mode = #tpu.pipeline_mode<synchronous>, transform_indices = @transform_6, window_bounds = array<i64: 1, 256>}, {pipeline_mode = #tpu.pipeline_mode<synchronous>, transform_indices = @transform_7, window_bounds = array<i64: 1, 128>}, {pipeline_mode = #tpu.pipeline_mode<synchronous>, transform_indices = @transform_8, window_bounds = array<i64: 640, 128>}, {pipeline_mode = #tpu.pipeline_mode<synchronous>, transform_indices = @transform_9, window_bounds = array<i64: 1, 128>}, {transform_indices = @transform_10, window_bounds = array<i64: 1000, 256>}, {pipeline_mode = #tpu.pipeline_mode<synchronous>, transform_indices = @transform_11, window_bounds = array<i64: 1, 128>}]} {
    %get3A = arith.constant 0 : index
    %get3A_0 = arith.constant 0 : index
    %get3A_1 = arith.constant 0 : index
    %get3A_2 = vector.load %arg1[%get3A, %get3A_0, %get3A_1] : memref<2x1000x128xf32, #tpu.memory_space<vmem>>, vector<1x1000x128xf32>
    %get3A_3 = vector.shape_cast %get3A_2 : vector<1x1000x128xf32> to vector<1000x128xf32>
    %get3A_4 = arith.constant 1 : index
    %get3A_5 = arith.constant 0 : index
    %get3A_6 = arith.constant 0 : index
    %get3A_7 = vector.load %arg1[%get3A_4, %get3A_5, %get3A_6] : memref<2x1000x128xf32, #tpu.memory_space<vmem>>, vector<1x1000x128xf32>
    %get3A_8 = vector.shape_cast %get3A_7 : vector<1x1000x128xf32> to vector<1000x128xf32>
    %concatenate3A = tpu.concatenate %get3A_3, %get3A_8 in 1 : vector<1000x128xf32>, vector<1000x128xf32> -> vector<1000x256xf32>
    %get3A_9 = arith.constant 0 : index
    %get3A_10 = arith.constant 0 : index
    %get3A_11 = arith.constant 0 : index
    %get3A_12 = vector.load %arg2[%get3A_9, %get3A_10, %get3A_11] : memref<2x1000x128xf32, #tpu.memory_space<vmem>>, vector<1x1000x128xf32>
    %get3A_13 = vector.shape_cast %get3A_12 : vector<1x1000x128xf32> to vector<1000x128xf32>
    %slice3A = vector.extract_strided_slice %get3A_13 {offsets = [0, 0], sizes = [1000, 1], strides = [1, 1]} : vector<1000x128xf32> to vector<1000x1xf32>
    %get3A_14 = arith.constant 1 : index
    %get3A_15 = arith.constant 0 : index
    %get3A_16 = arith.constant 0 : index
    %get3A_17 = vector.load %arg2[%get3A_14, %get3A_15, %get3A_16] : memref<2x1000x128xf32, #tpu.memory_space<vmem>>, vector<1x1000x128xf32>
    %get3A_18 = vector.shape_cast %get3A_17 : vector<1x1000x128xf32> to vector<1000x128xf32>
    %slice3A_19 = vector.extract_strided_slice %get3A_18 {offsets = [0, 0], sizes = [1000, 1], strides = [1, 1]} : vector<1000x128xf32> to vector<1000x1xf32>
    %add3A = arith.addf %slice3A, %slice3A_19 : vector<1000x1xf32>
    %max3A = arith.constant 1.000000e+00 : f32
    %max3A_20 = vector.broadcast %max3A : f32 to vector<1000x1xf32>
    %max3A_21 = arith.maximumf %add3A, %max3A_20 : vector<1000x1xf32>
    %div3A = vector.broadcast %max3A_21 : vector<1000x1xf32> to vector<1000x256xf32>
    %div3A_22 = arith.divf %concatenate3A, %div3A : vector<1000x256xf32>
    %get3A_23 = arith.constant 0 : index
    %get3A_24 = arith.constant 0 : index
    %get3A_25 = vector.load %arg3[%get3A_23, %get3A_24] : memref<256x256xf32, #tpu.memory_space<vmem>>, vector<256x256xf32>
    %dot_general3A = arith.constant dense<0.000000e+00> : vector<1000x256xf32>
    %dot_general3A_26 = tpu.matmul %div3A_22, %get3A_25, %dot_general3A {dimension_numbers = #tpu.dot_dimension_numbers<[1], [0], [0], [1], [0, 0, 1, 1], [], []>, transpose_lhs_hint = false} : vector<1000x256xf32>, vector<256x256xf32>, vector<1000x256xf32> -> vector<1000x256xf32>
    %get3A_27 = arith.constant 0 : index
    %get3A_28 = arith.constant 0 : index
    %get3A_29 = vector.load %arg4[%get3A_27, %get3A_28] : memref<1x256xf32, #tpu.memory_space<vmem>>, vector<1x256xf32>
    %add3A_30 = vector.broadcast %get3A_29 : vector<1x256xf32> to vector<1000x256xf32>
    %add3A_31 = arith.addf %dot_general3A_26, %add3A_30 : vector<1000x256xf32>
    %max3A_32 = arith.constant 0.000000e+00 : f32
    %max3A_33 = vector.broadcast %max3A_32 : f32 to vector<1000x256xf32>
    %max3A_34 = arith.maximumf %add3A_31, %max3A_33 : vector<1000x256xf32>
    %swap3A = arith.constant 0 : index
    %swap3A_35 = arith.constant 0 : index
    %swap3A_36 = vector.load %arg11[%swap3A, %swap3A_35] : memref<1000x256xf32, #tpu.memory_space<vmem>>, vector<1000x256xf32>
    tpu.vector_store %arg11[%swap3A, %swap3A_35], %max3A_34 {strides = array<i32>} : memref<1000x256xf32, #tpu.memory_space<vmem>>, vector<1000x256xf32>,
    %get3A_37 = arith.constant 0 : index
    %get3A_38 = arith.constant 0 : index
    %get3A_39 = vector.load %arg5[%get3A_37, %get3A_38] : memref<256x256xf32, #tpu.memory_space<vmem>>, vector<256x256xf32>
    %dot_general3A_40 = arith.constant dense<0.000000e+00> : vector<1000x256xf32>
    %dot_general3A_41 = tpu.matmul %max3A_34, %get3A_39, %dot_general3A_40 {dimension_numbers = #tpu.dot_dimension_numbers<[1], [0], [0], [1], [0, 0, 1, 1], [], []>, transpose_lhs_hint = false} : vector<1000x256xf32>, vector<256x256xf32>, vector<1000x256xf32> -> vector<1000x256xf32>
    %get3A_42 = arith.constant 0 : index
    %get3A_43 = arith.constant 0 : index
    %get3A_44 = vector.load %arg6[%get3A_42, %get3A_43] : memref<1x256xf32, #tpu.memory_space<vmem>>, vector<1x256xf32>
    %add3A_45 = vector.broadcast %get3A_44 : vector<1x256xf32> to vector<1000x256xf32>
    %add3A_46 = arith.addf %dot_general3A_41, %add3A_45 : vector<1000x256xf32>
    %max3A_47 = arith.constant 0.000000e+00 : f32
    %max3A_48 = vector.broadcast %max3A_47 : f32 to vector<1000x256xf32>
    %max3A_49 = arith.maximumf %add3A_46, %max3A_48 : vector<1000x256xf32>
    %reduce_sum3A = arith.constant dense<0.000000e+00> : vector<256xf32>
    %reduce_sum3A_50 = vector.multi_reduction <add>, %max3A_49, %reduce_sum3A [0] : vector<1000x256xf32> to vector<256xf32>
    %broadcast_in_dim3A = vector.shape_cast %reduce_sum3A_50 : vector<256xf32> to vector<1x256xf32>
    %eq3A = arith.constant 0 : i32
    %eq3A_51 = arith.cmpi eq, %arg0, %eq3A : i32
    %convert_element_type3A = arith.extui %eq3A_51 : i1 to i32
    %cond3A = arith.constant 0 : i32
    %cond3A_52 = arith.cmpi ne, %convert_element_type3A, %cond3A : i32
    scf.if %cond3A_52 {
      %broadcast_in_dim3A_65 = arith.constant 0.000000e+00 : f32
      %broadcast_in_dim3A_66 = vector.broadcast %broadcast_in_dim3A_65 : f32 to vector<1x256xf32>
      %swap3A_67 = arith.constant 0 : index
      %swap3A_68 = arith.constant 0 : index
      %swap3A_69 = vector.load %arg13[%swap3A_67, %swap3A_68] : memref<1x256xf32, #tpu.memory_space<vmem>>, vector<1x256xf32>
      tpu.vector_store %arg13[%swap3A_67, %swap3A_68], %broadcast_in_dim3A_66 {strides = array<i32>} : memref<1x256xf32, #tpu.memory_space<vmem>>, vector<1x256xf32>,
    } else {
    }
    %get3A_53 = arith.constant 0 : index
    %get3A_54 = arith.constant 0 : index
    %get3A_55 = vector.load %arg13[%get3A_53, %get3A_54] : memref<1x256xf32, #tpu.memory_space<vmem>>, vector<1x256xf32>
    %add3A_56 = arith.addf %get3A_55, %broadcast_in_dim3A : vector<1x256xf32>
    %swap3A_57 = arith.constant 0 : index
    %swap3A_58 = arith.constant 0 : index
    %swap3A_59 = vector.load %arg13[%swap3A_57, %swap3A_58] : memref<1x256xf32, #tpu.memory_space<vmem>>, vector<1x256xf32>
    tpu.vector_store %arg13[%swap3A_57, %swap3A_58], %add3A_56 {strides = array<i32>} : memref<1x256xf32, #tpu.memory_space<vmem>>, vector<1x256xf32>,
    %eq3A_60 = arith.constant 9 : i32
    %eq3A_61 = arith.cmpi eq, %arg0, %eq3A_60 : i32
    %convert_element_type3A_62 = arith.extui %eq3A_61 : i1 to i32
    %cond3A_63 = arith.constant 0 : i32
    %cond3A_64 = arith.cmpi ne, %convert_element_type3A_62, %cond3A_63 : i32
    scf.if %cond3A_64 {
      %get3A_65 = arith.constant 0 : index
      %get3A_66 = arith.constant 0 : index
      %get3A_67 = vector.load %arg7[%get3A_65, %get3A_66] : memref<1x256xf32, #tpu.memory_space<vmem>>, vector<1x256xf32>
      %div3A_68 = arith.constant 1.600000e+05 : f32
      %div3A_69 = vector.broadcast %div3A_68 : f32 to vector<1x256xf32>
      %div3A_70 = arith.divf %get3A_67, %div3A_69 : vector<1x256xf32>
      %get3A_71 = arith.constant 0 : index
      %get3A_72 = arith.constant 0 : index
      %get3A_73 = vector.load %arg13[%get3A_71, %get3A_72] : memref<1x256xf32, #tpu.memory_space<vmem>>, vector<1x256xf32>
      %div3A_74 = arith.constant 1.000000e+04 : f32
      %div3A_75 = vector.broadcast %div3A_74 : f32 to vector<1x256xf32>
      %div3A_76 = arith.divf %get3A_73, %div3A_75 : vector<1x256xf32>
      %get3A_77 = arith.constant 0 : index
      %get3A_78 = arith.constant 0 : index
      %get3A_79 = vector.load %arg9[%get3A_77, %get3A_78] : memref<640x128xf32, #tpu.memory_space<vmem>>, vector<256x128xf32>
      %dot_general3A_80 = arith.constant dense<0.000000e+00> : vector<1x128xf32>
      %dot_general3A_81 = tpu.matmul %div3A_70, %get3A_79, %dot_general3A_80 {dimension_numbers = #tpu.dot_dimension_numbers<[1], [0], [0], [1], [0, 0, 1, 1], [], []>, transpose_lhs_hint = false} : vector<1x256xf32>, vector<256x128xf32>, vector<1x128xf32> -> vector<1x128xf32>
      %get3A_82 = arith.constant 256 : index
      %get3A_83 = arith.constant 0 : index
      %get3A_84 = vector.load %arg9[%get3A_82, %get3A_83] : memref<640x128xf32, #tpu.memory_space<vmem>>, vector<256x128xf32>
      %dot_general3A_85 = arith.constant dense<0.000000e+00> : vector<1x128xf32>
      %dot_general3A_86 = tpu.matmul %div3A_76, %get3A_84, %dot_general3A_85 {dimension_numbers = #tpu.dot_dimension_numbers<[1], [0], [0], [1], [0, 0, 1, 1], [], []>, transpose_lhs_hint = false} : vector<1x256xf32>, vector<256x128xf32>, vector<1x128xf32> -> vector<1x128xf32>
      %add3A_87 = arith.addf %dot_general3A_81, %dot_general3A_86 : vector<1x128xf32>
      %get3A_88 = arith.constant 0 : index
      %get3A_89 = arith.constant 0 : index
      %get3A_90 = vector.load %arg8[%get3A_88, %get3A_89] : memref<1x128xf32, #tpu.memory_space<vmem>>, vector<1x128xf32>
      %get3A_91 = arith.constant 512 : index
      %get3A_92 = arith.constant 0 : index
      %get3A_93 = vector.load %arg9[%get3A_91, %get3A_92] : memref<640x128xf32, #tpu.memory_space<vmem>>, vector<128x128xf32>
      %dot_general3A_94 = arith.constant dense<0.000000e+00> : vector<1x128xf32>
      %dot_general3A_95 = tpu.matmul %get3A_90, %get3A_93, %dot_general3A_94 {dimension_numbers = #tpu.dot_dimension_numbers<[1], [0], [0], [1], [0, 0, 1, 1], [], []>, transpose_lhs_hint = false} : vector<1x128xf32>, vector<128x128xf32>, vector<1x128xf32> -> vector<1x128xf32>
      %add3A_96 = arith.addf %add3A_87, %dot_general3A_95 : vector<1x128xf32>
      %get3A_97 = arith.constant 0 : index
      %get3A_98 = arith.constant 0 : index
      %get3A_99 = vector.load %arg10[%get3A_97, %get3A_98] : memref<1x128xf32, #tpu.memory_space<vmem>>, vector<1x128xf32>
      %add3A_100 = arith.addf %add3A_96, %get3A_99 : vector<1x128xf32>
      %max3A_101 = arith.constant 0.000000e+00 : f32
      %max3A_102 = vector.broadcast %max3A_101 : f32 to vector<1x128xf32>
      %max3A_103 = arith.maximumf %add3A_100, %max3A_102 : vector<1x128xf32>
      %swap3A_104 = arith.constant 0 : index
      %swap3A_105 = arith.constant 0 : index
      %swap3A_106 = vector.load %arg12[%swap3A_104, %swap3A_105] : memref<1x128xf32, #tpu.memory_space<vmem>>, vector<1x128xf32>
      tpu.vector_store %arg12[%swap3A_104, %swap3A_105], %max3A_103 {strides = array<i32>} : memref<1x128xf32, #tpu.memory_space<vmem>>, vector<1x128xf32>,
    } else {
    }
    return
  }
  func.func @transform_0(%arg0: i32) -> (i32, i32, i32) {
    %c0_i32 = arith.constant 0 : i32
    %c0_i32_0 = arith.constant 0 : i32
    %c0_i32_1 = arith.constant 0 : i32
    return %c0_i32, %arg0, %c0_i32_0 : i32, i32, i32
  }
  func.func @transform_1(%arg0: i32) -> (i32, i32, i32) {
    %c0_i32 = arith.constant 0 : i32
    %c0_i32_0 = arith.constant 0 : i32
    %c0_i32_1 = arith.constant 0 : i32
    return %c0_i32, %arg0, %c0_i32_0 : i32, i32, i32
  }
  func.func @transform_2(%arg0: i32) -> (i32, i32) {
    %c0_i32 = arith.constant 0 : i32
    %c0_i32_0 = arith.constant 0 : i32
    %c0_i32_1 = arith.constant 0 : i32
    return %c0_i32, %c0_i32_0 : i32, i32
  }
  func.func @transform_3(%arg0: i32) -> (i32, i32) {
    %c0_i32 = arith.constant 0 : i32
    %c0_i32_0 = arith.constant 0 : i32
    %c0_i32_1 = arith.constant 0 : i32
    return %c0_i32, %c0_i32_0 : i32, i32
  }
  func.func @transform_4(%arg0: i32) -> (i32, i32) {
    %c0_i32 = arith.constant 0 : i32
    %c0_i32_0 = arith.constant 0 : i32
    %c0_i32_1 = arith.constant 0 : i32
    return %c0_i32, %c0_i32_0 : i32, i32
  }
  func.func @transform_5(%arg0: i32) -> (i32, i32) {
    %c0_i32 = arith.constant 0 : i32
    %c0_i32_0 = arith.constant 0 : i32
    %c0_i32_1 = arith.constant 0 : i32
    return %c0_i32, %c0_i32_0 : i32, i32
  }
  func.func @transform_6(%arg0: i32) -> (i32, i32) {
    %c0_i32 = arith.constant 0 : i32
    %c0_i32_0 = arith.constant 0 : i32
    %c0_i32_1 = arith.constant 0 : i32
    return %c0_i32, %c0_i32_0 : i32, i32
  }
  func.func @transform_7(%arg0: i32) -> (i32, i32) {
    %c0_i32 = arith.constant 0 : i32
    %c0_i32_0 = arith.constant 0 : i32
    %c0_i32_1 = arith.constant 0 : i32
    return %c0_i32, %c0_i32_0 : i32, i32
  }
  func.func @transform_8(%arg0: i32) -> (i32, i32) {
    %c0_i32 = arith.constant 0 : i32
    %c0_i32_0 = arith.constant 0 : i32
    %c0_i32_1 = arith.constant 0 : i32
    return %c0_i32, %c0_i32_0 : i32, i32
  }
  func.func @transform_9(%arg0: i32) -> (i32, i32) {
    %c0_i32 = arith.constant 0 : i32
    %c0_i32_0 = arith.constant 0 : i32
    %c0_i32_1 = arith.constant 0 : i32
    return %c0_i32, %c0_i32_0 : i32, i32
  }
  func.func @transform_10(%arg0: i32) -> (i32, i32) {
    %c0_i32 = arith.constant 0 : i32
    %c0_i32_0 = arith.constant 0 : i32
    return %arg0, %c0_i32 : i32, i32
  }
  func.func @transform_11(%arg0: i32) -> (i32, i32) {
    %c0_i32 = arith.constant 0 : i32
    %c0_i32_0 = arith.constant 0 : i32
    %c0_i32_1 = arith.constant 0 : i32
    return %c0_i32, %c0_i32_0 : i32, i32
  }
}

</mosaic_0001>

<sc_bundles>
// kernel: kernel.11.cloned.1.call-start
scs
__scs_entry_jumppad:
0x0: {  	(pc) =	sbr.rel $0x88, $3  }
0x1: {  	(tag) =	ssettag $0x0;
	lr =	simm.s32 $0x1  }
0x2: {  	[smem:$0x3F91] =	sst lr;
	_ =	strace $0xD0000000  }
0x3: {  	_ = 	snop  }
0x4: {  	_ = 	snop  }
0x5: {  	_ = 	snop  }
0x6: {  	_ = 	snop  }
0x7: {  	_ = 	snop  }
__scs_overlays_trampoline_lowered:
0x8: {  	[smem:$0x3FA0] =	sst s0  }
0x9: {  	[smem:$0x3FA1] =	sst s1  }
0xa: {  	[smem:$0x3FA2] =	sst s2  }
0xb: {  	[smem:$0x3FA3] =	sst s3  }
0xc: {  	[smem:$0x3FA4] =	sst s4  }
0xd: {  	[smem:$0x3FA5] =	sst s5  }
0xe: {  	[smem:$0x3FA6] =	sst s6  }
0xf: {  	[smem:$0x3FA7] =	sst s7  }
0x10: {  	[smem:$0x3FA8] =	sst s8  }
0x11: {  	[smem:$0x3FA9] =	sst s9;
	s0 =	simm.s32 @!p0 $0x0  }
0x12: {  	s1 =	sld [smem:$0x3F8F];
	s0 =	simm.s32 @p0 $0x1  }
0x13: {  	[smem:$0x3FAA] =	sst s0;
	s0 =	simm.s32 @!p1 $0x0  }
0x14: {  	s2 =	sld [smem:$0x3F8E];
	s0 =	simm.s32 @p1 $0x1  }
0x15: {  	[smem:$0x3FAB] =	sst s0;
	s0 =	simm.s32 @!p2 $0x0  }
0x16: {  	s3 =	sld [smem:$0x3FDB];
	s0 =	simm.s32 @p2 $0x1  }
0x17: {  	s4 =	simm.s32 $0x1BF5;
	[smem:$0x3FAD] =	sst s0  }
0x18: {  	s0 =	sld [smem:$0x3F90];
	_ =	swait.ge [sflag:s4], $0x0  }
0x19: {  	s7 =	sld [smem:$0x3F91]  }
0x1a: {  	s8 =	sadd.s32 $0xFFFFE003, lr  }
0x1b: {  	s9 =	sadd.s32 $0xFFFFFEF7, lr;
	s5 =	simm.s32 $0xFFFFFFFF;
	p2 =	slt.u32 s8, $0xFFFFF086  }
0x1c: {  	p1 =	slt.u32 s9, $0xF7A;
	s5 =	simm.s32 @!p2 $0x0  }
0x1d: {  	s5 =	simm.s32 @p1 $0x1;
	p0 =	seq.s32 s7, s2  }
0x1e: {  	s7 =	smul.u32 @!p0 $0xF7A, s2;
	p2 =	seq.s32 @!p0 s5, $0x0  }
0x1f: {  	s9 =	smul.u32 $0xF7A, s1;
	s8 =	simm.s32 @!p0 $0x1BF5;
	p2 =	por !p2, p0  }
0x20: {  	[sflag:s8] =	ssyncset.s32 @!p0 $0xFFFFF086;
	s6 =	sadd.s32 @!p0 s3, s7;
	s7 =	simm.s32 @!p0 $0x108  }
0x21: {  	s3 =	sadd.s32 s3, s9;
	s6 =	sadd.s32 @!p0 $0x88, s6;
	s7 =	simm.s32 @p2 $0x1082  }
0x22: {  	[simem:s7], [sflag:s8] =	dma.local @!p0 [hbm:s6], $0xF7A  }
0x23: {  	s9 =	sor.u32 $0xD0000000, s2;
	s6 =	simm.s32 $0x108;
	_ =	swait.ge @!p0 [sflag:s8], $0x0  }
0x24: {  	s3 =	sadd.s32 $0x88, s3;
	s6 =	simm.s32 @!p1 $0x1082;
	[sflag:s4] =	ssyncset.s32 $0xFFFFF086  }
0x25: {  	[simem:s6], [sflag:s4] =	dma.local [hbm:s3], $0xF7A  }
0x26: {  	[smem:$0x3F91] =	sst s1;
	(tag) =	ssettag s2;
	_ =	strace s9  }
0x27: {  	s1 =	sld [smem:$0x3FA1]  }
0x28: {  	s2 =	sld [smem:$0x3FA2]  }
0x29: {  	s4 =	sld [smem:$0x3FA4]  }
0x2a: {  	p0 =	seq.s32 s5, $0x0;
	s5 =	sld [smem:$0x3FA5]  }
0x2b: {  	s6 =	sld [smem:$0x3FA6]  }
0x2c: {  	s7 =	sld [smem:$0x3FA7]  }
0x2d: {  	s3 =	simm.s32 $0x108;
	s8 =	sld [smem:$0x3FA8]  }
0x2e: {  	s3 =	simm.s32 @!p0 $0x1082;
	s9 =	sld [smem:$0x3FA9]  }
0x2f: {  	lr =	sadd.s32 s0, s3;
	s0 =	sld [smem:$0x3FA0]  }
0x30: {  	s3 =	sld [smem:$0x3FA3]  }
0x31: {  	[smem:$0x3FAC] =	sst s10  }
0x32: {  	s10 =	sld [smem:$0x3FAA];
	_ =	sdelay $0x3  }
0x33: {  	p0 =	seq.s32 s10, $0x1;
	s10 =	sld [smem:$0x3FAC];
	_ =	sdelay $0x3  }
0x34: {  	[smem:$0x3FAC] =	sst s10  }
0x35: {  	s10 =	sld [smem:$0x3FAB];
	_ =	sdelay $0x3  }
0x36: {  	p1 =	seq.s32 s10, $0x1;
	s10 =	sld [smem:$0x3FAC];
	_ =	sdelay $0x3  }
0x37: {  	[smem:$0x3FAC] =	sst s10  }
0x38: {  	s10 =	sld [smem:$0x3FAD]  }
0x39: {  	_ = 	snop;
	(pc) =	sbr.ind lr, $3  }
0x3a: {  	_ = 	snop  }
0x3b: {  	_ = 	snop  }
0x3c: {  	p2 =	seq.s32 s10, $0x1;
	s10 =	sld [smem:$0x3FAC]  }
0x3d: {  	_ =	shalt  }
0x3e: {  	_ =	shalt  }
0x3f: {  	_ =	shalt  }
0x40: {  	_ =	shalt  }
0x41: {  	_ =	shalt  }
0x42: {  	_ =	shalt  }
0x43: {  	_ =	shalt  }
0x44: {  	_ =	shalt  }
0x45: {  	_ =	shalt  }
0x46: {  	_ =	shalt  }
0x47: {  	_ =	shalt  }
0x48: {  	_ =	shalt  }
0x49: {  	_ =	shalt  }
0x4a: {  	_ =	shalt  }
0x4b: {  	_ =	shalt  }
0x4c: {  	_ =	shalt  }
0x4d: {  	_ =	shalt  }
0x4e: {  	_ =	shalt  }
0x4f: {  	_ =	shalt  }
0x50: {  	_ =	shalt  }
0x51: {  	_ =	shalt  }
0x52: {  	_ =	shalt  }
0x53: {  	_ =	shalt  }
0x54: {  	_ =	shalt  }
0x55: {  	_ =	shalt  }
0x56: {  	_ =	shalt  }
0x57: {  	_ =	shalt  }
0x58: {  	_ =	shalt  }
0x59: {  	_ =	shalt  }
0x5a: {  	_ =	shalt  }
0x5b: {  	_ =	shalt  }
0x5c: {  	_ =	shalt  }
0x5d: {  	_ =	shalt  }
0x5e: {  	_ =	shalt  }
0x5f: {  	_ =	shalt  }
0x60: {  	_ =	shalt  }
0x61: {  	_ =	shalt  }
0x62: {  	_ =	shalt  }
0x63: {  	_ =	shalt  }
0x64: {  	_ =	shalt  }
0x65: {  	_ =	shalt  }
0x66: {  	_ =	shalt  }
0x67: {  	_ =	shalt  }
0x68: {  	_ =	shalt  }
0x69: {  	_ =	shalt  }
0x6a: {  	_ =	shalt  }
0x6b: {  	_ =	shalt  }
0x6c: {  	_ =	shalt  }
0x6d: {  	_ =	shalt  }
0x6e: {  	_ =	shalt  }
0x6f: {  	_ =	shalt  }
0x70: {  	_ =	shalt  }
0x71: {  	_ =	shalt  }
0x72: {  	_ =	shalt  }
0x73: {  	_ =	shalt  }
0x74: {  	_ =	shalt  }
0x75: {  	_ =	shalt  }
0x76: {  	_ =	shalt  }
0x77: {  	_ =	shalt  }
0x78: {  	_ =	shalt  }
0x79: {  	_ =	shalt  }
0x7a: {  	_ =	shalt  }
0x7b: {  	_ =	shalt  }
0x7c: {  	_ =	shalt  }
0x7d: {  	_ =	shalt  }
0x7e: {  	_ =	shalt  }
0x7f: {  	_ =	shalt  }
0x80: {  	_ =	shalt  }
0x81: {  	_ =	shalt  }
0x82: {  	_ =	shalt  }
0x83: {  	_ =	shalt  }
0x84: {  	_ =	shalt  }
0x85: {  	_ =	shalt  }
0x86: {  	_ =	shalt  }
0x87: {  	_ =	shalt  }
.Lfunc_end0:
.L_simem_size_0:
called_computation.1_lowered:
.L_overlay_start_0:
0x88: {  	s2 =	sld [smem:$0x3FD9]  }
0x89: {  	s3 =	sld [smem:$0x3FFE];
	_ =	sdelay $0x1  }
0x8a: {  	s1 =	srdreg.scid  }
0x8b: {  	s0 =	sand.u32 $0x1, s1  }
0x8c: {  	s17 =	sshll.u32 s0, $0xA;
	s2 =	sadd.s32 s3, s2  }
0x8d: {  	s2 =	sadd.s32 s2, s17  }
0x8e: {  	[smem:$0x3FB8] =	sst s2  }
0x8f: {  	_ = 	snop  }
0x90: {  	(tm) =	ssettm $0x1  }
0x91: {  	s18 =	sld [smem:$0x3FFB];
	_ =	sdelay $0x3  }
0x92: {  	_ =	strace s18  }
0x93: {  	s2 =	sld [smem:$0x3FFC];
	_ =	sdelay $0x3  }
0x94: {  	_ =	strace s2  }
0x95: {  	s2 =	sld [smem:$0x3FFD];
	_ =	sdelay $0x3  }
0x96: {  	_ =	strace s2  }
0x97: {  	_ =	strace $0x8FFFFFFF  }
0x98: {  	s19 =	sld [smem:$0x3FDB];
	_ =	sdelay $0x1  }
0x99: {  	s20 =	simm.s32 $_scs_section_size  }
0x9a: {  	s4 =	simm.s32 $_size__tile_overlayer_lowered;
	s5 =	simm.s32 $_tile_overlayer_lowered  }
0x9b: {  	s6 =	simm.s32 $0x1BFF;
	s21 =	sshll.u32 s5, $0x1;
	s3 =	sadd.s32 s20, s19  }
0x9c: {  	s22 =	simm.s32 $0x0;
	s4 =	sshll.u32 s4, $0x1;
	s5 =	sadd.s32 s21, s3  }
0x9d: {  	[timem:s22], [sflag:s6] =	dma.local [hbm:s5], s4  }
0x9e: {  	_ =	swait.ge [sflag:s6], s4  }
0x9f: {  	s4 =	ssub.s32 $0x0, s4;
	[sflag:s6] =	ssyncset.done $0x0  }
0xa0: {  	[sflag:s6] =	ssyncadd.s32 s4;
	_ =	sdelay $0x1  }
0xa1: {  	s23 =	simm.s32 $0x1B8B  }
0xa2: {  	_ =	swait.ge [sflag:s23], $0x1  }
0xa3: {  	[sflag:s23] =	ssyncset.done $0x0  }
0xa4: {  	[sflag:s23] =	ssyncadd.s32 $0xFFFFFFFF  }
0xa5: {  	s4 =	sld [smem:$0x0]  }
0xa6: {  	s5 =	sand.u32 $0xFFFFFFFE, s1  }
0xa7: {  	p0 =	sne.s32 s1, s5  }
0xa8: {  	s5 =	sshll.u32 @p0 s5, $0xE  }
0xa9: {  	s5 =	sadd.s32 @p0 $0x11B8D, s5;
	s6 =	sshll.u32 @p0 s4, $0x11  }
0xaa: {  	s5 =	sor.u32 @p0 s6, s5  }
0xab: {  	[sflag:s5] =	ssyncadd.remote.s32 @p0 $0x1;
	_ =	sdelay $0x1  }
0xac: {  	s5 =	simm.s32 @p0 $0x1B8D  }
0xad: {  	_ =	swait.eq @p0 [sflag:s5], $0x1  }
0xae: {  	[sflag:s5] =	ssyncadd.s32 @p0 $0xFFFFFFFF  }
0xaf: {  	s6 =	sshll.u32 @!p0 s1, $0xE  }
0xb0: {  	s6 =	sor.u32 @!p0 $0x4000, s6;
	s5 =	simm.s32 @!p0 $0x1B8D  }
0xb1: {  	s4 =	sshll.u32 @!p0 s4, $0x11;
	s6 =	sadd.s32 @!p0 $0x11B8D, s6;
	_ =	swait.eq @!p0 [sflag:s5], $0x1  }
0xb2: {  	s4 =	sor.u32 @!p0 s4, s6;
	[sflag:s5] =	ssyncadd.s32 @!p0 $0xFFFFFFFF  }
0xb3: {  	s25 =	simm.s32 $0x1B8E;
	s24 =	sld [smem:$0x3FFE];
	[sflag:s4] =	ssyncadd.remote.s32 @!p0 $0x1  }
0xb4: {  	s26 =	simm.s32 $execute0_lowered;
	[smem:$0x3FD2] =	sst s25  }
0xb5: {  	s5 =	sshll.u32 s26, $0x1;
	_ =	strace $0x80000049;
	[dreg:$0x1] =	wrdreg $0xFFFFFFFF  }
0xb6: {  	s28 =	simm.s32 $_size_execute0_lowered;
	s3 =	sadd.s32 s3, s5;
	[dreg:$0x0] =	wrdreg $0x0  }
0xb7: {  	s5 =	sshll.u32 s28, $0x1;
	[dreg:$0x2] =	wrdreg s3  }
0xb8: {  	[dreg:$0x3] =	wrdreg s5  }
0xb9: {  	[dreg:$0x4] =	wrdreg $0xC0  }
0xba: {  	_ =	task [dreg:s22], $0x5FFFF  }
0xbb: {  	[dreg:$0x1] =	wrdreg $0xFFFFFFFF  }
0xbc: {  	[dreg:$0x0] =	wrdreg $0x60  }
0xbd: {  	[dreg:$0x2] =	wrdreg s24  }
0xbe: {  	[dreg:$0x3] =	wrdreg $0x16800  }
0xbf: {  	[dreg:$0x4] =	wrdreg $0x9  }
0xc0: {  	_ =	task.clear_ibuf [dreg:s22], $0x5FFFF;
	_ =	strace $0x90000049  }
0xc1: {  	s29 =	simm.s32 $0x9;
	_ =	strace $0x8000004B  }
0xc2: {  	_ =	swait.ge [sflag:s29], $0x1  }
0xc3: {  	[sflag:s29] =	ssyncadd.s32 $0xFFFFFFFF  }
0xc4: {  	_ =	strace $0x9000004B  }
0xc5: {  	_ =	sfence  }
0xc6: {  	s30 =	sld [smem:$0x0];
	_ =	sdelay $0x2  }
0xc7: {  	s31 =	sshll.u32 s1, $0xD;
	s1 =	sshrl.u32 s1, $0x2  }
0xc8: {  	s4 =	sand.u32 $0x4000, s31;
	s1 =	sadd.s32 s1, s30  }
0xc9: {  	s0 =	sor.u32 s4, s0;
	s1 =	sshll.u32 s1, $0x11  }
0xca: {  	s0 =	sor.u32 s1, s0  }
0xcb: {  	s0 =	sadd.s32 $0x8F2B, s0  }
0xcc: {  	[sflag:s0] =	ssyncadd.remote.s32 $0x1  }
0xcd: {  	_ =	sfence.sel $0xFFFF  }
0xce: {  	[dreg:$0x0] =	wrdreg $0xFFFFFFFF;
	(pc) =	sbr.abs _section_cstart, $3  }
0xcf: {  	[dreg:$0x1] =	wrdreg $0xFFFFFFFF  }
0xd0: {  	_ =	task.clear_ibuf [dreg:s22], $0x2FFFF;
	_ =	strace $0x9FFFFFFF  }
0xd1: {  	(tm) =	ssettm $0x7FFFFFFF  }
tec
execute0_lowered:
.L_overlay_start_1:
0x0: {  	(tag) =	ssettag $0x1  }
0x1: {  	s0 =	rddreg [dreg:$0x0]  }
0x2: {  	s2 =	rddreg [dreg:$0x1]  }
0x3: {  	s3 =	simm.s32 $0x0;
	s15 =	stileid.u32;
	s4 =	srdreg.scid  }
0x4: {  	s28 =	simm.s32 $0x3;
	s29 =	simm.s32 $0x4;
	s30 =	simm.s32 $0x5  }
0x5: {  	s31 =	simm.s32 $0x6;
	[smem:$0x7FF] =	sst s3;
	s1 =	smul.u32 $0x2700, s15  }
0x6: {  	s5 =	sadd.s32 $0x9200, s0;
	s6 =	sadd.s32 $0x9F9400, s0;
	s7 =	smul.u32 $0x4E000, s15  }
0x7: {  	s4 =	sand.u32 $0x1, s4;
	s8 =	sadd.s32 $0x9F9800, s0;
	s14 =	smul.u32 $0x13800, s15  }
0x8: {  	s11 =	smul.u32 $0x1388, s15;
	p0 =	seq.s32 s15, $0xF;
	_ =	strace $0x8000004A  }
0x9: {  	[dreg:$0x3] =	wrdreg s6;
	s13 =	ssub.s32 $0x2, s4;
	s10 =	smul.u32 $0x138800, s4  }
0xa: {  	s16 =	smul.u32 $0x13880, s4;
	s4 =	sadd.s32 $0x124800, s2;
	s1 =	sadd.s32 s1, s0  }
0xb: {  	s9 =	sshrl.u32 s13, $0x1;
	s7 =	sshrl.u32 s7, $0x2;
	s0 =	sadd.s32 $0x9F6B00, s0  }
0xc: {  	s6 =	ssub.s32 s13, s9;
	s7 =	sadd.s32 s7, s2;
	s1 =	sadd.s32 $0x9D2200, s1  }
0xd: {  	s9 =	sadd.s32 s14, s10;
	[dreg:$0x5] =	wrdreg s0;
	s18 =	sshrl.u32 s10, $0x3  }
0xe: {  	[dreg:$0x4] =	wrdreg s1;
	s17 =	sshrl.u32 s9, $0x3;
	s1 =	sadd.s32 s11, s16  }
0xf: {  	s19 =	sadd.s32 s8, s18;
	s20 =	smax.u32 s6, $0x1;
	s9 =	sshrl.u32 @p0 s4, $0x3  }
0x10: {  	s18 =	simm.s32 $0x280;
	s4 =	simm.s32 $0x9;
	s6 =	simm.s32 $0x0  }
0x11: {  	s0 =	sadd.s32 s8, s17;
	[dreg:$0x8] =	wrdreg s20;
	s21 =	sadd.s32 $0xA0, s1  }
0x12: {  	s22 =	sadd.s32 $0x78, s1;
	s23 =	sadd.s32 $0x50, s1;
	s26 =	sadd.s32 $0x28, s1  }
0x13: {  	s1 =	sshrl.u32 s1, $0x3;
	s20 =	simm.s32 $0x80;
	[dreg:$0x6] =	wrdreg s0  }
0x14: {  	s0 =	sadd.s32 $0x24900, s19;
	s24 =	sshrl.u32 s22, $0x3;
	s25 =	sshrl.u32 s23, $0x3  }
0x15: {  	s14 =	sadd.s32 s1, s5;
	s19 =	sshrl.u32 @!p0 s7, $0x3;
	s22 =	simm.s32 $0x180  }
0x16: {  	s23 =	simm.s32 $0x200;
	s1 =	simm.s32 $0x8;
	[dreg:$0x7] =	wrdreg s0  }
0x17: {  	s0 =	sshrl.u32 s21, $0x3;
	s11 =	sadd.s32 s24, s5;
	s12 =	sadd.s32 s25, s5  }
0x18: {  	s21 =	simm.s32 $0x100;
	s24 =	simm.s32 $0x1;
	s25 =	simm.s32 $0x28  }
0x19: {  	[dreg:$0x9] =	wrdreg s19;
	s10 =	sadd.s32 s0, s5;
	s0 =	sshrl.u32 s26, $0x3  }
0x1a: {  	s26 =	simm.s32 $0x2;
	s13 =	sadd.s32 s0, s5;
	s0 =	sshll.u32 @!p0 s15, $0x6  }
0x1b: {  	s5 =	simm.s32 $0xA;
	s15 =	sor.u32 @!p0 $0x1C0B, s0;
	s0 =	simm.s32 $0x7  }
.LBB2_1:
0x1c: {  	s7 =	simm.s32 @p0 $0x1FCB;
	s8 =	rddreg [dreg:$0x5]  }
0x1d: {  	[spmem:s9], [sflag:s7] =	dma.local @p0 [hbm:s8], $0x2800  }
0x1e: {  	s7 =	simm.s32 @p0 $0xB  }
0x1f: {  	_ =	swait.ge @p0 [sflag:s7], $0x2800  }
0x20: {  	[sflag:s7] =	ssyncset.done @p0 $0x0  }
0x21: {  	[sflag:s7] =	ssyncadd.s32 @p0 $0xFFFFD800;
	s7 =	rddreg [dreg:$0x4]  }
0x22: {  	[spmem:s19], [sflag:s15] =	dma.local @!p0 [hbm:s7], $0x2700  }
0x23: {  	s7 =	simm.s32 @!p0 $0xB  }
0x24: {  	_ =	swait.ge @!p0 [sflag:s7], $0x2700  }
0x25: {  	s16 =	smov.u32 s9;
	s17 =	smov.u32 s15;
	[sflag:s7] =	ssyncset.done @!p0 $0x0  }
0x26: {  	s15 =	simm.s32 $0xB;
	s9 =	rddreg [dreg:$0x3];
	[sflag:s7] =	ssyncadd.s32 @!p0 $0xFFFFD900  }
0x27: {  	[tilespmem:s18], [sflag:$0xB] =	stream.linear.gather [hbm4b:s9+s3], $0x1400, $0x38;
	[tilespmem:$0x14F00] =	vst v63  }
0x28: {  	_ =	swait.ge [sflag:s15], $0x1400  }
0x29: {  	[sflag:s15] =	ssyncset.done $0x0  }
0x2a: {  	[sflag:s15] =	ssyncadd.s32 $0xFFFFEC00  }
0x2b: {  	s19 =	sadd.s32 $0x0, s14;
	[bflag:$0x0] =	sbarrier.arrive $0xFFFF  }
0x2c: {  	[tilespmem:s3], [sflag:$0x1] =	stream.linear.gather [hbm4b:s19+s3], $0x28, $0x38;
	[tilespmem:$0x14F00] =	vst v63  }
0x2d: {  	s8 =	sadd.s32 $0x0, s13  }
0x2e: {  	[tilespmem:s20], [sflag:$0x2] =	stream.linear.gather [hbm4b:s8+s3], $0x28, $0x38;
	[tilespmem:$0x14F00] =	vst v63  }
0x2f: {  	s9 =	sadd.s32 $0x0, s12  }
0x30: {  	[tilespmem:s21], [sflag:$0x3] =	stream.linear.gather [hbm4b:s9+s3], $0x28, $0x38;
	[tilespmem:$0x14F00] =	vst v63  }
0x31: {  	s15 =	sadd.s32 $0x0, s11  }
0x32: {  	[tilespmem:s22], [sflag:$0x4] =	stream.linear.gather [hbm4b:s15+s3], $0x28, $0x38;
	[tilespmem:$0x14F00] =	vst v63  }
0x33: {  	s19 =	sadd.s32 $0x0, s10  }
0x34: {  	[tilespmem:s23], [sflag:$0x5] =	stream.linear.gather [hbm4b:s19+s3], $0x28, $0x38;
	[tilespmem:$0x14F00] =	vst v63  }
0x35: {  	_ =	swait.ge [sflag:s24], $0x28  }
0x36: {  	[sflag:s24] =	ssyncset.done $0x0  }
0x37: {  	[sflag:s24] =	ssyncadd.s32 $0xFFFFFFD8  }
0x38: {  	[spmem:s2] =	stream.indirect.scatter.add.f32 [tilespmem:s18], [sflag:$0x6], $0x80, s3, s25, $0xb8;
	[tilespmem:$0x14F00] =	vst v63  }
0x39: {  	_ =	swait.ge [sflag:s26], $0x28  }
0x3a: {  	[sflag:s26] =	ssyncset.done $0x0  }
0x3b: {  	[sflag:s26] =	ssyncadd.s32 $0xFFFFFFD8  }
0x3c: {  	[spmem:s2] =	stream.indirect.scatter.add.f32 [tilespmem:s18], [sflag:$0x7], $0x80, s20, s25, $0xb8;
	[tilespmem:$0x14F00] =	vst v63  }
0x3d: {  	_ =	swait.ge [sflag:s28], $0x28  }
0x3e: {  	[sflag:s28] =	ssyncset.done $0x0  }
0x3f: {  	[sflag:s28] =	ssyncadd.s32 $0xFFFFFFD8  }
0x40: {  	[spmem:s2] =	stream.indirect.scatter.add.f32 [tilespmem:s18], [sflag:$0x8], $0x80, s21, s25, $0xb8;
	[tilespmem:$0x14F00] =	vst v63  }
0x41: {  	_ =	swait.ge [sflag:s29], $0x28  }
0x42: {  	[sflag:s29] =	ssyncset.done $0x0  }
0x43: {  	[sflag:s29] =	ssyncadd.s32 $0xFFFFFFD8  }
0x44: {  	[spmem:s2] =	stream.indirect.scatter.add.f32 [tilespmem:s18], [sflag:$0x9], $0x80, s22, s25, $0xb8;
	[tilespmem:$0x14F00] =	vst v63  }
0x45: {  	_ =	swait.ge [sflag:s30], $0x28  }
0x46: {  	[sflag:s30] =	ssyncset.done $0x0  }
0x47: {  	[sflag:s30] =	ssyncadd.s32 $0xFFFFFFD8  }
0x48: {  	[spmem:s2] =	stream.indirect.scatter.add.f32 [tilespmem:s18], [sflag:$0xA], $0x80, s23, s25, $0xb8;
	[tilespmem:$0x14F00] =	vst v63  }
0x49: {  	_ =	swait.ge [sflag:s31], $0x1400  }
0x4a: {  	[sflag:s31] =	ssyncset.done $0x0  }
0x4b: {  	[sflag:s31] =	ssyncadd.s32 $0xFFFFEC00  }
0x4c: {  	_ =	swait.ge [sflag:s0], $0x1400  }
0x4d: {  	[sflag:s0] =	ssyncset.done $0x0  }
0x4e: {  	[sflag:s0] =	ssyncadd.s32 $0xFFFFEC00  }
0x4f: {  	_ =	swait.ge [sflag:s1], $0x1400  }
0x50: {  	[sflag:s1] =	ssyncset.done $0x0  }
0x51: {  	[sflag:s1] =	ssyncadd.s32 $0xFFFFEC00  }
0x52: {  	_ =	swait.ge [sflag:s4], $0x1400  }
0x53: {  	[sflag:s4] =	ssyncset.done $0x0  }
0x54: {  	[sflag:s4] =	ssyncadd.s32 $0xFFFFEC00  }
0x55: {  	_ =	swait.ge [sflag:s5], $0x1400  }
0x56: {  	s7 =	simm.s32 $0x19;
	s8 =	simm.s32 $0x32;
	[sflag:s5] =	ssyncset.done $0x0  }
.LBB2_2:
0x57: {  	s19 =	sadd.s32 s7, s14  }
0x58: {  	[sflag:s5] =	ssyncadd.s32 $0xFFFFEC00;
	s15 =	smov.u32 s8;
	s9 =	sadd.s32 $0x19, s8  }
0x59: {  	[tilespmem:s3], [sflag:$0x1] =	stream.linear.gather [hbm4b:s19+s3], $0x28, $0x38;
	[tilespmem:$0x14F00] =	vst v63  }
0x5a: {  	p1 =	sne.s32 s8, $0x258;
	s8 =	sadd.s32 s7, s13  }
0x5b: {  	[tilespmem:s20], [sflag:$0x2] =	stream.linear.gather [hbm4b:s8+s3], $0x28, $0x38;
	[tilespmem:$0x14F00] =	vst v63  }
0x5c: {  	s8 =	sadd.s32 s7, s12  }
0x5d: {  	[tilespmem:s21], [sflag:$0x3] =	stream.linear.gather [hbm4b:s8+s3], $0x28, $0x38;
	[tilespmem:$0x14F00] =	vst v63  }
0x5e: {  	s8 =	sadd.s32 s7, s11  }
0x5f: {  	[tilespmem:s22], [sflag:$0x4] =	stream.linear.gather [hbm4b:s8+s3], $0x28, $0x38;
	[tilespmem:$0x14F00] =	vst v63  }
0x60: {  	s8 =	sadd.s32 s7, s10;
	s7 =	smov.u32 s15  }
0x61: {  	[tilespmem:s23], [sflag:$0x5] =	stream.linear.gather [hbm4b:s8+s3], $0x28, $0x38;
	[tilespmem:$0x14F00] =	vst v63  }
0x62: {  	_ =	swait.ge [sflag:s24], $0x28  }
0x63: {  	[sflag:s24] =	ssyncset.done $0x0  }
0x64: {  	[sflag:s24] =	ssyncadd.s32 $0xFFFFFFD8  }
0x65: {  	[spmem:s2] =	stream.indirect.scatter.add.f32 [tilespmem:s18], [sflag:$0x6], $0x80, s3, s25, $0xb8;
	[tilespmem:$0x14F00] =	vst v63  }
0x66: {  	_ =	swait.ge [sflag:s26], $0x28  }
0x67: {  	[sflag:s26] =	ssyncset.done $0x0  }
0x68: {  	[sflag:s26] =	ssyncadd.s32 $0xFFFFFFD8  }
0x69: {  	[spmem:s2] =	stream.indirect.scatter.add.f32 [tilespmem:s18], [sflag:$0x7], $0x80, s20, s25, $0xb8;
	[tilespmem:$0x14F00] =	vst v63  }
0x6a: {  	_ =	swait.ge [sflag:s28], $0x28  }
0x6b: {  	[sflag:s28] =	ssyncset.done $0x0  }
0x6c: {  	[sflag:s28] =	ssyncadd.s32 $0xFFFFFFD8  }
0x6d: {  	[spmem:s2] =	stream.indirect.scatter.add.f32 [tilespmem:s18], [sflag:$0x8], $0x80, s21, s25, $0xb8;
	[tilespmem:$0x14F00] =	vst v63  }
0x6e: {  	_ =	swait.ge [sflag:s29], $0x28  }
0x6f: {  	[sflag:s29] =	ssyncset.done $0x0  }
0x70: {  	[sflag:s29] =	ssyncadd.s32 $0xFFFFFFD8  }
0x71: {  	[spmem:s2] =	stream.indirect.scatter.add.f32 [tilespmem:s18], [sflag:$0x9], $0x80, s22, s25, $0xb8;
	[tilespmem:$0x14F00] =	vst v63  }
0x72: {  	_ =	swait.ge [sflag:s30], $0x28  }
0x73: {  	[sflag:s30] =	ssyncset.done $0x0  }
0x74: {  	[sflag:s30] =	ssyncadd.s32 $0xFFFFFFD8  }
0x75: {  	[spmem:s2] =	stream.indirect.scatter.add.f32 [tilespmem:s18], [sflag:$0xA], $0x80, s23, s25, $0xb8;
	[tilespmem:$0x14F00] =	vst v63  }
0x76: {  	_ =	swait.ge [sflag:s31], $0x1400  }
0x77: {  	[sflag:s31] =	ssyncset.done $0x0  }
0x78: {  	[sflag:s31] =	ssyncadd.s32 $0xFFFFEC00  }
0x79: {  	_ =	swait.ge [sflag:s0], $0x1400  }
0x7a: {  	[sflag:s0] =	ssyncset.done $0x0  }
0x7b: {  	[sflag:s0] =	ssyncadd.s32 $0xFFFFEC00  }
0x7c: {  	_ =	swait.ge [sflag:s1], $0x1400  }
0x7d: {  	[sflag:s1] =	ssyncset.done $0x0  }
0x7e: {  	[sflag:s1] =	ssyncadd.s32 $0xFFFFEC00  }
.Ltmp0:
0x7f: {  	_ =	swait.ge [sflag:s4], $0x1400;
	(pc) =	sbr.rel @p1 .LBB2_2-.Ltmp0, $4  }
0x80: {  	[sflag:s4] =	ssyncset.done $0x0  }
0x81: {  	[sflag:s4] =	ssyncadd.s32 $0xFFFFEC00  }
0x82: {  	_ =	swait.ge [sflag:s5], $0x1400  }
0x83: {  	s8 =	smov.u32 s9;
	[sflag:s5] =	ssyncset.done $0x0  }
0x84: {  	s8 =	sadd.s32 s7, s14;
	[sflag:s5] =	ssyncadd.s32 $0xFFFFEC00  }
0x85: {  	[tilespmem:s3], [sflag:$0x1] =	stream.linear.gather [hbm4b:s8+s3], $0x28, $0x38;
	[tilespmem:$0x14F00] =	vst v63  }
0x86: {  	s15 =	sadd.s32 s7, s13  }
0x87: {  	[tilespmem:s20], [sflag:$0x2] =	stream.linear.gather [hbm4b:s15+s3], $0x28, $0x38;
	[tilespmem:$0x14F00] =	vst v63  }
0x88: {  	s19 =	sadd.s32 s7, s12  }
0x89: {  	[tilespmem:s21], [sflag:$0x3] =	stream.linear.gather [hbm4b:s19+s3], $0x28, $0x38;
	[tilespmem:$0x14F00] =	vst v63  }
0x8a: {  	s9 =	sadd.s32 s7, s11  }
0x8b: {  	[tilespmem:s22], [sflag:$0x4] =	stream.linear.gather [hbm4b:s9+s3], $0x28, $0x38;
	[tilespmem:$0x14F00] =	vst v63  }
0x8c: {  	s15 =	sadd.s32 s7, s10  }
0x8d: {  	[tilespmem:s23], [sflag:$0x5] =	stream.linear.gather [hbm4b:s15+s3], $0x28, $0x38;
	[tilespmem:$0x14F00] =	vst v63  }
0x8e: {  	_ =	swait.ge [sflag:s24], $0x28  }
0x8f: {  	[sflag:s24] =	ssyncset.done $0x0  }
0x90: {  	[sflag:s24] =	ssyncadd.s32 $0xFFFFFFD8  }
0x91: {  	[spmem:s2] =	stream.indirect.scatter.add.f32 [tilespmem:s18], [sflag:$0x6], $0x80, s3, s25, $0xb8;
	[tilespmem:$0x14F00] =	vst v63  }
0x92: {  	_ =	swait.ge [sflag:s26], $0x28  }
0x93: {  	[sflag:s26] =	ssyncset.done $0x0  }
0x94: {  	[sflag:s26] =	ssyncadd.s32 $0xFFFFFFD8  }
0x95: {  	[spmem:s2] =	stream.indirect.scatter.add.f32 [tilespmem:s18], [sflag:$0x7], $0x80, s20, s25, $0xb8;
	[tilespmem:$0x14F00] =	vst v63  }
0x96: {  	_ =	swait.ge [sflag:s28], $0x28  }
0x97: {  	[sflag:s28] =	ssyncset.done $0x0  }
0x98: {  	[sflag:s28] =	ssyncadd.s32 $0xFFFFFFD8  }
0x99: {  	[spmem:s2] =	stream.indirect.scatter.add.f32 [tilespmem:s18], [sflag:$0x8], $0x80, s21, s25, $0xb8;
	[tilespmem:$0x14F00] =	vst v63  }
0x9a: {  	_ =	swait.ge [sflag:s29], $0x28  }
0x9b: {  	[sflag:s29] =	ssyncset.done $0x0  }
0x9c: {  	[sflag:s29] =	ssyncadd.s32 $0xFFFFFFD8  }
0x9d: {  	[spmem:s2] =	stream.indirect.scatter.add.f32 [tilespmem:s18], [sflag:$0x9], $0x80, s22, s25, $0xb8;
	[tilespmem:$0x14F00] =	vst v63  }
0x9e: {  	_ =	swait.ge [sflag:s30], $0x28  }
0x9f: {  	[sflag:s30] =	ssyncset.done $0x0  }
0xa0: {  	[sflag:s30] =	ssyncadd.s32 $0xFFFFFFD8  }
0xa1: {  	[spmem:s2] =	stream.indirect.scatter.add.f32 [tilespmem:s18], [sflag:$0xA], $0x80, s23, s25, $0xb8;
	[tilespmem:$0x14F00] =	vst v63  }
0xa2: {  	_ =	swait.ge [sflag:s31], $0x1400  }
0xa3: {  	[sflag:s31] =	ssyncset.done $0x0  }
0xa4: {  	[sflag:s31] =	ssyncadd.s32 $0xFFFFEC00  }
0xa5: {  	_ =	swait.ge [sflag:s0], $0x1400  }
0xa6: {  	[sflag:s0] =	ssyncset.done $0x0  }
0xa7: {  	[sflag:s0] =	ssyncadd.s32 $0xFFFFEC00  }
0xa8: {  	_ =	swait.ge [sflag:s1], $0x1400  }
0xa9: {  	[sflag:s1] =	ssyncset.done $0x0  }
0xaa: {  	[sflag:s1] =	ssyncadd.s32 $0xFFFFEC00  }
0xab: {  	_ =	swait.ge [sflag:s4], $0x1400  }
0xac: {  	[sflag:s4] =	ssyncset.done $0x0  }
0xad: {  	[sflag:s4] =	ssyncadd.s32 $0xFFFFEC00  }
0xae: {  	_ =	swait.ge [sflag:s5], $0x1400  }
0xaf: {  	[sflag:s5] =	ssyncset.done $0x0  }
0xb0: {  	[sflag:s5] =	ssyncadd.s32 $0xFFFFEC00  }
0xb1: {  	[bflag:$0x0] =	sbarrier.arrive $0xFFFF  }
0xb2: {  	s7 =	simm.s32 @p0 $0x1FCB;
	s8 =	rddreg [dreg:$0x7]  }
0xb3: {  	[hbm:s8], [sflag:s7] =	dma.local @p0 [spmem:s16], $0x2800  }
0xb4: {  	s7 =	simm.s32 @p0 $0xB  }
0xb5: {  	_ =	swait.ge @p0 [sflag:s7], $0x2800  }
0xb6: {  	[sflag:s7] =	ssyncset.done @p0 $0x0;
	s19 =	rddreg [dreg:$0x9]  }
0xb7: {  	[sflag:s7] =	ssyncadd.s32 @p0 $0xFFFFD800;
	s7 =	rddreg [dreg:$0x6]  }
0xb8: {  	[hbm:s7], [sflag:s17] =	dma.local @!p0 [spmem:s19], $0x2700  }
0xb9: {  	s7 =	simm.s32 @!p0 $0xB  }
0xba: {  	_ =	swait.ge @!p0 [sflag:s7], $0x2700  }
0xbb: {  	s6 =	sadd.s32 $0x1, s6;
	s15 =	smov.u32 s17;
	s17 =	rddreg [dreg:$0x8]  }
0xbc: {  	p1 =	sne.s32 s6, s17  }
.Ltmp1:
0xbd: {  	_ = 	snop;
	(pc) =	sbr.rel @p1 .LBB2_1-.Ltmp1, $3  }
0xbe: {  	_ =	sdelay $0x1  }
0xbf: {  	[sflag:s7] =	ssyncset.done @!p0 $0x0  }
0xc0: {  	s9 =	smov.u32 s16;
	[sflag:s7] =	ssyncadd.s32 @!p0 $0xFFFFD900  }
0xc1: {  	_ =	sfence.sel $0x180000  }
0xc2: {  	[bflag:$0x0] =	sbarrier.arrive $0xFFFF  }
0xc3: {  	_ =	strace $0x9000004A  }
0xc4: {  	s0 =	stileid.u32;
	[bflag:$0x2] =	sbarrier.arrive $0xFFFF  }
0xc5: {  	p0 =	sne.s32 s0, $0x0;
	s0 =	rddreg [dreg:$0x2]  }
0xc6: {  	s0 =	sadd.s32 @!p0 $0x100000, s0  }
0xc7: {  	[sflag:s0] =	ssyncadd.tile.s32 @!p0 $0x1;
	_ =	shalt  }
.Lfunc_end2:
_tile_overlayer_lowered:
.L_overlay_start_2:
0xc8: {  	(tag) =	ssettag $0x2  }
0xc9: {  	s0 =	rddreg [dreg:$0x0];
	s2 =	stileid.u32  }
0xca: {  	s1 =	rddreg [dreg:$0x1];
	p0 =	sne.s32 s2, $0x0  }
0xcb: {  	s3 =	rddreg [dreg:$0x2];
	[bflag:$0x3] =	sbarrier.arrive $0xFFFF;
	s2 =	simm.s32 @!p0 $0x1C0B  }
0xcc: {  	[timem:s3], [sflag:s2] =	dma.local @!p0 [hbm:s0], s1  }
0xcd: {  	s0 =	simm.s32 @!p0 $0xB  }
0xce: {  	_ =	swait.ge @!p0 [sflag:s0], s1  }
0xcf: {  	s1 =	ssub.s32 @!p0 $0x0, s1;
	[sflag:s0] =	ssyncset.done @!p0 $0x0  }
0xd0: {  	[sflag:s0] =	ssyncadd.s32 @!p0 s1  }
0xd1: {  	[bflag:$0x3] =	sbarrier.arrive $0xFFFF  }
0xd2: {  	_ =	shalt  }

// kernel: kernel.14.cloned.1.call-start
scs
__scs_entry_jumppad:
0x0: {  	(pc) =	sbr.rel $0x88, $3  }
0x1: {  	(tag) =	ssettag $0x0;
	lr =	simm.s32 $0x1  }
0x2: {  	[smem:$0x3F91] =	sst lr;
	_ =	strace $0xD0000000  }
0x3: {  	_ = 	snop  }
0x4: {  	_ = 	snop  }
0x5: {  	_ = 	snop  }
0x6: {  	_ = 	snop  }
0x7: {  	_ = 	snop  }
__scs_overlays_trampoline_lowered:
0x8: {  	[smem:$0x3FA0] =	sst s0  }
0x9: {  	[smem:$0x3FA1] =	sst s1  }
0xa: {  	[smem:$0x3FA2] =	sst s2  }
0xb: {  	[smem:$0x3FA3] =	sst s3  }
0xc: {  	[smem:$0x3FA4] =	sst s4  }
0xd: {  	[smem:$0x3FA5] =	sst s5  }
0xe: {  	[smem:$0x3FA6] =	sst s6  }
0xf: {  	[smem:$0x3FA7] =	sst s7  }
0x10: {  	[smem:$0x3FA8] =	sst s8  }
0x11: {  	[smem:$0x3FA9] =	sst s9;
	s0 =	simm.s32 @!p0 $0x0  }
0x12: {  	s1 =	sld [smem:$0x3F8F];
	s0 =	simm.s32 @p0 $0x1  }
0x13: {  	[smem:$0x3FAA] =	sst s0;
	s0 =	simm.s32 @!p1 $0x0  }
0x14: {  	s2 =	sld [smem:$0x3F8E];
	s0 =	simm.s32 @p1 $0x1  }
0x15: {  	[smem:$0x3FAB] =	sst s0;
	s0 =	simm.s32 @!p2 $0x0  }
0x16: {  	s3 =	sld [smem:$0x3FDB];
	s0 =	simm.s32 @p2 $0x1  }
0x17: {  	s4 =	simm.s32 $0x1BF5;
	[smem:$0x3FAD] =	sst s0  }
0x18: {  	s0 =	sld [smem:$0x3F90];
	_ =	swait.ge [sflag:s4], $0x0  }
0x19: {  	s7 =	sld [smem:$0x3F91]  }
0x1a: {  	s8 =	sadd.s32 $0xFFFFE003, lr  }
0x1b: {  	s9 =	sadd.s32 $0xFFFFFEF7, lr;
	s5 =	simm.s32 $0xFFFFFFFF;
	p2 =	slt.u32 s8, $0xFFFFF086  }
0x1c: {  	p1 =	slt.u32 s9, $0xF7A;
	s5 =	simm.s32 @!p2 $0x0  }
0x1d: {  	s5 =	simm.s32 @p1 $0x1;
	p0 =	seq.s32 s7, s2  }
0x1e: {  	s7 =	smul.u32 @!p0 $0xF7A, s2;
	p2 =	seq.s32 @!p0 s5, $0x0  }
0x1f: {  	s9 =	smul.u32 $0xF7A, s1;
	s8 =	simm.s32 @!p0 $0x1BF5;
	p2 =	por !p2, p0  }
0x20: {  	[sflag:s8] =	ssyncset.s32 @!p0 $0xFFFFF086;
	s6 =	sadd.s32 @!p0 s3, s7;
	s7 =	simm.s32 @!p0 $0x108  }
0x21: {  	s3 =	sadd.s32 s3, s9;
	s6 =	sadd.s32 @!p0 $0x88, s6;
	s7 =	simm.s32 @p2 $0x1082  }
0x22: {  	[simem:s7], [sflag:s8] =	dma.local @!p0 [hbm:s6], $0xF7A  }
0x23: {  	s9 =	sor.u32 $0xD0000000, s2;
	s6 =	simm.s32 $0x108;
	_ =	swait.ge @!p0 [sflag:s8], $0x0  }
0x24: {  	s3 =	sadd.s32 $0x88, s3;
	s6 =	simm.s32 @!p1 $0x1082;
	[sflag:s4] =	ssyncset.s32 $0xFFFFF086  }
0x25: {  	[simem:s6], [sflag:s4] =	dma.local [hbm:s3], $0xF7A  }
0x26: {  	[smem:$0x3F91] =	sst s1;
	(tag) =	ssettag s2;
	_ =	strace s9  }
0x27: {  	s1 =	sld [smem:$0x3FA1]  }
0x28: {  	s2 =	sld [smem:$0x3FA2]  }
0x29: {  	s4 =	sld [smem:$0x3FA4]  }
0x2a: {  	p0 =	seq.s32 s5, $0x0;
	s5 =	sld [smem:$0x3FA5]  }
0x2b: {  	s6 =	sld [smem:$0x3FA6]  }
0x2c: {  	s7 =	sld [smem:$0x3FA7]  }
0x2d: {  	s3 =	simm.s32 $0x108;
	s8 =	sld [smem:$0x3FA8]  }
0x2e: {  	s3 =	simm.s32 @!p0 $0x1082;
	s9 =	sld [smem:$0x3FA9]  }
0x2f: {  	lr =	sadd.s32 s0, s3;
	s0 =	sld [smem:$0x3FA0]  }
0x30: {  	s3 =	sld [smem:$0x3FA3]  }
0x31: {  	[smem:$0x3FAC] =	sst s10  }
0x32: {  	s10 =	sld [smem:$0x3FAA];
	_ =	sdelay $0x3  }
0x33: {  	p0 =	seq.s32 s10, $0x1;
	s10 =	sld [smem:$0x3FAC];
	_ =	sdelay $0x3  }
0x34: {  	[smem:$0x3FAC] =	sst s10  }
0x35: {  	s10 =	sld [smem:$0x3FAB];
	_ =	sdelay $0x3  }
0x36: {  	p1 =	seq.s32 s10, $0x1;
	s10 =	sld [smem:$0x3FAC];
	_ =	sdelay $0x3  }
0x37: {  	[smem:$0x3FAC] =	sst s10  }
0x38: {  	s10 =	sld [smem:$0x3FAD]  }
0x39: {  	_ = 	snop;
	(pc) =	sbr.ind lr, $3  }
0x3a: {  	_ = 	snop  }
0x3b: {  	_ = 	snop  }
0x3c: {  	p2 =	seq.s32 s10, $0x1;
	s10 =	sld [smem:$0x3FAC]  }
0x3d: {  	_ =	shalt  }
0x3e: {  	_ =	shalt  }
0x3f: {  	_ =	shalt  }
0x40: {  	_ =	shalt  }
0x41: {  	_ =	shalt  }
0x42: {  	_ =	shalt  }
0x43: {  	_ =	shalt  }
0x44: {  	_ =	shalt  }
0x45: {  	_ =	shalt  }
0x46: {  	_ =	shalt  }
0x47: {  	_ =	shalt  }
0x48: {  	_ =	shalt  }
0x49: {  	_ =	shalt  }
0x4a: {  	_ =	shalt  }
0x4b: {  	_ =	shalt  }
0x4c: {  	_ =	shalt  }
0x4d: {  	_ =	shalt  }
0x4e: {  	_ =	shalt  }
0x4f: {  	_ =	shalt  }
0x50: {  	_ =	shalt  }
0x51: {  	_ =	shalt  }
0x52: {  	_ =	shalt  }
0x53: {  	_ =	shalt  }
0x54: {  	_ =	shalt  }
0x55: {  	_ =	shalt  }
0x56: {  	_ =	shalt  }
0x57: {  	_ =	shalt  }
0x58: {  	_ =	shalt  }
0x59: {  	_ =	shalt  }
0x5a: {  	_ =	shalt  }
0x5b: {  	_ =	shalt  }
0x5c: {  	_ =	shalt  }
0x5d: {  	_ =	shalt  }
0x5e: {  	_ =	shalt  }
0x5f: {  	_ =	shalt  }
0x60: {  	_ =	shalt  }
0x61: {  	_ =	shalt  }
0x62: {  	_ =	shalt  }
0x63: {  	_ =	shalt  }
0x64: {  	_ =	shalt  }
0x65: {  	_ =	shalt  }
0x66: {  	_ =	shalt  }
0x67: {  	_ =	shalt  }
0x68: {  	_ =	shalt  }
0x69: {  	_ =	shalt  }
0x6a: {  	_ =	shalt  }
0x6b: {  	_ =	shalt  }
0x6c: {  	_ =	shalt  }
0x6d: {  	_ =	shalt  }
0x6e: {  	_ =	shalt  }
0x6f: {  	_ =	shalt  }
0x70: {  	_ =	shalt  }
0x71: {  	_ =	shalt  }
0x72: {  	_ =	shalt  }
0x73: {  	_ =	shalt  }
0x74: {  	_ =	shalt  }
0x75: {  	_ =	shalt  }
0x76: {  	_ =	shalt  }
0x77: {  	_ =	shalt  }
0x78: {  	_ =	shalt  }
0x79: {  	_ =	shalt  }
0x7a: {  	_ =	shalt  }
0x7b: {  	_ =	shalt  }
0x7c: {  	_ =	shalt  }
0x7d: {  	_ =	shalt  }
0x7e: {  	_ =	shalt  }
0x7f: {  	_ =	shalt  }
0x80: {  	_ =	shalt  }
0x81: {  	_ =	shalt  }
0x82: {  	_ =	shalt  }
0x83: {  	_ =	shalt  }
0x84: {  	_ =	shalt  }
0x85: {  	_ =	shalt  }
0x86: {  	_ =	shalt  }
0x87: {  	_ =	shalt  }
.Lfunc_end0:
.L_simem_size_0:
called_computation.2_lowered:
.L_overlay_start_0:
0x88: {  	s2 =	sld [smem:$0x3FD9]  }
0x89: {  	s3 =	sld [smem:$0x3FFE];
	_ =	sdelay $0x1  }
0x8a: {  	s1 =	srdreg.scid  }
0x8b: {  	s0 =	sand.u32 $0x1, s1  }
0x8c: {  	s15 =	sshll.u32 s0, $0xA;
	s2 =	sadd.s32 s3, s2  }
0x8d: {  	s2 =	sadd.s32 s2, s15  }
0x8e: {  	[smem:$0x3FB8] =	sst s2  }
0x8f: {  	_ = 	snop  }
0x90: {  	s2 =	sld [smem:$0x3FD0];
	_ =	sdelay $0x2  }
0x91: {  	s16 =	simm.s32 $0xB;
	s4 =	simm.s32 $0x10  }
0x92: {  	[smem:s4], [sflag:s16] =	dma.local [hbm:s2], $0x1  }
0x93: {  	_ =	swait.eq [sflag:s16], $0x1  }
0x94: {  	[sflag:s16] =	ssyncset.done $0x0  }
0x95: {  	[sflag:s16] =	ssyncadd.s32 $0xFFFFFFFF  }
0x96: {  	s17 =	sld [smem:$0x11];
	(tm) =	ssettm $0x1  }
0x97: {  	s18 =	sld [smem:$0x3FFB];
	_ =	sdelay $0x3  }
0x98: {  	_ =	strace s18  }
0x99: {  	s2 =	sld [smem:$0x3FFC];
	_ =	sdelay $0x3  }
0x9a: {  	_ =	strace s2  }
0x9b: {  	s2 =	sld [smem:$0x3FFD];
	_ =	sdelay $0x3  }
0x9c: {  	_ =	strace s2  }
0x9d: {  	_ =	strace $0x8FFFFFFF  }
0x9e: {  	s19 =	sld [smem:$0x3FDB];
	_ =	sdelay $0x1  }
0x9f: {  	s20 =	simm.s32 $_scs_section_size  }
0xa0: {  	s5 =	simm.s32 $_size__tile_overlayer_lowered;
	s6 =	simm.s32 $_tile_overlayer_lowered  }
0xa1: {  	s7 =	simm.s32 $0x1BFF;
	s21 =	sshll.u32 s6, $0x1;
	s4 =	sadd.s32 s20, s19  }
0xa2: {  	s22 =	simm.s32 $0x0;
	s5 =	sshll.u32 s5, $0x1;
	s6 =	sadd.s32 s21, s4  }
0xa3: {  	[timem:s22], [sflag:s7] =	dma.local [hbm:s6], s5  }
0xa4: {  	_ =	swait.ge [sflag:s7], s5  }
0xa5: {  	s5 =	ssub.s32 $0x0, s5;
	[sflag:s7] =	ssyncset.done $0x0  }
0xa6: {  	[sflag:s7] =	ssyncadd.s32 s5;
	_ =	sdelay $0x1  }
0xa7: {  	s23 =	simm.s32 $0x1B8B  }
0xa8: {  	_ =	swait.ge [sflag:s23], $0x1  }
0xa9: {  	[sflag:s23] =	ssyncset.done $0x0  }
0xaa: {  	[sflag:s23] =	ssyncadd.s32 $0xFFFFFFFF  }
0xab: {  	s5 =	sld [smem:$0x0]  }
0xac: {  	s6 =	sand.u32 $0xFFFFFFFE, s1  }
0xad: {  	p0 =	sne.s32 s1, s6  }
0xae: {  	s6 =	sshll.u32 @p0 s6, $0xE  }
0xaf: {  	s6 =	sadd.s32 @p0 $0x11B8D, s6;
	s7 =	sshll.u32 @p0 s5, $0x11  }
0xb0: {  	s6 =	sor.u32 @p0 s7, s6  }
0xb1: {  	[sflag:s6] =	ssyncadd.remote.s32 @p0 $0x1;
	_ =	sdelay $0x1  }
0xb2: {  	s6 =	simm.s32 @p0 $0x1B8D  }
0xb3: {  	_ =	swait.eq @p0 [sflag:s6], $0x1  }
0xb4: {  	[sflag:s6] =	ssyncadd.s32 @p0 $0xFFFFFFFF  }
0xb5: {  	s7 =	sshll.u32 @!p0 s1, $0xE  }
0xb6: {  	s7 =	sor.u32 @!p0 $0x4000, s7;
	s6 =	simm.s32 @!p0 $0x1B8D  }
0xb7: {  	s5 =	sshll.u32 @!p0 s5, $0x11;
	s7 =	sadd.s32 @!p0 $0x11B8D, s7;
	_ =	swait.eq @!p0 [sflag:s6], $0x1  }
0xb8: {  	s5 =	sor.u32 @!p0 s5, s7;
	[sflag:s6] =	ssyncadd.s32 @!p0 $0xFFFFFFFF  }
0xb9: {  	s25 =	simm.s32 $0x1B8E;
	s24 =	sld [smem:$0x3FFE];
	[sflag:s5] =	ssyncadd.remote.s32 @!p0 $0x1  }
0xba: {  	s26 =	simm.s32 $execute0_lowered;
	[smem:$0x3FD2] =	sst s25  }
0xbb: {  	s6 =	sshll.u32 s26, $0x1;
	_ =	strace $0x8000004C;
	[dreg:$0x1] =	wrdreg $0xFFFFFFFF  }
0xbc: {  	s28 =	simm.s32 $_size_execute0_lowered;
	s4 =	sadd.s32 s4, s6;
	[dreg:$0x0] =	wrdreg $0x0  }
0xbd: {  	s6 =	sshll.u32 s28, $0x1;
	[dreg:$0x2] =	wrdreg s4  }
0xbe: {  	[dreg:$0x3] =	wrdreg s6  }
0xbf: {  	[dreg:$0x4] =	wrdreg $0xC0  }
0xc0: {  	_ =	task [dreg:s22], $0x5FFFF  }
0xc1: {  	[dreg:$0x1] =	wrdreg $0xFFFFFFFF  }
0xc2: {  	[dreg:$0x0] =	wrdreg $0x60  }
0xc3: {  	[dreg:$0x2] =	wrdreg s24  }
0xc4: {  	[dreg:$0x3] =	wrdreg s17  }
0xc5: {  	[dreg:$0x4] =	wrdreg $0x66800  }
0xc6: {  	[dreg:$0x5] =	wrdreg $0xA  }
0xc7: {  	_ =	task.clear_ibuf [dreg:s22], $0x6FFFF;
	_ =	strace $0x9000004C  }
0xc8: {  	s29 =	simm.s32 $0xA;
	_ =	strace $0x8000004E  }
0xc9: {  	_ =	swait.ge [sflag:s29], $0x1  }
0xca: {  	[sflag:s29] =	ssyncadd.s32 $0xFFFFFFFF  }
0xcb: {  	_ =	strace $0x9000004E  }
0xcc: {  	_ =	sfence  }
0xcd: {  	s30 =	sld [smem:$0x0];
	_ =	sdelay $0x2  }
0xce: {  	s31 =	sshll.u32 s1, $0xD;
	s1 =	sshrl.u32 s1, $0x2  }
0xcf: {  	s4 =	sand.u32 $0x4000, s31;
	s1 =	sadd.s32 s1, s30  }
0xd0: {  	s0 =	sor.u32 s4, s0;
	s1 =	sshll.u32 s1, $0x11  }
0xd1: {  	s0 =	sor.u32 s1, s0  }
0xd2: {  	s0 =	sadd.s32 $0x8F2B, s0  }
0xd3: {  	[sflag:s0] =	ssyncadd.remote.s32 $0x1  }
0xd4: {  	_ =	sfence.sel $0xFFFF  }
0xd5: {  	[dreg:$0x0] =	wrdreg $0xFFFFFFFF;
	(pc) =	sbr.abs _section_cstart, $3  }
0xd6: {  	[dreg:$0x1] =	wrdreg $0xFFFFFFFF  }
0xd7: {  	_ =	task.clear_ibuf [dreg:s22], $0x2FFFF;
	_ =	strace $0x9FFFFFFF  }
0xd8: {  	(tm) =	ssettm $0x7FFFFFFF  }
0xd9: {  	_ =	shalt  }
tec
execute0_lowered:
.L_overlay_start_1:
0x0: {  	(tag) =	ssettag $0x1  }
0x1: {  	s0 =	rddreg [dreg:$0x0]  }
0x2: {  	s1 =	rddreg [dreg:$0x1]  }
0x3: {  	s2 =	rddreg [dreg:$0x2];
	s13 =	stileid.u32  }
0x4: {  	s3 =	simm.s32 $0x0;
	s5 =	srdreg.scid;
	s4 =	smul.u32 $0x4E2, s13  }
0x5: {  	s28 =	simm.s32 $0x3;
	s29 =	simm.s32 $0x8;
	s6 =	smul.u32 $0x2700, s13  }
0x6: {  	s30 =	simm.s32 $0x4;
	s31 =	simm.s32 $0x9;
	s8 =	smul.u32 $0x4E000, s13  }
0x7: {  	[smem:$0x7FF] =	sst s3;
	s9 =	sadd.s32 $0xCB8A00, s0;
	s26 =	smul.u32 $0x13800, s13  }
0x8: {  	s5 =	sand.u32 $0x1, s5;
	s12 =	smul.u32 $0x138800, s13;
	p0 =	seq.s32 s13, $0xF  }
0x9: {  	_ =	strace $0x8000004D;
	s7 =	ssub.s32 $0x2, s5;
	s11 =	smul.u32 $0x1388000, s5  }
0xa: {  	s5 =	smul.u32 $0x138800, s5;
	s4 =	sadd.s32 s4, s0;
	s10 =	sshrl.u32 s7, $0x1  }
0xb: {  	s6 =	sadd.s32 s6, s0;
	s8 =	sshrl.u32 s8, $0x2;
	s0 =	sadd.s32 $0x9F6B00, s0  }
0xc: {  	s7 =	ssub.s32 s7, s10;
	s6 =	sadd.s32 $0x9D2200, s6;
	s8 =	sadd.s32 s8, s2  }
0xd: {  	s10 =	sadd.s32 $0x124800, s2;
	[dreg:$0xa] =	wrdreg s0;
	s14 =	sadd.s32 s12, s11  }
0xe: {  	s4 =	sadd.s32 $0x9214, s4;
	[dreg:$0x9] =	wrdreg s6;
	s6 =	sadd.s32 s26, s5  }
0xf: {  	s5 =	sshrl.u32 s5, $0x3;
	s16 =	sadd.s32 $0x5000, s14;
	s17 =	smax.u32 s7, $0x1  }
0x10: {  	s18 =	sadd.s32 $0x3C00, s14;
	s19 =	sadd.s32 $0x2800, s14;
	s23 =	sadd.s32 $0x1400, s14  }
0x11: {  	[dreg:$0xe] =	wrdreg s4;
	s25 =	sshrl.u32 s14, $0x3;
	s11 =	sshrl.u32 @p0 s10, $0x3  }
0x12: {  	s4 =	simm.s32 $0xB;
	s7 =	simm.s32 $0xE;
	s14 =	simm.s32 $0x0  }
0x13: {  	s0 =	sshrl.u32 s6, $0x3;
	s5 =	sadd.s32 s1, s5;
	[dreg:$0xd] =	wrdreg s17  }
0x14: {  	s21 =	sshrl.u32 s19, $0x3;
	s24 =	sshrl.u32 s23, $0x3;
	s26 =	sadd.s32 s25, s9  }
0x15: {  	s6 =	simm.s32 $0xD;
	[dreg:$0xf] =	wrdreg s11;
	s23 =	simm.s32 $0x3E80  }
0x16: {  	s25 =	simm.s32 $0x200;
	s0 =	sadd.s32 s1, s0;
	s15 =	sadd.s32 $0x24900, s5  }
0x17: {  	s1 =	sshrl.u32 s18, $0x3;
	s22 =	sadd.s32 s21, s9;
	[dreg:$0x8] =	wrdreg s26  }
0x18: {  	s26 =	simm.s32 $0x7;
	s5 =	simm.s32 $0xC;
	[dreg:$0xb] =	wrdreg s0  }
0x19: {  	s21 =	simm.s32 $0x2A80;
	[dreg:$0xc] =	wrdreg s15;
	s0 =	sshrl.u32 s16, $0x3  }
0x1a: {  	s20 =	sadd.s32 s1, s9;
	[dreg:$0x6] =	wrdreg s22;
	s1 =	sshll.u32 @!p0 s13, $0x6  }
0x1b: {  	s13 =	sshrl.u32 @!p0 s8, $0x3;
	s8 =	simm.s32 $0xF;
	[dreg:$0x5] =	wrdreg s20  }
0x1c: {  	s22 =	simm.s32 $0x180;
	s0 =	sadd.s32 s0, s9;
	[dreg:$0x11] =	wrdreg s13  }
0x1d: {  	s12 =	sor.u32 @!p0 $0x1C10, s1;
	s1 =	simm.s32 $0xA;
	[dreg:$0x4] =	wrdreg s0  }
0x1e: {  	s20 =	simm.s32 $0x100;
	s0 =	sadd.s32 s24, s9;
	[dreg:$0x10] =	wrdreg s12  }
0x1f: {  	s24 =	simm.s32 $0x28;
	[dreg:$0x7] =	wrdreg s0;
	s0 =	simm.s32 $0x5  }
.LBB2_1:
0x20: {  	[dreg:$0x12] =	wrdreg s14  }
0x21: {  	s9 =	simm.s32 @p0 $0x1FD0;
	s10 =	rddreg [dreg:$0xa]  }
0x22: {  	[spmem:s11], [sflag:s9] =	dma.local @p0 [hbm:s10], $0x2800  }
0x23: {  	s9 =	simm.s32 @p0 $0x10  }
0x24: {  	_ =	swait.ge @p0 [sflag:s9], $0x2800  }
0x25: {  	[sflag:s9] =	ssyncset.done @p0 $0x0  }
0x26: {  	[sflag:s9] =	ssyncadd.s32 @p0 $0xFFFFD800;
	s9 =	rddreg [dreg:$0x9]  }
0x27: {  	[spmem:s13], [sflag:s12] =	dma.local @!p0 [hbm:s9], $0x2700  }
0x28: {  	s9 =	simm.s32 @!p0 $0x10  }
0x29: {  	_ =	swait.ge @!p0 [sflag:s9], $0x2700  }
0x2a: {  	[sflag:s9] =	ssyncset.done @!p0 $0x0  }
0x2b: {  	[sflag:s9] =	ssyncadd.s32 @!p0 $0xFFFFD900  }
0x2c: {  	[bflag:$0x0] =	sbarrier.arrive $0xFFFF  }
0x2d: {  	s12 =	rddreg [dreg:$0xe]  }
0x2e: {  	s17 =	rddreg [dreg:$0x8];
	s18 =	sadd.s32 $0xFFFFFFEC, s12  }
0x2f: {  	[tilespmem:s3], [sflag:$0x1] =	stream.linear.gather [hbm4b:s18+s3], $0x28, $0x38;
	[tilespmem:$0x19F00] =	vst v63  }
0x30: {  	s11 =	simm.s32 $0x280;
	s9 =	sadd.s32 $0x0, s17  }
0x31: {  	[tilespmem:s11], [sflag:$0x6] =	stream.linear.gather [hbm4b:s9+s3], $0x1400, $0x38;
	[tilespmem:$0x19F00] =	vst v63  }
0x32: {  	s13 =	simm.s32 $0x80;
	s19 =	rddreg [dreg:$0x7];
	s14 =	sadd.s32 $0xFFFFFFF1, s12  }
0x33: {  	[tilespmem:s13], [sflag:$0x2] =	stream.linear.gather [hbm4b:s14+s3], $0x28, $0x38;
	[tilespmem:$0x19F00] =	vst v63  }
0x34: {  	s15 =	sadd.s32 $0x0, s19;
	s14 =	simm.s32 $0x1680  }
0x35: {  	[tilespmem:s14], [sflag:$0x7] =	stream.linear.gather [hbm4b:s15+s3], $0x1400, $0x38;
	[tilespmem:$0x19F00] =	vst v63  }
0x36: {  	s16 =	rddreg [dreg:$0x6];
	s17 =	sadd.s32 $0xFFFFFFF6, s12;
	s15 =	simm.s32 $0x100  }
0x37: {  	[tilespmem:s15], [sflag:$0x3] =	stream.linear.gather [hbm4b:s17+s3], $0x28, $0x38;
	[tilespmem:$0x19F00] =	vst v63  }
0x38: {  	s18 =	sadd.s32 $0x0, s16;
	s16 =	simm.s32 $0x2A80  }
0x39: {  	[tilespmem:s16], [sflag:$0x8] =	stream.linear.gather [hbm4b:s18+s3], $0x1400, $0x38;
	[tilespmem:$0x19F00] =	vst v63  }
0x3a: {  	s19 =	rddreg [dreg:$0x5];
	s17 =	simm.s32 $0x180;
	s18 =	sadd.s32 $0xFFFFFFFB, s12  }
0x3b: {  	[tilespmem:s17], [sflag:$0x4] =	stream.linear.gather [hbm4b:s18+s3], $0x28, $0x38;
	[tilespmem:$0x19F00] =	vst v63  }
0x3c: {  	s19 =	sadd.s32 $0x0, s19;
	s18 =	simm.s32 $0x3E80  }
0x3d: {  	[tilespmem:s18], [sflag:$0x9] =	stream.linear.gather [hbm4b:s19+s3], $0x1400, $0x38;
	[tilespmem:$0x19F00] =	vst v63  }
0x3e: {  	s10 =	rddreg [dreg:$0x4];
	s19 =	simm.s32 $0x200  }
0x3f: {  	[tilespmem:s19], [sflag:$0x5] =	stream.linear.gather [hbm4b:s12+s3], $0x28, $0x38;
	[tilespmem:$0x19F00] =	vst v63  }
0x40: {  	s9 =	sadd.s32 $0x0, s10;
	s10 =	simm.s32 $0x5280  }
0x41: {  	[tilespmem:s10], [sflag:$0xA] =	stream.linear.gather [hbm4b:s9+s3], $0x1400, $0x38;
	[tilespmem:$0x19F00] =	vst v63  }
0x42: {  	s9 =	simm.s32 $0x1  }
0x43: {  	_ =	swait.ge [sflag:s9], $0x28  }
0x44: {  	[sflag:s9] =	ssyncset.done $0x0  }
0x45: {  	[sflag:s9] =	ssyncadd.s32 $0xFFFFFFD8;
	s9 =	simm.s32 $0x6  }
0x46: {  	_ =	swait.ge [sflag:s9], $0x1400  }
0x47: {  	[sflag:s9] =	ssyncset.done $0x0  }
0x48: {  	[sflag:s9] =	ssyncadd.s32 $0xFFFFEC00  }
0x49: {  	[spmem:s2] =	stream.indirect.scatter.add.f32 [tilespmem:s11], [sflag:$0xB], $0x80, s3, s24, $0xb8;
	[tilespmem:$0x19F00] =	vst v63  }
0x4a: {  	s11 =	simm.s32 $0x2  }
0x4b: {  	_ =	swait.ge [sflag:s11], $0x28  }
0x4c: {  	[sflag:s11] =	ssyncset.done $0x0  }
0x4d: {  	[sflag:s11] =	ssyncadd.s32 $0xFFFFFFD8  }
0x4e: {  	_ =	swait.ge [sflag:s26], $0x1400  }
0x4f: {  	[sflag:s26] =	ssyncset.done $0x0  }
0x50: {  	[sflag:s26] =	ssyncadd.s32 $0xFFFFEC00  }
0x51: {  	[spmem:s2] =	stream.indirect.scatter.add.f32 [tilespmem:s14], [sflag:$0xC], $0x80, s13, s24, $0xb8;
	[tilespmem:$0x19F00] =	vst v63  }
0x52: {  	_ =	swait.ge [sflag:s28], $0x28  }
0x53: {  	[sflag:s28] =	ssyncset.done $0x0  }
0x54: {  	[sflag:s28] =	ssyncadd.s32 $0xFFFFFFD8  }
0x55: {  	_ =	swait.ge [sflag:s29], $0x1400  }
0x56: {  	[sflag:s29] =	ssyncset.done $0x0  }
0x57: {  	[sflag:s29] =	ssyncadd.s32 $0xFFFFEC00  }
0x58: {  	[spmem:s2] =	stream.indirect.scatter.add.f32 [tilespmem:s16], [sflag:$0xD], $0x80, s15, s24, $0xb8;
	[tilespmem:$0x19F00] =	vst v63  }
0x59: {  	_ =	swait.ge [sflag:s30], $0x28  }
0x5a: {  	[sflag:s30] =	ssyncset.done $0x0  }
0x5b: {  	[sflag:s30] =	ssyncadd.s32 $0xFFFFFFD8  }
0x5c: {  	_ =	swait.ge [sflag:s31], $0x1400  }
0x5d: {  	[sflag:s31] =	ssyncset.done $0x0  }
0x5e: {  	[sflag:s31] =	ssyncadd.s32 $0xFFFFEC00  }
0x5f: {  	[spmem:s2] =	stream.indirect.scatter.add.f32 [tilespmem:s18], [sflag:$0xE], $0x80, s17, s24, $0xb8;
	[tilespmem:$0x19F00] =	vst v63  }
0x60: {  	_ =	swait.ge [sflag:s0], $0x28  }
0x61: {  	[sflag:s0] =	ssyncset.done $0x0  }
0x62: {  	[sflag:s0] =	ssyncadd.s32 $0xFFFFFFD8  }
0x63: {  	_ =	swait.ge [sflag:s1], $0x1400  }
0x64: {  	[sflag:s1] =	ssyncset.done $0x0  }
0x65: {  	[sflag:s1] =	ssyncadd.s32 $0xFFFFEC00  }
0x66: {  	[spmem:s2] =	stream.indirect.scatter.add.f32 [tilespmem:s10], [sflag:$0xF], $0x80, s19, s24, $0xb8;
	[tilespmem:$0x19F00] =	vst v63  }
0x67: {  	_ =	swait.ge [sflag:s4], $0x1400  }
0x68: {  	[sflag:s4] =	ssyncset.done $0x0  }
0x69: {  	[sflag:s4] =	ssyncadd.s32 $0xFFFFEC00  }
0x6a: {  	_ =	swait.ge [sflag:s5], $0x1400  }
0x6b: {  	[sflag:s5] =	ssyncset.done $0x0  }
0x6c: {  	[sflag:s5] =	ssyncadd.s32 $0xFFFFEC00  }
0x6d: {  	_ =	swait.ge [sflag:s6], $0x1400  }
0x6e: {  	[sflag:s6] =	ssyncset.done $0x0  }
0x6f: {  	[sflag:s6] =	ssyncadd.s32 $0xFFFFEC00  }
0x70: {  	_ =	swait.ge [sflag:s7], $0x1400  }
0x71: {  	[sflag:s7] =	ssyncset.done $0x0  }
0x72: {  	s12 =	sadd.s32 $0x19, s12;
	s9 =	simm.s32 $0x1900;
	[sflag:s7] =	ssyncadd.s32 $0xFFFFEC00  }
0x73: {  	s11 =	simm.s32 $0xC80;
	s13 =	sadd.s32 $0xFFFFFFEC, s12;
	_ =	swait.ge [sflag:s8], $0x1400  }
0x74: {  	s10 =	sadd.s32 $0x19, s12;
	s14 =	rddreg [dreg:$0x8];
	[sflag:s8] =	ssyncset.done $0x0  }
.LBB2_2:
0x75: {  	[sflag:s8] =	ssyncadd.s32 $0xFFFFEC00  }
0x76: {  	[tilespmem:s3], [sflag:$0x1] =	stream.linear.gather [hbm4b:s13+s3], $0x28, $0x38;
	[tilespmem:$0x19F00] =	vst v63  }
0x77: {  	s19 =	sadd.s32 s11, s14;
	s18 =	simm.s32 $0x280  }
0x78: {  	[tilespmem:s18], [sflag:$0x6] =	stream.linear.gather [hbm4b:s19+s3], $0x1400, $0x38;
	[tilespmem:$0x19F00] =	vst v63  }
0x79: {  	s14 =	rddreg [dreg:$0x7];
	s17 =	sadd.s32 $0xFFFFFFF1, s12;
	s19 =	simm.s32 $0x80  }
0x7a: {  	[tilespmem:s19], [sflag:$0x2] =	stream.linear.gather [hbm4b:s17+s3], $0x28, $0x38;
	[tilespmem:$0x19F00] =	vst v63  }
0x7b: {  	s15 =	sadd.s32 $0xFFFFFFEC, s10;
	s14 =	sadd.s32 s11, s14;
	s17 =	simm.s32 $0x1680  }
0x7c: {  	[tilespmem:s17], [sflag:$0x7] =	stream.linear.gather [hbm4b:s14+s3], $0x1400, $0x38;
	[tilespmem:$0x19F00] =	vst v63  }
0x7d: {  	s13 =	smov.u32 s15;
	s15 =	rddreg [dreg:$0x6];
	s14 =	sadd.s32 $0xFFFFFFF6, s12  }
0x7e: {  	[tilespmem:s20], [sflag:$0x3] =	stream.linear.gather [hbm4b:s14+s3], $0x28, $0x38;
	[tilespmem:$0x19F00] =	vst v63  }
0x7f: {  	s14 =	sadd.s32 s11, s15  }
0x80: {  	[tilespmem:s21], [sflag:$0x8] =	stream.linear.gather [hbm4b:s14+s3], $0x1400, $0x38;
	[tilespmem:$0x19F00] =	vst v63  }
0x81: {  	s15 =	rddreg [dreg:$0x5];
	s14 =	sadd.s32 $0xFFFFFFFB, s12  }
0x82: {  	[tilespmem:s22], [sflag:$0x4] =	stream.linear.gather [hbm4b:s14+s3], $0x28, $0x38;
	[tilespmem:$0x19F00] =	vst v63  }
0x83: {  	s14 =	sadd.s32 s11, s15;
	s15 =	rddreg [dreg:$0x4]  }
0x84: {  	[tilespmem:s23], [sflag:$0x9] =	stream.linear.gather [hbm4b:s14+s3], $0x1400, $0x38;
	[tilespmem:$0x19F00] =	vst v63  }
0x85: {  	s16 =	smov.u32 s9;
	s14 =	sadd.s32 s11, s15  }
0x86: {  	[tilespmem:s25], [sflag:$0x5] =	stream.linear.gather [hbm4b:s12+s3], $0x28, $0x38;
	[tilespmem:$0x19F00] =	vst v63  }
0x87: {  	s11 =	smov.u32 s16;
	s15 =	simm.s32 $0x5280;
	s16 =	simm.s32 $0x1  }
0x88: {  	[tilespmem:s15], [sflag:$0xA] =	stream.linear.gather [hbm4b:s14+s3], $0x1400, $0x38;
	[tilespmem:$0x19F00] =	vst v63  }
0x89: {  	_ =	swait.ge [sflag:s16], $0x28  }
0x8a: {  	[sflag:s16] =	ssyncset.done $0x0  }
0x8b: {  	[sflag:s16] =	ssyncadd.s32 $0xFFFFFFD8;
	s16 =	simm.s32 $0x6  }
0x8c: {  	_ =	swait.ge [sflag:s16], $0x1400  }
0x8d: {  	[sflag:s16] =	ssyncset.done $0x0  }
0x8e: {  	[sflag:s16] =	ssyncadd.s32 $0xFFFFEC00  }
0x8f: {  	[spmem:s2] =	stream.indirect.scatter.add.f32 [tilespmem:s18], [sflag:$0xB], $0x80, s3, s24, $0xb8;
	[tilespmem:$0x19F00] =	vst v63  }
0x90: {  	s18 =	simm.s32 $0x2  }
0x91: {  	_ =	swait.ge [sflag:s18], $0x28  }
0x92: {  	[sflag:s18] =	ssyncset.done $0x0  }
0x93: {  	[sflag:s18] =	ssyncadd.s32 $0xFFFFFFD8  }
0x94: {  	_ =	swait.ge [sflag:s26], $0x1400  }
0x95: {  	[sflag:s26] =	ssyncset.done $0x0  }
0x96: {  	[sflag:s26] =	ssyncadd.s32 $0xFFFFEC00  }
0x97: {  	[spmem:s2] =	stream.indirect.scatter.add.f32 [tilespmem:s17], [sflag:$0xC], $0x80, s19, s24, $0xb8;
	[tilespmem:$0x19F00] =	vst v63  }
0x98: {  	_ =	swait.ge [sflag:s28], $0x28  }
0x99: {  	[sflag:s28] =	ssyncset.done $0x0  }
0x9a: {  	[sflag:s28] =	ssyncadd.s32 $0xFFFFFFD8  }
0x9b: {  	_ =	swait.ge [sflag:s29], $0x1400  }
0x9c: {  	[sflag:s29] =	ssyncset.done $0x0  }
0x9d: {  	[sflag:s29] =	ssyncadd.s32 $0xFFFFEC00  }
0x9e: {  	[spmem:s2] =	stream.indirect.scatter.add.f32 [tilespmem:s21], [sflag:$0xD], $0x80, s20, s24, $0xb8;
	[tilespmem:$0x19F00] =	vst v63  }
0x9f: {  	_ =	swait.ge [sflag:s30], $0x28  }
0xa0: {  	[sflag:s30] =	ssyncset.done $0x0  }
0xa1: {  	[sflag:s30] =	ssyncadd.s32 $0xFFFFFFD8  }
0xa2: {  	_ =	swait.ge [sflag:s31], $0x1400  }
0xa3: {  	[sflag:s31] =	ssyncset.done $0x0  }
0xa4: {  	[sflag:s31] =	ssyncadd.s32 $0xFFFFEC00  }
0xa5: {  	[spmem:s2] =	stream.indirect.scatter.add.f32 [tilespmem:s23], [sflag:$0xE], $0x80, s22, s24, $0xb8;
	[tilespmem:$0x19F00] =	vst v63  }
0xa6: {  	_ =	swait.ge [sflag:s0], $0x28  }
0xa7: {  	[sflag:s0] =	ssyncset.done $0x0  }
0xa8: {  	[sflag:s0] =	ssyncadd.s32 $0xFFFFFFD8  }
0xa9: {  	_ =	swait.ge [sflag:s1], $0x1400  }
0xaa: {  	[sflag:s1] =	ssyncset.done $0x0  }
0xab: {  	[sflag:s1] =	ssyncadd.s32 $0xFFFFEC00  }
0xac: {  	[spmem:s2] =	stream.indirect.scatter.add.f32 [tilespmem:s15], [sflag:$0xF], $0x80, s25, s24, $0xb8;
	[tilespmem:$0x19F00] =	vst v63  }
0xad: {  	_ =	swait.ge [sflag:s4], $0x1400  }
0xae: {  	[sflag:s4] =	ssyncset.done $0x0  }
0xaf: {  	[sflag:s4] =	ssyncadd.s32 $0xFFFFEC00  }
0xb0: {  	_ =	swait.ge [sflag:s5], $0x1400  }
0xb1: {  	[sflag:s5] =	ssyncset.done $0x0  }
0xb2: {  	[sflag:s5] =	ssyncadd.s32 $0xFFFFEC00  }
0xb3: {  	_ =	swait.ge [sflag:s6], $0x1400  }
0xb4: {  	[sflag:s6] =	ssyncset.done $0x0  }
0xb5: {  	p1 =	sne.s32 s9, $0x26480;
	[sflag:s6] =	ssyncadd.s32 $0xFFFFEC00  }
.Ltmp0:
0xb6: {  	_ =	swait.ge [sflag:s7], $0x1400;
	(pc) =	sbr.rel @p1 .LBB2_2-.Ltmp0, $4  }
0xb7: {  	[sflag:s7] =	ssyncset.done $0x0  }
0xb8: {  	[sflag:s7] =	ssyncadd.s32 $0xFFFFEC00  }
0xb9: {  	s9 =	sadd.s32 $0xC80, s9;
	s12 =	smov.u32 s10;
	_ =	swait.ge [sflag:s8], $0x1400  }
0xba: {  	s10 =	sadd.s32 $0x19, s10;
	s14 =	rddreg [dreg:$0x8];
	[sflag:s8] =	ssyncset.done $0x0  }
0xbb: {  	[sflag:s8] =	ssyncadd.s32 $0xFFFFEC00  }
0xbc: {  	[tilespmem:s3], [sflag:$0x1] =	stream.linear.gather [hbm4b:s13+s3], $0x28, $0x38;
	[tilespmem:$0x19F00] =	vst v63  }
0xbd: {  	s9 =	sadd.s32 s11, s14;
	s13 =	simm.s32 $0x280  }
0xbe: {  	[tilespmem:s13], [sflag:$0x6] =	stream.linear.gather [hbm4b:s9+s3], $0x1400, $0x38;
	[tilespmem:$0x19F00] =	vst v63  }
0xbf: {  	s10 =	rddreg [dreg:$0x7];
	s17 =	sadd.s32 $0xFFFFFFF1, s12;
	s14 =	simm.s32 $0x80  }
0xc0: {  	[tilespmem:s14], [sflag:$0x2] =	stream.linear.gather [hbm4b:s17+s3], $0x28, $0x38;
	[tilespmem:$0x19F00] =	vst v63  }
0xc1: {  	s15 =	simm.s32 $0x1680;
	s18 =	sadd.s32 s11, s10  }
0xc2: {  	[tilespmem:s15], [sflag:$0x7] =	stream.linear.gather [hbm4b:s18+s3], $0x1400, $0x38;
	[tilespmem:$0x19F00] =	vst v63  }
0xc3: {  	s19 =	rddreg [dreg:$0x6];
	s16 =	simm.s32 $0x100;
	s17 =	sadd.s32 $0xFFFFFFF6, s12  }
0xc4: {  	[tilespmem:s16], [sflag:$0x3] =	stream.linear.gather [hbm4b:s17+s3], $0x28, $0x38;
	[tilespmem:$0x19F00] =	vst v63  }
0xc5: {  	s18 =	sadd.s32 s11, s19;
	s17 =	simm.s32 $0x2A80  }
0xc6: {  	[tilespmem:s17], [sflag:$0x8] =	stream.linear.gather [hbm4b:s18+s3], $0x1400, $0x38;
	[tilespmem:$0x19F00] =	vst v63  }
0xc7: {  	s10 =	rddreg [dreg:$0x5];
	s19 =	sadd.s32 $0xFFFFFFFB, s12;
	s18 =	simm.s32 $0x180  }
0xc8: {  	[tilespmem:s18], [sflag:$0x4] =	stream.linear.gather [hbm4b:s19+s3], $0x28, $0x38;
	[tilespmem:$0x19F00] =	vst v63  }
0xc9: {  	s19 =	sadd.s32 s11, s10;
	s10 =	simm.s32 $0x3E80  }
0xca: {  	[tilespmem:s10], [sflag:$0x9] =	stream.linear.gather [hbm4b:s19+s3], $0x1400, $0x38;
	[tilespmem:$0x19F00] =	vst v63  }
0xcb: {  	s9 =	rddreg [dreg:$0x4];
	s19 =	simm.s32 $0x200  }
0xcc: {  	[tilespmem:s19], [sflag:$0x5] =	stream.linear.gather [hbm4b:s12+s3], $0x28, $0x38;
	[tilespmem:$0x19F00] =	vst v63  }
0xcd: {  	s9 =	sadd.s32 s11, s9;
	s11 =	simm.s32 $0x5280;
	s12 =	simm.s32 $0x1  }
0xce: {  	[tilespmem:s11], [sflag:$0xA] =	stream.linear.gather [hbm4b:s9+s3], $0x1400, $0x38;
	[tilespmem:$0x19F00] =	vst v63  }
0xcf: {  	_ =	swait.ge [sflag:s12], $0x28  }
0xd0: {  	[sflag:s12] =	ssyncset.done $0x0  }
0xd1: {  	[sflag:s12] =	ssyncadd.s32 $0xFFFFFFD8;
	s12 =	simm.s32 $0x6  }
0xd2: {  	_ =	swait.ge [sflag:s12], $0x1400  }
0xd3: {  	[sflag:s12] =	ssyncset.done $0x0  }
0xd4: {  	[sflag:s12] =	ssyncadd.s32 $0xFFFFEC00  }
0xd5: {  	[spmem:s2] =	stream.indirect.scatter.add.f32 [tilespmem:s13], [sflag:$0xB], $0x80, s3, s24, $0xb8;
	[tilespmem:$0x19F00] =	vst v63  }
0xd6: {  	s13 =	simm.s32 $0x2  }
0xd7: {  	_ =	swait.ge [sflag:s13], $0x28  }
0xd8: {  	[sflag:s13] =	ssyncset.done $0x0  }
0xd9: {  	[sflag:s13] =	ssyncadd.s32 $0xFFFFFFD8  }
0xda: {  	_ =	swait.ge [sflag:s26], $0x1400  }
0xdb: {  	[sflag:s26] =	ssyncset.done $0x0  }
0xdc: {  	[sflag:s26] =	ssyncadd.s32 $0xFFFFEC00  }
0xdd: {  	[spmem:s2] =	stream.indirect.scatter.add.f32 [tilespmem:s15], [sflag:$0xC], $0x80, s14, s24, $0xb8;
	[tilespmem:$0x19F00] =	vst v63  }
0xde: {  	_ =	swait.ge [sflag:s28], $0x28  }
0xdf: {  	[sflag:s28] =	ssyncset.done $0x0  }
0xe0: {  	[sflag:s28] =	ssyncadd.s32 $0xFFFFFFD8  }
0xe1: {  	_ =	swait.ge [sflag:s29], $0x1400  }
0xe2: {  	[sflag:s29] =	ssyncset.done $0x0  }
0xe3: {  	[sflag:s29] =	ssyncadd.s32 $0xFFFFEC00  }
0xe4: {  	[spmem:s2] =	stream.indirect.scatter.add.f32 [tilespmem:s17], [sflag:$0xD], $0x80, s16, s24, $0xb8;
	[tilespmem:$0x19F00] =	vst v63  }
0xe5: {  	_ =	swait.ge [sflag:s30], $0x28  }
0xe6: {  	[sflag:s30] =	ssyncset.done $0x0  }
0xe7: {  	[sflag:s30] =	ssyncadd.s32 $0xFFFFFFD8  }
0xe8: {  	_ =	swait.ge [sflag:s31], $0x1400  }
0xe9: {  	[sflag:s31] =	ssyncset.done $0x0  }
0xea: {  	[sflag:s31] =	ssyncadd.s32 $0xFFFFEC00  }
0xeb: {  	[spmem:s2] =	stream.indirect.scatter.add.f32 [tilespmem:s10], [sflag:$0xE], $0x80, s18, s24, $0xb8;
	[tilespmem:$0x19F00] =	vst v63  }
0xec: {  	_ =	swait.ge [sflag:s0], $0x28  }
0xed: {  	[sflag:s0] =	ssyncset.done $0x0  }
0xee: {  	[sflag:s0] =	ssyncadd.s32 $0xFFFFFFD8  }
0xef: {  	_ =	swait.ge [sflag:s1], $0x1400  }
0xf0: {  	[sflag:s1] =	ssyncset.done $0x0  }
0xf1: {  	[sflag:s1] =	ssyncadd.s32 $0xFFFFEC00  }
0xf2: {  	[spmem:s2] =	stream.indirect.scatter.add.f32 [tilespmem:s11], [sflag:$0xF], $0x80, s19, s24, $0xb8;
	[tilespmem:$0x19F00] =	vst v63  }
0xf3: {  	_ =	swait.ge [sflag:s4], $0x1400  }
0xf4: {  	[sflag:s4] =	ssyncset.done $0x0  }
0xf5: {  	[sflag:s4] =	ssyncadd.s32 $0xFFFFEC00  }
0xf6: {  	_ =	swait.ge [sflag:s5], $0x1400  }
0xf7: {  	[sflag:s5] =	ssyncset.done $0x0  }
0xf8: {  	[sflag:s5] =	ssyncadd.s32 $0xFFFFEC00  }
0xf9: {  	_ =	swait.ge [sflag:s6], $0x1400  }
0xfa: {  	[sflag:s6] =	ssyncset.done $0x0  }
0xfb: {  	[sflag:s6] =	ssyncadd.s32 $0xFFFFEC00  }
0xfc: {  	_ =	swait.ge [sflag:s7], $0x1400  }
0xfd: {  	[sflag:s7] =	ssyncset.done $0x0  }
0xfe: {  	[sflag:s7] =	ssyncadd.s32 $0xFFFFEC00  }
0xff: {  	_ =	swait.ge [sflag:s8], $0x1400  }
0x100: {  	[sflag:s8] =	ssyncset.done $0x0  }
0x101: {  	[sflag:s8] =	ssyncadd.s32 $0xFFFFEC00  }
0x102: {  	[bflag:$0x0] =	sbarrier.arrive $0xFFFF  }
0x103: {  	s10 =	rddreg [dreg:$0xc]  }
0x104: {  	s9 =	simm.s32 @p0 $0x1FD0;
	s11 =	rddreg [dreg:$0xf]  }
0x105: {  	[hbm:s10], [sflag:s9] =	dma.local @p0 [spmem:s11], $0x2800  }
0x106: {  	s9 =	simm.s32 @p0 $0x10  }
0x107: {  	_ =	swait.ge @p0 [sflag:s9], $0x2800  }
0x108: {  	s12 =	rddreg [dreg:$0x10]  }
0x109: {  	[sflag:s9] =	ssyncset.done @p0 $0x0;
	s13 =	rddreg [dreg:$0x11]  }
0x10a: {  	[sflag:s9] =	ssyncadd.s32 @p0 $0xFFFFD800;
	s9 =	rddreg [dreg:$0xb]  }
0x10b: {  	[hbm:s9], [sflag:s12] =	dma.local @!p0 [spmem:s13], $0x2700  }
0x10c: {  	s9 =	simm.s32 @!p0 $0x10  }
0x10d: {  	_ =	swait.ge @!p0 [sflag:s9], $0x2700  }
0x10e: {  	s18 =	rddreg [dreg:$0x12]  }
0x10f: {  	s19 =	rddreg [dreg:$0xd];
	s14 =	sadd.s32 $0x1, s18  }
0x110: {  	p1 =	sne.s32 s14, s19  }
.Ltmp1:
0x111: {  	_ = 	snop;
	(pc) =	sbr.rel @p1 .LBB2_1-.Ltmp1, $3  }
0x112: {  	_ =	sdelay $0x1  }
0x113: {  	[sflag:s9] =	ssyncset.done @!p0 $0x0  }
0x114: {  	[sflag:s9] =	ssyncadd.s32 @!p0 $0xFFFFD900  }
0x115: {  	_ =	sfence.sel $0x180000  }
0x116: {  	[bflag:$0x0] =	sbarrier.arrive $0xFFFF  }
0x117: {  	_ =	strace $0x9000004D  }
0x118: {  	s0 =	stileid.u32;
	[bflag:$0x2] =	sbarrier.arrive $0xFFFF  }
0x119: {  	p0 =	sne.s32 s0, $0x0;
	s0 =	rddreg [dreg:$0x3]  }
0x11a: {  	s0 =	sadd.s32 @!p0 $0x100000, s0  }
0x11b: {  	[sflag:s0] =	ssyncadd.tile.s32 @!p0 $0x1;
	_ =	shalt  }
.Lfunc_end2:
_tile_overlayer_lowered:
.L_overlay_start_2:
0x11c: {  	(tag) =	ssettag $0x2  }
0x11d: {  	s0 =	rddreg [dreg:$0x0];
	s2 =	stileid.u32  }
0x11e: {  	s1 =	rddreg [dreg:$0x1];
	p0 =	sne.s32 s2, $0x0  }
0x11f: {  	s3 =	rddreg [dreg:$0x2];
	[bflag:$0x3] =	sbarrier.arrive $0xFFFF;
	s2 =	simm.s32 @!p0 $0x1C10  }
0x120: {  	[timem:s3], [sflag:s2] =	dma.local @!p0 [hbm:s0], s1  }
0x121: {  	s0 =	simm.s32 @!p0 $0x10  }
0x122: {  	_ =	swait.ge @!p0 [sflag:s0], s1  }
0x123: {  	s1 =	ssub.s32 @!p0 $0x0, s1;
	[sflag:s0] =	ssyncset.done @!p0 $0x0  }
0x124: {  	[sflag:s0] =	ssyncadd.s32 @!p0 s1  }
0x125: {  	[bflag:$0x3] =	sbarrier.arrive $0xFFFF  }
0x126: {  	_ =	shalt  }

// kernel: kernel.8.cloned.1.call-start
scs
__scs_entry_jumppad:
0x0: {  	(pc) =	sbr.rel $0x88, $3  }
0x1: {  	(tag) =	ssettag $0x0;
	lr =	simm.s32 $0x1  }
0x2: {  	[smem:$0x3F91] =	sst lr;
	_ =	strace $0xD0000000  }
0x3: {  	_ = 	snop  }
0x4: {  	_ = 	snop  }
0x5: {  	_ = 	snop  }
0x6: {  	_ = 	snop  }
0x7: {  	_ = 	snop  }
__scs_overlays_trampoline_lowered:
0x8: {  	[smem:$0x3FA0] =	sst s0  }
0x9: {  	[smem:$0x3FA1] =	sst s1  }
0xa: {  	[smem:$0x3FA2] =	sst s2  }
0xb: {  	[smem:$0x3FA3] =	sst s3  }
0xc: {  	[smem:$0x3FA4] =	sst s4  }
0xd: {  	[smem:$0x3FA5] =	sst s5  }
0xe: {  	[smem:$0x3FA6] =	sst s6  }
0xf: {  	[smem:$0x3FA7] =	sst s7  }
0x10: {  	[smem:$0x3FA8] =	sst s8  }
0x11: {  	[smem:$0x3FA9] =	sst s9;
	s0 =	simm.s32 @!p0 $0x0  }
0x12: {  	s1 =	sld [smem:$0x3F8F];
	s0 =	simm.s32 @p0 $0x1  }
0x13: {  	[smem:$0x3FAA] =	sst s0;
	s0 =	simm.s32 @!p1 $0x0  }
0x14: {  	s2 =	sld [smem:$0x3F8E];
	s0 =	simm.s32 @p1 $0x1  }
0x15: {  	[smem:$0x3FAB] =	sst s0;
	s0 =	simm.s32 @!p2 $0x0  }
0x16: {  	s3 =	sld [smem:$0x3FDB];
	s0 =	simm.s32 @p2 $0x1  }
0x17: {  	s4 =	simm.s32 $0x1BF5;
	[smem:$0x3FAD] =	sst s0  }
0x18: {  	s0 =	sld [smem:$0x3F90];
	_ =	swait.ge [sflag:s4], $0x0  }
0x19: {  	s7 =	sld [smem:$0x3F91]  }
0x1a: {  	s8 =	sadd.s32 $0xFFFFE003, lr  }
0x1b: {  	s9 =	sadd.s32 $0xFFFFFEF7, lr;
	s5 =	simm.s32 $0xFFFFFFFF;
	p2 =	slt.u32 s8, $0xFFFFF086  }
0x1c: {  	p1 =	slt.u32 s9, $0xF7A;
	s5 =	simm.s32 @!p2 $0x0  }
0x1d: {  	s5 =	simm.s32 @p1 $0x1;
	p0 =	seq.s32 s7, s2  }
0x1e: {  	s7 =	smul.u32 @!p0 $0xF7A, s2;
	p2 =	seq.s32 @!p0 s5, $0x0  }
0x1f: {  	s9 =	smul.u32 $0xF7A, s1;
	s8 =	simm.s32 @!p0 $0x1BF5;
	p2 =	por !p2, p0  }
0x20: {  	[sflag:s8] =	ssyncset.s32 @!p0 $0xFFFFF086;
	s6 =	sadd.s32 @!p0 s3, s7;
	s7 =	simm.s32 @!p0 $0x108  }
0x21: {  	s3 =	sadd.s32 s3, s9;
	s6 =	sadd.s32 @!p0 $0x88, s6;
	s7 =	simm.s32 @p2 $0x1082  }
0x22: {  	[simem:s7], [sflag:s8] =	dma.local @!p0 [hbm:s6], $0xF7A  }
0x23: {  	s9 =	sor.u32 $0xD0000000, s2;
	s6 =	simm.s32 $0x108;
	_ =	swait.ge @!p0 [sflag:s8], $0x0  }
0x24: {  	s3 =	sadd.s32 $0x88, s3;
	s6 =	simm.s32 @!p1 $0x1082;
	[sflag:s4] =	ssyncset.s32 $0xFFFFF086  }
0x25: {  	[simem:s6], [sflag:s4] =	dma.local [hbm:s3], $0xF7A  }
0x26: {  	[smem:$0x3F91] =	sst s1;
	(tag) =	ssettag s2;
	_ =	strace s9  }
0x27: {  	s1 =	sld [smem:$0x3FA1]  }
0x28: {  	s2 =	sld [smem:$0x3FA2]  }
0x29: {  	s4 =	sld [smem:$0x3FA4]  }
0x2a: {  	p0 =	seq.s32 s5, $0x0;
	s5 =	sld [smem:$0x3FA5]  }
0x2b: {  	s6 =	sld [smem:$0x3FA6]  }
0x2c: {  	s7 =	sld [smem:$0x3FA7]  }
0x2d: {  	s3 =	simm.s32 $0x108;
	s8 =	sld [smem:$0x3FA8]  }
0x2e: {  	s3 =	simm.s32 @!p0 $0x1082;
	s9 =	sld [smem:$0x3FA9]  }
0x2f: {  	lr =	sadd.s32 s0, s3;
	s0 =	sld [smem:$0x3FA0]  }
0x30: {  	s3 =	sld [smem:$0x3FA3]  }
0x31: {  	[smem:$0x3FAC] =	sst s10  }
0x32: {  	s10 =	sld [smem:$0x3FAA];
	_ =	sdelay $0x3  }
0x33: {  	p0 =	seq.s32 s10, $0x1;
	s10 =	sld [smem:$0x3FAC];
	_ =	sdelay $0x3  }
0x34: {  	[smem:$0x3FAC] =	sst s10  }
0x35: {  	s10 =	sld [smem:$0x3FAB];
	_ =	sdelay $0x3  }
0x36: {  	p1 =	seq.s32 s10, $0x1;
	s10 =	sld [smem:$0x3FAC];
	_ =	sdelay $0x3  }
0x37: {  	[smem:$0x3FAC] =	sst s10  }
0x38: {  	s10 =	sld [smem:$0x3FAD]  }
0x39: {  	_ = 	snop;
	(pc) =	sbr.ind lr, $3  }
0x3a: {  	_ = 	snop  }
0x3b: {  	_ = 	snop  }
0x3c: {  	p2 =	seq.s32 s10, $0x1;
	s10 =	sld [smem:$0x3FAC]  }
0x3d: {  	_ =	shalt  }
0x3e: {  	_ =	shalt  }
0x3f: {  	_ =	shalt  }
0x40: {  	_ =	shalt  }
0x41: {  	_ =	shalt  }
0x42: {  	_ =	shalt  }
0x43: {  	_ =	shalt  }
0x44: {  	_ =	shalt  }
0x45: {  	_ =	shalt  }
0x46: {  	_ =	shalt  }
0x47: {  	_ =	shalt  }
0x48: {  	_ =	shalt  }
0x49: {  	_ =	shalt  }
0x4a: {  	_ =	shalt  }
0x4b: {  	_ =	shalt  }
0x4c: {  	_ =	shalt  }
0x4d: {  	_ =	shalt  }
0x4e: {  	_ =	shalt  }
0x4f: {  	_ =	shalt  }
0x50: {  	_ =	shalt  }
0x51: {  	_ =	shalt  }
0x52: {  	_ =	shalt  }
0x53: {  	_ =	shalt  }
0x54: {  	_ =	shalt  }
0x55: {  	_ =	shalt  }
0x56: {  	_ =	shalt  }
0x57: {  	_ =	shalt  }
0x58: {  	_ =	shalt  }
0x59: {  	_ =	shalt  }
0x5a: {  	_ =	shalt  }
0x5b: {  	_ =	shalt  }
0x5c: {  	_ =	shalt  }
0x5d: {  	_ =	shalt  }
0x5e: {  	_ =	shalt  }
0x5f: {  	_ =	shalt  }
0x60: {  	_ =	shalt  }
0x61: {  	_ =	shalt  }
0x62: {  	_ =	shalt  }
0x63: {  	_ =	shalt  }
0x64: {  	_ =	shalt  }
0x65: {  	_ =	shalt  }
0x66: {  	_ =	shalt  }
0x67: {  	_ =	shalt  }
0x68: {  	_ =	shalt  }
0x69: {  	_ =	shalt  }
0x6a: {  	_ =	shalt  }
0x6b: {  	_ =	shalt  }
0x6c: {  	_ =	shalt  }
0x6d: {  	_ =	shalt  }
0x6e: {  	_ =	shalt  }
0x6f: {  	_ =	shalt  }
0x70: {  	_ =	shalt  }
0x71: {  	_ =	shalt  }
0x72: {  	_ =	shalt  }
0x73: {  	_ =	shalt  }
0x74: {  	_ =	shalt  }
0x75: {  	_ =	shalt  }
0x76: {  	_ =	shalt  }
0x77: {  	_ =	shalt  }
0x78: {  	_ =	shalt  }
0x79: {  	_ =	shalt  }
0x7a: {  	_ =	shalt  }
0x7b: {  	_ =	shalt  }
0x7c: {  	_ =	shalt  }
0x7d: {  	_ =	shalt  }
0x7e: {  	_ =	shalt  }
0x7f: {  	_ =	shalt  }
0x80: {  	_ =	shalt  }
0x81: {  	_ =	shalt  }
0x82: {  	_ =	shalt  }
0x83: {  	_ =	shalt  }
0x84: {  	_ =	shalt  }
0x85: {  	_ =	shalt  }
0x86: {  	_ =	shalt  }
0x87: {  	_ =	shalt  }
.Lfunc_end0:
.L_simem_size_0:
called_computation_lowered:
.L_overlay_start_0:
0x88: {  	s2 =	sld [smem:$0x3FD9]  }
0x89: {  	s3 =	sld [smem:$0x3FFE];
	_ =	sdelay $0x1  }
0x8a: {  	s1 =	srdreg.scid  }
0x8b: {  	s0 =	sand.u32 $0x1, s1  }
0x8c: {  	s14 =	sshll.u32 s0, $0xA;
	s2 =	sadd.s32 s3, s2  }
0x8d: {  	s2 =	sadd.s32 s2, s14  }
0x8e: {  	[smem:$0x3FB8] =	sst s2  }
0x8f: {  	_ = 	snop  }
0x90: {  	s2 =	sld [smem:$0x3FD0];
	_ =	sdelay $0x2  }
0x91: {  	s15 =	simm.s32 $0xB;
	s4 =	simm.s32 $0x10  }
0x92: {  	[smem:s4], [sflag:s15] =	dma.local [hbm:s2], $0x1  }
0x93: {  	_ =	swait.eq [sflag:s15], $0x1  }
0x94: {  	[sflag:s15] =	ssyncset.done $0x0  }
0x95: {  	s16 =	sld [smem:$0x10];
	[sflag:s15] =	ssyncadd.s32 $0xFFFFFFFF  }
0x96: {  	s17 =	sld [smem:$0x11];
	(tm) =	ssettm $0x1  }
0x97: {  	s18 =	sld [smem:$0x3FFB];
	_ =	sdelay $0x3  }
0x98: {  	_ =	strace s18  }
0x99: {  	s4 =	sld [smem:$0x3FFC];
	_ =	sdelay $0x3  }
0x9a: {  	_ =	strace s4  }
0x9b: {  	s4 =	sld [smem:$0x3FFD];
	_ =	sdelay $0x3  }
0x9c: {  	_ =	strace s4  }
0x9d: {  	_ =	strace $0x8FFFFFFF  }
0x9e: {  	s19 =	sld [smem:$0x3FDB];
	_ =	sdelay $0x1  }
0x9f: {  	s5 =	simm.s32 $_scs_section_size  }
0xa0: {  	s6 =	simm.s32 $_size__tile_overlayer_lowered;
	s7 =	simm.s32 $_tile_overlayer_lowered  }
0xa1: {  	s22 =	simm.s32 $0x1BFF;
	s21 =	sshll.u32 s7, $0x1;
	s4 =	sadd.s32 s5, s19  }
0xa2: {  	s8 =	simm.s32 $0x0;
	s20 =	sshll.u32 s6, $0x1;
	s6 =	sadd.s32 s21, s4  }
0xa3: {  	[timem:s8], [sflag:s22] =	dma.local [hbm:s6], s20  }
0xa4: {  	_ =	swait.ge [sflag:s22], s20  }
0xa5: {  	s5 =	ssub.s32 $0x0, s20;
	[sflag:s22] =	ssyncset.done $0x0  }
0xa6: {  	[sflag:s22] =	ssyncadd.s32 s5;
	_ =	sdelay $0x1  }
0xa7: {  	s23 =	simm.s32 $0x1B8B  }
0xa8: {  	_ =	swait.ge [sflag:s23], $0x1  }
0xa9: {  	[sflag:s23] =	ssyncset.done $0x0  }
0xaa: {  	s25 =	simm.s32 $0x1B8E;
	s24 =	sld [smem:$0x3FFE];
	[sflag:s23] =	ssyncadd.s32 $0xFFFFFFFF  }
0xab: {  	s26 =	simm.s32 $execute0_lowered;
	[smem:$0x3FD2] =	sst s25  }
0xac: {  	s6 =	sshll.u32 s26, $0x1;
	_ =	strace $0x80000046;
	[dreg:$0x1] =	wrdreg $0xFFFFFFFF  }
0xad: {  	s28 =	simm.s32 $_size_execute0_lowered;
	s4 =	sadd.s32 s4, s6;
	[dreg:$0x0] =	wrdreg $0x0  }
0xae: {  	s6 =	sshll.u32 s28, $0x1;
	[dreg:$0x2] =	wrdreg s4  }
0xaf: {  	[dreg:$0x3] =	wrdreg s6  }
0xb0: {  	[dreg:$0x4] =	wrdreg $0xC0  }
0xb1: {  	_ =	task [dreg:s8], $0x5FFFF  }
0xb2: {  	[dreg:$0x1] =	wrdreg $0xFFFFFFFF  }
0xb3: {  	[dreg:$0x0] =	wrdreg $0x60  }
0xb4: {  	[dreg:$0x2] =	wrdreg s24  }
0xb5: {  	[dreg:$0x3] =	wrdreg s17  }
0xb6: {  	[dreg:$0x4] =	wrdreg s16  }
0xb7: {  	[dreg:$0x5] =	wrdreg $0xA  }
0xb8: {  	_ =	task.clear_ibuf [dreg:s8], $0x6FFFF;
	_ =	strace $0x90000046  }
0xb9: {  	s29 =	simm.s32 $0xA;
	_ =	strace $0x80000048  }
0xba: {  	_ =	swait.ge [sflag:s29], $0x1  }
0xbb: {  	[sflag:s29] =	ssyncadd.s32 $0xFFFFFFFF  }
0xbc: {  	_ =	strace $0x90000048  }
0xbd: {  	_ =	sfence  }
0xbe: {  	s30 =	sld [smem:$0x0];
	_ =	sdelay $0x2  }
0xbf: {  	s31 =	sshll.u32 s1, $0xD;
	s1 =	sshrl.u32 s1, $0x2  }
0xc0: {  	s3 =	sand.u32 $0x4000, s31;
	s1 =	sadd.s32 s1, s30  }
0xc1: {  	s0 =	sor.u32 s3, s0;
	s1 =	sshll.u32 s1, $0x11  }
0xc2: {  	s0 =	sor.u32 s1, s0  }
0xc3: {  	s0 =	sadd.s32 $0x8F2B, s0  }
0xc4: {  	[sflag:s0] =	ssyncadd.remote.s32 $0x1  }
0xc5: {  	_ =	sfence.sel $0xFFFF  }
0xc6: {  	[dreg:$0x0] =	wrdreg $0xFFFFFFFF;
	(pc) =	sbr.abs _section_cstart, $3  }
0xc7: {  	[dreg:$0x1] =	wrdreg $0xFFFFFFFF  }
0xc8: {  	_ =	task.clear_ibuf [dreg:s8], $0x2FFFF;
	_ =	strace $0x9FFFFFFF  }
0xc9: {  	(tm) =	ssettm $0x7FFFFFFF  }
tec
execute0_lowered:
.L_overlay_start_1:
0x0: {  	(tag) =	ssettag $0x1  }
0x1: {  	s7 =	rddreg [dreg:$0x0]  }
0x2: {  	s12 =	stileid.u32;
	s2 =	rddreg [dreg:$0x1]  }
0x3: {  	s0 =	srdreg.scid;
	s3 =	rddreg [dreg:$0x2];
	s4 =	simm.s32 $0x0  }
0x4: {  	s25 =	simm.s32 $0xD00;
	s26 =	simm.s32 $0x1500;
	[smem:$0x7FF] =	sst s4  }
0x5: {  	s13 =	simm.s32 $0xE500;
	_ =	strace $0x80000047;
	[dreg:$0xe] =	wrdreg s25  }
0x6: {  	s1 =	sand.u32 $0x1, s0;
	s14 =	smul.u32 $0x2710, s12;
	[dreg:$0xf] =	wrdreg s26  }
0x7: {  	s21 =	smul.u32 $0x4E200, s12;
	[dreg:$0x14] =	wrdreg s13;
	s25 =	simm.s32 $0x11500  }
0x8: {  	s5 =	smul.u32 $0x1388, s1;
	s13 =	simm.s32 $0x6500;
	[dreg:$0x1d] =	wrdreg s25  }
0x9: {  	[dreg:$0x1f] =	wrdreg s13;
	s25 =	simm.s32 $0x8D00;
	s13 =	simm.s32 $0x14D00  }
0xa: {  	s0 =	sadd.s32 s5, s14;
	s5 =	sadd.s32 $0x4200, s7;
	[smem:$0x7E9] =	sst s25  }
0xb: {  	s14 =	simm.s32 $0xED00;
	[smem:$0x7EE] =	sst s13;
	s25 =	simm.s32 $0x18500  }
0xc: {  	s6 =	sadd.s32 $0x168, s0;
	s10 =	sadd.s32 $0x140, s0;
	s17 =	sadd.s32 $0x118, s0  }
0xd: {  	s22 =	sadd.s32 $0xF0, s0;
	[dreg:$0x15] =	wrdreg s14;
	s0 =	sadd.s32 $0xC8, s0  }
0xe: {  	[smem:$0x7FC] =	sst s25;
	s8 =	sshrl.u32 s6, $0x3;
	s6 =	sadd.s32 $0x9200, s7  }
0xf: {  	s15 =	sshrl.u32 s10, $0x3;
	s10 =	simm.s32 $0xD500;
	[smem:$0x7F5] =	sst s0  }
0x10: {  	s19 =	sshrl.u32 s17, $0x3;
	s17 =	simm.s32 $0x3D00;
	[dreg:$0x12] =	wrdreg s10  }
0x11: {  	s7 =	sadd.s32 s21, s7;
	s21 =	simm.s32 $0x4D00;
	[dreg:$0x17] =	wrdreg s17  }
0x12: {  	s9 =	sadd.s32 s8, s5;
	[dreg:$0x19] =	wrdreg s21  }
0x13: {  	s8 =	sadd.s32 s8, s6;
	[dreg:$0x4] =	wrdreg s9  }
0x14: {  	s16 =	sadd.s32 s15, s5;
	[dreg:$0x5] =	wrdreg s8  }
0x15: {  	s11 =	smul.u32 $0x27100, s1;
	s18 =	sadd.s32 s15, s6;
	[dreg:$0x6] =	wrdreg s16  }
0x16: {  	s20 =	sadd.s32 s19, s5;
	[dreg:$0x7] =	wrdreg s18  }
0x17: {  	s7 =	sadd.s32 s11, s7;
	s11 =	simm.s32 $0xDD00;
	[dreg:$0x8] =	wrdreg s20  }
0x18: {  	s15 =	simm.s32 $0x3500;
	[dreg:$0x13] =	wrdreg s11  }
0x19: {  	s21 =	simm.s32 $0x13500;
	[dreg:$0x16] =	wrdreg s15  }
0x1a: {  	s9 =	sadd.s32 s19, s6;
	[smem:$0x7E5] =	sst s21  }
0x1b: {  	s24 =	sadd.s32 $0xE200, s7;
	[dreg:$0x9] =	wrdreg s9  }
0x1c: {  	s7 =	sadd.s32 $0x4F0200, s7;
	[dreg:$0xc] =	wrdreg s24  }
0x1d: {  	s19 =	simm.s32 $0x4500;
	[dreg:$0xd] =	wrdreg s7  }
0x1e: {  	s8 =	sshrl.u32 s22, $0x3;
	s22 =	simm.s32 $0xFD00;
	[dreg:$0x18] =	wrdreg s19  }
0x1f: {  	s11 =	simm.s32 $0x5D00;
	[dreg:$0x1a] =	wrdreg s22  }
0x20: {  	s15 =	simm.s32 $0x6D00;
	[dreg:$0x1e] =	wrdreg s11  }
0x21: {  	s21 =	simm.s32 $0xBD00;
	[smem:$0x7DE] =	sst s15  }
0x22: {  	s23 =	sadd.s32 s8, s5;
	[smem:$0x7F8] =	sst s21  }
0x23: {  	s8 =	sadd.s32 s8, s6;
	[dreg:$0xa] =	wrdreg s23  }
0x24: {  	s9 =	simm.s32 $0x2500;
	[dreg:$0xb] =	wrdreg s8  }
0x25: {  	s24 =	simm.s32 $0x10D00;
	[dreg:$0x11] =	wrdreg s9  }
0x26: {  	s29 =	simm.s32 $0x1;
	s19 =	simm.s32 $0x12D00;
	[dreg:$0x1c] =	wrdreg s24  }
0x27: {  	s30 =	simm.s32 $0x500;
	s15 =	simm.s32 $0x15500;
	[smem:$0x7E3] =	sst s19  }
0x28: {  	s31 =	simm.s32 $0x2D00;
	s8 =	simm.s32 $0x1D00;
	[smem:$0x7F0] =	sst s15  }
0x29: {  	s28 =	simm.s32 $0xA500;
	s23 =	simm.s32 $0x10500;
	[dreg:$0x10] =	wrdreg s8  }
0x2a: {  	s16 =	ssub.s32 $0x2, s1;
	s24 =	simm.s32 $0x8500;
	[dreg:$0x1b] =	wrdreg s23  }
0x2b: {  	s18 =	sshrl.u32 s16, $0x1;
	s19 =	simm.s32 $0xAD00;
	[smem:$0x7E8] =	sst s24  }
0x2c: {  	s8 =	ssub.s32 s16, s18;
	s16 =	simm.s32 $0x7500;
	[smem:$0x7F6] =	sst s19  }
0x2d: {  	s25 =	simm.s32 $0x14500;
	s18 =	simm.s32 $0x12500;
	[smem:$0x7E0] =	sst s16  }
0x2e: {  	s20 =	sshll.u32 s12, $0x1;
	s23 =	simm.s32 $0x13D00;
	[smem:$0x7E2] =	sst s18  }
0x2f: {  	s1 =	sor.u32 s1, s20;
	s24 =	simm.s32 $0x17D00;
	[smem:$0x7E7] =	sst s23  }
0x30: {  	s1 =	smul.u32 $0x1388, s1;
	s16 =	simm.s32 $0x15D00;
	[smem:$0x7FB] =	sst s24  }
0x31: {  	s21 =	simm.s32 $0x5500;
	s18 =	smax.u32 s8, $0x1;
	[smem:$0x7F2] =	sst s16  }
0x32: {  	s9 =	sshrl.u32 s1, $0x3;
	s23 =	simm.s32 $0x17500;
	[smem:$0x7F3] =	sst s18  }
0x33: {  	s14 =	sadd.s32 $0x28, s1;
	s26 =	sadd.s32 s6, s9;
	[smem:$0x7FA] =	sst s23  }
0x34: {  	s12 =	sadd.s32 s5, s9;
	s10 =	sshrl.u32 s14, $0x3;
	[smem:$0x7DC] =	sst s26  }
0x35: {  	s1 =	sadd.s32 $0x78, s1;
	[smem:$0x7DD] =	sst s12;
	s17 =	sadd.s32 s6, s10  }
0x36: {  	s20 =	sadd.s32 $0xA, s9;
	s10 =	sadd.s32 s5, s10;
	[smem:$0x7DF] =	sst s17  }
0x37: {  	s1 =	sshrl.u32 s1, $0x3;
	s22 =	sadd.s32 s6, s20;
	[smem:$0x7E1] =	sst s10  }
0x38: {  	s19 =	simm.s32 $0xF500;
	s11 =	sadd.s32 s6, s1;
	[smem:$0x7E4] =	sst s22  }
0x39: {  	s24 =	simm.s32 $0x7D00;
	s26 =	simm.s32 $0x9500;
	[smem:$0x7EA] =	sst s11  }
0x3a: {  	s8 =	simm.s32 $0x6;
	s1 =	sadd.s32 s5, s1;
	[smem:$0x7EB] =	sst s26  }
0x3b: {  	s14 =	sadd.s32 $0x14, s9;
	s12 =	simm.s32 $0x9D00;
	[smem:$0x7EC] =	sst s1  }
0x3c: {  	s18 =	simm.s32 $0xCD00;
	s9 =	sadd.s32 s6, s14;
	[smem:$0x7ED] =	sst s12  }
0x3d: {  	s23 =	simm.s32 $0x4;
	s7 =	sadd.s32 s5, s14;
	[smem:$0x7EF] =	sst s9  }
0x3e: {  	s14 =	simm.s32 $0x0;
	s10 =	sadd.s32 s5, s20;
	[smem:$0x7F1] =	sst s7  }
0x3f: {  	s17 =	simm.s32 $0x16500;
	s20 =	simm.s32 $0xB500;
	[smem:$0x7E6] =	sst s10  }
0x40: {  	s22 =	simm.s32 $0xC500;
	s26 =	simm.s32 $0x18D00;
	[smem:$0x7F4] =	sst s17  }
0x41: {  	s1 =	simm.s32 $0x2;
	s7 =	simm.s32 $0x16D00;
	[smem:$0x7F7] =	sst s20  }
0x42: {  	v2 =	vlaneseq.u32;
	s9 =	simm.s32 $0x7;
	s11 =	simm.s32 $0x9;
	[smem:$0x7F9] =	sst s22  }
0x43: {  	vm0 =	vmmov $0xffff;
	v1 =	vshrl.u32 v2, $0x3;
	s12 =	simm.s32 $0xA;
	[smem:$0x7FD] =	sst s26;
	s20 =	simm.s32 $0x3  }
0x44: {  	v0 =	vand.u32 $0x7, v2;
	v2 =	vor.u32 $0x8, v2;
	v1 =	vmul.u32 $0x8, v1;
	s22 =	simm.s32 $0x11D00;
	s26 =	simm.s32 $0x5;
	s10 =	simm.s32 $0x8  }
.LBB2_1:
0x45: {  	[smem:$0x7DB] =	sst s14  }
0x46: {  	s0 =	sld [smem:$0x7DC]  }
0x47: {  	s17 =	sld [smem:$0x7DD]  }
0x48: {  	s14 =	sld [smem:$0x7DF]  }
0x49: {  	[tilespmem:s4], [sflag:$0x1] =	stream.linear.gather [hbm4b:s0+s4], $0x28, $0x38;
	[tilespmem:$0x19500] =	vst v63  }
0x4a: {  	s13 =	simm.s32 $0x280;
	s16 =	sld [smem:$0x7E1]  }
0x4b: {  	[tilespmem:s13], [sflag:$0x1] =	stream.linear.gather [hbm4b:s17+s4], $0x28, $0x38;
	[tilespmem:$0x19500] =	vst v63  }
0x4c: {  	s15 =	simm.s32 $0x80;
	s13 =	sld [smem:$0x7F5]  }
0x4d: {  	[tilespmem:s15], [sflag:$0x2] =	stream.linear.gather [hbm4b:s14+s4], $0x28, $0x38;
	[tilespmem:$0x19500] =	vst v63  }
0x4e: {  	s17 =	simm.s32 $0x300;
	s14 =	sld [smem:$0x7E4]  }
0x4f: {  	[tilespmem:s17], [sflag:$0x2] =	stream.linear.gather [hbm4b:s16+s4], $0x28, $0x38;
	[tilespmem:$0x19500] =	vst v63  }
0x50: {  	s15 =	simm.s32 $0x100;
	s16 =	sld [smem:$0x7E6]  }
0x51: {  	[tilespmem:s15], [sflag:$0x3] =	stream.linear.gather [hbm4b:s14+s4], $0x28, $0x38;
	[tilespmem:$0x19500] =	vst v63  }
0x52: {  	s17 =	simm.s32 $0x380;
	s14 =	sld [smem:$0x7EA]  }
0x53: {  	[tilespmem:s17], [sflag:$0x3] =	stream.linear.gather [hbm4b:s16+s4], $0x28, $0x38;
	[tilespmem:$0x19500] =	vst v63  }
0x54: {  	s15 =	simm.s32 $0x180;
	s16 =	sld [smem:$0x7EC]  }
0x55: {  	[tilespmem:s15], [sflag:$0x4] =	stream.linear.gather [hbm4b:s14+s4], $0x28, $0x38;
	[tilespmem:$0x19500] =	vst v63  }
0x56: {  	s17 =	simm.s32 $0x400;
	s14 =	sld [smem:$0x7EF]  }
0x57: {  	[tilespmem:s17], [sflag:$0x4] =	stream.linear.gather [hbm4b:s16+s4], $0x28, $0x38;
	[tilespmem:$0x19500] =	vst v63  }
0x58: {  	s15 =	simm.s32 $0x200;
	s16 =	sld [smem:$0x7F1]  }
0x59: {  	[tilespmem:s15], [sflag:$0x5] =	stream.linear.gather [hbm4b:s14+s4], $0x28, $0x38;
	[tilespmem:$0x19500] =	vst v63  }
0x5a: {  	s17 =	simm.s32 $0x480;
	s14 =	simm.s32 $0x0;
	s15 =	simm.s32 $0x0  }
0x5b: {  	[tilespmem:s17], [sflag:$0x5] =	stream.linear.gather [hbm4b:s16+s4], $0x28, $0x38;
	[tilespmem:$0x19500] =	vst v63  }
.LBB2_2:
0x5c: {  	p0 =	seq.s32 s15, $0x0  }
0x5d: {  	s16 =	simm.s32 @!p0 $0xB  }
0x5e: {  	_ =	swait.ge @!p0 [sflag:s16], $0x2800  }
0x5f: {  	[sflag:s16] =	ssyncset.done @!p0 $0x0  }
0x60: {  	[sflag:s16] =	ssyncadd.s32 @!p0 $0xFFFFD800  }
0x61: {  	_ =	swait.ge @!p0 [sflag:s16], $0x2800  }
0x62: {  	[sflag:s16] =	ssyncset.done @!p0 $0x0  }
0x63: {  	[sflag:s16] =	ssyncadd.s32 @!p0 $0xFFFFD800;
	s16 =	simm.s32 @!p0 $0xC  }
0x64: {  	_ =	swait.ge @!p0 [sflag:s16], $0x2800  }
0x65: {  	[sflag:s16] =	ssyncset.done @!p0 $0x0  }
0x66: {  	[sflag:s16] =	ssyncadd.s32 @!p0 $0xFFFFD800  }
0x67: {  	_ =	swait.ge @!p0 [sflag:s16], $0x2800  }
0x68: {  	[sflag:s16] =	ssyncset.done @!p0 $0x0  }
0x69: {  	[sflag:s16] =	ssyncadd.s32 @!p0 $0xFFFFD800;
	s16 =	simm.s32 @!p0 $0xD  }
0x6a: {  	_ =	swait.ge @!p0 [sflag:s16], $0x2800  }
0x6b: {  	[sflag:s16] =	ssyncset.done @!p0 $0x0  }
0x6c: {  	[sflag:s16] =	ssyncadd.s32 @!p0 $0xFFFFD800  }
0x6d: {  	_ =	swait.ge @!p0 [sflag:s16], $0x2800  }
0x6e: {  	[sflag:s16] =	ssyncset.done @!p0 $0x0  }
0x6f: {  	[sflag:s16] =	ssyncadd.s32 @!p0 $0xFFFFD800;
	s16 =	simm.s32 @!p0 $0xE  }
0x70: {  	_ =	swait.ge @!p0 [sflag:s16], $0x2800  }
0x71: {  	[sflag:s16] =	ssyncset.done @!p0 $0x0  }
0x72: {  	[sflag:s16] =	ssyncadd.s32 @!p0 $0xFFFFD800  }
0x73: {  	_ =	swait.ge @!p0 [sflag:s16], $0x2800  }
0x74: {  	[sflag:s16] =	ssyncset.done @!p0 $0x0  }
0x75: {  	[sflag:s16] =	ssyncadd.s32 @!p0 $0xFFFFD800;
	s16 =	simm.s32 @!p0 $0xF  }
0x76: {  	_ =	swait.ge @!p0 [sflag:s16], $0x2800  }
0x77: {  	[sflag:s16] =	ssyncset.done @!p0 $0x0  }
0x78: {  	[sflag:s16] =	ssyncadd.s32 @!p0 $0xFFFFD800  }
0x79: {  	_ =	swait.ge @!p0 [sflag:s16], $0x2800  }
0x7a: {  	[sflag:s16] =	ssyncset.done @!p0 $0x0  }
0x7b: {  	[sflag:s16] =	ssyncadd.s32 @!p0 $0xFFFFD800  }
0x7c: {  	_ =	swait.ge [sflag:s29], $0x28  }
0x7d: {  	[sflag:s29] =	ssyncset.done $0x0  }
0x7e: {  	[sflag:s29] =	ssyncadd.s32 $0xFFFFFFD8  }
0x7f: {  	_ =	swait.ge [sflag:s29], $0x28  }
0x80: {  	[sflag:s29] =	ssyncset.done $0x0  }
0x81: {  	[sflag:s29] =	ssyncadd.s32 $0xFFFFFFD8  }
0x82: {  	v3 =	vld [tilespmem:$0x0];
	_ =	sdelay $0x4  }
0x83: {  	v4 =	vshll.u32 v3, $0x1  }
0x84: {  	v3 =	vand.u32 $0x7, v3;
	v4 =	vand.u32 $0xFFFFFFF0, v4  }
0x85: {  	v3 =	vor.u32 v3, v4  }
0x86: {  	v4 =	vperm.xlane v3, v0;
	_ =	sdelay $0x1  }
0x87: {  	v3 =	vperm.xlane v3, v2;
	v4 =	vadd.s32 v1, v4;
	_ =	sdelay $0x1  }
0x88: {  	v3 =	vadd.s32 v1, v3;
	_ =	sdelay $0x2  }
0x89: {  	[tilespmem:s30], [sflag:$0x6] =	stream.indirect_vreg.gather [hbm4b:s2+s4], $0x80, v4, vm0, $0xb8;
	[tilespmem:$0x19500] =	vst v63  }
0x8a: {  	s17 =	rddreg [dreg:$0xe]  }
0x8b: {  	[tilespmem:s17], [sflag:$0x6] =	stream.indirect_vreg.gather [hbm4b:s2+s4], $0x80, v3, vm0, $0xb8;
	[tilespmem:$0x19500] =	vst v63  }
0x8c: {  	v3 =	vld [tilespmem:$0x10];
	_ =	sdelay $0x4  }
0x8d: {  	v35 =	vshll.u32 v3, $0x1  }
0x8e: {  	v3 =	vand.u32 $0x7, v3;
	v4 =	vand.u32 $0xFFFFFFF0, v35  }
0x8f: {  	v3 =	vor.u32 v3, v4  }
0x90: {  	v4 =	vperm.xlane v3, v0;
	_ =	sdelay $0x1  }
0x91: {  	v3 =	vperm.xlane v3, v2;
	v4 =	vadd.s32 v1, v4;
	_ =	sdelay $0x1  }
0x92: {  	v3 =	vadd.s32 v1, v3;
	_ =	sdelay $0x1  }
0x93: {  	s0 =	rddreg [dreg:$0xf]  }
0x94: {  	[tilespmem:s0], [sflag:$0x6] =	stream.indirect_vreg.gather [hbm4b:s2+s4], $0x80, v4, vm0, $0xb8;
	[tilespmem:$0x19500] =	vst v63  }
0x95: {  	s17 =	rddreg [dreg:$0x10]  }
0x96: {  	[tilespmem:s17], [sflag:$0x6] =	stream.indirect_vreg.gather [hbm4b:s2+s4], $0x80, v3, vm0, $0xb8;
	[tilespmem:$0x19500] =	vst v63  }
0x97: {  	v3 =	vld.msk [tilespmem:$0x20], $0xff;
	_ =	sdelay $0x4  }
0x98: {  	v36 =	vshll.u32 v3, $0x1  }
0x99: {  	v3 =	vand.u32 $0x7, v3;
	v4 =	vand.u32 $0xFFFFFFF0, v36  }
0x9a: {  	v3 =	vor.u32 v3, v4  }
0x9b: {  	v3 =	vperm.xlane v3, v0;
	_ =	sdelay $0x1  }
0x9c: {  	v3 =	vadd.s32 v1, v3;
	_ =	sdelay $0x3  }
0x9d: {  	s0 =	rddreg [dreg:$0x11]  }
0x9e: {  	[tilespmem:s0], [sflag:$0x6] =	stream.indirect_vreg.gather [hbm4b:s2+s4], $0x80, v3, vm0, $0xb8;
	[tilespmem:$0x19500] =	vst v63  }
0x9f: {  	v3 =	vld [tilespmem:$0x280];
	_ =	sdelay $0x4  }
0xa0: {  	v37 =	vshll.u32 v3, $0x1  }
0xa1: {  	v3 =	vand.u32 $0x7, v3;
	v4 =	vand.u32 $0xFFFFFFF0, v37  }
0xa2: {  	v3 =	vor.u32 v3, v4  }
0xa3: {  	v4 =	vperm.xlane v3, v0;
	_ =	sdelay $0x1  }
0xa4: {  	v3 =	vperm.xlane v3, v2;
	v4 =	vadd.s32 v1, v4;
	_ =	sdelay $0x1  }
0xa5: {  	v3 =	vadd.s32 v1, v3;
	_ =	sdelay $0x2  }
0xa6: {  	[tilespmem:s18], [sflag:$0x6] =	stream.indirect_vreg.gather [hbm4b:s3+s4], $0x80, v4, vm0, $0xb8;
	[tilespmem:$0x19500] =	vst v63  }
0xa7: {  	s17 =	rddreg [dreg:$0x12]  }
0xa8: {  	[tilespmem:s17], [sflag:$0x6] =	stream.indirect_vreg.gather [hbm4b:s3+s4], $0x80, v3, vm0, $0xb8;
	[tilespmem:$0x19500] =	vst v63  }
0xa9: {  	v3 =	vld [tilespmem:$0x290];
	_ =	sdelay $0x4  }
0xaa: {  	v38 =	vshll.u32 v3, $0x1  }
0xab: {  	v3 =	vand.u32 $0x7, v3;
	v4 =	vand.u32 $0xFFFFFFF0, v38  }
0xac: {  	v3 =	vor.u32 v3, v4  }
0xad: {  	v4 =	vperm.xlane v3, v0;
	_ =	sdelay $0x1  }
0xae: {  	v3 =	vperm.xlane v3, v2;
	v4 =	vadd.s32 v1, v4;
	_ =	sdelay $0x1  }
0xaf: {  	v3 =	vadd.s32 v1, v3;
	_ =	sdelay $0x1  }
0xb0: {  	s18 =	rddreg [dreg:$0x13]  }
0xb1: {  	[tilespmem:s18], [sflag:$0x6] =	stream.indirect_vreg.gather [hbm4b:s3+s4], $0x80, v4, vm0, $0xb8;
	[tilespmem:$0x19500] =	vst v63  }
0xb2: {  	s0 =	rddreg [dreg:$0x14]  }
0xb3: {  	[tilespmem:s0], [sflag:$0x6] =	stream.indirect_vreg.gather [hbm4b:s3+s4], $0x80, v3, vm0, $0xb8;
	[tilespmem:$0x19500] =	vst v63  }
0xb4: {  	v3 =	vld.msk [tilespmem:$0x2A0], $0xff;
	_ =	sdelay $0x4  }
0xb5: {  	v39 =	vshll.u32 v3, $0x1  }
0xb6: {  	v3 =	vand.u32 $0x7, v3;
	v4 =	vand.u32 $0xFFFFFFF0, v39  }
0xb7: {  	v3 =	vor.u32 v3, v4  }
0xb8: {  	v3 =	vperm.xlane v3, v0;
	_ =	sdelay $0x1  }
0xb9: {  	v3 =	vadd.s32 v1, v3;
	_ =	sdelay $0x3  }
0xba: {  	s18 =	rddreg [dreg:$0x15]  }
0xbb: {  	[tilespmem:s18], [sflag:$0x6] =	stream.indirect_vreg.gather [hbm4b:s3+s4], $0x80, v3, vm0, $0xb8;
	[tilespmem:$0x19500] =	vst v63  }
0xbc: {  	_ =	swait.ge [sflag:s1], $0x28  }
0xbd: {  	[sflag:s1] =	ssyncset.done $0x0  }
0xbe: {  	[sflag:s1] =	ssyncadd.s32 $0xFFFFFFD8  }
0xbf: {  	_ =	swait.ge [sflag:s1], $0x28  }
0xc0: {  	[sflag:s1] =	ssyncset.done $0x0  }
0xc1: {  	[sflag:s1] =	ssyncadd.s32 $0xFFFFFFD8  }
0xc2: {  	v3 =	vld [tilespmem:$0x80];
	_ =	sdelay $0x4  }
0xc3: {  	v40 =	vshll.u32 v3, $0x1  }
0xc4: {  	v3 =	vand.u32 $0x7, v3;
	v4 =	vand.u32 $0xFFFFFFF0, v40  }
0xc5: {  	v3 =	vor.u32 v3, v4  }
0xc6: {  	v4 =	vperm.xlane v3, v0;
	_ =	sdelay $0x1  }
0xc7: {  	v3 =	vperm.xlane v3, v2;
	v4 =	vadd.s32 v1, v4;
	_ =	sdelay $0x1  }
0xc8: {  	v3 =	vadd.s32 v1, v3;
	_ =	sdelay $0x2  }
0xc9: {  	[tilespmem:s31], [sflag:$0x7] =	stream.indirect_vreg.gather [hbm4b:s2+s4], $0x80, v4, vm0, $0xb8;
	[tilespmem:$0x19500] =	vst v63  }
0xca: {  	s0 =	rddreg [dreg:$0x16]  }
0xcb: {  	[tilespmem:s0], [sflag:$0x7] =	stream.indirect_vreg.gather [hbm4b:s2+s4], $0x80, v3, vm0, $0xb8;
	[tilespmem:$0x19500] =	vst v63  }
0xcc: {  	v3 =	vld [tilespmem:$0x90];
	_ =	sdelay $0x4  }
0xcd: {  	v41 =	vshll.u32 v3, $0x1  }
0xce: {  	v3 =	vand.u32 $0x7, v3;
	v4 =	vand.u32 $0xFFFFFFF0, v41  }
0xcf: {  	v3 =	vor.u32 v3, v4  }
0xd0: {  	v4 =	vperm.xlane v3, v0;
	_ =	sdelay $0x1  }
0xd1: {  	v3 =	vperm.xlane v3, v2;
	v4 =	vadd.s32 v1, v4;
	_ =	sdelay $0x1  }
0xd2: {  	v3 =	vadd.s32 v1, v3;
	_ =	sdelay $0x1  }
0xd3: {  	s17 =	rddreg [dreg:$0x17]  }
0xd4: {  	[tilespmem:s17], [sflag:$0x7] =	stream.indirect_vreg.gather [hbm4b:s2+s4], $0x80, v4, vm0, $0xb8;
	[tilespmem:$0x19500] =	vst v63  }
0xd5: {  	s18 =	rddreg [dreg:$0x18]  }
0xd6: {  	[tilespmem:s18], [sflag:$0x7] =	stream.indirect_vreg.gather [hbm4b:s2+s4], $0x80, v3, vm0, $0xb8;
	[tilespmem:$0x19500] =	vst v63  }
0xd7: {  	v3 =	vld.msk [tilespmem:$0xA0], $0xff;
	_ =	sdelay $0x4  }
0xd8: {  	v42 =	vshll.u32 v3, $0x1  }
0xd9: {  	v3 =	vand.u32 $0x7, v3;
	v4 =	vand.u32 $0xFFFFFFF0, v42  }
0xda: {  	v3 =	vor.u32 v3, v4  }
0xdb: {  	v3 =	vperm.xlane v3, v0;
	_ =	sdelay $0x1  }
0xdc: {  	v3 =	vadd.s32 v1, v3;
	_ =	sdelay $0x3  }
0xdd: {  	s0 =	rddreg [dreg:$0x19]  }
0xde: {  	[tilespmem:s0], [sflag:$0x7] =	stream.indirect_vreg.gather [hbm4b:s2+s4], $0x80, v3, vm0, $0xb8;
	[tilespmem:$0x19500] =	vst v63  }
0xdf: {  	v3 =	vld [tilespmem:$0x300];
	_ =	sdelay $0x4  }
0xe0: {  	v43 =	vshll.u32 v3, $0x1  }
0xe1: {  	v3 =	vand.u32 $0x7, v3;
	v4 =	vand.u32 $0xFFFFFFF0, v43  }
0xe2: {  	v3 =	vor.u32 v3, v4  }
0xe3: {  	v4 =	vperm.xlane v3, v0;
	_ =	sdelay $0x1  }
0xe4: {  	v3 =	vperm.xlane v3, v2;
	v4 =	vadd.s32 v1, v4;
	_ =	sdelay $0x1  }
0xe5: {  	v3 =	vadd.s32 v1, v3;
	_ =	sdelay $0x2  }
0xe6: {  	[tilespmem:s19], [sflag:$0x7] =	stream.indirect_vreg.gather [hbm4b:s3+s4], $0x80, v4, vm0, $0xb8;
	[tilespmem:$0x19500] =	vst v63  }
0xe7: {  	s17 =	rddreg [dreg:$0x1a]  }
0xe8: {  	[tilespmem:s17], [sflag:$0x7] =	stream.indirect_vreg.gather [hbm4b:s3+s4], $0x80, v3, vm0, $0xb8;
	[tilespmem:$0x19500] =	vst v63  }
0xe9: {  	v3 =	vld [tilespmem:$0x310];
	_ =	sdelay $0x4  }
0xea: {  	v44 =	vshll.u32 v3, $0x1  }
0xeb: {  	v3 =	vand.u32 $0x7, v3;
	v4 =	vand.u32 $0xFFFFFFF0, v44  }
0xec: {  	v3 =	vor.u32 v3, v4  }
0xed: {  	v4 =	vperm.xlane v3, v0;
	_ =	sdelay $0x1  }
0xee: {  	v3 =	vperm.xlane v3, v2;
	v4 =	vadd.s32 v1, v4;
	_ =	sdelay $0x1  }
0xef: {  	v3 =	vadd.s32 v1, v3;
	_ =	sdelay $0x1  }
0xf0: {  	s18 =	rddreg [dreg:$0x1b]  }
0xf1: {  	[tilespmem:s18], [sflag:$0x7] =	stream.indirect_vreg.gather [hbm4b:s3+s4], $0x80, v4, vm0, $0xb8;
	[tilespmem:$0x19500] =	vst v63  }
0xf2: {  	s19 =	rddreg [dreg:$0x1c]  }
0xf3: {  	[tilespmem:s19], [sflag:$0x7] =	stream.indirect_vreg.gather [hbm4b:s3+s4], $0x80, v3, vm0, $0xb8;
	[tilespmem:$0x19500] =	vst v63  }
0xf4: {  	v3 =	vld.msk [tilespmem:$0x320], $0xff;
	_ =	sdelay $0x4  }
0xf5: {  	v45 =	vshll.u32 v3, $0x1  }
0xf6: {  	v3 =	vand.u32 $0x7, v3;
	v4 =	vand.u32 $0xFFFFFFF0, v45  }
0xf7: {  	v3 =	vor.u32 v3, v4  }
0xf8: {  	v3 =	vperm.xlane v3, v0;
	_ =	sdelay $0x1  }
0xf9: {  	v3 =	vadd.s32 v1, v3;
	_ =	sdelay $0x3  }
0xfa: {  	s0 =	rddreg [dreg:$0x1d]  }
0xfb: {  	[tilespmem:s0], [sflag:$0x7] =	stream.indirect_vreg.gather [hbm4b:s3+s4], $0x80, v3, vm0, $0xb8;
	[tilespmem:$0x19500] =	vst v63  }
0xfc: {  	_ =	swait.ge [sflag:s20], $0x28  }
0xfd: {  	[sflag:s20] =	ssyncset.done $0x0  }
0xfe: {  	[sflag:s20] =	ssyncadd.s32 $0xFFFFFFD8  }
0xff: {  	_ =	swait.ge [sflag:s20], $0x28  }
0x100: {  	[sflag:s20] =	ssyncset.done $0x0  }
0x101: {  	[sflag:s20] =	ssyncadd.s32 $0xFFFFFFD8  }
0x102: {  	v3 =	vld [tilespmem:$0x100];
	_ =	sdelay $0x4  }
0x103: {  	v46 =	vshll.u32 v3, $0x1  }
0x104: {  	v3 =	vand.u32 $0x7, v3;
	v4 =	vand.u32 $0xFFFFFFF0, v46  }
0x105: {  	v3 =	vor.u32 v3, v4  }
0x106: {  	v4 =	vperm.xlane v3, v0;
	_ =	sdelay $0x1  }
0x107: {  	v3 =	vperm.xlane v3, v2;
	v4 =	vadd.s32 v1, v4;
	_ =	sdelay $0x1  }
0x108: {  	v3 =	vadd.s32 v1, v3;
	_ =	sdelay $0x2  }
0x109: {  	[tilespmem:s21], [sflag:$0x8] =	stream.indirect_vreg.gather [hbm4b:s2+s4], $0x80, v4, vm0, $0xb8;
	[tilespmem:$0x19500] =	vst v63  }
0x10a: {  	s17 =	rddreg [dreg:$0x1e]  }
0x10b: {  	[tilespmem:s17], [sflag:$0x8] =	stream.indirect_vreg.gather [hbm4b:s2+s4], $0x80, v3, vm0, $0xb8;
	[tilespmem:$0x19500] =	vst v63  }
0x10c: {  	v3 =	vld [tilespmem:$0x110];
	_ =	sdelay $0x4  }
0x10d: {  	v47 =	vshll.u32 v3, $0x1  }
0x10e: {  	v3 =	vand.u32 $0x7, v3;
	v4 =	vand.u32 $0xFFFFFFF0, v47  }
0x10f: {  	v3 =	vor.u32 v3, v4  }
0x110: {  	v4 =	vperm.xlane v3, v0;
	_ =	sdelay $0x1  }
0x111: {  	v3 =	vperm.xlane v3, v2;
	v4 =	vadd.s32 v1, v4;
	_ =	sdelay $0x1  }
0x112: {  	v3 =	vadd.s32 v1, v3  }
0x113: {  	s18 =	rddreg [dreg:$0x1f]  }
0x114: {  	s19 =	sld [smem:$0x7DE]  }
0x115: {  	[tilespmem:s18], [sflag:$0x8] =	stream.indirect_vreg.gather [hbm4b:s2+s4], $0x80, v4, vm0, $0xb8;
	[tilespmem:$0x19500] =	vst v63  }
0x116: {  	_ = 	snop  }
0x117: {  	[tilespmem:s19], [sflag:$0x8] =	stream.indirect_vreg.gather [hbm4b:s2+s4], $0x80, v3, vm0, $0xb8;
	[tilespmem:$0x19500] =	vst v63  }
0x118: {  	v3 =	vld.msk [tilespmem:$0x120], $0xff;
	_ =	sdelay $0x4  }
0x119: {  	v48 =	vshll.u32 v3, $0x1  }
0x11a: {  	v3 =	vand.u32 $0x7, v3;
	v4 =	vand.u32 $0xFFFFFFF0, v48  }
0x11b: {  	v3 =	vor.u32 v3, v4  }
0x11c: {  	v3 =	vperm.xlane v3, v0;
	_ =	sdelay $0x1  }
0x11d: {  	v3 =	vadd.s32 v1, v3;
	_ =	sdelay $0x1  }
0x11e: {  	s0 =	sld [smem:$0x7E0];
	_ =	sdelay $0x2  }
0x11f: {  	[tilespmem:s0], [sflag:$0x8] =	stream.indirect_vreg.gather [hbm4b:s2+s4], $0x80, v3, vm0, $0xb8;
	[tilespmem:$0x19500] =	vst v63  }
0x120: {  	v3 =	vld [tilespmem:$0x380];
	_ =	sdelay $0x4  }
0x121: {  	v49 =	vshll.u32 v3, $0x1  }
0x122: {  	v3 =	vand.u32 $0x7, v3;
	v4 =	vand.u32 $0xFFFFFFF0, v49  }
0x123: {  	v3 =	vor.u32 v3, v4  }
0x124: {  	v4 =	vperm.xlane v3, v0;
	_ =	sdelay $0x1  }
0x125: {  	v3 =	vperm.xlane v3, v2;
	v4 =	vadd.s32 v1, v4;
	_ =	sdelay $0x1  }
0x126: {  	v3 =	vadd.s32 v1, v3;
	_ =	sdelay $0x1  }
0x127: {  	s17 =	sld [smem:$0x7E2]  }
0x128: {  	[tilespmem:s22], [sflag:$0x8] =	stream.indirect_vreg.gather [hbm4b:s3+s4], $0x80, v4, vm0, $0xb8;
	[tilespmem:$0x19500] =	vst v63  }
0x129: {  	_ = 	snop  }
0x12a: {  	[tilespmem:s17], [sflag:$0x8] =	stream.indirect_vreg.gather [hbm4b:s3+s4], $0x80, v3, vm0, $0xb8;
	[tilespmem:$0x19500] =	vst v63  }
0x12b: {  	v3 =	vld [tilespmem:$0x390];
	_ =	sdelay $0x4  }
0x12c: {  	v50 =	vshll.u32 v3, $0x1  }
0x12d: {  	v3 =	vand.u32 $0x7, v3;
	v4 =	vand.u32 $0xFFFFFFF0, v50  }
0x12e: {  	v3 =	vor.u32 v3, v4  }
0x12f: {  	v4 =	vperm.xlane v3, v0;
	_ =	sdelay $0x1  }
0x130: {  	v3 =	vperm.xlane v3, v2;
	v4 =	vadd.s32 v1, v4;
	_ =	sdelay $0x1  }
0x131: {  	s18 =	sld [smem:$0x7E3];
	v3 =	vadd.s32 v1, v3;
	_ =	sdelay $0x1  }
0x132: {  	s19 =	sld [smem:$0x7E5]  }
0x133: {  	[tilespmem:s18], [sflag:$0x8] =	stream.indirect_vreg.gather [hbm4b:s3+s4], $0x80, v4, vm0, $0xb8;
	[tilespmem:$0x19500] =	vst v63  }
0x134: {  	_ = 	snop  }
0x135: {  	[tilespmem:s19], [sflag:$0x8] =	stream.indirect_vreg.gather [hbm4b:s3+s4], $0x80, v3, vm0, $0xb8;
	[tilespmem:$0x19500] =	vst v63  }
0x136: {  	v3 =	vld.msk [tilespmem:$0x3A0], $0xff;
	_ =	sdelay $0x4  }
0x137: {  	v51 =	vshll.u32 v3, $0x1  }
0x138: {  	v3 =	vand.u32 $0x7, v3;
	v4 =	vand.u32 $0xFFFFFFF0, v51  }
0x139: {  	v3 =	vor.u32 v3, v4  }
0x13a: {  	v3 =	vperm.xlane v3, v0;
	_ =	sdelay $0x1  }
0x13b: {  	v3 =	vadd.s32 v1, v3;
	_ =	sdelay $0x1  }
0x13c: {  	s0 =	sld [smem:$0x7E7];
	_ =	sdelay $0x2  }
0x13d: {  	[tilespmem:s0], [sflag:$0x8] =	stream.indirect_vreg.gather [hbm4b:s3+s4], $0x80, v3, vm0, $0xb8;
	[tilespmem:$0x19500] =	vst v63  }
0x13e: {  	_ =	swait.ge [sflag:s23], $0x28  }
0x13f: {  	[sflag:s23] =	ssyncset.done $0x0  }
0x140: {  	[sflag:s23] =	ssyncadd.s32 $0xFFFFFFD8  }
0x141: {  	_ =	swait.ge [sflag:s23], $0x28  }
0x142: {  	[sflag:s23] =	ssyncset.done $0x0  }
0x143: {  	[sflag:s23] =	ssyncadd.s32 $0xFFFFFFD8  }
0x144: {  	v3 =	vld [tilespmem:$0x180];
	_ =	sdelay $0x4  }
0x145: {  	v52 =	vshll.u32 v3, $0x1  }
0x146: {  	v3 =	vand.u32 $0x7, v3;
	v4 =	vand.u32 $0xFFFFFFF0, v52  }
0x147: {  	v3 =	vor.u32 v3, v4  }
0x148: {  	v4 =	vperm.xlane v3, v0;
	_ =	sdelay $0x1  }
0x149: {  	v3 =	vperm.xlane v3, v2;
	v4 =	vadd.s32 v1, v4;
	_ =	sdelay $0x1  }
0x14a: {  	v3 =	vadd.s32 v1, v3;
	_ =	sdelay $0x1  }
0x14b: {  	s17 =	sld [smem:$0x7E8]  }
0x14c: {  	[tilespmem:s24], [sflag:$0x9] =	stream.indirect_vreg.gather [hbm4b:s2+s4], $0x80, v4, vm0, $0xb8;
	[tilespmem:$0x19500] =	vst v63  }
0x14d: {  	_ = 	snop  }
0x14e: {  	[tilespmem:s17], [sflag:$0x9] =	stream.indirect_vreg.gather [hbm4b:s2+s4], $0x80, v3, vm0, $0xb8;
	[tilespmem:$0x19500] =	vst v63  }
0x14f: {  	v3 =	vld [tilespmem:$0x190];
	_ =	sdelay $0x4  }
0x150: {  	v53 =	vshll.u32 v3, $0x1  }
0x151: {  	v3 =	vand.u32 $0x7, v3;
	v4 =	vand.u32 $0xFFFFFFF0, v53  }
0x152: {  	v3 =	vor.u32 v3, v4  }
0x153: {  	v4 =	vperm.xlane v3, v0;
	_ =	sdelay $0x1  }
0x154: {  	v3 =	vperm.xlane v3, v2;
	v4 =	vadd.s32 v1, v4;
	_ =	sdelay $0x1  }
0x155: {  	s18 =	sld [smem:$0x7E9];
	v3 =	vadd.s32 v1, v3;
	_ =	sdelay $0x1  }
0x156: {  	s19 =	sld [smem:$0x7EB]  }
0x157: {  	[tilespmem:s18], [sflag:$0x9] =	stream.indirect_vreg.gather [hbm4b:s2+s4], $0x80, v4, vm0, $0xb8;
	[tilespmem:$0x19500] =	vst v63  }
0x158: {  	_ = 	snop  }
0x159: {  	[tilespmem:s19], [sflag:$0x9] =	stream.indirect_vreg.gather [hbm4b:s2+s4], $0x80, v3, vm0, $0xb8;
	[tilespmem:$0x19500] =	vst v63  }
0x15a: {  	v3 =	vld.msk [tilespmem:$0x1A0], $0xff;
	_ =	sdelay $0x4  }
0x15b: {  	v54 =	vshll.u32 v3, $0x1  }
0x15c: {  	v3 =	vand.u32 $0x7, v3;
	v4 =	vand.u32 $0xFFFFFFF0, v54  }
0x15d: {  	v3 =	vor.u32 v3, v4  }
0x15e: {  	v3 =	vperm.xlane v3, v0;
	_ =	sdelay $0x1  }
0x15f: {  	v3 =	vadd.s32 v1, v3;
	_ =	sdelay $0x1  }
0x160: {  	s0 =	sld [smem:$0x7ED];
	_ =	sdelay $0x2  }
0x161: {  	[tilespmem:s0], [sflag:$0x9] =	stream.indirect_vreg.gather [hbm4b:s2+s4], $0x80, v3, vm0, $0xb8;
	[tilespmem:$0x19500] =	vst v63  }
0x162: {  	v3 =	vld [tilespmem:$0x400];
	_ =	sdelay $0x4  }
0x163: {  	v55 =	vshll.u32 v3, $0x1  }
0x164: {  	v3 =	vand.u32 $0x7, v3;
	v4 =	vand.u32 $0xFFFFFFF0, v55  }
0x165: {  	v3 =	vor.u32 v3, v4  }
0x166: {  	v4 =	vperm.xlane v3, v0;
	_ =	sdelay $0x1  }
0x167: {  	v3 =	vperm.xlane v3, v2;
	v4 =	vadd.s32 v1, v4;
	_ =	sdelay $0x1  }
0x168: {  	v3 =	vadd.s32 v1, v3;
	_ =	sdelay $0x1  }
0x169: {  	s17 =	sld [smem:$0x7EE]  }
0x16a: {  	[tilespmem:s25], [sflag:$0x9] =	stream.indirect_vreg.gather [hbm4b:s3+s4], $0x80, v4, vm0, $0xb8;
	[tilespmem:$0x19500] =	vst v63  }
0x16b: {  	_ = 	snop  }
0x16c: {  	[tilespmem:s17], [sflag:$0x9] =	stream.indirect_vreg.gather [hbm4b:s3+s4], $0x80, v3, vm0, $0xb8;
	[tilespmem:$0x19500] =	vst v63  }
0x16d: {  	v3 =	vld [tilespmem:$0x410];
	_ =	sdelay $0x4  }
0x16e: {  	v56 =	vshll.u32 v3, $0x1  }
0x16f: {  	v3 =	vand.u32 $0x7, v3;
	v4 =	vand.u32 $0xFFFFFFF0, v56  }
0x170: {  	v3 =	vor.u32 v3, v4  }
0x171: {  	v4 =	vperm.xlane v3, v0;
	_ =	sdelay $0x1  }
0x172: {  	v3 =	vperm.xlane v3, v2;
	v4 =	vadd.s32 v1, v4;
	_ =	sdelay $0x1  }
0x173: {  	s18 =	sld [smem:$0x7F0];
	v3 =	vadd.s32 v1, v3;
	_ =	sdelay $0x1  }
0x174: {  	s19 =	sld [smem:$0x7F2]  }
0x175: {  	[tilespmem:s18], [sflag:$0x9] =	stream.indirect_vreg.gather [hbm4b:s3+s4], $0x80, v4, vm0, $0xb8;
	[tilespmem:$0x19500] =	vst v63  }
0x176: {  	_ = 	snop  }
0x177: {  	[tilespmem:s19], [sflag:$0x9] =	stream.indirect_vreg.gather [hbm4b:s3+s4], $0x80, v3, vm0, $0xb8;
	[tilespmem:$0x19500] =	vst v63  }
0x178: {  	v3 =	vld.msk [tilespmem:$0x420], $0xff;
	_ =	sdelay $0x4  }
0x179: {  	v57 =	vshll.u32 v3, $0x1  }
0x17a: {  	v3 =	vand.u32 $0x7, v3;
	v4 =	vand.u32 $0xFFFFFFF0, v57  }
0x17b: {  	v3 =	vor.u32 v3, v4  }
0x17c: {  	v3 =	vperm.xlane v3, v0;
	_ =	sdelay $0x1  }
0x17d: {  	v3 =	vadd.s32 v1, v3;
	_ =	sdelay $0x1  }
0x17e: {  	s0 =	sld [smem:$0x7F4];
	_ =	sdelay $0x2  }
0x17f: {  	[tilespmem:s0], [sflag:$0x9] =	stream.indirect_vreg.gather [hbm4b:s3+s4], $0x80, v3, vm0, $0xb8;
	[tilespmem:$0x19500] =	vst v63  }
0x180: {  	_ =	swait.ge [sflag:s26], $0x28  }
0x181: {  	[sflag:s26] =	ssyncset.done $0x0  }
0x182: {  	[sflag:s26] =	ssyncadd.s32 $0xFFFFFFD8  }
0x183: {  	_ =	swait.ge [sflag:s26], $0x28  }
0x184: {  	[sflag:s26] =	ssyncset.done $0x0  }
0x185: {  	[sflag:s26] =	ssyncadd.s32 $0xFFFFFFD8  }
0x186: {  	v3 =	vld [tilespmem:$0x200];
	_ =	sdelay $0x4  }
0x187: {  	v58 =	vshll.u32 v3, $0x1  }
0x188: {  	v3 =	vand.u32 $0x7, v3;
	v4 =	vand.u32 $0xFFFFFFF0, v58  }
0x189: {  	v3 =	vor.u32 v3, v4  }
0x18a: {  	v4 =	vperm.xlane v3, v0;
	_ =	sdelay $0x1  }
0x18b: {  	v3 =	vperm.xlane v3, v2;
	v4 =	vadd.s32 v1, v4;
	_ =	sdelay $0x1  }
0x18c: {  	v3 =	vadd.s32 v1, v3;
	_ =	sdelay $0x1  }
0x18d: {  	s17 =	sld [smem:$0x7F6]  }
0x18e: {  	[tilespmem:s28], [sflag:$0xA] =	stream.indirect_vreg.gather [hbm4b:s2+s4], $0x80, v4, vm0, $0xb8;
	[tilespmem:$0x19500] =	vst v63  }
0x18f: {  	_ = 	snop  }
0x190: {  	[tilespmem:s17], [sflag:$0xA] =	stream.indirect_vreg.gather [hbm4b:s2+s4], $0x80, v3, vm0, $0xb8;
	[tilespmem:$0x19500] =	vst v63  }
0x191: {  	v3 =	vld [tilespmem:$0x210];
	_ =	sdelay $0x4  }
0x192: {  	v59 =	vshll.u32 v3, $0x1  }
0x193: {  	v3 =	vand.u32 $0x7, v3;
	v4 =	vand.u32 $0xFFFFFFF0, v59  }
0x194: {  	v3 =	vor.u32 v3, v4  }
0x195: {  	v4 =	vperm.xlane v3, v0;
	_ =	sdelay $0x1  }
0x196: {  	v3 =	vperm.xlane v3, v2;
	v4 =	vadd.s32 v1, v4;
	_ =	sdelay $0x1  }
0x197: {  	s18 =	sld [smem:$0x7F7];
	v3 =	vadd.s32 v1, v3;
	_ =	sdelay $0x1  }
0x198: {  	s19 =	sld [smem:$0x7F8]  }
0x199: {  	[tilespmem:s18], [sflag:$0xA] =	stream.indirect_vreg.gather [hbm4b:s2+s4], $0x80, v4, vm0, $0xb8;
	[tilespmem:$0x19500] =	vst v63  }
0x19a: {  	_ = 	snop  }
0x19b: {  	[tilespmem:s19], [sflag:$0xA] =	stream.indirect_vreg.gather [hbm4b:s2+s4], $0x80, v3, vm0, $0xb8;
	[tilespmem:$0x19500] =	vst v63  }
0x19c: {  	v3 =	vld.msk [tilespmem:$0x220], $0xff;
	_ =	sdelay $0x4  }
0x19d: {  	v60 =	vshll.u32 v3, $0x1  }
0x19e: {  	v3 =	vand.u32 $0x7, v3;
	v4 =	vand.u32 $0xFFFFFFF0, v60  }
0x19f: {  	v3 =	vor.u32 v3, v4  }
0x1a0: {  	v3 =	vperm.xlane v3, v0;
	_ =	sdelay $0x1  }
0x1a1: {  	v3 =	vadd.s32 v1, v3;
	_ =	sdelay $0x1  }
0x1a2: {  	s0 =	sld [smem:$0x7F9];
	_ =	sdelay $0x2  }
0x1a3: {  	[tilespmem:s0], [sflag:$0xA] =	stream.indirect_vreg.gather [hbm4b:s2+s4], $0x80, v3, vm0, $0xb8;
	[tilespmem:$0x19500] =	vst v63  }
0x1a4: {  	v3 =	vld [tilespmem:$0x480];
	_ =	sdelay $0x4  }
0x1a5: {  	v61 =	vshll.u32 v3, $0x1  }
0x1a6: {  	v3 =	vand.u32 $0x7, v3;
	v4 =	vand.u32 $0xFFFFFFF0, v61  }
0x1a7: {  	v3 =	vor.u32 v3, v4  }
0x1a8: {  	v4 =	vperm.xlane v3, v0;
	_ =	sdelay $0x1  }
0x1a9: {  	v3 =	vperm.xlane v3, v2;
	v4 =	vadd.s32 v1, v4;
	_ =	sdelay $0x1  }
0x1aa: {  	v3 =	vadd.s32 v1, v3;
	_ =	sdelay $0x1  }
0x1ab: {  	s17 =	sld [smem:$0x7FA]  }
0x1ac: {  	[tilespmem:s7], [sflag:$0xA] =	stream.indirect_vreg.gather [hbm4b:s3+s4], $0x80, v4, vm0, $0xb8;
	[tilespmem:$0x19500] =	vst v63  }
0x1ad: {  	_ = 	snop  }
0x1ae: {  	[tilespmem:s17], [sflag:$0xA] =	stream.indirect_vreg.gather [hbm4b:s3+s4], $0x80, v3, vm0, $0xb8;
	[tilespmem:$0x19500] =	vst v63  }
0x1af: {  	v3 =	vld [tilespmem:$0x490];
	_ =	sdelay $0x4  }
0x1b0: {  	v62 =	vshll.u32 v3, $0x1  }
0x1b1: {  	v3 =	vand.u32 $0x7, v3;
	v4 =	vand.u32 $0xFFFFFFF0, v62  }
0x1b2: {  	v3 =	vor.u32 v3, v4  }
0x1b3: {  	v4 =	vperm.xlane v3, v0;
	_ =	sdelay $0x1  }
0x1b4: {  	v3 =	vperm.xlane v3, v2;
	v4 =	vadd.s32 v1, v4;
	_ =	sdelay $0x1  }
0x1b5: {  	s18 =	sld [smem:$0x7FB];
	v3 =	vadd.s32 v1, v3;
	_ =	sdelay $0x1  }
0x1b6: {  	s19 =	sld [smem:$0x7FC]  }
0x1b7: {  	[tilespmem:s18], [sflag:$0xA] =	stream.indirect_vreg.gather [hbm4b:s3+s4], $0x80, v4, vm0, $0xb8;
	[tilespmem:$0x19500] =	vst v63  }
0x1b8: {  	_ = 	snop  }
0x1b9: {  	[tilespmem:s19], [sflag:$0xA] =	stream.indirect_vreg.gather [hbm4b:s3+s4], $0x80, v3, vm0, $0xb8;
	[tilespmem:$0x19500] =	vst v63  }
0x1ba: {  	v3 =	vld.msk [tilespmem:$0x4A0], $0xff;
	_ =	sdelay $0x4  }
0x1bb: {  	v63 =	vshll.u32 v3, $0x1  }
0x1bc: {  	v3 =	vand.u32 $0x7, v3;
	v4 =	vand.u32 $0xFFFFFFF0, v63  }
0x1bd: {  	v3 =	vor.u32 v3, v4  }
0x1be: {  	v3 =	vperm.xlane v3, v0;
	_ =	sdelay $0x1  }
0x1bf: {  	v3 =	vadd.s32 v1, v3;
	_ =	sdelay $0x1  }
0x1c0: {  	s0 =	sld [smem:$0x7FD];
	_ =	sdelay $0x2  }
0x1c1: {  	[tilespmem:s0], [sflag:$0xA] =	stream.indirect_vreg.gather [hbm4b:s3+s4], $0x80, v3, vm0, $0xb8;
	[tilespmem:$0x19500] =	vst v63  }
0x1c2: {  	_ =	swait.ge [sflag:s8], $0x2800  }
0x1c3: {  	[sflag:s8] =	ssyncset.done $0x0  }
0x1c4: {  	[sflag:s8] =	ssyncadd.s32 $0xFFFFD800  }
0x1c5: {  	p0 =	seq.s32 s15, $0x25800;
	_ =	swait.ge [sflag:s8], $0x2800  }
0x1c6: {  	s16 =	simm.s32 @!p0 $0x0;
	s17 =	sshrl.u32 @!p0 s13, $0x3;
	[sflag:s8] =	ssyncset.done $0x0  }
0x1c7: {  	s31 =	smov.u32 s5;
	s18 =	sadd.s32 @!p0 s6, s17;
	[sflag:s8] =	ssyncadd.s32 $0xFFFFD800  }
0x1c8: {  	[tilespmem:s16], [sflag:$0x1] =	stream.linear.gather @!p0 [hbm4b:s18+s16], $0x28, $0x38;
	[tilespmem:$0x19500] =	vst v63  }
0x1c9: {  	s17 =	sadd.s32 @!p0 s5, s17;
	s5 =	rddreg [dreg:$0xc];
	s18 =	simm.s32 @!p0 $0x280  }
0x1ca: {  	[tilespmem:s18], [sflag:$0x1] =	stream.linear.gather @!p0 [hbm4b:s17+s16], $0x28, $0x38;
	[tilespmem:$0x19500] =	vst v63  }
0x1cb: {  	s18 =	rddreg [dreg:$0xd];
	s17 =	sadd.s32 s15, s5  }
0x1cc: {  	[hbm4b:s17+s4] =	stream.linear.scatter [tilespmem:s30], [sflag:$0xB], $0x2800, $0x38;
	[tilespmem:$0x19500] =	vst v63  }
0x1cd: {  	s0 =	simm.s32 $0xCD00;
	s18 =	sadd.s32 s15, s18  }
0x1ce: {  	[hbm4b:s18+s4] =	stream.linear.scatter [tilespmem:s0], [sflag:$0xB], $0x2800, $0x38;
	[tilespmem:$0x19500] =	vst v63  }
0x1cf: {  	_ =	swait.ge [sflag:s9], $0x2800  }
0x1d0: {  	[sflag:s9] =	ssyncset.done $0x0  }
0x1d1: {  	[sflag:s9] =	ssyncadd.s32 $0xFFFFD800  }
0x1d2: {  	s30 =	simm.s32 @!p0 $0x80;
	_ =	swait.ge [sflag:s9], $0x2800  }
0x1d3: {  	s0 =	smov.u32 s6;
	s5 =	rddreg [dreg:$0xb];
	[sflag:s9] =	ssyncset.done $0x0  }
0x1d4: {  	s6 =	rddreg [dreg:$0xa];
	[sflag:s9] =	ssyncadd.s32 $0xFFFFD800;
	s5 =	sadd.s32 @!p0 s14, s5  }
0x1d5: {  	[tilespmem:s30], [sflag:$0x2] =	stream.linear.gather @!p0 [hbm4b:s5+s16], $0x28, $0x38;
	[tilespmem:$0x19500] =	vst v63  }
0x1d6: {  	s5 =	sadd.s32 @!p0 s14, s6;
	s6 =	simm.s32 @!p0 $0x300  }
0x1d7: {  	[tilespmem:s6], [sflag:$0x2] =	stream.linear.gather @!p0 [hbm4b:s5+s16], $0x28, $0x38;
	[tilespmem:$0x19500] =	vst v63  }
0x1d8: {  	s19 =	simm.s32 $0x2D00;
	s6 =	sadd.s32 $0x500, s17  }
0x1d9: {  	[hbm4b:s6+s4] =	stream.linear.scatter [tilespmem:s19], [sflag:$0xC], $0x2800, $0x38;
	[tilespmem:$0x19500] =	vst v63  }
0x1da: {  	s19 =	simm.s32 $0xF500;
	s6 =	sadd.s32 $0x500, s18  }
0x1db: {  	[hbm4b:s6+s4] =	stream.linear.scatter [tilespmem:s19], [sflag:$0xC], $0x2800, $0x38;
	[tilespmem:$0x19500] =	vst v63  }
0x1dc: {  	_ =	swait.ge [sflag:s10], $0x2800  }
0x1dd: {  	[sflag:s10] =	ssyncset.done $0x0  }
0x1de: {  	[sflag:s10] =	ssyncadd.s32 $0xFFFFD800  }
0x1df: {  	_ =	swait.ge [sflag:s10], $0x2800  }
0x1e0: {  	s30 =	simm.s32 @!p0 $0x100;
	s5 =	rddreg [dreg:$0x9];
	[sflag:s10] =	ssyncset.done $0x0  }
0x1e1: {  	s6 =	rddreg [dreg:$0x8];
	[sflag:s10] =	ssyncadd.s32 $0xFFFFD800;
	s5 =	sadd.s32 @!p0 s14, s5  }
0x1e2: {  	[tilespmem:s30], [sflag:$0x3] =	stream.linear.gather @!p0 [hbm4b:s5+s16], $0x28, $0x38;
	[tilespmem:$0x19500] =	vst v63  }
0x1e3: {  	s5 =	sadd.s32 @!p0 s14, s6;
	s6 =	simm.s32 @!p0 $0x380  }
0x1e4: {  	[tilespmem:s6], [sflag:$0x3] =	stream.linear.gather @!p0 [hbm4b:s5+s16], $0x28, $0x38;
	[tilespmem:$0x19500] =	vst v63  }
0x1e5: {  	s6 =	sadd.s32 $0xA00, s17  }
0x1e6: {  	[hbm4b:s6+s4] =	stream.linear.scatter [tilespmem:s21], [sflag:$0xD], $0x2800, $0x38;
	[tilespmem:$0x19500] =	vst v63  }
0x1e7: {  	s6 =	sadd.s32 $0xA00, s18  }
0x1e8: {  	[hbm4b:s6+s4] =	stream.linear.scatter [tilespmem:s22], [sflag:$0xD], $0x2800, $0x38;
	[tilespmem:$0x19500] =	vst v63  }
0x1e9: {  	_ =	swait.ge [sflag:s11], $0x2800  }
0x1ea: {  	[sflag:s11] =	ssyncset.done $0x0  }
0x1eb: {  	[sflag:s11] =	ssyncadd.s32 $0xFFFFD800  }
0x1ec: {  	_ =	swait.ge [sflag:s11], $0x2800  }
0x1ed: {  	s30 =	simm.s32 @!p0 $0x180;
	s5 =	rddreg [dreg:$0x7];
	[sflag:s11] =	ssyncset.done $0x0  }
0x1ee: {  	s6 =	rddreg [dreg:$0x6];
	[sflag:s11] =	ssyncadd.s32 $0xFFFFD800;
	s5 =	sadd.s32 @!p0 s14, s5  }
0x1ef: {  	[tilespmem:s30], [sflag:$0x4] =	stream.linear.gather @!p0 [hbm4b:s5+s16], $0x28, $0x38;
	[tilespmem:$0x19500] =	vst v63  }
0x1f0: {  	s5 =	sadd.s32 @!p0 s14, s6;
	s6 =	simm.s32 @!p0 $0x400  }
0x1f1: {  	[tilespmem:s6], [sflag:$0x4] =	stream.linear.gather @!p0 [hbm4b:s5+s16], $0x28, $0x38;
	[tilespmem:$0x19500] =	vst v63  }
0x1f2: {  	s6 =	sadd.s32 $0xF00, s17  }
0x1f3: {  	[hbm4b:s6+s4] =	stream.linear.scatter [tilespmem:s24], [sflag:$0xE], $0x2800, $0x38;
	[tilespmem:$0x19500] =	vst v63  }
0x1f4: {  	s6 =	sadd.s32 $0xF00, s18  }
0x1f5: {  	[hbm4b:s6+s4] =	stream.linear.scatter [tilespmem:s25], [sflag:$0xE], $0x2800, $0x38;
	[tilespmem:$0x19500] =	vst v63  }
0x1f6: {  	_ =	swait.ge [sflag:s12], $0x2800  }
0x1f7: {  	[sflag:s12] =	ssyncset.done $0x0  }
0x1f8: {  	[sflag:s12] =	ssyncadd.s32 $0xFFFFD800  }
0x1f9: {  	_ =	swait.ge [sflag:s12], $0x2800  }
0x1fa: {  	s30 =	simm.s32 @!p0 $0x200;
	s5 =	rddreg [dreg:$0x5];
	[sflag:s12] =	ssyncset.done $0x0  }
0x1fb: {  	s6 =	rddreg [dreg:$0x4];
	[sflag:s12] =	ssyncadd.s32 $0xFFFFD800;
	s5 =	sadd.s32 @!p0 s14, s5  }
0x1fc: {  	[tilespmem:s30], [sflag:$0x5] =	stream.linear.gather @!p0 [hbm4b:s5+s16], $0x28, $0x38;
	[tilespmem:$0x19500] =	vst v63  }
0x1fd: {  	s15 =	sadd.s32 $0x1900, s15;
	s5 =	sadd.s32 @!p0 s14, s6;
	s6 =	simm.s32 @!p0 $0x480  }
0x1fe: {  	[tilespmem:s6], [sflag:$0x5] =	stream.linear.gather @!p0 [hbm4b:s5+s16], $0x28, $0x38;
	[tilespmem:$0x19500] =	vst v63  }
0x1ff: {  	s13 =	sadd.s32 $0xC8, s13;
	p0 =	sne.s32 s15, $0x27100  }
.Ltmp0:
0x200: {  	s30 =	simm.s32 $0x500;
	s14 =	sadd.s32 $0x19, s14;
	(pc) =	sbr.rel @p0 .LBB2_2-.Ltmp0, $4  }
0x201: {  	s6 =	smov.u32 s0;
	s16 =	sadd.s32 $0x1400, s17;
	s17 =	sadd.s32 $0x1400, s18  }
0x202: {  	[hbm4b:s16+s4] =	stream.linear.scatter [tilespmem:s28], [sflag:$0xF], $0x2800, $0x38;
	[tilespmem:$0x19500] =	vst v63  }
0x203: {  	s18 =	simm.s32 $0xCD00;
	s5 =	smov.u32 s31;
	s31 =	simm.s32 $0x2D00  }
0x204: {  	[hbm4b:s17+s4] =	stream.linear.scatter [tilespmem:s7], [sflag:$0xF], $0x2800, $0x38;
	[tilespmem:$0x19500] =	vst v63  }
0x205: {  	s0 =	simm.s32 $0xB  }
0x206: {  	_ =	swait.ge [sflag:s0], $0x2800  }
0x207: {  	[sflag:s0] =	ssyncset.done $0x0  }
0x208: {  	[sflag:s0] =	ssyncadd.s32 $0xFFFFD800  }
0x209: {  	_ =	swait.ge [sflag:s0], $0x2800  }
0x20a: {  	[sflag:s0] =	ssyncset.done $0x0  }
0x20b: {  	s14 =	simm.s32 $0xC;
	[sflag:s0] =	ssyncadd.s32 $0xFFFFD800  }
0x20c: {  	_ =	swait.ge [sflag:s14], $0x2800  }
0x20d: {  	[sflag:s14] =	ssyncset.done $0x0  }
0x20e: {  	[sflag:s14] =	ssyncadd.s32 $0xFFFFD800  }
0x20f: {  	_ =	swait.ge [sflag:s14], $0x2800  }
0x210: {  	[sflag:s14] =	ssyncset.done $0x0  }
0x211: {  	s15 =	simm.s32 $0xD;
	[sflag:s14] =	ssyncadd.s32 $0xFFFFD800  }
0x212: {  	_ =	swait.ge [sflag:s15], $0x2800  }
0x213: {  	[sflag:s15] =	ssyncset.done $0x0  }
0x214: {  	[sflag:s15] =	ssyncadd.s32 $0xFFFFD800  }
0x215: {  	_ =	swait.ge [sflag:s15], $0x2800  }
0x216: {  	[sflag:s15] =	ssyncset.done $0x0  }
0x217: {  	s16 =	simm.s32 $0xE;
	[sflag:s15] =	ssyncadd.s32 $0xFFFFD800  }
0x218: {  	_ =	swait.ge [sflag:s16], $0x2800  }
0x219: {  	[sflag:s16] =	ssyncset.done $0x0  }
0x21a: {  	[sflag:s16] =	ssyncadd.s32 $0xFFFFD800  }
0x21b: {  	_ =	swait.ge [sflag:s16], $0x2800  }
0x21c: {  	[sflag:s16] =	ssyncset.done $0x0  }
0x21d: {  	s13 =	simm.s32 $0xF;
	[sflag:s16] =	ssyncadd.s32 $0xFFFFD800  }
0x21e: {  	_ =	swait.ge [sflag:s13], $0x2800  }
0x21f: {  	[sflag:s13] =	ssyncset.done $0x0  }
0x220: {  	[sflag:s13] =	ssyncadd.s32 $0xFFFFD800  }
0x221: {  	_ =	swait.ge [sflag:s13], $0x2800  }
0x222: {  	s14 =	sld [smem:$0x7DB]  }
0x223: {  	s17 =	sld [smem:$0x7F3];
	_ =	sdelay $0x1  }
0x224: {  	s14 =	sadd.s32 $0x1, s14  }
0x225: {  	p0 =	sne.s32 s14, s17  }
.Ltmp1:
0x226: {  	_ = 	snop;
	(pc) =	sbr.rel @p0 .LBB2_1-.Ltmp1, $3  }
0x227: {  	_ =	sdelay $0x1  }
0x228: {  	[sflag:s13] =	ssyncset.done $0x0  }
0x229: {  	[sflag:s13] =	ssyncadd.s32 $0xFFFFD800  }
0x22a: {  	_ =	sfence.sel $0x180000  }
0x22b: {  	[bflag:$0x0] =	sbarrier.arrive $0xFFFF  }
0x22c: {  	_ =	strace $0x90000047  }
0x22d: {  	s0 =	stileid.u32;
	[bflag:$0x2] =	sbarrier.arrive $0xFFFF  }
0x22e: {  	p0 =	sne.s32 s0, $0x0;
	s0 =	rddreg [dreg:$0x3]  }
0x22f: {  	s0 =	sadd.s32 @!p0 $0x100000, s0  }
0x230: {  	[sflag:s0] =	ssyncadd.tile.s32 @!p0 $0x1;
	_ =	shalt  }
.Lfunc_end2:
_tile_overlayer_lowered:
.L_overlay_start_2:
0x231: {  	(tag) =	ssettag $0x2  }
0x232: {  	s0 =	rddreg [dreg:$0x0];
	s2 =	stileid.u32  }
0x233: {  	s1 =	rddreg [dreg:$0x1];
	p0 =	sne.s32 s2, $0x0  }
0x234: {  	s3 =	rddreg [dreg:$0x2];
	[bflag:$0x3] =	sbarrier.arrive $0xFFFF;
	s2 =	simm.s32 @!p0 $0x1C10  }
0x235: {  	[timem:s3], [sflag:s2] =	dma.local @!p0 [hbm:s0], s1  }
0x236: {  	s0 =	simm.s32 @!p0 $0x10  }
0x237: {  	_ =	swait.ge @!p0 [sflag:s0], s1  }
0x238: {  	s1 =	ssub.s32 @!p0 $0x0, s1;
	[sflag:s0] =	ssyncset.done @!p0 $0x0  }
0x239: {  	[sflag:s0] =	ssyncadd.s32 @!p0 s1  }
0x23a: {  	[bflag:$0x3] =	sbarrier.arrive $0xFFFF  }
0x23b: {  	_ =	shalt  }

</sc_bundles>
